<compile_context>
chip_gen: v7x
topology: tpu7x:2x2x1
jax: 0.10.2.dev20260603
libtpu: 0.0.44.dev20260713+nightly
codegen_flags: <defaults>
</compile_context>

<pallas_src>
import jax
import jax.numpy as jnp
from jax import lax
from jax.experimental import pallas as pl
from jax.experimental.pallas import tpu as pltpu
from jax.experimental.pallas import tpu_sc as plsc

BUFFER_SIZE = 65536
VALUE_DIM = 256
BATCH = 16384

_INFO = plsc.get_sparse_core_info()
NUM_CORES = _INFO.num_cores
NUM_SUBCORES = _INFO.num_subcores
NUM_TILES = NUM_CORES * NUM_SUBCORES
LANES = _INFO.num_lanes
RANGE = BUFFER_SIZE // NUM_TILES
RBITS = 11
NVECS = BATCH // LANES
UNROLL = 8
CH = 16
CAPQ = BATCH + LANES
CAPF = BATCH + 2 * CH
NBUF = 10
PF = 8


def _body(mem_hbm, idx_hbm, val_hbm, off_hbm, out_hbm,
          table, idx_buf, off_buf, qenc, list_i, list_x,
          r0, r1, r2, r3, r4, r5, r6, r7, r8, r9,
          g0, g1, g2, g3, g4, g5, g6, g7, g8, g9,
          s0, s1, s2, s3, s4, s5, s6, s7, s8, s9,
          sem_i, sem_o):
  rows = [r0, r1, r2, r3, r4, r5, r6, r7, r8, r9]
  semg = [g0, g1, g2, g3, g4, g5, g6, g7, g8, g9]
  sems = [s0, s1, s2, s3, s4, s5, s6, s7, s8, s9]
  wid = lax.axis_index("s") * NUM_CORES + lax.axis_index("c")
  lo = wid * RANGE
  hi = lo + RANGE
  iota = lax.iota(jnp.int32, LANES)

  cp_i = pltpu.async_copy(idx_hbm, idx_buf, sem_i)
  cp_o = pltpu.async_copy(off_hbm, off_buf, sem_o)

  neg1 = jnp.full((LANES,), -1, jnp.int32)

  def init_body(k, _):
    for u in range(4):
      table[pl.ds((k * 4 + u) * LANES, LANES)] = neg1
    return 0

  lax.fori_loop(0, RANGE // LANES // 4, init_body, 0)
  cp_i.wait()
  cp_o.wait()

  def scan_body(k0, carry):
    acc, pq = carry
    ivs, ovs = [], []
    for u in range(UNROLL):
      k = k0 * UNROLL + u
      ivs.append(idx_buf[pl.ds(k * LANES, LANES)])
      ovs.append(off_buf[pl.ds(k * LANES, LANES)])
    lis, jvs, ms = [], [], []
    for u in range(UNROLL):
      k = k0 * UNROLL + u
      iv, ov = ivs[u], ovs[u]
      jv = iota + k * LANES
      li = iv - lo
      m = plsc.bitcast(li, jnp.uint32) < jnp.uint32(RANGE)
      plsc.store_scatter(table, [li], jv, mask=m)
      lis.append(li); jvs.append(jv); ms.append(m)

      lo_ = ov - lo
      mo = plsc.bitcast(lo_, jnp.uint32) < jnp.uint32(RANGE)
      mo32 = mo.astype(jnp.int32)
      q = pq + jnp.cumsum(mo32) - mo32
      enc = (jv << RBITS) | lo_
      plsc.store_scatter(qenc, [q], enc, mask=mo)
      pq = pq + plsc.all_reduce_population_count(mo)
    for u in range(UNROLL):
      w = plsc.load_gather(table, [lis[u]], mask=ms[u])
      acc = acc | (ms[u] & (w < jvs[u]))
    return acc, pq

  false16 = jnp.zeros((LANES,), jnp.bool_)
  zero = jnp.zeros((LANES,), jnp.int32)
  lost, pq = lax.fori_loop(0, NVECS // UNROLL, scan_body, (false16, zero))
  n_in = jnp.max(pq)

  def fix_pass(anyw):
    def body(k, acc):
      iv = idx_buf[pl.ds(k * LANES, LANES)]
      jv = iota + k * LANES
      m = (iv >= lo) & (iv < hi)
      li = iv - lo
      w = plsc.load_gather(table, [li], mask=m)
      wrong = m & (w < jv)
      plsc.store_scatter(table, [li], jv, mask=wrong)
      return acc | wrong

    acc = lax.fori_loop(0, NVECS, body, false16)
    return jnp.any(acc)

  lax.while_loop(lambda s: s, fix_pass, jnp.any(lost))

  @pl.when(n_in % LANES != 0)
  def _():
    lastq = jnp.full((LANES,), n_in - 1, jnp.int32)
    le = plsc.load_gather(qenc, [lastq])
    plsc.store_scatter(qenc, [n_in + iota], le)

  n_inr = ((n_in + LANES - 1) // LANES) * LANES

  def split_body(k, carry):
    ph, pm = carry
    enc = qenc[pl.ds(k * LANES, LANES)]
    pos = enc >> RBITS
    li = enc & (RANGE - 1)
    r = plsc.load_gather(table, [li])
    hit = r >= 0
    miss = ~hit
    h32 = hit.astype(jnp.int32)
    m32 = miss.astype(jnp.int32)
    hq = ph + jnp.cumsum(h32) - h32
    mq = (CAPF - 1) - (pm + jnp.cumsum(m32) - m32)
    plsc.store_scatter(list_i, [hq], pos, mask=hit)
    plsc.store_scatter(list_x, [hq], r, mask=hit)
    plsc.store_scatter(list_i, [mq], pos, mask=miss)
    plsc.store_scatter(list_x, [mq], li + lo, mask=miss)
    ph = ph + plsc.all_reduce_population_count(hit)
    pm = pm + plsc.all_reduce_population_count(miss)
    return ph, pm

  ph, pm = lax.fori_loop(0, n_inr // LANES, split_body, (zero, zero))
  n_hit = jnp.max(ph)
  n_miss = jnp.max(pm)

  def pad(n, flat_of):
    @pl.when(n % CH != 0)
    def _():
      lastq = flat_of(jnp.full((LANES,), n - 1, jnp.int32))
      li_ = plsc.load_gather(list_i, [lastq])
      lx_ = plsc.load_gather(list_x, [lastq])
      for u in range(CH // LANES):
        tail = flat_of(n + u * LANES + iota)
        plsc.store_scatter(list_i, [tail], li_)
        plsc.store_scatter(list_x, [tail], lx_)

  pad(n_hit, lambda t: t)
  pad(n_miss, lambda t: (CAPF - 1) - t)

  def move(src_hbm, n, start_of):
    nch = (n + CH - 1) // CH

    def xs(c):
      return list_x.at[pl.ds(start_of(c), CH)]

    def js(c):
      return list_i.at[pl.ds(start_of(c), CH)]

    for b in range(PF):
      @pl.when(b < nch)
      def _(b=b):
        pltpu.async_copy(src_hbm.at[xs(b)], rows[b], semg[b])

    def outer(t, _):
      c0 = t * NBUF
      for b in range(NBUF):
        c = c0 + b

        @pl.when(c < nch)
        def _(b=b, c=c):
          pltpu.make_async_copy(src_hbm.at[xs(c)], rows[b], semg[b]).wait()
          pltpu.async_copy(rows[b], out_hbm.at[js(c)], sems[b])
          @pl.when(c + PF < nch)
          def _():
            b2 = (b + PF) % NBUF

            @pl.when(c >= NBUF - PF)
            def _():
              pltpu.make_async_copy(rows[b2], out_hbm.at[js(0)],
                                    sems[b2]).wait()
            pltpu.async_copy(src_hbm.at[xs(c + PF)], rows[b2], semg[b2])
      return 0

    lax.fori_loop(0, (nch + NBUF - 1) // NBUF, outer, 0)

    for b in range(NBUF):
      @pl.when(b < nch)
      def _(b=b):
        pltpu.make_async_copy(rows[b], out_hbm.at[js(0)], sems[b]).wait()

  move(val_hbm, n_hit, lambda c: c * CH)
  move(mem_hbm, n_miss, lambda c: CAPF - (c + 1) * CH)


@jax.jit
def kernel(mem, idx, val, offset):
  mesh = plsc.VectorSubcoreMesh(core_axis_name="c", subcore_axis_name="s")
  fn = pl.kernel(
      _body,
      out_type=jax.ShapeDtypeStruct((BATCH, VALUE_DIM), jnp.float32),
      mesh=mesh,
      scratch_types=(
          [
              pltpu.VMEM((RANGE,), jnp.int32),
              pltpu.VMEM((BATCH,), jnp.int32),
              pltpu.VMEM((BATCH,), jnp.int32),
              pltpu.VMEM((CAPQ,), jnp.int32),
              pltpu.VMEM((CAPF,), jnp.int32),
              pltpu.VMEM((CAPF,), jnp.int32),
          ]
          + [pltpu.VMEM((CH, VALUE_DIM), jnp.float32) for _ in range(NBUF)]
          + [pltpu.SemaphoreType.DMA for _ in range(2 * NBUF + 2)]
      ),
      compiler_params=pltpu.CompilerParams(needs_layout_passes=False),
  )
  return fn(mem, idx.astype(jnp.int32), val, offset.astype(jnp.int32))

# --- scband reference (transcript-rebuilt; emitter-appended) ---
"""Pipeline reference for scband-iobuffer-62380105007609 (READ-ONLY COPY).

The authoritative reference and input builder live on the scoring server;
editing this copy changes nothing except your own understanding.
"""

import jax, jax.numpy as jnp
import numpy as np

BUFFER_SIZE = 65536
VALUE_DIM = 256
BATCH = 16384

def setup_inputs(seed: int = 0) -> dict:
    key = jax.random.key(seed)
    k1, k2, k3, k4 = jax.random.split(key, 4)
    mem = jax.random.normal(k1, (BUFFER_SIZE, VALUE_DIM), dtype=jnp.float32)
    val = jax.random.normal(k2, (BATCH, VALUE_DIM), dtype=jnp.float32)
    idx = jax.random.randint(k3, (BATCH,), 0, BUFFER_SIZE)
    offset = jax.random.randint(k4, (BATCH,), 0, BUFFER_SIZE)
    return {"mem": mem, "idx": idx, "val": val, "offset": offset}

def reference(mem, idx, val, offset):
    # IOBuffer.write: mem_write(addr, value) overwrites the entry at the
    # given offset in the VM heap (scatter-overwrite, batched over idx).
    mem_written = mem.at[idx].set(val)
    # IOBuffer.read: for each target offset, mem_read(addr) returns the
    # [value_dim] entry; batched this is a row gather.
    out = jnp.take(mem_written, offset, axis=0)
    return out

if __name__ == "__main__":
    import jax
    _d = setup_inputs()
    print(jax.jit(kernel)(*tuple(_d.values())))

</pallas_src>

<mosaic_0001>
#map = affine_map<(d0, d1) -> (0, 0)>
#map1 = affine_map<(d0, d1) -> (0)>
module attributes {stable_mosaic.version = 14 : i64} {
  func.func @_body(%arg0: i32, %arg1: i32, %arg2: memref<65536x256xf32, #tpu.memory_space<hbm>>, %arg3: memref<16384xi32, #tpu.memory_space<hbm>>, %arg4: memref<16384x256xf32, #tpu.memory_space<hbm>>, %arg5: memref<16384xi32, #tpu.memory_space<hbm>>, %arg6: memref<16384x256xf32, #tpu.memory_space<hbm>>, %arg7: memref<2048xi32, #tpu.memory_space<vmem>>, %arg8: memref<16384xi32, #tpu.memory_space<vmem>>, %arg9: memref<16384xi32, #tpu.memory_space<vmem>>, %arg10: memref<16400xi32, #tpu.memory_space<vmem>>, %arg11: memref<16416xi32, #tpu.memory_space<vmem>>, %arg12: memref<16416xi32, #tpu.memory_space<vmem>>, %arg13: memref<16x256xf32, #tpu.memory_space<vmem>>, %arg14: memref<16x256xf32, #tpu.memory_space<vmem>>, %arg15: memref<16x256xf32, #tpu.memory_space<vmem>>, %arg16: memref<16x256xf32, #tpu.memory_space<vmem>>, %arg17: memref<16x256xf32, #tpu.memory_space<vmem>>, %arg18: memref<16x256xf32, #tpu.memory_space<vmem>>, %arg19: memref<16x256xf32, #tpu.memory_space<vmem>>, %arg20: memref<16x256xf32, #tpu.memory_space<vmem>>, %arg21: memref<16x256xf32, #tpu.memory_space<vmem>>, %arg22: memref<16x256xf32, #tpu.memory_space<vmem>>, %arg23: memref<!tpu.dma_semaphore, #tpu.memory_space<semaphore_mem>>, %arg24: memref<!tpu.dma_semaphore, #tpu.memory_space<semaphore_mem>>, %arg25: memref<!tpu.dma_semaphore, #tpu.memory_space<semaphore_mem>>, %arg26: memref<!tpu.dma_semaphore, #tpu.memory_space<semaphore_mem>>, %arg27: memref<!tpu.dma_semaphore, #tpu.memory_space<semaphore_mem>>, %arg28: memref<!tpu.dma_semaphore, #tpu.memory_space<semaphore_mem>>, %arg29: memref<!tpu.dma_semaphore, #tpu.memory_space<semaphore_mem>>, %arg30: memref<!tpu.dma_semaphore, #tpu.memory_space<semaphore_mem>>, %arg31: memref<!tpu.dma_semaphore, #tpu.memory_space<semaphore_mem>>, %arg32: memref<!tpu.dma_semaphore, #tpu.memory_space<semaphore_mem>>, %arg33: memref<!tpu.dma_semaphore, #tpu.memory_space<semaphore_mem>>, %arg34: memref<!tpu.dma_semaphore, #tpu.memory_space<semaphore_mem>>, %arg35: memref<!tpu.dma_semaphore, #tpu.memory_space<semaphore_mem>>, %arg36: memref<!tpu.dma_semaphore, #tpu.memory_space<semaphore_mem>>, %arg37: memref<!tpu.dma_semaphore, #tpu.memory_space<semaphore_mem>>, %arg38: memref<!tpu.dma_semaphore, #tpu.memory_space<semaphore_mem>>, %arg39: memref<!tpu.dma_semaphore, #tpu.memory_space<semaphore_mem>>, %arg40: memref<!tpu.dma_semaphore, #tpu.memory_space<semaphore_mem>>, %arg41: memref<!tpu.dma_semaphore, #tpu.memory_space<semaphore_mem>>, %arg42: memref<!tpu.dma_semaphore, #tpu.memory_space<semaphore_mem>>, %arg43: memref<!tpu.dma_semaphore, #tpu.memory_space<semaphore_mem>>, %arg44: memref<!tpu.dma_semaphore, #tpu.memory_space<semaphore_mem>>) attributes {dimension_semantics = [#tpu.dimension_semantics<core_parallel>, #tpu.dimension_semantics<subcore_parallel>], iteration_bounds = array<i64: 2, 16>, scalar_prefetch = 0 : i64, scratch_operands = 38 : i64, tpu.core_type = #tpu.core_type<sc_vector_subcore>, window_params = [{transform_indices = #map}, {transform_indices = #map1}, {transform_indices = #map}, {transform_indices = #map1}, {transform_indices = #map}]} {
    %mul3A = arith.constant 2 : i32
    %mul3A_0 = arith.muli %arg1, %mul3A : i32
    %add3A = arith.addi %mul3A_0, %arg0 : i32
    %mul3A_1 = arith.constant 2048 : i32
    %mul3A_2 = arith.muli %add3A, %mul3A_1 : i32
    %add3A_3 = arith.constant 2048 : i32
    %add3A_4 = arith.addi %mul3A_2, %add3A_3 : i32
    %iota3A = tpu.iota {dimensions = array<i32: 0>} : vector<16xi32>
    tpu.enqueue_dma source(%arg3 : memref<16384xi32, #tpu.memory_space<hbm>>) target(%arg8 : memref<16384xi32, #tpu.memory_space<vmem>>) target_semaphore(%arg43 : memref<!tpu.dma_semaphore, #tpu.memory_space<semaphore_mem>>)
    tpu.enqueue_dma source(%arg5 : memref<16384xi32, #tpu.memory_space<hbm>>) target(%arg9 : memref<16384xi32, #tpu.memory_space<vmem>>) target_semaphore(%arg44 : memref<!tpu.dma_semaphore, #tpu.memory_space<semaphore_mem>>)
    %broadcast_in_dim3A = arith.constant -1 : i32
    %broadcast_in_dim3A_5 = vector.broadcast %broadcast_in_dim3A : i32 to vector<16xi32>
    %scan3A = arith.constant 0 : i32
    %scan3A_6 = arith.constant 0 : i32
    %scan3A_7 = arith.constant 32 : i32
    %scan3A_8 = arith.addi %scan3A_6, %scan3A_7 : i32
    %scan3A_9 = arith.constant 1 : i32
    %scan3A_10 = scf.for %scan3A_486 = %scan3A_6 to %scan3A_8 step %scan3A_9 iter_args(%scan3A_487 = %scan3A) -> (i32)  : i32 {
      %mul3A_488 = arith.constant 4 : i32
      %mul3A_489 = arith.muli %scan3A_486, %mul3A_488 : i32
      %add3A_490 = arith.constant 0 : i32
      %add3A_491 = arith.addi %mul3A_489, %add3A_490 : i32
      %mul3A_492 = arith.constant 16 : i32
      %mul3A_493 = arith.muli %add3A_491, %mul3A_492 : i32
      %swap3A = arith.index_cast %mul3A_493 : i32 to index
      %swap3A_494 = tpu.vector_load %arg7[%swap3A] {strides = array<i32>} : memref<2048xi32, #tpu.memory_space<vmem>>, vector<16xi32>,
      tpu.vector_store %arg7[%swap3A], %broadcast_in_dim3A_5 {strides = array<i32>} : memref<2048xi32, #tpu.memory_space<vmem>>, vector<16xi32>,
      %mul3A_495 = arith.constant 4 : i32
      %mul3A_496 = arith.muli %scan3A_486, %mul3A_495 : i32
      %add3A_497 = arith.constant 1 : i32
      %add3A_498 = arith.addi %mul3A_496, %add3A_497 : i32
      %mul3A_499 = arith.constant 16 : i32
      %mul3A_500 = arith.muli %add3A_498, %mul3A_499 : i32
      %swap3A_501 = arith.index_cast %mul3A_500 : i32 to index
      %swap3A_502 = tpu.vector_load %arg7[%swap3A_501] {strides = array<i32>} : memref<2048xi32, #tpu.memory_space<vmem>>, vector<16xi32>,
      tpu.vector_store %arg7[%swap3A_501], %broadcast_in_dim3A_5 {strides = array<i32>} : memref<2048xi32, #tpu.memory_space<vmem>>, vector<16xi32>,
      %mul3A_503 = arith.constant 4 : i32
      %mul3A_504 = arith.muli %scan3A_486, %mul3A_503 : i32
      %add3A_505 = arith.constant 2 : i32
      %add3A_506 = arith.addi %mul3A_504, %add3A_505 : i32
      %mul3A_507 = arith.constant 16 : i32
      %mul3A_508 = arith.muli %add3A_506, %mul3A_507 : i32
      %swap3A_509 = arith.index_cast %mul3A_508 : i32 to index
      %swap3A_510 = tpu.vector_load %arg7[%swap3A_509] {strides = array<i32>} : memref<2048xi32, #tpu.memory_space<vmem>>, vector<16xi32>,
      tpu.vector_store %arg7[%swap3A_509], %broadcast_in_dim3A_5 {strides = array<i32>} : memref<2048xi32, #tpu.memory_space<vmem>>, vector<16xi32>,
      %mul3A_511 = arith.constant 4 : i32
      %mul3A_512 = arith.muli %scan3A_486, %mul3A_511 : i32
      %add3A_513 = arith.constant 3 : i32
      %add3A_514 = arith.addi %mul3A_512, %add3A_513 : i32
      %mul3A_515 = arith.constant 16 : i32
      %mul3A_516 = arith.muli %add3A_514, %mul3A_515 : i32
      %swap3A_517 = arith.index_cast %mul3A_516 : i32 to index
      %swap3A_518 = tpu.vector_load %arg7[%swap3A_517] {strides = array<i32>} : memref<2048xi32, #tpu.memory_space<vmem>>, vector<16xi32>,
      tpu.vector_store %arg7[%swap3A_517], %broadcast_in_dim3A_5 {strides = array<i32>} : memref<2048xi32, #tpu.memory_space<vmem>>, vector<16xi32>,
      %scan3A_519 = arith.constant 0 : i32
      scf.yield %scan3A_519 : i32
    }
    %scan3A_11 = arith.constant 32 : i32
    tpu.wait_dma2 semaphore(%arg43 : memref<!tpu.dma_semaphore, #tpu.memory_space<semaphore_mem>>) src(%arg3 : memref<16384xi32, #tpu.memory_space<hbm>>) dst(%arg8 : memref<16384xi32, #tpu.memory_space<vmem>>)
    tpu.wait_dma2 semaphore(%arg44 : memref<!tpu.dma_semaphore, #tpu.memory_space<semaphore_mem>>) src(%arg5 : memref<16384xi32, #tpu.memory_space<hbm>>) dst(%arg9 : memref<16384xi32, #tpu.memory_space<vmem>>)
    %broadcast_in_dim3A_12 = arith.constant false
    %broadcast_in_dim3A_13 = vector.broadcast %broadcast_in_dim3A_12 : i1 to vector<16xi1>
    %broadcast_in_dim3A_14 = arith.constant 0 : i32
    %broadcast_in_dim3A_15 = vector.broadcast %broadcast_in_dim3A_14 : i32 to vector<16xi32>
    %scan3A_16 = arith.constant 0 : i32
    %scan3A_17 = arith.constant 128 : i32
    %scan3A_18 = arith.addi %scan3A_16, %scan3A_17 : i32
    %scan3A_19 = arith.constant 1 : i32
    %scan3A_20:2 = scf.for %scan3A_486 = %scan3A_16 to %scan3A_18 step %scan3A_19 iter_args(%scan3A_487 = %broadcast_in_dim3A_13, %scan3A_488 = %broadcast_in_dim3A_15) -> (vector<16xi1>, vector<16xi32>)  : i32 {
      %mul3A_489 = arith.constant 8 : i32
      %mul3A_490 = arith.muli %scan3A_486, %mul3A_489 : i32
      %add3A_491 = arith.constant 0 : i32
      %add3A_492 = arith.addi %mul3A_490, %add3A_491 : i32
      %mul3A_493 = arith.constant 16 : i32
      %mul3A_494 = arith.muli %add3A_492, %mul3A_493 : i32
      %get3A = arith.index_cast %mul3A_494 : i32 to index
      %get3A_495 = tpu.vector_load %arg8[%get3A] {strides = array<i32>} : memref<16384xi32, #tpu.memory_space<vmem>>, vector<16xi32>,
      %mul3A_496 = arith.constant 16 : i32
      %mul3A_497 = arith.muli %add3A_492, %mul3A_496 : i32
      %get3A_498 = arith.index_cast %mul3A_497 : i32 to index
      %get3A_499 = tpu.vector_load %arg9[%get3A_498] {strides = array<i32>} : memref<16384xi32, #tpu.memory_space<vmem>>, vector<16xi32>,
      %mul3A_500 = arith.constant 8 : i32
      %mul3A_501 = arith.muli %scan3A_486, %mul3A_500 : i32
      %add3A_502 = arith.constant 1 : i32
      %add3A_503 = arith.addi %mul3A_501, %add3A_502 : i32
      %mul3A_504 = arith.constant 16 : i32
      %mul3A_505 = arith.muli %add3A_503, %mul3A_504 : i32
      %get3A_506 = arith.index_cast %mul3A_505 : i32 to index
      %get3A_507 = tpu.vector_load %arg8[%get3A_506] {strides = array<i32>} : memref<16384xi32, #tpu.memory_space<vmem>>, vector<16xi32>,
      %mul3A_508 = arith.constant 16 : i32
      %mul3A_509 = arith.muli %add3A_503, %mul3A_508 : i32
      %get3A_510 = arith.index_cast %mul3A_509 : i32 to index
      %get3A_511 = tpu.vector_load %arg9[%get3A_510] {strides = array<i32>} : memref<16384xi32, #tpu.memory_space<vmem>>, vector<16xi32>,
      %mul3A_512 = arith.constant 8 : i32
      %mul3A_513 = arith.muli %scan3A_486, %mul3A_512 : i32
      %add3A_514 = arith.constant 2 : i32
      %add3A_515 = arith.addi %mul3A_513, %add3A_514 : i32
      %mul3A_516 = arith.constant 16 : i32
      %mul3A_517 = arith.muli %add3A_515, %mul3A_516 : i32
      %get3A_518 = arith.index_cast %mul3A_517 : i32 to index
      %get3A_519 = tpu.vector_load %arg8[%get3A_518] {strides = array<i32>} : memref<16384xi32, #tpu.memory_space<vmem>>, vector<16xi32>,
      %mul3A_520 = arith.constant 16 : i32
      %mul3A_521 = arith.muli %add3A_515, %mul3A_520 : i32
      %get3A_522 = arith.index_cast %mul3A_521 : i32 to index
      %get3A_523 = tpu.vector_load %arg9[%get3A_522] {strides = array<i32>} : memref<16384xi32, #tpu.memory_space<vmem>>, vector<16xi32>,
      %mul3A_524 = arith.constant 8 : i32
      %mul3A_525 = arith.muli %scan3A_486, %mul3A_524 : i32
      %add3A_526 = arith.constant 3 : i32
      %add3A_527 = arith.addi %mul3A_525, %add3A_526 : i32
      %mul3A_528 = arith.constant 16 : i32
      %mul3A_529 = arith.muli %add3A_527, %mul3A_528 : i32
      %get3A_530 = arith.index_cast %mul3A_529 : i32 to index
      %get3A_531 = tpu.vector_load %arg8[%get3A_530] {strides = array<i32>} : memref<16384xi32, #tpu.memory_space<vmem>>, vector<16xi32>,
      %mul3A_532 = arith.constant 16 : i32
      %mul3A_533 = arith.muli %add3A_527, %mul3A_532 : i32
      %get3A_534 = arith.index_cast %mul3A_533 : i32 to index
      %get3A_535 = tpu.vector_load %arg9[%get3A_534] {strides = array<i32>} : memref<16384xi32, #tpu.memory_space<vmem>>, vector<16xi32>,
      %mul3A_536 = arith.constant 8 : i32
      %mul3A_537 = arith.muli %scan3A_486, %mul3A_536 : i32
      %add3A_538 = arith.constant 4 : i32
      %add3A_539 = arith.addi %mul3A_537, %add3A_538 : i32
      %mul3A_540 = arith.constant 16 : i32
      %mul3A_541 = arith.muli %add3A_539, %mul3A_540 : i32
      %get3A_542 = arith.index_cast %mul3A_541 : i32 to index
      %get3A_543 = tpu.vector_load %arg8[%get3A_542] {strides = array<i32>} : memref<16384xi32, #tpu.memory_space<vmem>>, vector<16xi32>,
      %mul3A_544 = arith.constant 16 : i32
      %mul3A_545 = arith.muli %add3A_539, %mul3A_544 : i32
      %get3A_546 = arith.index_cast %mul3A_545 : i32 to index
      %get3A_547 = tpu.vector_load %arg9[%get3A_546] {strides = array<i32>} : memref<16384xi32, #tpu.memory_space<vmem>>, vector<16xi32>,
      %mul3A_548 = arith.constant 8 : i32
      %mul3A_549 = arith.muli %scan3A_486, %mul3A_548 : i32
      %add3A_550 = arith.constant 5 : i32
      %add3A_551 = arith.addi %mul3A_549, %add3A_550 : i32
      %mul3A_552 = arith.constant 16 : i32
      %mul3A_553 = arith.muli %add3A_551, %mul3A_552 : i32
      %get3A_554 = arith.index_cast %mul3A_553 : i32 to index
      %get3A_555 = tpu.vector_load %arg8[%get3A_554] {strides = array<i32>} : memref<16384xi32, #tpu.memory_space<vmem>>, vector<16xi32>,
      %mul3A_556 = arith.constant 16 : i32
      %mul3A_557 = arith.muli %add3A_551, %mul3A_556 : i32
      %get3A_558 = arith.index_cast %mul3A_557 : i32 to index
      %get3A_559 = tpu.vector_load %arg9[%get3A_558] {strides = array<i32>} : memref<16384xi32, #tpu.memory_space<vmem>>, vector<16xi32>,
      %mul3A_560 = arith.constant 8 : i32
      %mul3A_561 = arith.muli %scan3A_486, %mul3A_560 : i32
      %add3A_562 = arith.constant 6 : i32
      %add3A_563 = arith.addi %mul3A_561, %add3A_562 : i32
      %mul3A_564 = arith.constant 16 : i32
      %mul3A_565 = arith.muli %add3A_563, %mul3A_564 : i32
      %get3A_566 = arith.index_cast %mul3A_565 : i32 to index
      %get3A_567 = tpu.vector_load %arg8[%get3A_566] {strides = array<i32>} : memref<16384xi32, #tpu.memory_space<vmem>>, vector<16xi32>,
      %mul3A_568 = arith.constant 16 : i32
      %mul3A_569 = arith.muli %add3A_563, %mul3A_568 : i32
      %get3A_570 = arith.index_cast %mul3A_569 : i32 to index
      %get3A_571 = tpu.vector_load %arg9[%get3A_570] {strides = array<i32>} : memref<16384xi32, #tpu.memory_space<vmem>>, vector<16xi32>,
      %mul3A_572 = arith.constant 8 : i32
      %mul3A_573 = arith.muli %scan3A_486, %mul3A_572 : i32
      %add3A_574 = arith.constant 7 : i32
      %add3A_575 = arith.addi %mul3A_573, %add3A_574 : i32
      %mul3A_576 = arith.constant 16 : i32
      %mul3A_577 = arith.muli %add3A_575, %mul3A_576 : i32
      %get3A_578 = arith.index_cast %mul3A_577 : i32 to index
      %get3A_579 = tpu.vector_load %arg8[%get3A_578] {strides = array<i32>} : memref<16384xi32, #tpu.memory_space<vmem>>, vector<16xi32>,
      %mul3A_580 = arith.constant 16 : i32
      %mul3A_581 = arith.muli %add3A_575, %mul3A_580 : i32
      %get3A_582 = arith.index_cast %mul3A_581 : i32 to index
      %get3A_583 = tpu.vector_load %arg9[%get3A_582] {strides = array<i32>} : memref<16384xi32, #tpu.memory_space<vmem>>, vector<16xi32>,
      %mul3A_584 = arith.constant 8 : i32
      %mul3A_585 = arith.muli %scan3A_486, %mul3A_584 : i32
      %add3A_586 = arith.constant 0 : i32
      %add3A_587 = arith.addi %mul3A_585, %add3A_586 : i32
      %mul3A_588 = arith.constant 16 : i32
      %mul3A_589 = arith.muli %add3A_587, %mul3A_588 : i32
      %add3A_590 = vector.broadcast %mul3A_589 : i32 to vector<16xi32>
      %add3A_591 = arith.addi %iota3A, %add3A_590 : vector<16xi32>
      %sub3A_592 = vector.broadcast %mul3A_2 : i32 to vector<16xi32>
      %sub3A_593 = arith.subi %get3A_495, %sub3A_592 : vector<16xi32>
      %bitcast3A = vector.bitcast %sub3A_593 : vector<16xi32> to vector<16xi32>
      %lt3A_594 = arith.constant 2048 : i32
      %lt3A_595 = vector.broadcast %lt3A_594 : i32 to vector<16xi32>
      %lt3A_596 = arith.cmpi ult, %bitcast3A, %lt3A_595 : vector<16xi32>
      tpu.vector_store_idx %arg7[%sub3A_593], %add3A_591 masked %lt3A_596 : memref<2048xi32, #tpu.memory_space<vmem>>[vector<16xi32>], vector<16xi32>, vector<16xi1>
      %sub3A_597 = vector.broadcast %mul3A_2 : i32 to vector<16xi32>
      %sub3A_598 = arith.subi %get3A_499, %sub3A_597 : vector<16xi32>
      %bitcast3A_599 = vector.bitcast %sub3A_598 : vector<16xi32> to vector<16xi32>
      %lt3A_600 = arith.constant 2048 : i32
      %lt3A_601 = vector.broadcast %lt3A_600 : i32 to vector<16xi32>
      %lt3A_602 = arith.cmpi ult, %bitcast3A_599, %lt3A_601 : vector<16xi32>
      %convert_element_type3A_603 = arith.extui %lt3A_602 : vector<16xi1> to vector<16xi32>
      %cumsum3A = arith.constant true
      %cumsum3A_604 = vector.broadcast %cumsum3A : i1 to vector<16xi1>
      %cumsum3A_605 = tpu.scan <sum>, %convert_element_type3A_603 masked %cumsum3A_604 : vector<16xi32>, vector<16xi1> -> vector<16xi32>
      %add3A_606 = arith.addi %scan3A_488, %cumsum3A_605 : vector<16xi32>
      %sub3A_607 = arith.subi %add3A_606, %convert_element_type3A_603 : vector<16xi32>
      %shift_left3A = arith.constant 11 : i32
      %shift_left3A_608 = vector.broadcast %shift_left3A : i32 to vector<16xi32>
      %shift_left3A_609 = arith.shli %add3A_591, %shift_left3A_608 : vector<16xi32>
      %or3A = arith.ori %shift_left3A_609, %sub3A_598 : vector<16xi32>
      tpu.vector_store_idx %arg10[%sub3A_607], %or3A masked %lt3A_602 : memref<16400xi32, #tpu.memory_space<vmem>>[vector<16xi32>], vector<16xi32>, vector<16xi1>
      %all_reduce_population_count3A = tpu.all_reduce %lt3A_602 {dim = 0 : i64, kind = #tpu.reduction_kind<sum>} : vector<16xi1> -> vector<16xi32>
      %add3A_610 = arith.addi %scan3A_488, %all_reduce_population_count3A : vector<16xi32>
      %mul3A_611 = arith.constant 8 : i32
      %mul3A_612 = arith.muli %scan3A_486, %mul3A_611 : i32
      %add3A_613 = arith.constant 1 : i32
      %add3A_614 = arith.addi %mul3A_612, %add3A_613 : i32
      %mul3A_615 = arith.constant 16 : i32
      %mul3A_616 = arith.muli %add3A_614, %mul3A_615 : i32
      %add3A_617 = vector.broadcast %mul3A_616 : i32 to vector<16xi32>
      %add3A_618 = arith.addi %iota3A, %add3A_617 : vector<16xi32>
      %sub3A_619 = vector.broadcast %mul3A_2 : i32 to vector<16xi32>
      %sub3A_620 = arith.subi %get3A_507, %sub3A_619 : vector<16xi32>
      %bitcast3A_621 = vector.bitcast %sub3A_620 : vector<16xi32> to vector<16xi32>
      %lt3A_622 = arith.constant 2048 : i32
      %lt3A_623 = vector.broadcast %lt3A_622 : i32 to vector<16xi32>
      %lt3A_624 = arith.cmpi ult, %bitcast3A_621, %lt3A_623 : vector<16xi32>
      tpu.vector_store_idx %arg7[%sub3A_620], %add3A_618 masked %lt3A_624 : memref<2048xi32, #tpu.memory_space<vmem>>[vector<16xi32>], vector<16xi32>, vector<16xi1>
      %sub3A_625 = vector.broadcast %mul3A_2 : i32 to vector<16xi32>
      %sub3A_626 = arith.subi %get3A_511, %sub3A_625 : vector<16xi32>
      %bitcast3A_627 = vector.bitcast %sub3A_626 : vector<16xi32> to vector<16xi32>
      %lt3A_628 = arith.constant 2048 : i32
      %lt3A_629 = vector.broadcast %lt3A_628 : i32 to vector<16xi32>
      %lt3A_630 = arith.cmpi ult, %bitcast3A_627, %lt3A_629 : vector<16xi32>
      %convert_element_type3A_631 = arith.extui %lt3A_630 : vector<16xi1> to vector<16xi32>
      %cumsum3A_632 = arith.constant true
      %cumsum3A_633 = vector.broadcast %cumsum3A_632 : i1 to vector<16xi1>
      %cumsum3A_634 = tpu.scan <sum>, %convert_element_type3A_631 masked %cumsum3A_633 : vector<16xi32>, vector<16xi1> -> vector<16xi32>
      %add3A_635 = arith.addi %add3A_610, %cumsum3A_634 : vector<16xi32>
      %sub3A_636 = arith.subi %add3A_635, %convert_element_type3A_631 : vector<16xi32>
      %shift_left3A_637 = arith.constant 11 : i32
      %shift_left3A_638 = vector.broadcast %shift_left3A_637 : i32 to vector<16xi32>
      %shift_left3A_639 = arith.shli %add3A_618, %shift_left3A_638 : vector<16xi32>
      %or3A_640 = arith.ori %shift_left3A_639, %sub3A_626 : vector<16xi32>
      tpu.vector_store_idx %arg10[%sub3A_636], %or3A_640 masked %lt3A_630 : memref<16400xi32, #tpu.memory_space<vmem>>[vector<16xi32>], vector<16xi32>, vector<16xi1>
      %all_reduce_population_count3A_641 = tpu.all_reduce %lt3A_630 {dim = 0 : i64, kind = #tpu.reduction_kind<sum>} : vector<16xi1> -> vector<16xi32>
      %add3A_642 = arith.addi %add3A_610, %all_reduce_population_count3A_641 : vector<16xi32>
      %mul3A_643 = arith.constant 8 : i32
      %mul3A_644 = arith.muli %scan3A_486, %mul3A_643 : i32
      %add3A_645 = arith.constant 2 : i32
      %add3A_646 = arith.addi %mul3A_644, %add3A_645 : i32
      %mul3A_647 = arith.constant 16 : i32
      %mul3A_648 = arith.muli %add3A_646, %mul3A_647 : i32
      %add3A_649 = vector.broadcast %mul3A_648 : i32 to vector<16xi32>
      %add3A_650 = arith.addi %iota3A, %add3A_649 : vector<16xi32>
      %sub3A_651 = vector.broadcast %mul3A_2 : i32 to vector<16xi32>
      %sub3A_652 = arith.subi %get3A_519, %sub3A_651 : vector<16xi32>
      %bitcast3A_653 = vector.bitcast %sub3A_652 : vector<16xi32> to vector<16xi32>
      %lt3A_654 = arith.constant 2048 : i32
      %lt3A_655 = vector.broadcast %lt3A_654 : i32 to vector<16xi32>
      %lt3A_656 = arith.cmpi ult, %bitcast3A_653, %lt3A_655 : vector<16xi32>
      tpu.vector_store_idx %arg7[%sub3A_652], %add3A_650 masked %lt3A_656 : memref<2048xi32, #tpu.memory_space<vmem>>[vector<16xi32>], vector<16xi32>, vector<16xi1>
      %sub3A_657 = vector.broadcast %mul3A_2 : i32 to vector<16xi32>
      %sub3A_658 = arith.subi %get3A_523, %sub3A_657 : vector<16xi32>
      %bitcast3A_659 = vector.bitcast %sub3A_658 : vector<16xi32> to vector<16xi32>
      %lt3A_660 = arith.constant 2048 : i32
      %lt3A_661 = vector.broadcast %lt3A_660 : i32 to vector<16xi32>
      %lt3A_662 = arith.cmpi ult, %bitcast3A_659, %lt3A_661 : vector<16xi32>
      %convert_element_type3A_663 = arith.extui %lt3A_662 : vector<16xi1> to vector<16xi32>
      %cumsum3A_664 = arith.constant true
      %cumsum3A_665 = vector.broadcast %cumsum3A_664 : i1 to vector<16xi1>
      %cumsum3A_666 = tpu.scan <sum>, %convert_element_type3A_663 masked %cumsum3A_665 : vector<16xi32>, vector<16xi1> -> vector<16xi32>
      %add3A_667 = arith.addi %add3A_642, %cumsum3A_666 : vector<16xi32>
      %sub3A_668 = arith.subi %add3A_667, %convert_element_type3A_663 : vector<16xi32>
      %shift_left3A_669 = arith.constant 11 : i32
      %shift_left3A_670 = vector.broadcast %shift_left3A_669 : i32 to vector<16xi32>
      %shift_left3A_671 = arith.shli %add3A_650, %shift_left3A_670 : vector<16xi32>
      %or3A_672 = arith.ori %shift_left3A_671, %sub3A_658 : vector<16xi32>
      tpu.vector_store_idx %arg10[%sub3A_668], %or3A_672 masked %lt3A_662 : memref<16400xi32, #tpu.memory_space<vmem>>[vector<16xi32>], vector<16xi32>, vector<16xi1>
      %all_reduce_population_count3A_673 = tpu.all_reduce %lt3A_662 {dim = 0 : i64, kind = #tpu.reduction_kind<sum>} : vector<16xi1> -> vector<16xi32>
      %add3A_674 = arith.addi %add3A_642, %all_reduce_population_count3A_673 : vector<16xi32>
      %mul3A_675 = arith.constant 8 : i32
      %mul3A_676 = arith.muli %scan3A_486, %mul3A_675 : i32
      %add3A_677 = arith.constant 3 : i32
      %add3A_678 = arith.addi %mul3A_676, %add3A_677 : i32
      %mul3A_679 = arith.constant 16 : i32
      %mul3A_680 = arith.muli %add3A_678, %mul3A_679 : i32
      %add3A_681 = vector.broadcast %mul3A_680 : i32 to vector<16xi32>
      %add3A_682 = arith.addi %iota3A, %add3A_681 : vector<16xi32>
      %sub3A_683 = vector.broadcast %mul3A_2 : i32 to vector<16xi32>
      %sub3A_684 = arith.subi %get3A_531, %sub3A_683 : vector<16xi32>
      %bitcast3A_685 = vector.bitcast %sub3A_684 : vector<16xi32> to vector<16xi32>
      %lt3A_686 = arith.constant 2048 : i32
      %lt3A_687 = vector.broadcast %lt3A_686 : i32 to vector<16xi32>
      %lt3A_688 = arith.cmpi ult, %bitcast3A_685, %lt3A_687 : vector<16xi32>
      tpu.vector_store_idx %arg7[%sub3A_684], %add3A_682 masked %lt3A_688 : memref<2048xi32, #tpu.memory_space<vmem>>[vector<16xi32>], vector<16xi32>, vector<16xi1>
      %sub3A_689 = vector.broadcast %mul3A_2 : i32 to vector<16xi32>
      %sub3A_690 = arith.subi %get3A_535, %sub3A_689 : vector<16xi32>
      %bitcast3A_691 = vector.bitcast %sub3A_690 : vector<16xi32> to vector<16xi32>
      %lt3A_692 = arith.constant 2048 : i32
      %lt3A_693 = vector.broadcast %lt3A_692 : i32 to vector<16xi32>
      %lt3A_694 = arith.cmpi ult, %bitcast3A_691, %lt3A_693 : vector<16xi32>
      %convert_element_type3A_695 = arith.extui %lt3A_694 : vector<16xi1> to vector<16xi32>
      %cumsum3A_696 = arith.constant true
      %cumsum3A_697 = vector.broadcast %cumsum3A_696 : i1 to vector<16xi1>
      %cumsum3A_698 = tpu.scan <sum>, %convert_element_type3A_695 masked %cumsum3A_697 : vector<16xi32>, vector<16xi1> -> vector<16xi32>
      %add3A_699 = arith.addi %add3A_674, %cumsum3A_698 : vector<16xi32>
      %sub3A_700 = arith.subi %add3A_699, %convert_element_type3A_695 : vector<16xi32>
      %shift_left3A_701 = arith.constant 11 : i32
      %shift_left3A_702 = vector.broadcast %shift_left3A_701 : i32 to vector<16xi32>
      %shift_left3A_703 = arith.shli %add3A_682, %shift_left3A_702 : vector<16xi32>
      %or3A_704 = arith.ori %shift_left3A_703, %sub3A_690 : vector<16xi32>
      tpu.vector_store_idx %arg10[%sub3A_700], %or3A_704 masked %lt3A_694 : memref<16400xi32, #tpu.memory_space<vmem>>[vector<16xi32>], vector<16xi32>, vector<16xi1>
      %all_reduce_population_count3A_705 = tpu.all_reduce %lt3A_694 {dim = 0 : i64, kind = #tpu.reduction_kind<sum>} : vector<16xi1> -> vector<16xi32>
      %add3A_706 = arith.addi %add3A_674, %all_reduce_population_count3A_705 : vector<16xi32>
      %mul3A_707 = arith.constant 8 : i32
      %mul3A_708 = arith.muli %scan3A_486, %mul3A_707 : i32
      %add3A_709 = arith.constant 4 : i32
      %add3A_710 = arith.addi %mul3A_708, %add3A_709 : i32
      %mul3A_711 = arith.constant 16 : i32
      %mul3A_712 = arith.muli %add3A_710, %mul3A_711 : i32
      %add3A_713 = vector.broadcast %mul3A_712 : i32 to vector<16xi32>
      %add3A_714 = arith.addi %iota3A, %add3A_713 : vector<16xi32>
      %sub3A_715 = vector.broadcast %mul3A_2 : i32 to vector<16xi32>
      %sub3A_716 = arith.subi %get3A_543, %sub3A_715 : vector<16xi32>
      %bitcast3A_717 = vector.bitcast %sub3A_716 : vector<16xi32> to vector<16xi32>
      %lt3A_718 = arith.constant 2048 : i32
      %lt3A_719 = vector.broadcast %lt3A_718 : i32 to vector<16xi32>
      %lt3A_720 = arith.cmpi ult, %bitcast3A_717, %lt3A_719 : vector<16xi32>
      tpu.vector_store_idx %arg7[%sub3A_716], %add3A_714 masked %lt3A_720 : memref<2048xi32, #tpu.memory_space<vmem>>[vector<16xi32>], vector<16xi32>, vector<16xi1>
      %sub3A_721 = vector.broadcast %mul3A_2 : i32 to vector<16xi32>
      %sub3A_722 = arith.subi %get3A_547, %sub3A_721 : vector<16xi32>
      %bitcast3A_723 = vector.bitcast %sub3A_722 : vector<16xi32> to vector<16xi32>
      %lt3A_724 = arith.constant 2048 : i32
      %lt3A_725 = vector.broadcast %lt3A_724 : i32 to vector<16xi32>
      %lt3A_726 = arith.cmpi ult, %bitcast3A_723, %lt3A_725 : vector<16xi32>
      %convert_element_type3A_727 = arith.extui %lt3A_726 : vector<16xi1> to vector<16xi32>
      %cumsum3A_728 = arith.constant true
      %cumsum3A_729 = vector.broadcast %cumsum3A_728 : i1 to vector<16xi1>
      %cumsum3A_730 = tpu.scan <sum>, %convert_element_type3A_727 masked %cumsum3A_729 : vector<16xi32>, vector<16xi1> -> vector<16xi32>
      %add3A_731 = arith.addi %add3A_706, %cumsum3A_730 : vector<16xi32>
      %sub3A_732 = arith.subi %add3A_731, %convert_element_type3A_727 : vector<16xi32>
      %shift_left3A_733 = arith.constant 11 : i32
      %shift_left3A_734 = vector.broadcast %shift_left3A_733 : i32 to vector<16xi32>
      %shift_left3A_735 = arith.shli %add3A_714, %shift_left3A_734 : vector<16xi32>
      %or3A_736 = arith.ori %shift_left3A_735, %sub3A_722 : vector<16xi32>
      tpu.vector_store_idx %arg10[%sub3A_732], %or3A_736 masked %lt3A_726 : memref<16400xi32, #tpu.memory_space<vmem>>[vector<16xi32>], vector<16xi32>, vector<16xi1>
      %all_reduce_population_count3A_737 = tpu.all_reduce %lt3A_726 {dim = 0 : i64, kind = #tpu.reduction_kind<sum>} : vector<16xi1> -> vector<16xi32>
      %add3A_738 = arith.addi %add3A_706, %all_reduce_population_count3A_737 : vector<16xi32>
      %mul3A_739 = arith.constant 8 : i32
      %mul3A_740 = arith.muli %scan3A_486, %mul3A_739 : i32
      %add3A_741 = arith.constant 5 : i32
      %add3A_742 = arith.addi %mul3A_740, %add3A_741 : i32
      %mul3A_743 = arith.constant 16 : i32
      %mul3A_744 = arith.muli %add3A_742, %mul3A_743 : i32
      %add3A_745 = vector.broadcast %mul3A_744 : i32 to vector<16xi32>
      %add3A_746 = arith.addi %iota3A, %add3A_745 : vector<16xi32>
      %sub3A_747 = vector.broadcast %mul3A_2 : i32 to vector<16xi32>
      %sub3A_748 = arith.subi %get3A_555, %sub3A_747 : vector<16xi32>
      %bitcast3A_749 = vector.bitcast %sub3A_748 : vector<16xi32> to vector<16xi32>
      %lt3A_750 = arith.constant 2048 : i32
      %lt3A_751 = vector.broadcast %lt3A_750 : i32 to vector<16xi32>
      %lt3A_752 = arith.cmpi ult, %bitcast3A_749, %lt3A_751 : vector<16xi32>
      tpu.vector_store_idx %arg7[%sub3A_748], %add3A_746 masked %lt3A_752 : memref<2048xi32, #tpu.memory_space<vmem>>[vector<16xi32>], vector<16xi32>, vector<16xi1>
      %sub3A_753 = vector.broadcast %mul3A_2 : i32 to vector<16xi32>
      %sub3A_754 = arith.subi %get3A_559, %sub3A_753 : vector<16xi32>
      %bitcast3A_755 = vector.bitcast %sub3A_754 : vector<16xi32> to vector<16xi32>
      %lt3A_756 = arith.constant 2048 : i32
      %lt3A_757 = vector.broadcast %lt3A_756 : i32 to vector<16xi32>
      %lt3A_758 = arith.cmpi ult, %bitcast3A_755, %lt3A_757 : vector<16xi32>
      %convert_element_type3A_759 = arith.extui %lt3A_758 : vector<16xi1> to vector<16xi32>
      %cumsum3A_760 = arith.constant true
      %cumsum3A_761 = vector.broadcast %cumsum3A_760 : i1 to vector<16xi1>
      %cumsum3A_762 = tpu.scan <sum>, %convert_element_type3A_759 masked %cumsum3A_761 : vector<16xi32>, vector<16xi1> -> vector<16xi32>
      %add3A_763 = arith.addi %add3A_738, %cumsum3A_762 : vector<16xi32>
      %sub3A_764 = arith.subi %add3A_763, %convert_element_type3A_759 : vector<16xi32>
      %shift_left3A_765 = arith.constant 11 : i32
      %shift_left3A_766 = vector.broadcast %shift_left3A_765 : i32 to vector<16xi32>
      %shift_left3A_767 = arith.shli %add3A_746, %shift_left3A_766 : vector<16xi32>
      %or3A_768 = arith.ori %shift_left3A_767, %sub3A_754 : vector<16xi32>
      tpu.vector_store_idx %arg10[%sub3A_764], %or3A_768 masked %lt3A_758 : memref<16400xi32, #tpu.memory_space<vmem>>[vector<16xi32>], vector<16xi32>, vector<16xi1>
      %all_reduce_population_count3A_769 = tpu.all_reduce %lt3A_758 {dim = 0 : i64, kind = #tpu.reduction_kind<sum>} : vector<16xi1> -> vector<16xi32>
      %add3A_770 = arith.addi %add3A_738, %all_reduce_population_count3A_769 : vector<16xi32>
      %mul3A_771 = arith.constant 8 : i32
      %mul3A_772 = arith.muli %scan3A_486, %mul3A_771 : i32
      %add3A_773 = arith.constant 6 : i32
      %add3A_774 = arith.addi %mul3A_772, %add3A_773 : i32
      %mul3A_775 = arith.constant 16 : i32
      %mul3A_776 = arith.muli %add3A_774, %mul3A_775 : i32
      %add3A_777 = vector.broadcast %mul3A_776 : i32 to vector<16xi32>
      %add3A_778 = arith.addi %iota3A, %add3A_777 : vector<16xi32>
      %sub3A_779 = vector.broadcast %mul3A_2 : i32 to vector<16xi32>
      %sub3A_780 = arith.subi %get3A_567, %sub3A_779 : vector<16xi32>
      %bitcast3A_781 = vector.bitcast %sub3A_780 : vector<16xi32> to vector<16xi32>
      %lt3A_782 = arith.constant 2048 : i32
      %lt3A_783 = vector.broadcast %lt3A_782 : i32 to vector<16xi32>
      %lt3A_784 = arith.cmpi ult, %bitcast3A_781, %lt3A_783 : vector<16xi32>
      tpu.vector_store_idx %arg7[%sub3A_780], %add3A_778 masked %lt3A_784 : memref<2048xi32, #tpu.memory_space<vmem>>[vector<16xi32>], vector<16xi32>, vector<16xi1>
      %sub3A_785 = vector.broadcast %mul3A_2 : i32 to vector<16xi32>
      %sub3A_786 = arith.subi %get3A_571, %sub3A_785 : vector<16xi32>
      %bitcast3A_787 = vector.bitcast %sub3A_786 : vector<16xi32> to vector<16xi32>
      %lt3A_788 = arith.constant 2048 : i32
      %lt3A_789 = vector.broadcast %lt3A_788 : i32 to vector<16xi32>
      %lt3A_790 = arith.cmpi ult, %bitcast3A_787, %lt3A_789 : vector<16xi32>
      %convert_element_type3A_791 = arith.extui %lt3A_790 : vector<16xi1> to vector<16xi32>
      %cumsum3A_792 = arith.constant true
      %cumsum3A_793 = vector.broadcast %cumsum3A_792 : i1 to vector<16xi1>
      %cumsum3A_794 = tpu.scan <sum>, %convert_element_type3A_791 masked %cumsum3A_793 : vector<16xi32>, vector<16xi1> -> vector<16xi32>
      %add3A_795 = arith.addi %add3A_770, %cumsum3A_794 : vector<16xi32>
      %sub3A_796 = arith.subi %add3A_795, %convert_element_type3A_791 : vector<16xi32>
      %shift_left3A_797 = arith.constant 11 : i32
      %shift_left3A_798 = vector.broadcast %shift_left3A_797 : i32 to vector<16xi32>
      %shift_left3A_799 = arith.shli %add3A_778, %shift_left3A_798 : vector<16xi32>
      %or3A_800 = arith.ori %shift_left3A_799, %sub3A_786 : vector<16xi32>
      tpu.vector_store_idx %arg10[%sub3A_796], %or3A_800 masked %lt3A_790 : memref<16400xi32, #tpu.memory_space<vmem>>[vector<16xi32>], vector<16xi32>, vector<16xi1>
      %all_reduce_population_count3A_801 = tpu.all_reduce %lt3A_790 {dim = 0 : i64, kind = #tpu.reduction_kind<sum>} : vector<16xi1> -> vector<16xi32>
      %add3A_802 = arith.addi %add3A_770, %all_reduce_population_count3A_801 : vector<16xi32>
      %mul3A_803 = arith.constant 8 : i32
      %mul3A_804 = arith.muli %scan3A_486, %mul3A_803 : i32
      %add3A_805 = arith.constant 7 : i32
      %add3A_806 = arith.addi %mul3A_804, %add3A_805 : i32
      %mul3A_807 = arith.constant 16 : i32
      %mul3A_808 = arith.muli %add3A_806, %mul3A_807 : i32
      %add3A_809 = vector.broadcast %mul3A_808 : i32 to vector<16xi32>
      %add3A_810 = arith.addi %iota3A, %add3A_809 : vector<16xi32>
      %sub3A_811 = vector.broadcast %mul3A_2 : i32 to vector<16xi32>
      %sub3A_812 = arith.subi %get3A_579, %sub3A_811 : vector<16xi32>
      %bitcast3A_813 = vector.bitcast %sub3A_812 : vector<16xi32> to vector<16xi32>
      %lt3A_814 = arith.constant 2048 : i32
      %lt3A_815 = vector.broadcast %lt3A_814 : i32 to vector<16xi32>
      %lt3A_816 = arith.cmpi ult, %bitcast3A_813, %lt3A_815 : vector<16xi32>
      tpu.vector_store_idx %arg7[%sub3A_812], %add3A_810 masked %lt3A_816 : memref<2048xi32, #tpu.memory_space<vmem>>[vector<16xi32>], vector<16xi32>, vector<16xi1>
      %sub3A_817 = vector.broadcast %mul3A_2 : i32 to vector<16xi32>
      %sub3A_818 = arith.subi %get3A_583, %sub3A_817 : vector<16xi32>
      %bitcast3A_819 = vector.bitcast %sub3A_818 : vector<16xi32> to vector<16xi32>
      %lt3A_820 = arith.constant 2048 : i32
      %lt3A_821 = vector.broadcast %lt3A_820 : i32 to vector<16xi32>
      %lt3A_822 = arith.cmpi ult, %bitcast3A_819, %lt3A_821 : vector<16xi32>
      %convert_element_type3A_823 = arith.extui %lt3A_822 : vector<16xi1> to vector<16xi32>
      %cumsum3A_824 = arith.constant true
      %cumsum3A_825 = vector.broadcast %cumsum3A_824 : i1 to vector<16xi1>
      %cumsum3A_826 = tpu.scan <sum>, %convert_element_type3A_823 masked %cumsum3A_825 : vector<16xi32>, vector<16xi1> -> vector<16xi32>
      %add3A_827 = arith.addi %add3A_802, %cumsum3A_826 : vector<16xi32>
      %sub3A_828 = arith.subi %add3A_827, %convert_element_type3A_823 : vector<16xi32>
      %shift_left3A_829 = arith.constant 11 : i32
      %shift_left3A_830 = vector.broadcast %shift_left3A_829 : i32 to vector<16xi32>
      %shift_left3A_831 = arith.shli %add3A_810, %shift_left3A_830 : vector<16xi32>
      %or3A_832 = arith.ori %shift_left3A_831, %sub3A_818 : vector<16xi32>
      tpu.vector_store_idx %arg10[%sub3A_828], %or3A_832 masked %lt3A_822 : memref<16400xi32, #tpu.memory_space<vmem>>[vector<16xi32>], vector<16xi32>, vector<16xi1>
      %all_reduce_population_count3A_833 = tpu.all_reduce %lt3A_822 {dim = 0 : i64, kind = #tpu.reduction_kind<sum>} : vector<16xi1> -> vector<16xi32>
      %add3A_834 = arith.addi %add3A_802, %all_reduce_population_count3A_833 : vector<16xi32>
      %gather3A = tpu.vector_load_idx %arg7[%sub3A_593] masked %lt3A_596 : memref<2048xi32, #tpu.memory_space<vmem>>[vector<16xi32>], vector<16xi32>, vector<16xi1>
      %lt3A_835 = arith.cmpi slt, %gather3A, %add3A_591 : vector<16xi32>
      %and3A_836 = arith.andi %lt3A_596, %lt3A_835 : vector<16xi1>
      %or3A_837 = arith.ori %scan3A_487, %and3A_836 : vector<16xi1>
      %gather3A_838 = tpu.vector_load_idx %arg7[%sub3A_620] masked %lt3A_624 : memref<2048xi32, #tpu.memory_space<vmem>>[vector<16xi32>], vector<16xi32>, vector<16xi1>
      %lt3A_839 = arith.cmpi slt, %gather3A_838, %add3A_618 : vector<16xi32>
      %and3A_840 = arith.andi %lt3A_624, %lt3A_839 : vector<16xi1>
      %or3A_841 = arith.ori %or3A_837, %and3A_840 : vector<16xi1>
      %gather3A_842 = tpu.vector_load_idx %arg7[%sub3A_652] masked %lt3A_656 : memref<2048xi32, #tpu.memory_space<vmem>>[vector<16xi32>], vector<16xi32>, vector<16xi1>
      %lt3A_843 = arith.cmpi slt, %gather3A_842, %add3A_650 : vector<16xi32>
      %and3A_844 = arith.andi %lt3A_656, %lt3A_843 : vector<16xi1>
      %or3A_845 = arith.ori %or3A_841, %and3A_844 : vector<16xi1>
      %gather3A_846 = tpu.vector_load_idx %arg7[%sub3A_684] masked %lt3A_688 : memref<2048xi32, #tpu.memory_space<vmem>>[vector<16xi32>], vector<16xi32>, vector<16xi1>
      %lt3A_847 = arith.cmpi slt, %gather3A_846, %add3A_682 : vector<16xi32>
      %and3A_848 = arith.andi %lt3A_688, %lt3A_847 : vector<16xi1>
      %or3A_849 = arith.ori %or3A_845, %and3A_848 : vector<16xi1>
      %gather3A_850 = tpu.vector_load_idx %arg7[%sub3A_716] masked %lt3A_720 : memref<2048xi32, #tpu.memory_space<vmem>>[vector<16xi32>], vector<16xi32>, vector<16xi1>
      %lt3A_851 = arith.cmpi slt, %gather3A_850, %add3A_714 : vector<16xi32>
      %and3A_852 = arith.andi %lt3A_720, %lt3A_851 : vector<16xi1>
      %or3A_853 = arith.ori %or3A_849, %and3A_852 : vector<16xi1>
      %gather3A_854 = tpu.vector_load_idx %arg7[%sub3A_748] masked %lt3A_752 : memref<2048xi32, #tpu.memory_space<vmem>>[vector<16xi32>], vector<16xi32>, vector<16xi1>
      %lt3A_855 = arith.cmpi slt, %gather3A_854, %add3A_746 : vector<16xi32>
      %and3A_856 = arith.andi %lt3A_752, %lt3A_855 : vector<16xi1>
      %or3A_857 = arith.ori %or3A_853, %and3A_856 : vector<16xi1>
      %gather3A_858 = tpu.vector_load_idx %arg7[%sub3A_780] masked %lt3A_784 : memref<2048xi32, #tpu.memory_space<vmem>>[vector<16xi32>], vector<16xi32>, vector<16xi1>
      %lt3A_859 = arith.cmpi slt, %gather3A_858, %add3A_778 : vector<16xi32>
      %and3A_860 = arith.andi %lt3A_784, %lt3A_859 : vector<16xi1>
      %or3A_861 = arith.ori %or3A_857, %and3A_860 : vector<16xi1>
      %gather3A_862 = tpu.vector_load_idx %arg7[%sub3A_812] masked %lt3A_816 : memref<2048xi32, #tpu.memory_space<vmem>>[vector<16xi32>], vector<16xi32>, vector<16xi1>
      %lt3A_863 = arith.cmpi slt, %gather3A_862, %add3A_810 : vector<16xi32>
      %and3A_864 = arith.andi %lt3A_816, %lt3A_863 : vector<16xi1>
      %or3A_865 = arith.ori %or3A_861, %and3A_864 : vector<16xi1>
      scf.yield %or3A_865, %add3A_834 : vector<16xi1>, vector<16xi32>
    }
    %scan3A_21 = arith.constant 128 : i32
    %reduce_max3A = arith.constant true
    %reduce_max3A_22 = vector.broadcast %reduce_max3A : i1 to vector<16xi1>
    %reduce_max3A_23 = arith.constant -2147483648 : i32
    %reduce_max3A_24 = vector.broadcast %reduce_max3A_23 : i32 to vector<16xi32>
    %reduce_max3A_25 = arith.xori %scan3A_20#1, %reduce_max3A_24 : vector<16xi32>
    %reduce_max3A_26 = tpu.scan <max>, %reduce_max3A_25 masked %reduce_max3A_22 : vector<16xi32>, vector<16xi1> -> vector<16xi32>
    %reduce_max3A_27 = arith.xori %reduce_max3A_26, %reduce_max3A_24 : vector<16xi32>
    %reduce_max3A_28 = vector.extract %reduce_max3A_27[15] : i32 from vector<16xi32>
    %reduce_or3A = arith.constant 1.000000e+00 : f32
    %reduce_or3A_29 = arith.constant 0.000000e+00 : f32
    %reduce_or3A_30 = vector.broadcast %reduce_or3A : f32 to vector<16xf32>
    %reduce_or3A_31 = vector.broadcast %reduce_or3A_29 : f32 to vector<16xf32>
    %reduce_or3A_32 = arith.select %scan3A_20#0, %reduce_or3A_30, %reduce_or3A_31 : vector<16xi1>, vector<16xf32>
    %reduce_or3A_33 = arith.constant true
    %reduce_or3A_34 = vector.broadcast %reduce_or3A_33 : i1 to vector<16xi1>
    %reduce_or3A_35 = tpu.scan <max>, %reduce_or3A_32 masked %reduce_or3A_34 : vector<16xf32>, vector<16xi1> -> vector<16xf32>
    %reduce_or3A_36 = vector.extract %reduce_or3A_35[15] : f32 from vector<16xf32>
    %reduce_or3A_37 = arith.constant 0.000000e+00 : f32
    %reduce_or3A_38 = arith.cmpf ogt, %reduce_or3A_36, %reduce_or3A_37 : f32
    %while3A = scf.while (%while3A_486 = %reduce_or3A_38) : (i1) -> i1 {
      scf.condition(%while3A_486) %while3A_486 : i1
    } do {
    ^bb0(%while3A_486: i1):
      %scan3A_487 = arith.constant 0 : i32
      %scan3A_488 = arith.constant 1024 : i32
      %scan3A_489 = arith.addi %scan3A_487, %scan3A_488 : i32
      %scan3A_490 = arith.constant 1 : i32
      %scan3A_491 = scf.for %scan3A_504 = %scan3A_487 to %scan3A_489 step %scan3A_490 iter_args(%scan3A_505 = %broadcast_in_dim3A_13) -> (vector<16xi1>)  : i32 {
        %mul3A_506 = arith.constant 16 : i32
        %mul3A_507 = arith.muli %scan3A_504, %mul3A_506 : i32
        %get3A = arith.index_cast %mul3A_507 : i32 to index
        %get3A_508 = tpu.vector_load %arg8[%get3A] {strides = array<i32>} : memref<16384xi32, #tpu.memory_space<vmem>>, vector<16xi32>,
        %mul3A_509 = arith.constant 16 : i32
        %mul3A_510 = arith.muli %scan3A_504, %mul3A_509 : i32
        %add3A_511 = vector.broadcast %mul3A_510 : i32 to vector<16xi32>
        %add3A_512 = arith.addi %iota3A, %add3A_511 : vector<16xi32>
        %ge3A = vector.broadcast %mul3A_2 : i32 to vector<16xi32>
        %ge3A_513 = arith.cmpi sge, %get3A_508, %ge3A : vector<16xi32>
        %lt3A_514 = vector.broadcast %add3A_4 : i32 to vector<16xi32>
        %lt3A_515 = arith.cmpi slt, %get3A_508, %lt3A_514 : vector<16xi32>
        %and3A_516 = arith.andi %ge3A_513, %lt3A_515 : vector<16xi1>
        %sub3A_517 = vector.broadcast %mul3A_2 : i32 to vector<16xi32>
        %sub3A_518 = arith.subi %get3A_508, %sub3A_517 : vector<16xi32>
        %gather3A = tpu.vector_load_idx %arg7[%sub3A_518] masked %and3A_516 : memref<2048xi32, #tpu.memory_space<vmem>>[vector<16xi32>], vector<16xi32>, vector<16xi1>
        %lt3A_519 = arith.cmpi slt, %gather3A, %add3A_512 : vector<16xi32>
        %and3A_520 = arith.andi %and3A_516, %lt3A_519 : vector<16xi1>
        tpu.vector_store_idx %arg7[%sub3A_518], %add3A_512 masked %and3A_520 : memref<2048xi32, #tpu.memory_space<vmem>>[vector<16xi32>], vector<16xi32>, vector<16xi1>
        %or3A = arith.ori %scan3A_505, %and3A_520 : vector<16xi1>
        scf.yield %or3A : vector<16xi1>
      }
      %scan3A_492 = arith.constant 1024 : i32
      %reduce_or3A_493 = arith.constant 1.000000e+00 : f32
      %reduce_or3A_494 = arith.constant 0.000000e+00 : f32
      %reduce_or3A_495 = vector.broadcast %reduce_or3A_493 : f32 to vector<16xf32>
      %reduce_or3A_496 = vector.broadcast %reduce_or3A_494 : f32 to vector<16xf32>
      %reduce_or3A_497 = arith.select %scan3A_491, %reduce_or3A_495, %reduce_or3A_496 : vector<16xi1>, vector<16xf32>
      %reduce_or3A_498 = arith.constant true
      %reduce_or3A_499 = vector.broadcast %reduce_or3A_498 : i1 to vector<16xi1>
      %reduce_or3A_500 = tpu.scan <max>, %reduce_or3A_497 masked %reduce_or3A_499 : vector<16xf32>, vector<16xi1> -> vector<16xf32>
      %reduce_or3A_501 = vector.extract %reduce_or3A_500[15] : f32 from vector<16xf32>
      %reduce_or3A_502 = arith.constant 0.000000e+00 : f32
      %reduce_or3A_503 = arith.cmpf ogt, %reduce_or3A_501, %reduce_or3A_502 : f32
      scf.yield %reduce_or3A_503 : i1
    }
    %jit3A = arith.constant 16 : i32
    %eq3A = arith.constant 0 : i32
    %eq3A_39 = arith.cmpi eq, %jit3A, %eq3A : i32
    %jit3A_40 = arith.constant 1 : i32
    %select_n3A = arith.select %eq3A_39, %jit3A_40, %jit3A : i32
    %rem3A = arith.remsi %reduce_max3A_28, %select_n3A : i32
    %ne3A = arith.constant 0 : i32
    %ne3A_41 = arith.cmpi ne, %rem3A, %ne3A : i32
    %lt3A = arith.constant 0 : i32
    %lt3A_42 = arith.cmpi slt, %rem3A, %lt3A : i32
    %lt3A_43 = arith.constant 0 : i32
    %lt3A_44 = arith.cmpi slt, %select_n3A, %lt3A_43 : i32
    %ne3A_45 = arith.xori %lt3A_42, %lt3A_44 : i1
    %and3A = arith.andi %ne3A_45, %ne3A_41 : i1
    %add3A_46 = arith.addi %rem3A, %select_n3A : i32
    %select_n3A_47 = arith.select %and3A, %add3A_46, %rem3A : i32
    %ne3A_48 = arith.constant 0 : i32
    %ne3A_49 = arith.cmpi ne, %select_n3A_47, %ne3A_48 : i32
    %convert_element_type3A = arith.extui %ne3A_49 : i1 to i32
    %cond3A = arith.constant 0 : i32
    %cond3A_50 = arith.cmpi ne, %convert_element_type3A, %cond3A : i32
    scf.if %cond3A_50 {
      %sub3A_486 = arith.constant 1 : i32
      %sub3A_487 = arith.subi %reduce_max3A_28, %sub3A_486 : i32
      %broadcast_in_dim3A_488 = vector.broadcast %sub3A_487 : i32 to vector<16xi32>
      %gather3A = tpu.vector_load_idx %arg10[%broadcast_in_dim3A_488] : memref<16400xi32, #tpu.memory_space<vmem>>[vector<16xi32>], vector<16xi32>,
      %add3A_489 = vector.broadcast %reduce_max3A_28 : i32 to vector<16xi32>
      %add3A_490 = arith.addi %add3A_489, %iota3A : vector<16xi32>
      tpu.vector_store_idx %arg10[%add3A_490], %gather3A : memref<16400xi32, #tpu.memory_space<vmem>>[vector<16xi32>], vector<16xi32>,
    } else {
    }
    %add3A_51 = arith.constant 16 : i32
    %add3A_52 = arith.addi %reduce_max3A_28, %add3A_51 : i32
    %sub3A = arith.constant 1 : i32
    %sub3A_53 = arith.subi %add3A_52, %sub3A : i32
    %jit3A_54 = arith.constant 16 : i32
    %div3A = arith.divsi %sub3A_53, %jit3A_54 : i32
    %sign3A = arith.constant 0 : i32
    %sign3A_55 = arith.cmpi sgt, %sub3A_53, %sign3A : i32
    %sign3A_56 = arith.extui %sign3A_55 : i1 to i32
    %sign3A_57 = arith.constant 0 : i32
    %sign3A_58 = arith.cmpi slt, %sub3A_53, %sign3A_57 : i32
    %sign3A_59 = arith.extui %sign3A_58 : i1 to i32
    %sign3A_60 = arith.subi %sign3A_56, %sign3A_59 : i32
    %sign3A_61 = arith.constant 0 : i32
    %sign3A_62 = arith.cmpi sgt, %jit3A_54, %sign3A_61 : i32
    %sign3A_63 = arith.extui %sign3A_62 : i1 to i32
    %sign3A_64 = arith.constant 0 : i32
    %sign3A_65 = arith.cmpi slt, %jit3A_54, %sign3A_64 : i32
    %sign3A_66 = arith.extui %sign3A_65 : i1 to i32
    %sign3A_67 = arith.subi %sign3A_63, %sign3A_66 : i32
    %ne3A_68 = arith.cmpi ne, %sign3A_60, %sign3A_67 : i32
    %rem3A_69 = arith.remsi %sub3A_53, %jit3A_54 : i32
    %ne3A_70 = arith.constant 0 : i32
    %ne3A_71 = arith.cmpi ne, %rem3A_69, %ne3A_70 : i32
    %and3A_72 = arith.andi %ne3A_68, %ne3A_71 : i1
    %sub3A_73 = arith.constant 1 : i32
    %sub3A_74 = arith.subi %div3A, %sub3A_73 : i32
    %select_n3A_75 = arith.select %and3A_72, %sub3A_74, %div3A : i32
    %mul3A_76 = arith.constant 16 : i32
    %mul3A_77 = arith.muli %select_n3A_75, %mul3A_76 : i32
    %jit3A_78 = arith.constant 16 : i32
    %div3A_79 = arith.divsi %mul3A_77, %jit3A_78 : i32
    %sign3A_80 = arith.constant 0 : i32
    %sign3A_81 = arith.cmpi sgt, %mul3A_77, %sign3A_80 : i32
    %sign3A_82 = arith.extui %sign3A_81 : i1 to i32
    %sign3A_83 = arith.constant 0 : i32
    %sign3A_84 = arith.cmpi slt, %mul3A_77, %sign3A_83 : i32
    %sign3A_85 = arith.extui %sign3A_84 : i1 to i32
    %sign3A_86 = arith.subi %sign3A_82, %sign3A_85 : i32
    %sign3A_87 = arith.constant 0 : i32
    %sign3A_88 = arith.cmpi sgt, %jit3A_78, %sign3A_87 : i32
    %sign3A_89 = arith.extui %sign3A_88 : i1 to i32
    %sign3A_90 = arith.constant 0 : i32
    %sign3A_91 = arith.cmpi slt, %jit3A_78, %sign3A_90 : i32
    %sign3A_92 = arith.extui %sign3A_91 : i1 to i32
    %sign3A_93 = arith.subi %sign3A_89, %sign3A_92 : i32
    %ne3A_94 = arith.cmpi ne, %sign3A_86, %sign3A_93 : i32
    %rem3A_95 = arith.remsi %mul3A_77, %jit3A_78 : i32
    %ne3A_96 = arith.constant 0 : i32
    %ne3A_97 = arith.cmpi ne, %rem3A_95, %ne3A_96 : i32
    %and3A_98 = arith.andi %ne3A_94, %ne3A_97 : i1
    %sub3A_99 = arith.constant 1 : i32
    %sub3A_100 = arith.subi %div3A_79, %sub3A_99 : i32
    %select_n3A_101 = arith.select %and3A_98, %sub3A_100, %div3A_79 : i32
    %while3A_102 = arith.constant 0 : i32
    %while3A_103 = arith.subi %select_n3A_101, %while3A_102 : i32
    %while3A_104 = arith.addi %while3A_102, %while3A_103 : i32
    %while3A_105 = arith.constant 1 : i32
    %while3A_106 = arith.divsi %while3A_103, %while3A_105 : i32
    %while3A_107 = arith.muli %while3A_106, %while3A_105 : i32
    %while3A_108 = arith.addi %while3A_102, %while3A_107 : i32
    %while3A_109 = arith.constant 1 : i32
    %while3A_110:2 = scf.for %while3A_486 = %while3A_102 to %while3A_108 step %while3A_109 iter_args(%while3A_487 = %broadcast_in_dim3A_15, %while3A_488 = %broadcast_in_dim3A_15) -> (vector<16xi32>, vector<16xi32>)  : i32 {
      %mul3A_489 = arith.constant 16 : i32
      %mul3A_490 = arith.muli %while3A_486, %mul3A_489 : i32
      %get3A = arith.index_cast %mul3A_490 : i32 to index
      %get3A_491 = tpu.vector_load %arg10[%get3A] {strides = array<i32>} : memref<16400xi32, #tpu.memory_space<vmem>>, vector<16xi32>,
      %shift_right_arithmetic3A = arith.constant 11 : i32
      %shift_right_arithmetic3A_492 = vector.broadcast %shift_right_arithmetic3A : i32 to vector<16xi32>
      %shift_right_arithmetic3A_493 = arith.shrsi %get3A_491, %shift_right_arithmetic3A_492 : vector<16xi32>
      %and3A_494 = arith.constant 2047 : i32
      %and3A_495 = vector.broadcast %and3A_494 : i32 to vector<16xi32>
      %and3A_496 = arith.andi %get3A_491, %and3A_495 : vector<16xi32>
      %gather3A = tpu.vector_load_idx %arg7[%and3A_496] : memref<2048xi32, #tpu.memory_space<vmem>>[vector<16xi32>], vector<16xi32>,
      %ge3A = arith.constant 0 : i32
      %ge3A_497 = vector.broadcast %ge3A : i32 to vector<16xi32>
      %ge3A_498 = arith.cmpi sge, %gather3A, %ge3A_497 : vector<16xi32>
      %not3A = arith.constant dense<true> : vector<16xi1>
      %not3A_499 = arith.xori %ge3A_498, %not3A : vector<16xi1>
      %convert_element_type3A_500 = arith.extui %ge3A_498 : vector<16xi1> to vector<16xi32>
      %convert_element_type3A_501 = arith.extui %not3A_499 : vector<16xi1> to vector<16xi32>
      %cumsum3A = arith.constant true
      %cumsum3A_502 = vector.broadcast %cumsum3A : i1 to vector<16xi1>
      %cumsum3A_503 = tpu.scan <sum>, %convert_element_type3A_500 masked %cumsum3A_502 : vector<16xi32>, vector<16xi1> -> vector<16xi32>
      %add3A_504 = arith.addi %while3A_487, %cumsum3A_503 : vector<16xi32>
      %sub3A_505 = arith.subi %add3A_504, %convert_element_type3A_500 : vector<16xi32>
      %cumsum3A_506 = arith.constant true
      %cumsum3A_507 = vector.broadcast %cumsum3A_506 : i1 to vector<16xi1>
      %cumsum3A_508 = tpu.scan <sum>, %convert_element_type3A_501 masked %cumsum3A_507 : vector<16xi32>, vector<16xi1> -> vector<16xi32>
      %add3A_509 = arith.addi %while3A_488, %cumsum3A_508 : vector<16xi32>
      %sub3A_510 = arith.subi %add3A_509, %convert_element_type3A_501 : vector<16xi32>
      %sub3A_511 = arith.constant 16415 : i32
      %sub3A_512 = vector.broadcast %sub3A_511 : i32 to vector<16xi32>
      %sub3A_513 = arith.subi %sub3A_512, %sub3A_510 : vector<16xi32>
      tpu.vector_store_idx %arg11[%sub3A_505], %shift_right_arithmetic3A_493 masked %ge3A_498 : memref<16416xi32, #tpu.memory_space<vmem>>[vector<16xi32>], vector<16xi32>, vector<16xi1>
      tpu.vector_store_idx %arg12[%sub3A_505], %gather3A masked %ge3A_498 : memref<16416xi32, #tpu.memory_space<vmem>>[vector<16xi32>], vector<16xi32>, vector<16xi1>
      tpu.vector_store_idx %arg11[%sub3A_513], %shift_right_arithmetic3A_493 masked %not3A_499 : memref<16416xi32, #tpu.memory_space<vmem>>[vector<16xi32>], vector<16xi32>, vector<16xi1>
      %add3A_514 = vector.broadcast %mul3A_2 : i32 to vector<16xi32>
      %add3A_515 = arith.addi %and3A_496, %add3A_514 : vector<16xi32>
      tpu.vector_store_idx %arg12[%sub3A_513], %add3A_515 masked %not3A_499 : memref<16416xi32, #tpu.memory_space<vmem>>[vector<16xi32>], vector<16xi32>, vector<16xi1>
      %all_reduce_population_count3A = tpu.all_reduce %ge3A_498 {dim = 0 : i64, kind = #tpu.reduction_kind<sum>} : vector<16xi1> -> vector<16xi32>
      %add3A_516 = arith.addi %while3A_487, %all_reduce_population_count3A : vector<16xi32>
      %all_reduce_population_count3A_517 = tpu.all_reduce %not3A_499 {dim = 0 : i64, kind = #tpu.reduction_kind<sum>} : vector<16xi1> -> vector<16xi32>
      %add3A_518 = arith.addi %while3A_488, %all_reduce_population_count3A_517 : vector<16xi32>
      scf.yield %add3A_516, %add3A_518 : vector<16xi32>, vector<16xi32>
    }
    %while3A_111 = arith.constant 1 : i32
    %while3A_112:2 = scf.for %while3A_486 = %while3A_108 to %while3A_104 step %while3A_111 iter_args(%while3A_487 = %while3A_110#0, %while3A_488 = %while3A_110#1) -> (vector<16xi32>, vector<16xi32>)  : i32 {
      %mul3A_489 = arith.constant 16 : i32
      %mul3A_490 = arith.muli %while3A_486, %mul3A_489 : i32
      %get3A = arith.index_cast %mul3A_490 : i32 to index
      %get3A_491 = tpu.vector_load %arg10[%get3A] {strides = array<i32>} : memref<16400xi32, #tpu.memory_space<vmem>>, vector<16xi32>,
      %shift_right_arithmetic3A = arith.constant 11 : i32
      %shift_right_arithmetic3A_492 = vector.broadcast %shift_right_arithmetic3A : i32 to vector<16xi32>
      %shift_right_arithmetic3A_493 = arith.shrsi %get3A_491, %shift_right_arithmetic3A_492 : vector<16xi32>
      %and3A_494 = arith.constant 2047 : i32
      %and3A_495 = vector.broadcast %and3A_494 : i32 to vector<16xi32>
      %and3A_496 = arith.andi %get3A_491, %and3A_495 : vector<16xi32>
      %gather3A = tpu.vector_load_idx %arg7[%and3A_496] : memref<2048xi32, #tpu.memory_space<vmem>>[vector<16xi32>], vector<16xi32>,
      %ge3A = arith.constant 0 : i32
      %ge3A_497 = vector.broadcast %ge3A : i32 to vector<16xi32>
      %ge3A_498 = arith.cmpi sge, %gather3A, %ge3A_497 : vector<16xi32>
      %not3A = arith.constant dense<true> : vector<16xi1>
      %not3A_499 = arith.xori %ge3A_498, %not3A : vector<16xi1>
      %convert_element_type3A_500 = arith.extui %ge3A_498 : vector<16xi1> to vector<16xi32>
      %convert_element_type3A_501 = arith.extui %not3A_499 : vector<16xi1> to vector<16xi32>
      %cumsum3A = arith.constant true
      %cumsum3A_502 = vector.broadcast %cumsum3A : i1 to vector<16xi1>
      %cumsum3A_503 = tpu.scan <sum>, %convert_element_type3A_500 masked %cumsum3A_502 : vector<16xi32>, vector<16xi1> -> vector<16xi32>
      %add3A_504 = arith.addi %while3A_487, %cumsum3A_503 : vector<16xi32>
      %sub3A_505 = arith.subi %add3A_504, %convert_element_type3A_500 : vector<16xi32>
      %cumsum3A_506 = arith.constant true
      %cumsum3A_507 = vector.broadcast %cumsum3A_506 : i1 to vector<16xi1>
      %cumsum3A_508 = tpu.scan <sum>, %convert_element_type3A_501 masked %cumsum3A_507 : vector<16xi32>, vector<16xi1> -> vector<16xi32>
      %add3A_509 = arith.addi %while3A_488, %cumsum3A_508 : vector<16xi32>
      %sub3A_510 = arith.subi %add3A_509, %convert_element_type3A_501 : vector<16xi32>
      %sub3A_511 = arith.constant 16415 : i32
      %sub3A_512 = vector.broadcast %sub3A_511 : i32 to vector<16xi32>
      %sub3A_513 = arith.subi %sub3A_512, %sub3A_510 : vector<16xi32>
      tpu.vector_store_idx %arg11[%sub3A_505], %shift_right_arithmetic3A_493 masked %ge3A_498 : memref<16416xi32, #tpu.memory_space<vmem>>[vector<16xi32>], vector<16xi32>, vector<16xi1>
      tpu.vector_store_idx %arg12[%sub3A_505], %gather3A masked %ge3A_498 : memref<16416xi32, #tpu.memory_space<vmem>>[vector<16xi32>], vector<16xi32>, vector<16xi1>
      tpu.vector_store_idx %arg11[%sub3A_513], %shift_right_arithmetic3A_493 masked %not3A_499 : memref<16416xi32, #tpu.memory_space<vmem>>[vector<16xi32>], vector<16xi32>, vector<16xi1>
      %add3A_514 = vector.broadcast %mul3A_2 : i32 to vector<16xi32>
      %add3A_515 = arith.addi %and3A_496, %add3A_514 : vector<16xi32>
      tpu.vector_store_idx %arg12[%sub3A_513], %add3A_515 masked %not3A_499 : memref<16416xi32, #tpu.memory_space<vmem>>[vector<16xi32>], vector<16xi32>, vector<16xi1>
      %all_reduce_population_count3A = tpu.all_reduce %ge3A_498 {dim = 0 : i64, kind = #tpu.reduction_kind<sum>} : vector<16xi1> -> vector<16xi32>
      %add3A_516 = arith.addi %while3A_487, %all_reduce_population_count3A : vector<16xi32>
      %all_reduce_population_count3A_517 = tpu.all_reduce %not3A_499 {dim = 0 : i64, kind = #tpu.reduction_kind<sum>} : vector<16xi1> -> vector<16xi32>
      %add3A_518 = arith.addi %while3A_488, %all_reduce_population_count3A_517 : vector<16xi32>
      scf.yield %add3A_516, %add3A_518 : vector<16xi32>, vector<16xi32>
    }
    %reduce_max3A_113 = arith.constant true
    %reduce_max3A_114 = vector.broadcast %reduce_max3A_113 : i1 to vector<16xi1>
    %reduce_max3A_115 = arith.constant -2147483648 : i32
    %reduce_max3A_116 = vector.broadcast %reduce_max3A_115 : i32 to vector<16xi32>
    %reduce_max3A_117 = arith.xori %while3A_112#0, %reduce_max3A_116 : vector<16xi32>
    %reduce_max3A_118 = tpu.scan <max>, %reduce_max3A_117 masked %reduce_max3A_114 : vector<16xi32>, vector<16xi1> -> vector<16xi32>
    %reduce_max3A_119 = arith.xori %reduce_max3A_118, %reduce_max3A_116 : vector<16xi32>
    %reduce_max3A_120 = vector.extract %reduce_max3A_119[15] : i32 from vector<16xi32>
    %reduce_max3A_121 = arith.constant true
    %reduce_max3A_122 = vector.broadcast %reduce_max3A_121 : i1 to vector<16xi1>
    %reduce_max3A_123 = arith.constant -2147483648 : i32
    %reduce_max3A_124 = vector.broadcast %reduce_max3A_123 : i32 to vector<16xi32>
    %reduce_max3A_125 = arith.xori %while3A_112#1, %reduce_max3A_124 : vector<16xi32>
    %reduce_max3A_126 = tpu.scan <max>, %reduce_max3A_125 masked %reduce_max3A_122 : vector<16xi32>, vector<16xi1> -> vector<16xi32>
    %reduce_max3A_127 = arith.xori %reduce_max3A_126, %reduce_max3A_124 : vector<16xi32>
    %reduce_max3A_128 = vector.extract %reduce_max3A_127[15] : i32 from vector<16xi32>
    %jit3A_129 = arith.constant 16 : i32
    %eq3A_130 = arith.constant 0 : i32
    %eq3A_131 = arith.cmpi eq, %jit3A_129, %eq3A_130 : i32
    %jit3A_132 = arith.constant 1 : i32
    %select_n3A_133 = arith.select %eq3A_131, %jit3A_132, %jit3A_129 : i32
    %rem3A_134 = arith.remsi %reduce_max3A_120, %select_n3A_133 : i32
    %ne3A_135 = arith.constant 0 : i32
    %ne3A_136 = arith.cmpi ne, %rem3A_134, %ne3A_135 : i32
    %lt3A_137 = arith.constant 0 : i32
    %lt3A_138 = arith.cmpi slt, %rem3A_134, %lt3A_137 : i32
    %lt3A_139 = arith.constant 0 : i32
    %lt3A_140 = arith.cmpi slt, %select_n3A_133, %lt3A_139 : i32
    %ne3A_141 = arith.xori %lt3A_138, %lt3A_140 : i1
    %and3A_142 = arith.andi %ne3A_141, %ne3A_136 : i1
    %add3A_143 = arith.addi %rem3A_134, %select_n3A_133 : i32
    %select_n3A_144 = arith.select %and3A_142, %add3A_143, %rem3A_134 : i32
    %ne3A_145 = arith.constant 0 : i32
    %ne3A_146 = arith.cmpi ne, %select_n3A_144, %ne3A_145 : i32
    %convert_element_type3A_147 = arith.extui %ne3A_146 : i1 to i32
    %cond3A_148 = arith.constant 0 : i32
    %cond3A_149 = arith.cmpi ne, %convert_element_type3A_147, %cond3A_148 : i32
    scf.if %cond3A_149 {
      %sub3A_486 = arith.constant 1 : i32
      %sub3A_487 = arith.subi %reduce_max3A_120, %sub3A_486 : i32
      %broadcast_in_dim3A_488 = vector.broadcast %sub3A_487 : i32 to vector<16xi32>
      %gather3A = tpu.vector_load_idx %arg11[%broadcast_in_dim3A_488] : memref<16416xi32, #tpu.memory_space<vmem>>[vector<16xi32>], vector<16xi32>,
      %gather3A_489 = tpu.vector_load_idx %arg12[%broadcast_in_dim3A_488] : memref<16416xi32, #tpu.memory_space<vmem>>[vector<16xi32>], vector<16xi32>,
      %add3A_490 = arith.constant 0 : i32
      %add3A_491 = arith.addi %reduce_max3A_120, %add3A_490 : i32
      %add3A_492 = vector.broadcast %add3A_491 : i32 to vector<16xi32>
      %add3A_493 = arith.addi %add3A_492, %iota3A : vector<16xi32>
      tpu.vector_store_idx %arg11[%add3A_493], %gather3A : memref<16416xi32, #tpu.memory_space<vmem>>[vector<16xi32>], vector<16xi32>,
      tpu.vector_store_idx %arg12[%add3A_493], %gather3A_489 : memref<16416xi32, #tpu.memory_space<vmem>>[vector<16xi32>], vector<16xi32>,
    } else {
    }
    %jit3A_150 = arith.constant 16 : i32
    %eq3A_151 = arith.constant 0 : i32
    %eq3A_152 = arith.cmpi eq, %jit3A_150, %eq3A_151 : i32
    %jit3A_153 = arith.constant 1 : i32
    %select_n3A_154 = arith.select %eq3A_152, %jit3A_153, %jit3A_150 : i32
    %rem3A_155 = arith.remsi %reduce_max3A_128, %select_n3A_154 : i32
    %ne3A_156 = arith.constant 0 : i32
    %ne3A_157 = arith.cmpi ne, %rem3A_155, %ne3A_156 : i32
    %lt3A_158 = arith.constant 0 : i32
    %lt3A_159 = arith.cmpi slt, %rem3A_155, %lt3A_158 : i32
    %lt3A_160 = arith.constant 0 : i32
    %lt3A_161 = arith.cmpi slt, %select_n3A_154, %lt3A_160 : i32
    %ne3A_162 = arith.xori %lt3A_159, %lt3A_161 : i1
    %and3A_163 = arith.andi %ne3A_162, %ne3A_157 : i1
    %add3A_164 = arith.addi %rem3A_155, %select_n3A_154 : i32
    %select_n3A_165 = arith.select %and3A_163, %add3A_164, %rem3A_155 : i32
    %ne3A_166 = arith.constant 0 : i32
    %ne3A_167 = arith.cmpi ne, %select_n3A_165, %ne3A_166 : i32
    %convert_element_type3A_168 = arith.extui %ne3A_167 : i1 to i32
    %cond3A_169 = arith.constant 0 : i32
    %cond3A_170 = arith.cmpi ne, %convert_element_type3A_168, %cond3A_169 : i32
    scf.if %cond3A_170 {
      %sub3A_486 = arith.constant 1 : i32
      %sub3A_487 = arith.subi %reduce_max3A_128, %sub3A_486 : i32
      %broadcast_in_dim3A_488 = vector.broadcast %sub3A_487 : i32 to vector<16xi32>
      %sub3A_489 = arith.constant 16415 : i32
      %sub3A_490 = vector.broadcast %sub3A_489 : i32 to vector<16xi32>
      %sub3A_491 = arith.subi %sub3A_490, %broadcast_in_dim3A_488 : vector<16xi32>
      %gather3A = tpu.vector_load_idx %arg11[%sub3A_491] : memref<16416xi32, #tpu.memory_space<vmem>>[vector<16xi32>], vector<16xi32>,
      %gather3A_492 = tpu.vector_load_idx %arg12[%sub3A_491] : memref<16416xi32, #tpu.memory_space<vmem>>[vector<16xi32>], vector<16xi32>,
      %add3A_493 = arith.constant 0 : i32
      %add3A_494 = arith.addi %reduce_max3A_128, %add3A_493 : i32
      %add3A_495 = vector.broadcast %add3A_494 : i32 to vector<16xi32>
      %add3A_496 = arith.addi %add3A_495, %iota3A : vector<16xi32>
      %sub3A_497 = arith.constant 16415 : i32
      %sub3A_498 = vector.broadcast %sub3A_497 : i32 to vector<16xi32>
      %sub3A_499 = arith.subi %sub3A_498, %add3A_496 : vector<16xi32>
      tpu.vector_store_idx %arg11[%sub3A_499], %gather3A : memref<16416xi32, #tpu.memory_space<vmem>>[vector<16xi32>], vector<16xi32>,
      tpu.vector_store_idx %arg12[%sub3A_499], %gather3A_492 : memref<16416xi32, #tpu.memory_space<vmem>>[vector<16xi32>], vector<16xi32>,
    } else {
    }
    %add3A_171 = arith.constant 16 : i32
    %add3A_172 = arith.addi %reduce_max3A_120, %add3A_171 : i32
    %sub3A_173 = arith.constant 1 : i32
    %sub3A_174 = arith.subi %add3A_172, %sub3A_173 : i32
    %jit3A_175 = arith.constant 16 : i32
    %div3A_176 = arith.divsi %sub3A_174, %jit3A_175 : i32
    %sign3A_177 = arith.constant 0 : i32
    %sign3A_178 = arith.cmpi sgt, %sub3A_174, %sign3A_177 : i32
    %sign3A_179 = arith.extui %sign3A_178 : i1 to i32
    %sign3A_180 = arith.constant 0 : i32
    %sign3A_181 = arith.cmpi slt, %sub3A_174, %sign3A_180 : i32
    %sign3A_182 = arith.extui %sign3A_181 : i1 to i32
    %sign3A_183 = arith.subi %sign3A_179, %sign3A_182 : i32
    %sign3A_184 = arith.constant 0 : i32
    %sign3A_185 = arith.cmpi sgt, %jit3A_175, %sign3A_184 : i32
    %sign3A_186 = arith.extui %sign3A_185 : i1 to i32
    %sign3A_187 = arith.constant 0 : i32
    %sign3A_188 = arith.cmpi slt, %jit3A_175, %sign3A_187 : i32
    %sign3A_189 = arith.extui %sign3A_188 : i1 to i32
    %sign3A_190 = arith.subi %sign3A_186, %sign3A_189 : i32
    %ne3A_191 = arith.cmpi ne, %sign3A_183, %sign3A_190 : i32
    %rem3A_192 = arith.remsi %sub3A_174, %jit3A_175 : i32
    %ne3A_193 = arith.constant 0 : i32
    %ne3A_194 = arith.cmpi ne, %rem3A_192, %ne3A_193 : i32
    %and3A_195 = arith.andi %ne3A_191, %ne3A_194 : i1
    %sub3A_196 = arith.constant 1 : i32
    %sub3A_197 = arith.subi %div3A_176, %sub3A_196 : i32
    %select_n3A_198 = arith.select %and3A_195, %sub3A_197, %div3A_176 : i32
    %gt3A = arith.constant 0 : i32
    %gt3A_199 = arith.cmpi sgt, %select_n3A_198, %gt3A : i32
    %convert_element_type3A_200 = arith.extui %gt3A_199 : i1 to i32
    %cond3A_201 = arith.constant 0 : i32
    %cond3A_202 = arith.cmpi ne, %convert_element_type3A_200, %cond3A_201 : i32
    scf.if %cond3A_202 {
      %dma_start3A = arith.constant 0 : i32
      %dma_start3A_486 = tpu.memref_slice %arg12[%dma_start3A] : memref<16416xi32, #tpu.memory_space<vmem>> -> memref<16xi32, #tpu.memory_space<vmem>>
      %dma_start3A_487 = arith.constant 0 : i32
      %dma_start3A_488 = arith.constant 0 : i32
      %dma_start3A_489 = tpu.memref_slice %arg4[%dma_start3A_487, %dma_start3A_488] : memref<16384x256xf32, #tpu.memory_space<hbm>> -> memref<16384x256xf32, #tpu.memory_space<hbm>>
      tpu.enqueue_indirect_dma source(%dma_start3A_489 : memref<16384x256xf32, #tpu.memory_space<hbm>>) target(%arg13 : memref<16x256xf32, #tpu.memory_space<vmem>>) offsets(%dma_start3A_486 : memref<16xi32, #tpu.memory_space<vmem>>) semaphore(%arg23 : memref<!tpu.dma_semaphore, #tpu.memory_space<semaphore_mem>>)
    } else {
    }
    %gt3A_203 = arith.constant 1 : i32
    %gt3A_204 = arith.cmpi sgt, %select_n3A_198, %gt3A_203 : i32
    %convert_element_type3A_205 = arith.extui %gt3A_204 : i1 to i32
    %cond3A_206 = arith.constant 0 : i32
    %cond3A_207 = arith.cmpi ne, %convert_element_type3A_205, %cond3A_206 : i32
    scf.if %cond3A_207 {
      %dma_start3A = arith.constant 16 : i32
      %dma_start3A_486 = tpu.memref_slice %arg12[%dma_start3A] : memref<16416xi32, #tpu.memory_space<vmem>> -> memref<16xi32, #tpu.memory_space<vmem>>
      %dma_start3A_487 = arith.constant 0 : i32
      %dma_start3A_488 = arith.constant 0 : i32
      %dma_start3A_489 = tpu.memref_slice %arg4[%dma_start3A_487, %dma_start3A_488] : memref<16384x256xf32, #tpu.memory_space<hbm>> -> memref<16384x256xf32, #tpu.memory_space<hbm>>
      tpu.enqueue_indirect_dma source(%dma_start3A_489 : memref<16384x256xf32, #tpu.memory_space<hbm>>) target(%arg14 : memref<16x256xf32, #tpu.memory_space<vmem>>) offsets(%dma_start3A_486 : memref<16xi32, #tpu.memory_space<vmem>>) semaphore(%arg24 : memref<!tpu.dma_semaphore, #tpu.memory_space<semaphore_mem>>)
    } else {
    }
    %gt3A_208 = arith.constant 2 : i32
    %gt3A_209 = arith.cmpi sgt, %select_n3A_198, %gt3A_208 : i32
    %convert_element_type3A_210 = arith.extui %gt3A_209 : i1 to i32
    %cond3A_211 = arith.constant 0 : i32
    %cond3A_212 = arith.cmpi ne, %convert_element_type3A_210, %cond3A_211 : i32
    scf.if %cond3A_212 {
      %dma_start3A = arith.constant 32 : i32
      %dma_start3A_486 = tpu.memref_slice %arg12[%dma_start3A] : memref<16416xi32, #tpu.memory_space<vmem>> -> memref<16xi32, #tpu.memory_space<vmem>>
      %dma_start3A_487 = arith.constant 0 : i32
      %dma_start3A_488 = arith.constant 0 : i32
      %dma_start3A_489 = tpu.memref_slice %arg4[%dma_start3A_487, %dma_start3A_488] : memref<16384x256xf32, #tpu.memory_space<hbm>> -> memref<16384x256xf32, #tpu.memory_space<hbm>>
      tpu.enqueue_indirect_dma source(%dma_start3A_489 : memref<16384x256xf32, #tpu.memory_space<hbm>>) target(%arg15 : memref<16x256xf32, #tpu.memory_space<vmem>>) offsets(%dma_start3A_486 : memref<16xi32, #tpu.memory_space<vmem>>) semaphore(%arg25 : memref<!tpu.dma_semaphore, #tpu.memory_space<semaphore_mem>>)
    } else {
    }
    %gt3A_213 = arith.constant 3 : i32
    %gt3A_214 = arith.cmpi sgt, %select_n3A_198, %gt3A_213 : i32
    %convert_element_type3A_215 = arith.extui %gt3A_214 : i1 to i32
    %cond3A_216 = arith.constant 0 : i32
    %cond3A_217 = arith.cmpi ne, %convert_element_type3A_215, %cond3A_216 : i32
    scf.if %cond3A_217 {
      %dma_start3A = arith.constant 48 : i32
      %dma_start3A_486 = tpu.memref_slice %arg12[%dma_start3A] : memref<16416xi32, #tpu.memory_space<vmem>> -> memref<16xi32, #tpu.memory_space<vmem>>
      %dma_start3A_487 = arith.constant 0 : i32
      %dma_start3A_488 = arith.constant 0 : i32
      %dma_start3A_489 = tpu.memref_slice %arg4[%dma_start3A_487, %dma_start3A_488] : memref<16384x256xf32, #tpu.memory_space<hbm>> -> memref<16384x256xf32, #tpu.memory_space<hbm>>
      tpu.enqueue_indirect_dma source(%dma_start3A_489 : memref<16384x256xf32, #tpu.memory_space<hbm>>) target(%arg16 : memref<16x256xf32, #tpu.memory_space<vmem>>) offsets(%dma_start3A_486 : memref<16xi32, #tpu.memory_space<vmem>>) semaphore(%arg26 : memref<!tpu.dma_semaphore, #tpu.memory_space<semaphore_mem>>)
    } else {
    }
    %gt3A_218 = arith.constant 4 : i32
    %gt3A_219 = arith.cmpi sgt, %select_n3A_198, %gt3A_218 : i32
    %convert_element_type3A_220 = arith.extui %gt3A_219 : i1 to i32
    %cond3A_221 = arith.constant 0 : i32
    %cond3A_222 = arith.cmpi ne, %convert_element_type3A_220, %cond3A_221 : i32
    scf.if %cond3A_222 {
      %dma_start3A = arith.constant 64 : i32
      %dma_start3A_486 = tpu.memref_slice %arg12[%dma_start3A] : memref<16416xi32, #tpu.memory_space<vmem>> -> memref<16xi32, #tpu.memory_space<vmem>>
      %dma_start3A_487 = arith.constant 0 : i32
      %dma_start3A_488 = arith.constant 0 : i32
      %dma_start3A_489 = tpu.memref_slice %arg4[%dma_start3A_487, %dma_start3A_488] : memref<16384x256xf32, #tpu.memory_space<hbm>> -> memref<16384x256xf32, #tpu.memory_space<hbm>>
      tpu.enqueue_indirect_dma source(%dma_start3A_489 : memref<16384x256xf32, #tpu.memory_space<hbm>>) target(%arg17 : memref<16x256xf32, #tpu.memory_space<vmem>>) offsets(%dma_start3A_486 : memref<16xi32, #tpu.memory_space<vmem>>) semaphore(%arg27 : memref<!tpu.dma_semaphore, #tpu.memory_space<semaphore_mem>>)
    } else {
    }
    %gt3A_223 = arith.constant 5 : i32
    %gt3A_224 = arith.cmpi sgt, %select_n3A_198, %gt3A_223 : i32
    %convert_element_type3A_225 = arith.extui %gt3A_224 : i1 to i32
    %cond3A_226 = arith.constant 0 : i32
    %cond3A_227 = arith.cmpi ne, %convert_element_type3A_225, %cond3A_226 : i32
    scf.if %cond3A_227 {
      %dma_start3A = arith.constant 80 : i32
      %dma_start3A_486 = tpu.memref_slice %arg12[%dma_start3A] : memref<16416xi32, #tpu.memory_space<vmem>> -> memref<16xi32, #tpu.memory_space<vmem>>
      %dma_start3A_487 = arith.constant 0 : i32
      %dma_start3A_488 = arith.constant 0 : i32
      %dma_start3A_489 = tpu.memref_slice %arg4[%dma_start3A_487, %dma_start3A_488] : memref<16384x256xf32, #tpu.memory_space<hbm>> -> memref<16384x256xf32, #tpu.memory_space<hbm>>
      tpu.enqueue_indirect_dma source(%dma_start3A_489 : memref<16384x256xf32, #tpu.memory_space<hbm>>) target(%arg18 : memref<16x256xf32, #tpu.memory_space<vmem>>) offsets(%dma_start3A_486 : memref<16xi32, #tpu.memory_space<vmem>>) semaphore(%arg28 : memref<!tpu.dma_semaphore, #tpu.memory_space<semaphore_mem>>)
    } else {
    }
    %gt3A_228 = arith.constant 6 : i32
    %gt3A_229 = arith.cmpi sgt, %select_n3A_198, %gt3A_228 : i32
    %convert_element_type3A_230 = arith.extui %gt3A_229 : i1 to i32
    %cond3A_231 = arith.constant 0 : i32
    %cond3A_232 = arith.cmpi ne, %convert_element_type3A_230, %cond3A_231 : i32
    scf.if %cond3A_232 {
      %dma_start3A = arith.constant 96 : i32
      %dma_start3A_486 = tpu.memref_slice %arg12[%dma_start3A] : memref<16416xi32, #tpu.memory_space<vmem>> -> memref<16xi32, #tpu.memory_space<vmem>>
      %dma_start3A_487 = arith.constant 0 : i32
      %dma_start3A_488 = arith.constant 0 : i32
      %dma_start3A_489 = tpu.memref_slice %arg4[%dma_start3A_487, %dma_start3A_488] : memref<16384x256xf32, #tpu.memory_space<hbm>> -> memref<16384x256xf32, #tpu.memory_space<hbm>>
      tpu.enqueue_indirect_dma source(%dma_start3A_489 : memref<16384x256xf32, #tpu.memory_space<hbm>>) target(%arg19 : memref<16x256xf32, #tpu.memory_space<vmem>>) offsets(%dma_start3A_486 : memref<16xi32, #tpu.memory_space<vmem>>) semaphore(%arg29 : memref<!tpu.dma_semaphore, #tpu.memory_space<semaphore_mem>>)
    } else {
    }
    %gt3A_233 = arith.constant 7 : i32
    %gt3A_234 = arith.cmpi sgt, %select_n3A_198, %gt3A_233 : i32
    %convert_element_type3A_235 = arith.extui %gt3A_234 : i1 to i32
    %cond3A_236 = arith.constant 0 : i32
    %cond3A_237 = arith.cmpi ne, %convert_element_type3A_235, %cond3A_236 : i32
    scf.if %cond3A_237 {
      %dma_start3A = arith.constant 112 : i32
      %dma_start3A_486 = tpu.memref_slice %arg12[%dma_start3A] : memref<16416xi32, #tpu.memory_space<vmem>> -> memref<16xi32, #tpu.memory_space<vmem>>
      %dma_start3A_487 = arith.constant 0 : i32
      %dma_start3A_488 = arith.constant 0 : i32
      %dma_start3A_489 = tpu.memref_slice %arg4[%dma_start3A_487, %dma_start3A_488] : memref<16384x256xf32, #tpu.memory_space<hbm>> -> memref<16384x256xf32, #tpu.memory_space<hbm>>
      tpu.enqueue_indirect_dma source(%dma_start3A_489 : memref<16384x256xf32, #tpu.memory_space<hbm>>) target(%arg20 : memref<16x256xf32, #tpu.memory_space<vmem>>) offsets(%dma_start3A_486 : memref<16xi32, #tpu.memory_space<vmem>>) semaphore(%arg30 : memref<!tpu.dma_semaphore, #tpu.memory_space<semaphore_mem>>)
    } else {
    }
    %add3A_238 = arith.constant 10 : i32
    %add3A_239 = arith.addi %select_n3A_198, %add3A_238 : i32
    %sub3A_240 = arith.constant 1 : i32
    %sub3A_241 = arith.subi %add3A_239, %sub3A_240 : i32
    %jit3A_242 = arith.constant 10 : i32
    %div3A_243 = arith.divsi %sub3A_241, %jit3A_242 : i32
    %sign3A_244 = arith.constant 0 : i32
    %sign3A_245 = arith.cmpi sgt, %sub3A_241, %sign3A_244 : i32
    %sign3A_246 = arith.extui %sign3A_245 : i1 to i32
    %sign3A_247 = arith.constant 0 : i32
    %sign3A_248 = arith.cmpi slt, %sub3A_241, %sign3A_247 : i32
    %sign3A_249 = arith.extui %sign3A_248 : i1 to i32
    %sign3A_250 = arith.subi %sign3A_246, %sign3A_249 : i32
    %sign3A_251 = arith.constant 0 : i32
    %sign3A_252 = arith.cmpi sgt, %jit3A_242, %sign3A_251 : i32
    %sign3A_253 = arith.extui %sign3A_252 : i1 to i32
    %sign3A_254 = arith.constant 0 : i32
    %sign3A_255 = arith.cmpi slt, %jit3A_242, %sign3A_254 : i32
    %sign3A_256 = arith.extui %sign3A_255 : i1 to i32
    %sign3A_257 = arith.subi %sign3A_253, %sign3A_256 : i32
    %ne3A_258 = arith.cmpi ne, %sign3A_250, %sign3A_257 : i32
    %rem3A_259 = arith.remsi %sub3A_241, %jit3A_242 : i32
    %ne3A_260 = arith.constant 0 : i32
    %ne3A_261 = arith.cmpi ne, %rem3A_259, %ne3A_260 : i32
    %and3A_262 = arith.andi %ne3A_258, %ne3A_261 : i1
    %sub3A_263 = arith.constant 1 : i32
    %sub3A_264 = arith.subi %div3A_243, %sub3A_263 : i32
    %select_n3A_265 = arith.select %and3A_262, %sub3A_264, %div3A_243 : i32
    %while3A_266 = arith.constant 0 : i32
    %while3A_267 = arith.constant 0 : i32
    %while3A_268 = arith.subi %select_n3A_265, %while3A_266 : i32
    %while3A_269 = arith.addi %while3A_266, %while3A_268 : i32
    %while3A_270 = arith.constant 1 : i32
    %while3A_271 = arith.divsi %while3A_268, %while3A_270 : i32
    %while3A_272 = arith.muli %while3A_271, %while3A_270 : i32
    %while3A_273 = arith.addi %while3A_266, %while3A_272 : i32
    %while3A_274 = arith.constant 1 : i32
    %while3A_275 = scf.for %while3A_486 = %while3A_266 to %while3A_273 step %while3A_274 iter_args(%while3A_487 = %while3A_267) -> (i32)  : i32 {
      %mul3A_488 = arith.constant 10 : i32
      %mul3A_489 = arith.muli %while3A_486, %mul3A_488 : i32
      %add3A_490 = arith.constant 0 : i32
      %add3A_491 = arith.addi %mul3A_489, %add3A_490 : i32
      %lt3A_492 = arith.cmpi slt, %add3A_491, %select_n3A_198 : i32
      %convert_element_type3A_493 = arith.extui %lt3A_492 : i1 to i32
      %cond3A_494 = arith.constant 0 : i32
      %cond3A_495 = arith.cmpi ne, %convert_element_type3A_493, %cond3A_494 : i32
      scf.if %cond3A_495 {
        %mul3A_551 = arith.constant 16 : i32
        %mul3A_552 = arith.muli %add3A_491, %mul3A_551 : i32
        %dma_wait3A = tpu.memref_slice %arg12[%mul3A_552] : memref<16416xi32, #tpu.memory_space<vmem>> -> memref<16xi32, #tpu.memory_space<vmem>>
        %dma_wait3A_553 = arith.constant 0 : i32
        %dma_wait3A_554 = arith.constant 0 : i32
        %dma_wait3A_555 = tpu.memref_slice %arg4[%dma_wait3A_553, %dma_wait3A_554] : memref<16384x256xf32, #tpu.memory_space<hbm>> -> memref<16384x256xf32, #tpu.memory_space<hbm>>
        tpu.wait_indirect_dma semaphore(%arg23 : memref<!tpu.dma_semaphore, #tpu.memory_space<semaphore_mem>>) src(%dma_wait3A_555 : memref<16384x256xf32, #tpu.memory_space<hbm>>) dst(%arg13 : memref<16x256xf32, #tpu.memory_space<vmem>>)
        %mul3A_556 = arith.constant 16 : i32
        %mul3A_557 = arith.muli %add3A_491, %mul3A_556 : i32
        %dma_start3A = tpu.memref_slice %arg11[%mul3A_557] : memref<16416xi32, #tpu.memory_space<vmem>> -> memref<16xi32, #tpu.memory_space<vmem>>
        %dma_start3A_558 = arith.constant 0 : i32
        %dma_start3A_559 = arith.constant 0 : i32
        %dma_start3A_560 = tpu.memref_slice %arg6[%dma_start3A_558, %dma_start3A_559] : memref<16384x256xf32, #tpu.memory_space<hbm>> -> memref<16384x256xf32, #tpu.memory_space<hbm>>
        tpu.enqueue_indirect_dma source(%arg13 : memref<16x256xf32, #tpu.memory_space<vmem>>) target(%dma_start3A_560 : memref<16384x256xf32, #tpu.memory_space<hbm>>) offsets(%dma_start3A : memref<16xi32, #tpu.memory_space<vmem>>) semaphore(%arg33 : memref<!tpu.dma_semaphore, #tpu.memory_space<semaphore_mem>>)
        %add3A_561 = arith.constant 8 : i32
        %add3A_562 = arith.addi %add3A_491, %add3A_561 : i32
        %lt3A_563 = arith.cmpi slt, %add3A_562, %select_n3A_198 : i32
        %convert_element_type3A_564 = arith.extui %lt3A_563 : i1 to i32
        %cond3A_565 = arith.constant 0 : i32
        %cond3A_566 = arith.cmpi ne, %convert_element_type3A_564, %cond3A_565 : i32
        scf.if %cond3A_566 {
          %ge3A = arith.constant 2 : i32
          %ge3A_567 = arith.cmpi sge, %add3A_491, %ge3A : i32
          %convert_element_type3A_568 = arith.extui %ge3A_567 : i1 to i32
          %cond3A_569 = arith.constant 0 : i32
          %cond3A_570 = arith.cmpi ne, %convert_element_type3A_568, %cond3A_569 : i32
          scf.if %cond3A_570 {
            %dma_wait3A_579 = arith.constant 0 : i32
            %dma_wait3A_580 = tpu.memref_slice %arg11[%dma_wait3A_579] : memref<16416xi32, #tpu.memory_space<vmem>> -> memref<16xi32, #tpu.memory_space<vmem>>
            %dma_wait3A_581 = arith.constant 0 : i32
            %dma_wait3A_582 = arith.constant 0 : i32
            %dma_wait3A_583 = tpu.memref_slice %arg6[%dma_wait3A_581, %dma_wait3A_582] : memref<16384x256xf32, #tpu.memory_space<hbm>> -> memref<16384x256xf32, #tpu.memory_space<hbm>>
            tpu.wait_indirect_dma semaphore(%arg41 : memref<!tpu.dma_semaphore, #tpu.memory_space<semaphore_mem>>) src(%arg21 : memref<16x256xf32, #tpu.memory_space<vmem>>) dst(%dma_wait3A_583 : memref<16384x256xf32, #tpu.memory_space<hbm>>)
          } else {
          }
          %add3A_571 = arith.constant 8 : i32
          %add3A_572 = arith.addi %add3A_491, %add3A_571 : i32
          %mul3A_573 = arith.constant 16 : i32
          %mul3A_574 = arith.muli %add3A_572, %mul3A_573 : i32
          %dma_start3A_575 = tpu.memref_slice %arg12[%mul3A_574] : memref<16416xi32, #tpu.memory_space<vmem>> -> memref<16xi32, #tpu.memory_space<vmem>>
          %dma_start3A_576 = arith.constant 0 : i32
          %dma_start3A_577 = arith.constant 0 : i32
          %dma_start3A_578 = tpu.memref_slice %arg4[%dma_start3A_576, %dma_start3A_577] : memref<16384x256xf32, #tpu.memory_space<hbm>> -> memref<16384x256xf32, #tpu.memory_space<hbm>>
          tpu.enqueue_indirect_dma source(%dma_start3A_578 : memref<16384x256xf32, #tpu.memory_space<hbm>>) target(%arg21 : memref<16x256xf32, #tpu.memory_space<vmem>>) offsets(%dma_start3A_575 : memref<16xi32, #tpu.memory_space<vmem>>) semaphore(%arg31 : memref<!tpu.dma_semaphore, #tpu.memory_space<semaphore_mem>>)
        } else {
        }
      } else {
      }
      %add3A_496 = arith.constant 1 : i32
      %add3A_497 = arith.addi %mul3A_489, %add3A_496 : i32
      %lt3A_498 = arith.cmpi slt, %add3A_497, %select_n3A_198 : i32
      %convert_element_type3A_499 = arith.extui %lt3A_498 : i1 to i32
      %cond3A_500 = arith.constant 0 : i32
      %cond3A_501 = arith.cmpi ne, %convert_element_type3A_499, %cond3A_500 : i32
      scf.if %cond3A_501 {
        %mul3A_551 = arith.constant 16 : i32
        %mul3A_552 = arith.muli %add3A_497, %mul3A_551 : i32
        %dma_wait3A = tpu.memref_slice %arg12[%mul3A_552] : memref<16416xi32, #tpu.memory_space<vmem>> -> memref<16xi32, #tpu.memory_space<vmem>>
        %dma_wait3A_553 = arith.constant 0 : i32
        %dma_wait3A_554 = arith.constant 0 : i32
        %dma_wait3A_555 = tpu.memref_slice %arg4[%dma_wait3A_553, %dma_wait3A_554] : memref<16384x256xf32, #tpu.memory_space<hbm>> -> memref<16384x256xf32, #tpu.memory_space<hbm>>
        tpu.wait_indirect_dma semaphore(%arg24 : memref<!tpu.dma_semaphore, #tpu.memory_space<semaphore_mem>>) src(%dma_wait3A_555 : memref<16384x256xf32, #tpu.memory_space<hbm>>) dst(%arg14 : memref<16x256xf32, #tpu.memory_space<vmem>>)
        %mul3A_556 = arith.constant 16 : i32
        %mul3A_557 = arith.muli %add3A_497, %mul3A_556 : i32
        %dma_start3A = tpu.memref_slice %arg11[%mul3A_557] : memref<16416xi32, #tpu.memory_space<vmem>> -> memref<16xi32, #tpu.memory_space<vmem>>
        %dma_start3A_558 = arith.constant 0 : i32
        %dma_start3A_559 = arith.constant 0 : i32
        %dma_start3A_560 = tpu.memref_slice %arg6[%dma_start3A_558, %dma_start3A_559] : memref<16384x256xf32, #tpu.memory_space<hbm>> -> memref<16384x256xf32, #tpu.memory_space<hbm>>
        tpu.enqueue_indirect_dma source(%arg14 : memref<16x256xf32, #tpu.memory_space<vmem>>) target(%dma_start3A_560 : memref<16384x256xf32, #tpu.memory_space<hbm>>) offsets(%dma_start3A : memref<16xi32, #tpu.memory_space<vmem>>) semaphore(%arg34 : memref<!tpu.dma_semaphore, #tpu.memory_space<semaphore_mem>>)
        %add3A_561 = arith.constant 8 : i32
        %add3A_562 = arith.addi %add3A_497, %add3A_561 : i32
        %lt3A_563 = arith.cmpi slt, %add3A_562, %select_n3A_198 : i32
        %convert_element_type3A_564 = arith.extui %lt3A_563 : i1 to i32
        %cond3A_565 = arith.constant 0 : i32
        %cond3A_566 = arith.cmpi ne, %convert_element_type3A_564, %cond3A_565 : i32
        scf.if %cond3A_566 {
          %ge3A = arith.constant 2 : i32
          %ge3A_567 = arith.cmpi sge, %add3A_497, %ge3A : i32
          %convert_element_type3A_568 = arith.extui %ge3A_567 : i1 to i32
          %cond3A_569 = arith.constant 0 : i32
          %cond3A_570 = arith.cmpi ne, %convert_element_type3A_568, %cond3A_569 : i32
          scf.if %cond3A_570 {
            %dma_wait3A_579 = arith.constant 0 : i32
            %dma_wait3A_580 = tpu.memref_slice %arg11[%dma_wait3A_579] : memref<16416xi32, #tpu.memory_space<vmem>> -> memref<16xi32, #tpu.memory_space<vmem>>
            %dma_wait3A_581 = arith.constant 0 : i32
            %dma_wait3A_582 = arith.constant 0 : i32
            %dma_wait3A_583 = tpu.memref_slice %arg6[%dma_wait3A_581, %dma_wait3A_582] : memref<16384x256xf32, #tpu.memory_space<hbm>> -> memref<16384x256xf32, #tpu.memory_space<hbm>>
            tpu.wait_indirect_dma semaphore(%arg42 : memref<!tpu.dma_semaphore, #tpu.memory_space<semaphore_mem>>) src(%arg22 : memref<16x256xf32, #tpu.memory_space<vmem>>) dst(%dma_wait3A_583 : memref<16384x256xf32, #tpu.memory_space<hbm>>)
          } else {
          }
          %add3A_571 = arith.constant 8 : i32
          %add3A_572 = arith.addi %add3A_497, %add3A_571 : i32
          %mul3A_573 = arith.constant 16 : i32
          %mul3A_574 = arith.muli %add3A_572, %mul3A_573 : i32
          %dma_start3A_575 = tpu.memref_slice %arg12[%mul3A_574] : memref<16416xi32, #tpu.memory_space<vmem>> -> memref<16xi32, #tpu.memory_space<vmem>>
          %dma_start3A_576 = arith.constant 0 : i32
          %dma_start3A_577 = arith.constant 0 : i32
          %dma_start3A_578 = tpu.memref_slice %arg4[%dma_start3A_576, %dma_start3A_577] : memref<16384x256xf32, #tpu.memory_space<hbm>> -> memref<16384x256xf32, #tpu.memory_space<hbm>>
          tpu.enqueue_indirect_dma source(%dma_start3A_578 : memref<16384x256xf32, #tpu.memory_space<hbm>>) target(%arg22 : memref<16x256xf32, #tpu.memory_space<vmem>>) offsets(%dma_start3A_575 : memref<16xi32, #tpu.memory_space<vmem>>) semaphore(%arg32 : memref<!tpu.dma_semaphore, #tpu.memory_space<semaphore_mem>>)
        } else {
        }
      } else {
      }
      %add3A_502 = arith.constant 2 : i32
      %add3A_503 = arith.addi %mul3A_489, %add3A_502 : i32
      %lt3A_504 = arith.cmpi slt, %add3A_503, %select_n3A_198 : i32
      %convert_element_type3A_505 = arith.extui %lt3A_504 : i1 to i32
      %cond3A_506 = arith.constant 0 : i32
      %cond3A_507 = arith.cmpi ne, %convert_element_type3A_505, %cond3A_506 : i32
      scf.if %cond3A_507 {
        %mul3A_551 = arith.constant 16 : i32
        %mul3A_552 = arith.muli %add3A_503, %mul3A_551 : i32
        %dma_wait3A = tpu.memref_slice %arg12[%mul3A_552] : memref<16416xi32, #tpu.memory_space<vmem>> -> memref<16xi32, #tpu.memory_space<vmem>>
        %dma_wait3A_553 = arith.constant 0 : i32
        %dma_wait3A_554 = arith.constant 0 : i32
        %dma_wait3A_555 = tpu.memref_slice %arg4[%dma_wait3A_553, %dma_wait3A_554] : memref<16384x256xf32, #tpu.memory_space<hbm>> -> memref<16384x256xf32, #tpu.memory_space<hbm>>
        tpu.wait_indirect_dma semaphore(%arg25 : memref<!tpu.dma_semaphore, #tpu.memory_space<semaphore_mem>>) src(%dma_wait3A_555 : memref<16384x256xf32, #tpu.memory_space<hbm>>) dst(%arg15 : memref<16x256xf32, #tpu.memory_space<vmem>>)
        %mul3A_556 = arith.constant 16 : i32
        %mul3A_557 = arith.muli %add3A_503, %mul3A_556 : i32
        %dma_start3A = tpu.memref_slice %arg11[%mul3A_557] : memref<16416xi32, #tpu.memory_space<vmem>> -> memref<16xi32, #tpu.memory_space<vmem>>
        %dma_start3A_558 = arith.constant 0 : i32
        %dma_start3A_559 = arith.constant 0 : i32
        %dma_start3A_560 = tpu.memref_slice %arg6[%dma_start3A_558, %dma_start3A_559] : memref<16384x256xf32, #tpu.memory_space<hbm>> -> memref<16384x256xf32, #tpu.memory_space<hbm>>
        tpu.enqueue_indirect_dma source(%arg15 : memref<16x256xf32, #tpu.memory_space<vmem>>) target(%dma_start3A_560 : memref<16384x256xf32, #tpu.memory_space<hbm>>) offsets(%dma_start3A : memref<16xi32, #tpu.memory_space<vmem>>) semaphore(%arg35 : memref<!tpu.dma_semaphore, #tpu.memory_space<semaphore_mem>>)
        %add3A_561 = arith.constant 8 : i32
        %add3A_562 = arith.addi %add3A_503, %add3A_561 : i32
        %lt3A_563 = arith.cmpi slt, %add3A_562, %select_n3A_198 : i32
        %convert_element_type3A_564 = arith.extui %lt3A_563 : i1 to i32
        %cond3A_565 = arith.constant 0 : i32
        %cond3A_566 = arith.cmpi ne, %convert_element_type3A_564, %cond3A_565 : i32
        scf.if %cond3A_566 {
          %ge3A = arith.constant 2 : i32
          %ge3A_567 = arith.cmpi sge, %add3A_503, %ge3A : i32
          %convert_element_type3A_568 = arith.extui %ge3A_567 : i1 to i32
          %cond3A_569 = arith.constant 0 : i32
          %cond3A_570 = arith.cmpi ne, %convert_element_type3A_568, %cond3A_569 : i32
          scf.if %cond3A_570 {
            %dma_wait3A_579 = arith.constant 0 : i32
            %dma_wait3A_580 = tpu.memref_slice %arg11[%dma_wait3A_579] : memref<16416xi32, #tpu.memory_space<vmem>> -> memref<16xi32, #tpu.memory_space<vmem>>
            %dma_wait3A_581 = arith.constant 0 : i32
            %dma_wait3A_582 = arith.constant 0 : i32
            %dma_wait3A_583 = tpu.memref_slice %arg6[%dma_wait3A_581, %dma_wait3A_582] : memref<16384x256xf32, #tpu.memory_space<hbm>> -> memref<16384x256xf32, #tpu.memory_space<hbm>>
            tpu.wait_indirect_dma semaphore(%arg33 : memref<!tpu.dma_semaphore, #tpu.memory_space<semaphore_mem>>) src(%arg13 : memref<16x256xf32, #tpu.memory_space<vmem>>) dst(%dma_wait3A_583 : memref<16384x256xf32, #tpu.memory_space<hbm>>)
          } else {
          }
          %add3A_571 = arith.constant 8 : i32
          %add3A_572 = arith.addi %add3A_503, %add3A_571 : i32
          %mul3A_573 = arith.constant 16 : i32
          %mul3A_574 = arith.muli %add3A_572, %mul3A_573 : i32
          %dma_start3A_575 = tpu.memref_slice %arg12[%mul3A_574] : memref<16416xi32, #tpu.memory_space<vmem>> -> memref<16xi32, #tpu.memory_space<vmem>>
          %dma_start3A_576 = arith.constant 0 : i32
          %dma_start3A_577 = arith.constant 0 : i32
          %dma_start3A_578 = tpu.memref_slice %arg4[%dma_start3A_576, %dma_start3A_577] : memref<16384x256xf32, #tpu.memory_space<hbm>> -> memref<16384x256xf32, #tpu.memory_space<hbm>>
          tpu.enqueue_indirect_dma source(%dma_start3A_578 : memref<16384x256xf32, #tpu.memory_space<hbm>>) target(%arg13 : memref<16x256xf32, #tpu.memory_space<vmem>>) offsets(%dma_start3A_575 : memref<16xi32, #tpu.memory_space<vmem>>) semaphore(%arg23 : memref<!tpu.dma_semaphore, #tpu.memory_space<semaphore_mem>>)
        } else {
        }
      } else {
      }
      %add3A_508 = arith.constant 3 : i32
      %add3A_509 = arith.addi %mul3A_489, %add3A_508 : i32
      %lt3A_510 = arith.cmpi slt, %add3A_509, %select_n3A_198 : i32
      %convert_element_type3A_511 = arith.extui %lt3A_510 : i1 to i32
      %cond3A_512 = arith.constant 0 : i32
      %cond3A_513 = arith.cmpi ne, %convert_element_type3A_511, %cond3A_512 : i32
      scf.if %cond3A_513 {
        %mul3A_551 = arith.constant 16 : i32
        %mul3A_552 = arith.muli %add3A_509, %mul3A_551 : i32
        %dma_wait3A = tpu.memref_slice %arg12[%mul3A_552] : memref<16416xi32, #tpu.memory_space<vmem>> -> memref<16xi32, #tpu.memory_space<vmem>>
        %dma_wait3A_553 = arith.constant 0 : i32
        %dma_wait3A_554 = arith.constant 0 : i32
        %dma_wait3A_555 = tpu.memref_slice %arg4[%dma_wait3A_553, %dma_wait3A_554] : memref<16384x256xf32, #tpu.memory_space<hbm>> -> memref<16384x256xf32, #tpu.memory_space<hbm>>
        tpu.wait_indirect_dma semaphore(%arg26 : memref<!tpu.dma_semaphore, #tpu.memory_space<semaphore_mem>>) src(%dma_wait3A_555 : memref<16384x256xf32, #tpu.memory_space<hbm>>) dst(%arg16 : memref<16x256xf32, #tpu.memory_space<vmem>>)
        %mul3A_556 = arith.constant 16 : i32
        %mul3A_557 = arith.muli %add3A_509, %mul3A_556 : i32
        %dma_start3A = tpu.memref_slice %arg11[%mul3A_557] : memref<16416xi32, #tpu.memory_space<vmem>> -> memref<16xi32, #tpu.memory_space<vmem>>
        %dma_start3A_558 = arith.constant 0 : i32
        %dma_start3A_559 = arith.constant 0 : i32
        %dma_start3A_560 = tpu.memref_slice %arg6[%dma_start3A_558, %dma_start3A_559] : memref<16384x256xf32, #tpu.memory_space<hbm>> -> memref<16384x256xf32, #tpu.memory_space<hbm>>
        tpu.enqueue_indirect_dma source(%arg16 : memref<16x256xf32, #tpu.memory_space<vmem>>) target(%dma_start3A_560 : memref<16384x256xf32, #tpu.memory_space<hbm>>) offsets(%dma_start3A : memref<16xi32, #tpu.memory_space<vmem>>) semaphore(%arg36 : memref<!tpu.dma_semaphore, #tpu.memory_space<semaphore_mem>>)
        %add3A_561 = arith.constant 8 : i32
        %add3A_562 = arith.addi %add3A_509, %add3A_561 : i32
        %lt3A_563 = arith.cmpi slt, %add3A_562, %select_n3A_198 : i32
        %convert_element_type3A_564 = arith.extui %lt3A_563 : i1 to i32
        %cond3A_565 = arith.constant 0 : i32
        %cond3A_566 = arith.cmpi ne, %convert_element_type3A_564, %cond3A_565 : i32
        scf.if %cond3A_566 {
          %ge3A = arith.constant 2 : i32
          %ge3A_567 = arith.cmpi sge, %add3A_509, %ge3A : i32
          %convert_element_type3A_568 = arith.extui %ge3A_567 : i1 to i32
          %cond3A_569 = arith.constant 0 : i32
          %cond3A_570 = arith.cmpi ne, %convert_element_type3A_568, %cond3A_569 : i32
          scf.if %cond3A_570 {
            %dma_wait3A_579 = arith.constant 0 : i32
            %dma_wait3A_580 = tpu.memref_slice %arg11[%dma_wait3A_579] : memref<16416xi32, #tpu.memory_space<vmem>> -> memref<16xi32, #tpu.memory_space<vmem>>
            %dma_wait3A_581 = arith.constant 0 : i32
            %dma_wait3A_582 = arith.constant 0 : i32
            %dma_wait3A_583 = tpu.memref_slice %arg6[%dma_wait3A_581, %dma_wait3A_582] : memref<16384x256xf32, #tpu.memory_space<hbm>> -> memref<16384x256xf32, #tpu.memory_space<hbm>>
            tpu.wait_indirect_dma semaphore(%arg34 : memref<!tpu.dma_semaphore, #tpu.memory_space<semaphore_mem>>) src(%arg14 : memref<16x256xf32, #tpu.memory_space<vmem>>) dst(%dma_wait3A_583 : memref<16384x256xf32, #tpu.memory_space<hbm>>)
          } else {
          }
          %add3A_571 = arith.constant 8 : i32
          %add3A_572 = arith.addi %add3A_509, %add3A_571 : i32
          %mul3A_573 = arith.constant 16 : i32
          %mul3A_574 = arith.muli %add3A_572, %mul3A_573 : i32
          %dma_start3A_575 = tpu.memref_slice %arg12[%mul3A_574] : memref<16416xi32, #tpu.memory_space<vmem>> -> memref<16xi32, #tpu.memory_space<vmem>>
          %dma_start3A_576 = arith.constant 0 : i32
          %dma_start3A_577 = arith.constant 0 : i32
          %dma_start3A_578 = tpu.memref_slice %arg4[%dma_start3A_576, %dma_start3A_577] : memref<16384x256xf32, #tpu.memory_space<hbm>> -> memref<16384x256xf32, #tpu.memory_space<hbm>>
          tpu.enqueue_indirect_dma source(%dma_start3A_578 : memref<16384x256xf32, #tpu.memory_space<hbm>>) target(%arg14 : memref<16x256xf32, #tpu.memory_space<vmem>>) offsets(%dma_start3A_575 : memref<16xi32, #tpu.memory_space<vmem>>) semaphore(%arg24 : memref<!tpu.dma_semaphore, #tpu.memory_space<semaphore_mem>>)
        } else {
        }
      } else {
      }
      %add3A_514 = arith.constant 4 : i32
      %add3A_515 = arith.addi %mul3A_489, %add3A_514 : i32
      %lt3A_516 = arith.cmpi slt, %add3A_515, %select_n3A_198 : i32
      %convert_element_type3A_517 = arith.extui %lt3A_516 : i1 to i32
      %cond3A_518 = arith.constant 0 : i32
      %cond3A_519 = arith.cmpi ne, %convert_element_type3A_517, %cond3A_518 : i32
      scf.if %cond3A_519 {
        %mul3A_551 = arith.constant 16 : i32
        %mul3A_552 = arith.muli %add3A_515, %mul3A_551 : i32
        %dma_wait3A = tpu.memref_slice %arg12[%mul3A_552] : memref<16416xi32, #tpu.memory_space<vmem>> -> memref<16xi32, #tpu.memory_space<vmem>>
        %dma_wait3A_553 = arith.constant 0 : i32
        %dma_wait3A_554 = arith.constant 0 : i32
        %dma_wait3A_555 = tpu.memref_slice %arg4[%dma_wait3A_553, %dma_wait3A_554] : memref<16384x256xf32, #tpu.memory_space<hbm>> -> memref<16384x256xf32, #tpu.memory_space<hbm>>
        tpu.wait_indirect_dma semaphore(%arg27 : memref<!tpu.dma_semaphore, #tpu.memory_space<semaphore_mem>>) src(%dma_wait3A_555 : memref<16384x256xf32, #tpu.memory_space<hbm>>) dst(%arg17 : memref<16x256xf32, #tpu.memory_space<vmem>>)
        %mul3A_556 = arith.constant 16 : i32
        %mul3A_557 = arith.muli %add3A_515, %mul3A_556 : i32
        %dma_start3A = tpu.memref_slice %arg11[%mul3A_557] : memref<16416xi32, #tpu.memory_space<vmem>> -> memref<16xi32, #tpu.memory_space<vmem>>
        %dma_start3A_558 = arith.constant 0 : i32
        %dma_start3A_559 = arith.constant 0 : i32
        %dma_start3A_560 = tpu.memref_slice %arg6[%dma_start3A_558, %dma_start3A_559] : memref<16384x256xf32, #tpu.memory_space<hbm>> -> memref<16384x256xf32, #tpu.memory_space<hbm>>
        tpu.enqueue_indirect_dma source(%arg17 : memref<16x256xf32, #tpu.memory_space<vmem>>) target(%dma_start3A_560 : memref<16384x256xf32, #tpu.memory_space<hbm>>) offsets(%dma_start3A : memref<16xi32, #tpu.memory_space<vmem>>) semaphore(%arg37 : memref<!tpu.dma_semaphore, #tpu.memory_space<semaphore_mem>>)
        %add3A_561 = arith.constant 8 : i32
        %add3A_562 = arith.addi %add3A_515, %add3A_561 : i32
        %lt3A_563 = arith.cmpi slt, %add3A_562, %select_n3A_198 : i32
        %convert_element_type3A_564 = arith.extui %lt3A_563 : i1 to i32
        %cond3A_565 = arith.constant 0 : i32
        %cond3A_566 = arith.cmpi ne, %convert_element_type3A_564, %cond3A_565 : i32
        scf.if %cond3A_566 {
          %ge3A = arith.constant 2 : i32
          %ge3A_567 = arith.cmpi sge, %add3A_515, %ge3A : i32
          %convert_element_type3A_568 = arith.extui %ge3A_567 : i1 to i32
          %cond3A_569 = arith.constant 0 : i32
          %cond3A_570 = arith.cmpi ne, %convert_element_type3A_568, %cond3A_569 : i32
          scf.if %cond3A_570 {
            %dma_wait3A_579 = arith.constant 0 : i32
            %dma_wait3A_580 = tpu.memref_slice %arg11[%dma_wait3A_579] : memref<16416xi32, #tpu.memory_space<vmem>> -> memref<16xi32, #tpu.memory_space<vmem>>
            %dma_wait3A_581 = arith.constant 0 : i32
            %dma_wait3A_582 = arith.constant 0 : i32
            %dma_wait3A_583 = tpu.memref_slice %arg6[%dma_wait3A_581, %dma_wait3A_582] : memref<16384x256xf32, #tpu.memory_space<hbm>> -> memref<16384x256xf32, #tpu.memory_space<hbm>>
            tpu.wait_indirect_dma semaphore(%arg35 : memref<!tpu.dma_semaphore, #tpu.memory_space<semaphore_mem>>) src(%arg15 : memref<16x256xf32, #tpu.memory_space<vmem>>) dst(%dma_wait3A_583 : memref<16384x256xf32, #tpu.memory_space<hbm>>)
          } else {
          }
          %add3A_571 = arith.constant 8 : i32
          %add3A_572 = arith.addi %add3A_515, %add3A_571 : i32
          %mul3A_573 = arith.constant 16 : i32
          %mul3A_574 = arith.muli %add3A_572, %mul3A_573 : i32
          %dma_start3A_575 = tpu.memref_slice %arg12[%mul3A_574] : memref<16416xi32, #tpu.memory_space<vmem>> -> memref<16xi32, #tpu.memory_space<vmem>>
          %dma_start3A_576 = arith.constant 0 : i32
          %dma_start3A_577 = arith.constant 0 : i32
          %dma_start3A_578 = tpu.memref_slice %arg4[%dma_start3A_576, %dma_start3A_577] : memref<16384x256xf32, #tpu.memory_space<hbm>> -> memref<16384x256xf32, #tpu.memory_space<hbm>>
          tpu.enqueue_indirect_dma source(%dma_start3A_578 : memref<16384x256xf32, #tpu.memory_space<hbm>>) target(%arg15 : memref<16x256xf32, #tpu.memory_space<vmem>>) offsets(%dma_start3A_575 : memref<16xi32, #tpu.memory_space<vmem>>) semaphore(%arg25 : memref<!tpu.dma_semaphore, #tpu.memory_space<semaphore_mem>>)
        } else {
        }
      } else {
      }
      %add3A_520 = arith.constant 5 : i32
      %add3A_521 = arith.addi %mul3A_489, %add3A_520 : i32
      %lt3A_522 = arith.cmpi slt, %add3A_521, %select_n3A_198 : i32
      %convert_element_type3A_523 = arith.extui %lt3A_522 : i1 to i32
      %cond3A_524 = arith.constant 0 : i32
      %cond3A_525 = arith.cmpi ne, %convert_element_type3A_523, %cond3A_524 : i32
      scf.if %cond3A_525 {
        %mul3A_551 = arith.constant 16 : i32
        %mul3A_552 = arith.muli %add3A_521, %mul3A_551 : i32
        %dma_wait3A = tpu.memref_slice %arg12[%mul3A_552] : memref<16416xi32, #tpu.memory_space<vmem>> -> memref<16xi32, #tpu.memory_space<vmem>>
        %dma_wait3A_553 = arith.constant 0 : i32
        %dma_wait3A_554 = arith.constant 0 : i32
        %dma_wait3A_555 = tpu.memref_slice %arg4[%dma_wait3A_553, %dma_wait3A_554] : memref<16384x256xf32, #tpu.memory_space<hbm>> -> memref<16384x256xf32, #tpu.memory_space<hbm>>
        tpu.wait_indirect_dma semaphore(%arg28 : memref<!tpu.dma_semaphore, #tpu.memory_space<semaphore_mem>>) src(%dma_wait3A_555 : memref<16384x256xf32, #tpu.memory_space<hbm>>) dst(%arg18 : memref<16x256xf32, #tpu.memory_space<vmem>>)
        %mul3A_556 = arith.constant 16 : i32
        %mul3A_557 = arith.muli %add3A_521, %mul3A_556 : i32
        %dma_start3A = tpu.memref_slice %arg11[%mul3A_557] : memref<16416xi32, #tpu.memory_space<vmem>> -> memref<16xi32, #tpu.memory_space<vmem>>
        %dma_start3A_558 = arith.constant 0 : i32
        %dma_start3A_559 = arith.constant 0 : i32
        %dma_start3A_560 = tpu.memref_slice %arg6[%dma_start3A_558, %dma_start3A_559] : memref<16384x256xf32, #tpu.memory_space<hbm>> -> memref<16384x256xf32, #tpu.memory_space<hbm>>
        tpu.enqueue_indirect_dma source(%arg18 : memref<16x256xf32, #tpu.memory_space<vmem>>) target(%dma_start3A_560 : memref<16384x256xf32, #tpu.memory_space<hbm>>) offsets(%dma_start3A : memref<16xi32, #tpu.memory_space<vmem>>) semaphore(%arg38 : memref<!tpu.dma_semaphore, #tpu.memory_space<semaphore_mem>>)
        %add3A_561 = arith.constant 8 : i32
        %add3A_562 = arith.addi %add3A_521, %add3A_561 : i32
        %lt3A_563 = arith.cmpi slt, %add3A_562, %select_n3A_198 : i32
        %convert_element_type3A_564 = arith.extui %lt3A_563 : i1 to i32
        %cond3A_565 = arith.constant 0 : i32
        %cond3A_566 = arith.cmpi ne, %convert_element_type3A_564, %cond3A_565 : i32
        scf.if %cond3A_566 {
          %ge3A = arith.constant 2 : i32
          %ge3A_567 = arith.cmpi sge, %add3A_521, %ge3A : i32
          %convert_element_type3A_568 = arith.extui %ge3A_567 : i1 to i32
          %cond3A_569 = arith.constant 0 : i32
          %cond3A_570 = arith.cmpi ne, %convert_element_type3A_568, %cond3A_569 : i32
          scf.if %cond3A_570 {
            %dma_wait3A_579 = arith.constant 0 : i32
            %dma_wait3A_580 = tpu.memref_slice %arg11[%dma_wait3A_579] : memref<16416xi32, #tpu.memory_space<vmem>> -> memref<16xi32, #tpu.memory_space<vmem>>
            %dma_wait3A_581 = arith.constant 0 : i32
            %dma_wait3A_582 = arith.constant 0 : i32
            %dma_wait3A_583 = tpu.memref_slice %arg6[%dma_wait3A_581, %dma_wait3A_582] : memref<16384x256xf32, #tpu.memory_space<hbm>> -> memref<16384x256xf32, #tpu.memory_space<hbm>>
            tpu.wait_indirect_dma semaphore(%arg36 : memref<!tpu.dma_semaphore, #tpu.memory_space<semaphore_mem>>) src(%arg16 : memref<16x256xf32, #tpu.memory_space<vmem>>) dst(%dma_wait3A_583 : memref<16384x256xf32, #tpu.memory_space<hbm>>)
          } else {
          }
          %add3A_571 = arith.constant 8 : i32
          %add3A_572 = arith.addi %add3A_521, %add3A_571 : i32
          %mul3A_573 = arith.constant 16 : i32
          %mul3A_574 = arith.muli %add3A_572, %mul3A_573 : i32
          %dma_start3A_575 = tpu.memref_slice %arg12[%mul3A_574] : memref<16416xi32, #tpu.memory_space<vmem>> -> memref<16xi32, #tpu.memory_space<vmem>>
          %dma_start3A_576 = arith.constant 0 : i32
          %dma_start3A_577 = arith.constant 0 : i32
          %dma_start3A_578 = tpu.memref_slice %arg4[%dma_start3A_576, %dma_start3A_577] : memref<16384x256xf32, #tpu.memory_space<hbm>> -> memref<16384x256xf32, #tpu.memory_space<hbm>>
          tpu.enqueue_indirect_dma source(%dma_start3A_578 : memref<16384x256xf32, #tpu.memory_space<hbm>>) target(%arg16 : memref<16x256xf32, #tpu.memory_space<vmem>>) offsets(%dma_start3A_575 : memref<16xi32, #tpu.memory_space<vmem>>) semaphore(%arg26 : memref<!tpu.dma_semaphore, #tpu.memory_space<semaphore_mem>>)
        } else {
        }
      } else {
      }
      %add3A_526 = arith.constant 6 : i32
      %add3A_527 = arith.addi %mul3A_489, %add3A_526 : i32
      %lt3A_528 = arith.cmpi slt, %add3A_527, %select_n3A_198 : i32
      %convert_element_type3A_529 = arith.extui %lt3A_528 : i1 to i32
      %cond3A_530 = arith.constant 0 : i32
      %cond3A_531 = arith.cmpi ne, %convert_element_type3A_529, %cond3A_530 : i32
      scf.if %cond3A_531 {
        %mul3A_551 = arith.constant 16 : i32
        %mul3A_552 = arith.muli %add3A_527, %mul3A_551 : i32
        %dma_wait3A = tpu.memref_slice %arg12[%mul3A_552] : memref<16416xi32, #tpu.memory_space<vmem>> -> memref<16xi32, #tpu.memory_space<vmem>>
        %dma_wait3A_553 = arith.constant 0 : i32
        %dma_wait3A_554 = arith.constant 0 : i32
        %dma_wait3A_555 = tpu.memref_slice %arg4[%dma_wait3A_553, %dma_wait3A_554] : memref<16384x256xf32, #tpu.memory_space<hbm>> -> memref<16384x256xf32, #tpu.memory_space<hbm>>
        tpu.wait_indirect_dma semaphore(%arg29 : memref<!tpu.dma_semaphore, #tpu.memory_space<semaphore_mem>>) src(%dma_wait3A_555 : memref<16384x256xf32, #tpu.memory_space<hbm>>) dst(%arg19 : memref<16x256xf32, #tpu.memory_space<vmem>>)
        %mul3A_556 = arith.constant 16 : i32
        %mul3A_557 = arith.muli %add3A_527, %mul3A_556 : i32
        %dma_start3A = tpu.memref_slice %arg11[%mul3A_557] : memref<16416xi32, #tpu.memory_space<vmem>> -> memref<16xi32, #tpu.memory_space<vmem>>
        %dma_start3A_558 = arith.constant 0 : i32
        %dma_start3A_559 = arith.constant 0 : i32
        %dma_start3A_560 = tpu.memref_slice %arg6[%dma_start3A_558, %dma_start3A_559] : memref<16384x256xf32, #tpu.memory_space<hbm>> -> memref<16384x256xf32, #tpu.memory_space<hbm>>
        tpu.enqueue_indirect_dma source(%arg19 : memref<16x256xf32, #tpu.memory_space<vmem>>) target(%dma_start3A_560 : memref<16384x256xf32, #tpu.memory_space<hbm>>) offsets(%dma_start3A : memref<16xi32, #tpu.memory_space<vmem>>) semaphore(%arg39 : memref<!tpu.dma_semaphore, #tpu.memory_space<semaphore_mem>>)
        %add3A_561 = arith.constant 8 : i32
        %add3A_562 = arith.addi %add3A_527, %add3A_561 : i32
        %lt3A_563 = arith.cmpi slt, %add3A_562, %select_n3A_198 : i32
        %convert_element_type3A_564 = arith.extui %lt3A_563 : i1 to i32
        %cond3A_565 = arith.constant 0 : i32
        %cond3A_566 = arith.cmpi ne, %convert_element_type3A_564, %cond3A_565 : i32
        scf.if %cond3A_566 {
          %ge3A = arith.constant 2 : i32
          %ge3A_567 = arith.cmpi sge, %add3A_527, %ge3A : i32
          %convert_element_type3A_568 = arith.extui %ge3A_567 : i1 to i32
          %cond3A_569 = arith.constant 0 : i32
          %cond3A_570 = arith.cmpi ne, %convert_element_type3A_568, %cond3A_569 : i32
          scf.if %cond3A_570 {
            %dma_wait3A_579 = arith.constant 0 : i32
            %dma_wait3A_580 = tpu.memref_slice %arg11[%dma_wait3A_579] : memref<16416xi32, #tpu.memory_space<vmem>> -> memref<16xi32, #tpu.memory_space<vmem>>
            %dma_wait3A_581 = arith.constant 0 : i32
            %dma_wait3A_582 = arith.constant 0 : i32
            %dma_wait3A_583 = tpu.memref_slice %arg6[%dma_wait3A_581, %dma_wait3A_582] : memref<16384x256xf32, #tpu.memory_space<hbm>> -> memref<16384x256xf32, #tpu.memory_space<hbm>>
            tpu.wait_indirect_dma semaphore(%arg37 : memref<!tpu.dma_semaphore, #tpu.memory_space<semaphore_mem>>) src(%arg17 : memref<16x256xf32, #tpu.memory_space<vmem>>) dst(%dma_wait3A_583 : memref<16384x256xf32, #tpu.memory_space<hbm>>)
          } else {
          }
          %add3A_571 = arith.constant 8 : i32
          %add3A_572 = arith.addi %add3A_527, %add3A_571 : i32
          %mul3A_573 = arith.constant 16 : i32
          %mul3A_574 = arith.muli %add3A_572, %mul3A_573 : i32
          %dma_start3A_575 = tpu.memref_slice %arg12[%mul3A_574] : memref<16416xi32, #tpu.memory_space<vmem>> -> memref<16xi32, #tpu.memory_space<vmem>>
          %dma_start3A_576 = arith.constant 0 : i32
          %dma_start3A_577 = arith.constant 0 : i32
          %dma_start3A_578 = tpu.memref_slice %arg4[%dma_start3A_576, %dma_start3A_577] : memref<16384x256xf32, #tpu.memory_space<hbm>> -> memref<16384x256xf32, #tpu.memory_space<hbm>>
          tpu.enqueue_indirect_dma source(%dma_start3A_578 : memref<16384x256xf32, #tpu.memory_space<hbm>>) target(%arg17 : memref<16x256xf32, #tpu.memory_space<vmem>>) offsets(%dma_start3A_575 : memref<16xi32, #tpu.memory_space<vmem>>) semaphore(%arg27 : memref<!tpu.dma_semaphore, #tpu.memory_space<semaphore_mem>>)
        } else {
        }
      } else {
      }
      %add3A_532 = arith.constant 7 : i32
      %add3A_533 = arith.addi %mul3A_489, %add3A_532 : i32
      %lt3A_534 = arith.cmpi slt, %add3A_533, %select_n3A_198 : i32
      %convert_element_type3A_535 = arith.extui %lt3A_534 : i1 to i32
      %cond3A_536 = arith.constant 0 : i32
      %cond3A_537 = arith.cmpi ne, %convert_element_type3A_535, %cond3A_536 : i32
      scf.if %cond3A_537 {
        %mul3A_551 = arith.constant 16 : i32
        %mul3A_552 = arith.muli %add3A_533, %mul3A_551 : i32
        %dma_wait3A = tpu.memref_slice %arg12[%mul3A_552] : memref<16416xi32, #tpu.memory_space<vmem>> -> memref<16xi32, #tpu.memory_space<vmem>>
        %dma_wait3A_553 = arith.constant 0 : i32
        %dma_wait3A_554 = arith.constant 0 : i32
        %dma_wait3A_555 = tpu.memref_slice %arg4[%dma_wait3A_553, %dma_wait3A_554] : memref<16384x256xf32, #tpu.memory_space<hbm>> -> memref<16384x256xf32, #tpu.memory_space<hbm>>
        tpu.wait_indirect_dma semaphore(%arg30 : memref<!tpu.dma_semaphore, #tpu.memory_space<semaphore_mem>>) src(%dma_wait3A_555 : memref<16384x256xf32, #tpu.memory_space<hbm>>) dst(%arg20 : memref<16x256xf32, #tpu.memory_space<vmem>>)
        %mul3A_556 = arith.constant 16 : i32
        %mul3A_557 = arith.muli %add3A_533, %mul3A_556 : i32
        %dma_start3A = tpu.memref_slice %arg11[%mul3A_557] : memref<16416xi32, #tpu.memory_space<vmem>> -> memref<16xi32, #tpu.memory_space<vmem>>
        %dma_start3A_558 = arith.constant 0 : i32
        %dma_start3A_559 = arith.constant 0 : i32
        %dma_start3A_560 = tpu.memref_slice %arg6[%dma_start3A_558, %dma_start3A_559] : memref<16384x256xf32, #tpu.memory_space<hbm>> -> memref<16384x256xf32, #tpu.memory_space<hbm>>
        tpu.enqueue_indirect_dma source(%arg20 : memref<16x256xf32, #tpu.memory_space<vmem>>) target(%dma_start3A_560 : memref<16384x256xf32, #tpu.memory_space<hbm>>) offsets(%dma_start3A : memref<16xi32, #tpu.memory_space<vmem>>) semaphore(%arg40 : memref<!tpu.dma_semaphore, #tpu.memory_space<semaphore_mem>>)
        %add3A_561 = arith.constant 8 : i32
        %add3A_562 = arith.addi %add3A_533, %add3A_561 : i32
        %lt3A_563 = arith.cmpi slt, %add3A_562, %select_n3A_198 : i32
        %convert_element_type3A_564 = arith.extui %lt3A_563 : i1 to i32
        %cond3A_565 = arith.constant 0 : i32
        %cond3A_566 = arith.cmpi ne, %convert_element_type3A_564, %cond3A_565 : i32
        scf.if %cond3A_566 {
          %ge3A = arith.constant 2 : i32
          %ge3A_567 = arith.cmpi sge, %add3A_533, %ge3A : i32
          %convert_element_type3A_568 = arith.extui %ge3A_567 : i1 to i32
          %cond3A_569 = arith.constant 0 : i32
          %cond3A_570 = arith.cmpi ne, %convert_element_type3A_568, %cond3A_569 : i32
          scf.if %cond3A_570 {
            %dma_wait3A_579 = arith.constant 0 : i32
            %dma_wait3A_580 = tpu.memref_slice %arg11[%dma_wait3A_579] : memref<16416xi32, #tpu.memory_space<vmem>> -> memref<16xi32, #tpu.memory_space<vmem>>
            %dma_wait3A_581 = arith.constant 0 : i32
            %dma_wait3A_582 = arith.constant 0 : i32
            %dma_wait3A_583 = tpu.memref_slice %arg6[%dma_wait3A_581, %dma_wait3A_582] : memref<16384x256xf32, #tpu.memory_space<hbm>> -> memref<16384x256xf32, #tpu.memory_space<hbm>>
            tpu.wait_indirect_dma semaphore(%arg38 : memref<!tpu.dma_semaphore, #tpu.memory_space<semaphore_mem>>) src(%arg18 : memref<16x256xf32, #tpu.memory_space<vmem>>) dst(%dma_wait3A_583 : memref<16384x256xf32, #tpu.memory_space<hbm>>)
          } else {
          }
          %add3A_571 = arith.constant 8 : i32
          %add3A_572 = arith.addi %add3A_533, %add3A_571 : i32
          %mul3A_573 = arith.constant 16 : i32
          %mul3A_574 = arith.muli %add3A_572, %mul3A_573 : i32
          %dma_start3A_575 = tpu.memref_slice %arg12[%mul3A_574] : memref<16416xi32, #tpu.memory_space<vmem>> -> memref<16xi32, #tpu.memory_space<vmem>>
          %dma_start3A_576 = arith.constant 0 : i32
          %dma_start3A_577 = arith.constant 0 : i32
          %dma_start3A_578 = tpu.memref_slice %arg4[%dma_start3A_576, %dma_start3A_577] : memref<16384x256xf32, #tpu.memory_space<hbm>> -> memref<16384x256xf32, #tpu.memory_space<hbm>>
          tpu.enqueue_indirect_dma source(%dma_start3A_578 : memref<16384x256xf32, #tpu.memory_space<hbm>>) target(%arg18 : memref<16x256xf32, #tpu.memory_space<vmem>>) offsets(%dma_start3A_575 : memref<16xi32, #tpu.memory_space<vmem>>) semaphore(%arg28 : memref<!tpu.dma_semaphore, #tpu.memory_space<semaphore_mem>>)
        } else {
        }
      } else {
      }
      %add3A_538 = arith.constant 8 : i32
      %add3A_539 = arith.addi %mul3A_489, %add3A_538 : i32
      %lt3A_540 = arith.cmpi slt, %add3A_539, %select_n3A_198 : i32
      %convert_element_type3A_541 = arith.extui %lt3A_540 : i1 to i32
      %cond3A_542 = arith.constant 0 : i32
      %cond3A_543 = arith.cmpi ne, %convert_element_type3A_541, %cond3A_542 : i32
      scf.if %cond3A_543 {
        %mul3A_551 = arith.constant 16 : i32
        %mul3A_552 = arith.muli %add3A_539, %mul3A_551 : i32
        %dma_wait3A = tpu.memref_slice %arg12[%mul3A_552] : memref<16416xi32, #tpu.memory_space<vmem>> -> memref<16xi32, #tpu.memory_space<vmem>>
        %dma_wait3A_553 = arith.constant 0 : i32
        %dma_wait3A_554 = arith.constant 0 : i32
        %dma_wait3A_555 = tpu.memref_slice %arg4[%dma_wait3A_553, %dma_wait3A_554] : memref<16384x256xf32, #tpu.memory_space<hbm>> -> memref<16384x256xf32, #tpu.memory_space<hbm>>
        tpu.wait_indirect_dma semaphore(%arg31 : memref<!tpu.dma_semaphore, #tpu.memory_space<semaphore_mem>>) src(%dma_wait3A_555 : memref<16384x256xf32, #tpu.memory_space<hbm>>) dst(%arg21 : memref<16x256xf32, #tpu.memory_space<vmem>>)
        %mul3A_556 = arith.constant 16 : i32
        %mul3A_557 = arith.muli %add3A_539, %mul3A_556 : i32
        %dma_start3A = tpu.memref_slice %arg11[%mul3A_557] : memref<16416xi32, #tpu.memory_space<vmem>> -> memref<16xi32, #tpu.memory_space<vmem>>
        %dma_start3A_558 = arith.constant 0 : i32
        %dma_start3A_559 = arith.constant 0 : i32
        %dma_start3A_560 = tpu.memref_slice %arg6[%dma_start3A_558, %dma_start3A_559] : memref<16384x256xf32, #tpu.memory_space<hbm>> -> memref<16384x256xf32, #tpu.memory_space<hbm>>
        tpu.enqueue_indirect_dma source(%arg21 : memref<16x256xf32, #tpu.memory_space<vmem>>) target(%dma_start3A_560 : memref<16384x256xf32, #tpu.memory_space<hbm>>) offsets(%dma_start3A : memref<16xi32, #tpu.memory_space<vmem>>) semaphore(%arg41 : memref<!tpu.dma_semaphore, #tpu.memory_space<semaphore_mem>>)
        %add3A_561 = arith.constant 8 : i32
        %add3A_562 = arith.addi %add3A_539, %add3A_561 : i32
        %lt3A_563 = arith.cmpi slt, %add3A_562, %select_n3A_198 : i32
        %convert_element_type3A_564 = arith.extui %lt3A_563 : i1 to i32
        %cond3A_565 = arith.constant 0 : i32
        %cond3A_566 = arith.cmpi ne, %convert_element_type3A_564, %cond3A_565 : i32
        scf.if %cond3A_566 {
          %ge3A = arith.constant 2 : i32
          %ge3A_567 = arith.cmpi sge, %add3A_539, %ge3A : i32
          %convert_element_type3A_568 = arith.extui %ge3A_567 : i1 to i32
          %cond3A_569 = arith.constant 0 : i32
          %cond3A_570 = arith.cmpi ne, %convert_element_type3A_568, %cond3A_569 : i32
          scf.if %cond3A_570 {
            %dma_wait3A_579 = arith.constant 0 : i32
            %dma_wait3A_580 = tpu.memref_slice %arg11[%dma_wait3A_579] : memref<16416xi32, #tpu.memory_space<vmem>> -> memref<16xi32, #tpu.memory_space<vmem>>
            %dma_wait3A_581 = arith.constant 0 : i32
            %dma_wait3A_582 = arith.constant 0 : i32
            %dma_wait3A_583 = tpu.memref_slice %arg6[%dma_wait3A_581, %dma_wait3A_582] : memref<16384x256xf32, #tpu.memory_space<hbm>> -> memref<16384x256xf32, #tpu.memory_space<hbm>>
            tpu.wait_indirect_dma semaphore(%arg39 : memref<!tpu.dma_semaphore, #tpu.memory_space<semaphore_mem>>) src(%arg19 : memref<16x256xf32, #tpu.memory_space<vmem>>) dst(%dma_wait3A_583 : memref<16384x256xf32, #tpu.memory_space<hbm>>)
          } else {
          }
          %add3A_571 = arith.constant 8 : i32
          %add3A_572 = arith.addi %add3A_539, %add3A_571 : i32
          %mul3A_573 = arith.constant 16 : i32
          %mul3A_574 = arith.muli %add3A_572, %mul3A_573 : i32
          %dma_start3A_575 = tpu.memref_slice %arg12[%mul3A_574] : memref<16416xi32, #tpu.memory_space<vmem>> -> memref<16xi32, #tpu.memory_space<vmem>>
          %dma_start3A_576 = arith.constant 0 : i32
          %dma_start3A_577 = arith.constant 0 : i32
          %dma_start3A_578 = tpu.memref_slice %arg4[%dma_start3A_576, %dma_start3A_577] : memref<16384x256xf32, #tpu.memory_space<hbm>> -> memref<16384x256xf32, #tpu.memory_space<hbm>>
          tpu.enqueue_indirect_dma source(%dma_start3A_578 : memref<16384x256xf32, #tpu.memory_space<hbm>>) target(%arg19 : memref<16x256xf32, #tpu.memory_space<vmem>>) offsets(%dma_start3A_575 : memref<16xi32, #tpu.memory_space<vmem>>) semaphore(%arg29 : memref<!tpu.dma_semaphore, #tpu.memory_space<semaphore_mem>>)
        } else {
        }
      } else {
      }
      %add3A_544 = arith.constant 9 : i32
      %add3A_545 = arith.addi %mul3A_489, %add3A_544 : i32
      %lt3A_546 = arith.cmpi slt, %add3A_545, %select_n3A_198 : i32
      %convert_element_type3A_547 = arith.extui %lt3A_546 : i1 to i32
      %cond3A_548 = arith.constant 0 : i32
      %cond3A_549 = arith.cmpi ne, %convert_element_type3A_547, %cond3A_548 : i32
      scf.if %cond3A_549 {
        %mul3A_551 = arith.constant 16 : i32
        %mul3A_552 = arith.muli %add3A_545, %mul3A_551 : i32
        %dma_wait3A = tpu.memref_slice %arg12[%mul3A_552] : memref<16416xi32, #tpu.memory_space<vmem>> -> memref<16xi32, #tpu.memory_space<vmem>>
        %dma_wait3A_553 = arith.constant 0 : i32
        %dma_wait3A_554 = arith.constant 0 : i32
        %dma_wait3A_555 = tpu.memref_slice %arg4[%dma_wait3A_553, %dma_wait3A_554] : memref<16384x256xf32, #tpu.memory_space<hbm>> -> memref<16384x256xf32, #tpu.memory_space<hbm>>
        tpu.wait_indirect_dma semaphore(%arg32 : memref<!tpu.dma_semaphore, #tpu.memory_space<semaphore_mem>>) src(%dma_wait3A_555 : memref<16384x256xf32, #tpu.memory_space<hbm>>) dst(%arg22 : memref<16x256xf32, #tpu.memory_space<vmem>>)
        %mul3A_556 = arith.constant 16 : i32
        %mul3A_557 = arith.muli %add3A_545, %mul3A_556 : i32
        %dma_start3A = tpu.memref_slice %arg11[%mul3A_557] : memref<16416xi32, #tpu.memory_space<vmem>> -> memref<16xi32, #tpu.memory_space<vmem>>
        %dma_start3A_558 = arith.constant 0 : i32
        %dma_start3A_559 = arith.constant 0 : i32
        %dma_start3A_560 = tpu.memref_slice %arg6[%dma_start3A_558, %dma_start3A_559] : memref<16384x256xf32, #tpu.memory_space<hbm>> -> memref<16384x256xf32, #tpu.memory_space<hbm>>
        tpu.enqueue_indirect_dma source(%arg22 : memref<16x256xf32, #tpu.memory_space<vmem>>) target(%dma_start3A_560 : memref<16384x256xf32, #tpu.memory_space<hbm>>) offsets(%dma_start3A : memref<16xi32, #tpu.memory_space<vmem>>) semaphore(%arg42 : memref<!tpu.dma_semaphore, #tpu.memory_space<semaphore_mem>>)
        %add3A_561 = arith.constant 8 : i32
        %add3A_562 = arith.addi %add3A_545, %add3A_561 : i32
        %lt3A_563 = arith.cmpi slt, %add3A_562, %select_n3A_198 : i32
        %convert_element_type3A_564 = arith.extui %lt3A_563 : i1 to i32
        %cond3A_565 = arith.constant 0 : i32
        %cond3A_566 = arith.cmpi ne, %convert_element_type3A_564, %cond3A_565 : i32
        scf.if %cond3A_566 {
          %ge3A = arith.constant 2 : i32
          %ge3A_567 = arith.cmpi sge, %add3A_545, %ge3A : i32
          %convert_element_type3A_568 = arith.extui %ge3A_567 : i1 to i32
          %cond3A_569 = arith.constant 0 : i32
          %cond3A_570 = arith.cmpi ne, %convert_element_type3A_568, %cond3A_569 : i32
          scf.if %cond3A_570 {
            %dma_wait3A_579 = arith.constant 0 : i32
            %dma_wait3A_580 = tpu.memref_slice %arg11[%dma_wait3A_579] : memref<16416xi32, #tpu.memory_space<vmem>> -> memref<16xi32, #tpu.memory_space<vmem>>
            %dma_wait3A_581 = arith.constant 0 : i32
            %dma_wait3A_582 = arith.constant 0 : i32
            %dma_wait3A_583 = tpu.memref_slice %arg6[%dma_wait3A_581, %dma_wait3A_582] : memref<16384x256xf32, #tpu.memory_space<hbm>> -> memref<16384x256xf32, #tpu.memory_space<hbm>>
            tpu.wait_indirect_dma semaphore(%arg40 : memref<!tpu.dma_semaphore, #tpu.memory_space<semaphore_mem>>) src(%arg20 : memref<16x256xf32, #tpu.memory_space<vmem>>) dst(%dma_wait3A_583 : memref<16384x256xf32, #tpu.memory_space<hbm>>)
          } else {
          }
          %add3A_571 = arith.constant 8 : i32
          %add3A_572 = arith.addi %add3A_545, %add3A_571 : i32
          %mul3A_573 = arith.constant 16 : i32
          %mul3A_574 = arith.muli %add3A_572, %mul3A_573 : i32
          %dma_start3A_575 = tpu.memref_slice %arg12[%mul3A_574] : memref<16416xi32, #tpu.memory_space<vmem>> -> memref<16xi32, #tpu.memory_space<vmem>>
          %dma_start3A_576 = arith.constant 0 : i32
          %dma_start3A_577 = arith.constant 0 : i32
          %dma_start3A_578 = tpu.memref_slice %arg4[%dma_start3A_576, %dma_start3A_577] : memref<16384x256xf32, #tpu.memory_space<hbm>> -> memref<16384x256xf32, #tpu.memory_space<hbm>>
          tpu.enqueue_indirect_dma source(%dma_start3A_578 : memref<16384x256xf32, #tpu.memory_space<hbm>>) target(%arg20 : memref<16x256xf32, #tpu.memory_space<vmem>>) offsets(%dma_start3A_575 : memref<16xi32, #tpu.memory_space<vmem>>) semaphore(%arg30 : memref<!tpu.dma_semaphore, #tpu.memory_space<semaphore_mem>>)
        } else {
        }
      } else {
      }
      %while3A_550 = arith.constant 0 : i32
      scf.yield %while3A_550 : i32
    }
    %while3A_276 = arith.constant 1 : i32
    %while3A_277 = scf.for %while3A_486 = %while3A_273 to %while3A_269 step %while3A_276 iter_args(%while3A_487 = %while3A_275) -> (i32)  : i32 {
      %mul3A_488 = arith.constant 10 : i32
      %mul3A_489 = arith.muli %while3A_486, %mul3A_488 : i32
      %add3A_490 = arith.constant 0 : i32
      %add3A_491 = arith.addi %mul3A_489, %add3A_490 : i32
      %lt3A_492 = arith.cmpi slt, %add3A_491, %select_n3A_198 : i32
      %convert_element_type3A_493 = arith.extui %lt3A_492 : i1 to i32
      %cond3A_494 = arith.constant 0 : i32
      %cond3A_495 = arith.cmpi ne, %convert_element_type3A_493, %cond3A_494 : i32
      scf.if %cond3A_495 {
        %mul3A_551 = arith.constant 16 : i32
        %mul3A_552 = arith.muli %add3A_491, %mul3A_551 : i32
        %dma_wait3A = tpu.memref_slice %arg12[%mul3A_552] : memref<16416xi32, #tpu.memory_space<vmem>> -> memref<16xi32, #tpu.memory_space<vmem>>
        %dma_wait3A_553 = arith.constant 0 : i32
        %dma_wait3A_554 = arith.constant 0 : i32
        %dma_wait3A_555 = tpu.memref_slice %arg4[%dma_wait3A_553, %dma_wait3A_554] : memref<16384x256xf32, #tpu.memory_space<hbm>> -> memref<16384x256xf32, #tpu.memory_space<hbm>>
        tpu.wait_indirect_dma semaphore(%arg23 : memref<!tpu.dma_semaphore, #tpu.memory_space<semaphore_mem>>) src(%dma_wait3A_555 : memref<16384x256xf32, #tpu.memory_space<hbm>>) dst(%arg13 : memref<16x256xf32, #tpu.memory_space<vmem>>)
        %mul3A_556 = arith.constant 16 : i32
        %mul3A_557 = arith.muli %add3A_491, %mul3A_556 : i32
        %dma_start3A = tpu.memref_slice %arg11[%mul3A_557] : memref<16416xi32, #tpu.memory_space<vmem>> -> memref<16xi32, #tpu.memory_space<vmem>>
        %dma_start3A_558 = arith.constant 0 : i32
        %dma_start3A_559 = arith.constant 0 : i32
        %dma_start3A_560 = tpu.memref_slice %arg6[%dma_start3A_558, %dma_start3A_559] : memref<16384x256xf32, #tpu.memory_space<hbm>> -> memref<16384x256xf32, #tpu.memory_space<hbm>>
        tpu.enqueue_indirect_dma source(%arg13 : memref<16x256xf32, #tpu.memory_space<vmem>>) target(%dma_start3A_560 : memref<16384x256xf32, #tpu.memory_space<hbm>>) offsets(%dma_start3A : memref<16xi32, #tpu.memory_space<vmem>>) semaphore(%arg33 : memref<!tpu.dma_semaphore, #tpu.memory_space<semaphore_mem>>)
        %add3A_561 = arith.constant 8 : i32
        %add3A_562 = arith.addi %add3A_491, %add3A_561 : i32
        %lt3A_563 = arith.cmpi slt, %add3A_562, %select_n3A_198 : i32
        %convert_element_type3A_564 = arith.extui %lt3A_563 : i1 to i32
        %cond3A_565 = arith.constant 0 : i32
        %cond3A_566 = arith.cmpi ne, %convert_element_type3A_564, %cond3A_565 : i32
        scf.if %cond3A_566 {
          %ge3A = arith.constant 2 : i32
          %ge3A_567 = arith.cmpi sge, %add3A_491, %ge3A : i32
          %convert_element_type3A_568 = arith.extui %ge3A_567 : i1 to i32
          %cond3A_569 = arith.constant 0 : i32
          %cond3A_570 = arith.cmpi ne, %convert_element_type3A_568, %cond3A_569 : i32
          scf.if %cond3A_570 {
            %dma_wait3A_579 = arith.constant 0 : i32
            %dma_wait3A_580 = tpu.memref_slice %arg11[%dma_wait3A_579] : memref<16416xi32, #tpu.memory_space<vmem>> -> memref<16xi32, #tpu.memory_space<vmem>>
            %dma_wait3A_581 = arith.constant 0 : i32
            %dma_wait3A_582 = arith.constant 0 : i32
            %dma_wait3A_583 = tpu.memref_slice %arg6[%dma_wait3A_581, %dma_wait3A_582] : memref<16384x256xf32, #tpu.memory_space<hbm>> -> memref<16384x256xf32, #tpu.memory_space<hbm>>
            tpu.wait_indirect_dma semaphore(%arg41 : memref<!tpu.dma_semaphore, #tpu.memory_space<semaphore_mem>>) src(%arg21 : memref<16x256xf32, #tpu.memory_space<vmem>>) dst(%dma_wait3A_583 : memref<16384x256xf32, #tpu.memory_space<hbm>>)
          } else {
          }
          %add3A_571 = arith.constant 8 : i32
          %add3A_572 = arith.addi %add3A_491, %add3A_571 : i32
          %mul3A_573 = arith.constant 16 : i32
          %mul3A_574 = arith.muli %add3A_572, %mul3A_573 : i32
          %dma_start3A_575 = tpu.memref_slice %arg12[%mul3A_574] : memref<16416xi32, #tpu.memory_space<vmem>> -> memref<16xi32, #tpu.memory_space<vmem>>
          %dma_start3A_576 = arith.constant 0 : i32
          %dma_start3A_577 = arith.constant 0 : i32
          %dma_start3A_578 = tpu.memref_slice %arg4[%dma_start3A_576, %dma_start3A_577] : memref<16384x256xf32, #tpu.memory_space<hbm>> -> memref<16384x256xf32, #tpu.memory_space<hbm>>
          tpu.enqueue_indirect_dma source(%dma_start3A_578 : memref<16384x256xf32, #tpu.memory_space<hbm>>) target(%arg21 : memref<16x256xf32, #tpu.memory_space<vmem>>) offsets(%dma_start3A_575 : memref<16xi32, #tpu.memory_space<vmem>>) semaphore(%arg31 : memref<!tpu.dma_semaphore, #tpu.memory_space<semaphore_mem>>)
        } else {
        }
      } else {
      }
      %add3A_496 = arith.constant 1 : i32
      %add3A_497 = arith.addi %mul3A_489, %add3A_496 : i32
      %lt3A_498 = arith.cmpi slt, %add3A_497, %select_n3A_198 : i32
      %convert_element_type3A_499 = arith.extui %lt3A_498 : i1 to i32
      %cond3A_500 = arith.constant 0 : i32
      %cond3A_501 = arith.cmpi ne, %convert_element_type3A_499, %cond3A_500 : i32
      scf.if %cond3A_501 {
        %mul3A_551 = arith.constant 16 : i32
        %mul3A_552 = arith.muli %add3A_497, %mul3A_551 : i32
        %dma_wait3A = tpu.memref_slice %arg12[%mul3A_552] : memref<16416xi32, #tpu.memory_space<vmem>> -> memref<16xi32, #tpu.memory_space<vmem>>
        %dma_wait3A_553 = arith.constant 0 : i32
        %dma_wait3A_554 = arith.constant 0 : i32
        %dma_wait3A_555 = tpu.memref_slice %arg4[%dma_wait3A_553, %dma_wait3A_554] : memref<16384x256xf32, #tpu.memory_space<hbm>> -> memref<16384x256xf32, #tpu.memory_space<hbm>>
        tpu.wait_indirect_dma semaphore(%arg24 : memref<!tpu.dma_semaphore, #tpu.memory_space<semaphore_mem>>) src(%dma_wait3A_555 : memref<16384x256xf32, #tpu.memory_space<hbm>>) dst(%arg14 : memref<16x256xf32, #tpu.memory_space<vmem>>)
        %mul3A_556 = arith.constant 16 : i32
        %mul3A_557 = arith.muli %add3A_497, %mul3A_556 : i32
        %dma_start3A = tpu.memref_slice %arg11[%mul3A_557] : memref<16416xi32, #tpu.memory_space<vmem>> -> memref<16xi32, #tpu.memory_space<vmem>>
        %dma_start3A_558 = arith.constant 0 : i32
        %dma_start3A_559 = arith.constant 0 : i32
        %dma_start3A_560 = tpu.memref_slice %arg6[%dma_start3A_558, %dma_start3A_559] : memref<16384x256xf32, #tpu.memory_space<hbm>> -> memref<16384x256xf32, #tpu.memory_space<hbm>>
        tpu.enqueue_indirect_dma source(%arg14 : memref<16x256xf32, #tpu.memory_space<vmem>>) target(%dma_start3A_560 : memref<16384x256xf32, #tpu.memory_space<hbm>>) offsets(%dma_start3A : memref<16xi32, #tpu.memory_space<vmem>>) semaphore(%arg34 : memref<!tpu.dma_semaphore, #tpu.memory_space<semaphore_mem>>)
        %add3A_561 = arith.constant 8 : i32
        %add3A_562 = arith.addi %add3A_497, %add3A_561 : i32
        %lt3A_563 = arith.cmpi slt, %add3A_562, %select_n3A_198 : i32
        %convert_element_type3A_564 = arith.extui %lt3A_563 : i1 to i32
        %cond3A_565 = arith.constant 0 : i32
        %cond3A_566 = arith.cmpi ne, %convert_element_type3A_564, %cond3A_565 : i32
        scf.if %cond3A_566 {
          %ge3A = arith.constant 2 : i32
          %ge3A_567 = arith.cmpi sge, %add3A_497, %ge3A : i32
          %convert_element_type3A_568 = arith.extui %ge3A_567 : i1 to i32
          %cond3A_569 = arith.constant 0 : i32
          %cond3A_570 = arith.cmpi ne, %convert_element_type3A_568, %cond3A_569 : i32
          scf.if %cond3A_570 {
            %dma_wait3A_579 = arith.constant 0 : i32
            %dma_wait3A_580 = tpu.memref_slice %arg11[%dma_wait3A_579] : memref<16416xi32, #tpu.memory_space<vmem>> -> memref<16xi32, #tpu.memory_space<vmem>>
            %dma_wait3A_581 = arith.constant 0 : i32
            %dma_wait3A_582 = arith.constant 0 : i32
            %dma_wait3A_583 = tpu.memref_slice %arg6[%dma_wait3A_581, %dma_wait3A_582] : memref<16384x256xf32, #tpu.memory_space<hbm>> -> memref<16384x256xf32, #tpu.memory_space<hbm>>
            tpu.wait_indirect_dma semaphore(%arg42 : memref<!tpu.dma_semaphore, #tpu.memory_space<semaphore_mem>>) src(%arg22 : memref<16x256xf32, #tpu.memory_space<vmem>>) dst(%dma_wait3A_583 : memref<16384x256xf32, #tpu.memory_space<hbm>>)
          } else {
          }
          %add3A_571 = arith.constant 8 : i32
          %add3A_572 = arith.addi %add3A_497, %add3A_571 : i32
          %mul3A_573 = arith.constant 16 : i32
          %mul3A_574 = arith.muli %add3A_572, %mul3A_573 : i32
          %dma_start3A_575 = tpu.memref_slice %arg12[%mul3A_574] : memref<16416xi32, #tpu.memory_space<vmem>> -> memref<16xi32, #tpu.memory_space<vmem>>
          %dma_start3A_576 = arith.constant 0 : i32
          %dma_start3A_577 = arith.constant 0 : i32
          %dma_start3A_578 = tpu.memref_slice %arg4[%dma_start3A_576, %dma_start3A_577] : memref<16384x256xf32, #tpu.memory_space<hbm>> -> memref<16384x256xf32, #tpu.memory_space<hbm>>
          tpu.enqueue_indirect_dma source(%dma_start3A_578 : memref<16384x256xf32, #tpu.memory_space<hbm>>) target(%arg22 : memref<16x256xf32, #tpu.memory_space<vmem>>) offsets(%dma_start3A_575 : memref<16xi32, #tpu.memory_space<vmem>>) semaphore(%arg32 : memref<!tpu.dma_semaphore, #tpu.memory_space<semaphore_mem>>)
        } else {
        }
      } else {
      }
      %add3A_502 = arith.constant 2 : i32
      %add3A_503 = arith.addi %mul3A_489, %add3A_502 : i32
      %lt3A_504 = arith.cmpi slt, %add3A_503, %select_n3A_198 : i32
      %convert_element_type3A_505 = arith.extui %lt3A_504 : i1 to i32
      %cond3A_506 = arith.constant 0 : i32
      %cond3A_507 = arith.cmpi ne, %convert_element_type3A_505, %cond3A_506 : i32
      scf.if %cond3A_507 {
        %mul3A_551 = arith.constant 16 : i32
        %mul3A_552 = arith.muli %add3A_503, %mul3A_551 : i32
        %dma_wait3A = tpu.memref_slice %arg12[%mul3A_552] : memref<16416xi32, #tpu.memory_space<vmem>> -> memref<16xi32, #tpu.memory_space<vmem>>
        %dma_wait3A_553 = arith.constant 0 : i32
        %dma_wait3A_554 = arith.constant 0 : i32
        %dma_wait3A_555 = tpu.memref_slice %arg4[%dma_wait3A_553, %dma_wait3A_554] : memref<16384x256xf32, #tpu.memory_space<hbm>> -> memref<16384x256xf32, #tpu.memory_space<hbm>>
        tpu.wait_indirect_dma semaphore(%arg25 : memref<!tpu.dma_semaphore, #tpu.memory_space<semaphore_mem>>) src(%dma_wait3A_555 : memref<16384x256xf32, #tpu.memory_space<hbm>>) dst(%arg15 : memref<16x256xf32, #tpu.memory_space<vmem>>)
        %mul3A_556 = arith.constant 16 : i32
        %mul3A_557 = arith.muli %add3A_503, %mul3A_556 : i32
        %dma_start3A = tpu.memref_slice %arg11[%mul3A_557] : memref<16416xi32, #tpu.memory_space<vmem>> -> memref<16xi32, #tpu.memory_space<vmem>>
        %dma_start3A_558 = arith.constant 0 : i32
        %dma_start3A_559 = arith.constant 0 : i32
        %dma_start3A_560 = tpu.memref_slice %arg6[%dma_start3A_558, %dma_start3A_559] : memref<16384x256xf32, #tpu.memory_space<hbm>> -> memref<16384x256xf32, #tpu.memory_space<hbm>>
        tpu.enqueue_indirect_dma source(%arg15 : memref<16x256xf32, #tpu.memory_space<vmem>>) target(%dma_start3A_560 : memref<16384x256xf32, #tpu.memory_space<hbm>>) offsets(%dma_start3A : memref<16xi32, #tpu.memory_space<vmem>>) semaphore(%arg35 : memref<!tpu.dma_semaphore, #tpu.memory_space<semaphore_mem>>)
        %add3A_561 = arith.constant 8 : i32
        %add3A_562 = arith.addi %add3A_503, %add3A_561 : i32
        %lt3A_563 = arith.cmpi slt, %add3A_562, %select_n3A_198 : i32
        %convert_element_type3A_564 = arith.extui %lt3A_563 : i1 to i32
        %cond3A_565 = arith.constant 0 : i32
        %cond3A_566 = arith.cmpi ne, %convert_element_type3A_564, %cond3A_565 : i32
        scf.if %cond3A_566 {
          %ge3A = arith.constant 2 : i32
          %ge3A_567 = arith.cmpi sge, %add3A_503, %ge3A : i32
          %convert_element_type3A_568 = arith.extui %ge3A_567 : i1 to i32
          %cond3A_569 = arith.constant 0 : i32
          %cond3A_570 = arith.cmpi ne, %convert_element_type3A_568, %cond3A_569 : i32
          scf.if %cond3A_570 {
            %dma_wait3A_579 = arith.constant 0 : i32
            %dma_wait3A_580 = tpu.memref_slice %arg11[%dma_wait3A_579] : memref<16416xi32, #tpu.memory_space<vmem>> -> memref<16xi32, #tpu.memory_space<vmem>>
            %dma_wait3A_581 = arith.constant 0 : i32
            %dma_wait3A_582 = arith.constant 0 : i32
            %dma_wait3A_583 = tpu.memref_slice %arg6[%dma_wait3A_581, %dma_wait3A_582] : memref<16384x256xf32, #tpu.memory_space<hbm>> -> memref<16384x256xf32, #tpu.memory_space<hbm>>
            tpu.wait_indirect_dma semaphore(%arg33 : memref<!tpu.dma_semaphore, #tpu.memory_space<semaphore_mem>>) src(%arg13 : memref<16x256xf32, #tpu.memory_space<vmem>>) dst(%dma_wait3A_583 : memref<16384x256xf32, #tpu.memory_space<hbm>>)
          } else {
          }
          %add3A_571 = arith.constant 8 : i32
          %add3A_572 = arith.addi %add3A_503, %add3A_571 : i32
          %mul3A_573 = arith.constant 16 : i32
          %mul3A_574 = arith.muli %add3A_572, %mul3A_573 : i32
          %dma_start3A_575 = tpu.memref_slice %arg12[%mul3A_574] : memref<16416xi32, #tpu.memory_space<vmem>> -> memref<16xi32, #tpu.memory_space<vmem>>
          %dma_start3A_576 = arith.constant 0 : i32
          %dma_start3A_577 = arith.constant 0 : i32
          %dma_start3A_578 = tpu.memref_slice %arg4[%dma_start3A_576, %dma_start3A_577] : memref<16384x256xf32, #tpu.memory_space<hbm>> -> memref<16384x256xf32, #tpu.memory_space<hbm>>
          tpu.enqueue_indirect_dma source(%dma_start3A_578 : memref<16384x256xf32, #tpu.memory_space<hbm>>) target(%arg13 : memref<16x256xf32, #tpu.memory_space<vmem>>) offsets(%dma_start3A_575 : memref<16xi32, #tpu.memory_space<vmem>>) semaphore(%arg23 : memref<!tpu.dma_semaphore, #tpu.memory_space<semaphore_mem>>)
        } else {
        }
      } else {
      }
      %add3A_508 = arith.constant 3 : i32
      %add3A_509 = arith.addi %mul3A_489, %add3A_508 : i32
      %lt3A_510 = arith.cmpi slt, %add3A_509, %select_n3A_198 : i32
      %convert_element_type3A_511 = arith.extui %lt3A_510 : i1 to i32
      %cond3A_512 = arith.constant 0 : i32
      %cond3A_513 = arith.cmpi ne, %convert_element_type3A_511, %cond3A_512 : i32
      scf.if %cond3A_513 {
        %mul3A_551 = arith.constant 16 : i32
        %mul3A_552 = arith.muli %add3A_509, %mul3A_551 : i32
        %dma_wait3A = tpu.memref_slice %arg12[%mul3A_552] : memref<16416xi32, #tpu.memory_space<vmem>> -> memref<16xi32, #tpu.memory_space<vmem>>
        %dma_wait3A_553 = arith.constant 0 : i32
        %dma_wait3A_554 = arith.constant 0 : i32
        %dma_wait3A_555 = tpu.memref_slice %arg4[%dma_wait3A_553, %dma_wait3A_554] : memref<16384x256xf32, #tpu.memory_space<hbm>> -> memref<16384x256xf32, #tpu.memory_space<hbm>>
        tpu.wait_indirect_dma semaphore(%arg26 : memref<!tpu.dma_semaphore, #tpu.memory_space<semaphore_mem>>) src(%dma_wait3A_555 : memref<16384x256xf32, #tpu.memory_space<hbm>>) dst(%arg16 : memref<16x256xf32, #tpu.memory_space<vmem>>)
        %mul3A_556 = arith.constant 16 : i32
        %mul3A_557 = arith.muli %add3A_509, %mul3A_556 : i32
        %dma_start3A = tpu.memref_slice %arg11[%mul3A_557] : memref<16416xi32, #tpu.memory_space<vmem>> -> memref<16xi32, #tpu.memory_space<vmem>>
        %dma_start3A_558 = arith.constant 0 : i32
        %dma_start3A_559 = arith.constant 0 : i32
        %dma_start3A_560 = tpu.memref_slice %arg6[%dma_start3A_558, %dma_start3A_559] : memref<16384x256xf32, #tpu.memory_space<hbm>> -> memref<16384x256xf32, #tpu.memory_space<hbm>>
        tpu.enqueue_indirect_dma source(%arg16 : memref<16x256xf32, #tpu.memory_space<vmem>>) target(%dma_start3A_560 : memref<16384x256xf32, #tpu.memory_space<hbm>>) offsets(%dma_start3A : memref<16xi32, #tpu.memory_space<vmem>>) semaphore(%arg36 : memref<!tpu.dma_semaphore, #tpu.memory_space<semaphore_mem>>)
        %add3A_561 = arith.constant 8 : i32
        %add3A_562 = arith.addi %add3A_509, %add3A_561 : i32
        %lt3A_563 = arith.cmpi slt, %add3A_562, %select_n3A_198 : i32
        %convert_element_type3A_564 = arith.extui %lt3A_563 : i1 to i32
        %cond3A_565 = arith.constant 0 : i32
        %cond3A_566 = arith.cmpi ne, %convert_element_type3A_564, %cond3A_565 : i32
        scf.if %cond3A_566 {
          %ge3A = arith.constant 2 : i32
          %ge3A_567 = arith.cmpi sge, %add3A_509, %ge3A : i32
          %convert_element_type3A_568 = arith.extui %ge3A_567 : i1 to i32
          %cond3A_569 = arith.constant 0 : i32
          %cond3A_570 = arith.cmpi ne, %convert_element_type3A_568, %cond3A_569 : i32
          scf.if %cond3A_570 {
            %dma_wait3A_579 = arith.constant 0 : i32
            %dma_wait3A_580 = tpu.memref_slice %arg11[%dma_wait3A_579] : memref<16416xi32, #tpu.memory_space<vmem>> -> memref<16xi32, #tpu.memory_space<vmem>>
            %dma_wait3A_581 = arith.constant 0 : i32
            %dma_wait3A_582 = arith.constant 0 : i32
            %dma_wait3A_583 = tpu.memref_slice %arg6[%dma_wait3A_581, %dma_wait3A_582] : memref<16384x256xf32, #tpu.memory_space<hbm>> -> memref<16384x256xf32, #tpu.memory_space<hbm>>
            tpu.wait_indirect_dma semaphore(%arg34 : memref<!tpu.dma_semaphore, #tpu.memory_space<semaphore_mem>>) src(%arg14 : memref<16x256xf32, #tpu.memory_space<vmem>>) dst(%dma_wait3A_583 : memref<16384x256xf32, #tpu.memory_space<hbm>>)
          } else {
          }
          %add3A_571 = arith.constant 8 : i32
          %add3A_572 = arith.addi %add3A_509, %add3A_571 : i32
          %mul3A_573 = arith.constant 16 : i32
          %mul3A_574 = arith.muli %add3A_572, %mul3A_573 : i32
          %dma_start3A_575 = tpu.memref_slice %arg12[%mul3A_574] : memref<16416xi32, #tpu.memory_space<vmem>> -> memref<16xi32, #tpu.memory_space<vmem>>
          %dma_start3A_576 = arith.constant 0 : i32
          %dma_start3A_577 = arith.constant 0 : i32
          %dma_start3A_578 = tpu.memref_slice %arg4[%dma_start3A_576, %dma_start3A_577] : memref<16384x256xf32, #tpu.memory_space<hbm>> -> memref<16384x256xf32, #tpu.memory_space<hbm>>
          tpu.enqueue_indirect_dma source(%dma_start3A_578 : memref<16384x256xf32, #tpu.memory_space<hbm>>) target(%arg14 : memref<16x256xf32, #tpu.memory_space<vmem>>) offsets(%dma_start3A_575 : memref<16xi32, #tpu.memory_space<vmem>>) semaphore(%arg24 : memref<!tpu.dma_semaphore, #tpu.memory_space<semaphore_mem>>)
        } else {
        }
      } else {
      }
      %add3A_514 = arith.constant 4 : i32
      %add3A_515 = arith.addi %mul3A_489, %add3A_514 : i32
      %lt3A_516 = arith.cmpi slt, %add3A_515, %select_n3A_198 : i32
      %convert_element_type3A_517 = arith.extui %lt3A_516 : i1 to i32
      %cond3A_518 = arith.constant 0 : i32
      %cond3A_519 = arith.cmpi ne, %convert_element_type3A_517, %cond3A_518 : i32
      scf.if %cond3A_519 {
        %mul3A_551 = arith.constant 16 : i32
        %mul3A_552 = arith.muli %add3A_515, %mul3A_551 : i32
        %dma_wait3A = tpu.memref_slice %arg12[%mul3A_552] : memref<16416xi32, #tpu.memory_space<vmem>> -> memref<16xi32, #tpu.memory_space<vmem>>
        %dma_wait3A_553 = arith.constant 0 : i32
        %dma_wait3A_554 = arith.constant 0 : i32
        %dma_wait3A_555 = tpu.memref_slice %arg4[%dma_wait3A_553, %dma_wait3A_554] : memref<16384x256xf32, #tpu.memory_space<hbm>> -> memref<16384x256xf32, #tpu.memory_space<hbm>>
        tpu.wait_indirect_dma semaphore(%arg27 : memref<!tpu.dma_semaphore, #tpu.memory_space<semaphore_mem>>) src(%dma_wait3A_555 : memref<16384x256xf32, #tpu.memory_space<hbm>>) dst(%arg17 : memref<16x256xf32, #tpu.memory_space<vmem>>)
        %mul3A_556 = arith.constant 16 : i32
        %mul3A_557 = arith.muli %add3A_515, %mul3A_556 : i32
        %dma_start3A = tpu.memref_slice %arg11[%mul3A_557] : memref<16416xi32, #tpu.memory_space<vmem>> -> memref<16xi32, #tpu.memory_space<vmem>>
        %dma_start3A_558 = arith.constant 0 : i32
        %dma_start3A_559 = arith.constant 0 : i32
        %dma_start3A_560 = tpu.memref_slice %arg6[%dma_start3A_558, %dma_start3A_559] : memref<16384x256xf32, #tpu.memory_space<hbm>> -> memref<16384x256xf32, #tpu.memory_space<hbm>>
        tpu.enqueue_indirect_dma source(%arg17 : memref<16x256xf32, #tpu.memory_space<vmem>>) target(%dma_start3A_560 : memref<16384x256xf32, #tpu.memory_space<hbm>>) offsets(%dma_start3A : memref<16xi32, #tpu.memory_space<vmem>>) semaphore(%arg37 : memref<!tpu.dma_semaphore, #tpu.memory_space<semaphore_mem>>)
        %add3A_561 = arith.constant 8 : i32
        %add3A_562 = arith.addi %add3A_515, %add3A_561 : i32
        %lt3A_563 = arith.cmpi slt, %add3A_562, %select_n3A_198 : i32
        %convert_element_type3A_564 = arith.extui %lt3A_563 : i1 to i32
        %cond3A_565 = arith.constant 0 : i32
        %cond3A_566 = arith.cmpi ne, %convert_element_type3A_564, %cond3A_565 : i32
        scf.if %cond3A_566 {
          %ge3A = arith.constant 2 : i32
          %ge3A_567 = arith.cmpi sge, %add3A_515, %ge3A : i32
          %convert_element_type3A_568 = arith.extui %ge3A_567 : i1 to i32
          %cond3A_569 = arith.constant 0 : i32
          %cond3A_570 = arith.cmpi ne, %convert_element_type3A_568, %cond3A_569 : i32
          scf.if %cond3A_570 {
            %dma_wait3A_579 = arith.constant 0 : i32
            %dma_wait3A_580 = tpu.memref_slice %arg11[%dma_wait3A_579] : memref<16416xi32, #tpu.memory_space<vmem>> -> memref<16xi32, #tpu.memory_space<vmem>>
            %dma_wait3A_581 = arith.constant 0 : i32
            %dma_wait3A_582 = arith.constant 0 : i32
            %dma_wait3A_583 = tpu.memref_slice %arg6[%dma_wait3A_581, %dma_wait3A_582] : memref<16384x256xf32, #tpu.memory_space<hbm>> -> memref<16384x256xf32, #tpu.memory_space<hbm>>
            tpu.wait_indirect_dma semaphore(%arg35 : memref<!tpu.dma_semaphore, #tpu.memory_space<semaphore_mem>>) src(%arg15 : memref<16x256xf32, #tpu.memory_space<vmem>>) dst(%dma_wait3A_583 : memref<16384x256xf32, #tpu.memory_space<hbm>>)
          } else {
          }
          %add3A_571 = arith.constant 8 : i32
          %add3A_572 = arith.addi %add3A_515, %add3A_571 : i32
          %mul3A_573 = arith.constant 16 : i32
          %mul3A_574 = arith.muli %add3A_572, %mul3A_573 : i32
          %dma_start3A_575 = tpu.memref_slice %arg12[%mul3A_574] : memref<16416xi32, #tpu.memory_space<vmem>> -> memref<16xi32, #tpu.memory_space<vmem>>
          %dma_start3A_576 = arith.constant 0 : i32
          %dma_start3A_577 = arith.constant 0 : i32
          %dma_start3A_578 = tpu.memref_slice %arg4[%dma_start3A_576, %dma_start3A_577] : memref<16384x256xf32, #tpu.memory_space<hbm>> -> memref<16384x256xf32, #tpu.memory_space<hbm>>
          tpu.enqueue_indirect_dma source(%dma_start3A_578 : memref<16384x256xf32, #tpu.memory_space<hbm>>) target(%arg15 : memref<16x256xf32, #tpu.memory_space<vmem>>) offsets(%dma_start3A_575 : memref<16xi32, #tpu.memory_space<vmem>>) semaphore(%arg25 : memref<!tpu.dma_semaphore, #tpu.memory_space<semaphore_mem>>)
        } else {
        }
      } else {
      }
      %add3A_520 = arith.constant 5 : i32
      %add3A_521 = arith.addi %mul3A_489, %add3A_520 : i32
      %lt3A_522 = arith.cmpi slt, %add3A_521, %select_n3A_198 : i32
      %convert_element_type3A_523 = arith.extui %lt3A_522 : i1 to i32
      %cond3A_524 = arith.constant 0 : i32
      %cond3A_525 = arith.cmpi ne, %convert_element_type3A_523, %cond3A_524 : i32
      scf.if %cond3A_525 {
        %mul3A_551 = arith.constant 16 : i32
        %mul3A_552 = arith.muli %add3A_521, %mul3A_551 : i32
        %dma_wait3A = tpu.memref_slice %arg12[%mul3A_552] : memref<16416xi32, #tpu.memory_space<vmem>> -> memref<16xi32, #tpu.memory_space<vmem>>
        %dma_wait3A_553 = arith.constant 0 : i32
        %dma_wait3A_554 = arith.constant 0 : i32
        %dma_wait3A_555 = tpu.memref_slice %arg4[%dma_wait3A_553, %dma_wait3A_554] : memref<16384x256xf32, #tpu.memory_space<hbm>> -> memref<16384x256xf32, #tpu.memory_space<hbm>>
        tpu.wait_indirect_dma semaphore(%arg28 : memref<!tpu.dma_semaphore, #tpu.memory_space<semaphore_mem>>) src(%dma_wait3A_555 : memref<16384x256xf32, #tpu.memory_space<hbm>>) dst(%arg18 : memref<16x256xf32, #tpu.memory_space<vmem>>)
        %mul3A_556 = arith.constant 16 : i32
        %mul3A_557 = arith.muli %add3A_521, %mul3A_556 : i32
        %dma_start3A = tpu.memref_slice %arg11[%mul3A_557] : memref<16416xi32, #tpu.memory_space<vmem>> -> memref<16xi32, #tpu.memory_space<vmem>>
        %dma_start3A_558 = arith.constant 0 : i32
        %dma_start3A_559 = arith.constant 0 : i32
        %dma_start3A_560 = tpu.memref_slice %arg6[%dma_start3A_558, %dma_start3A_559] : memref<16384x256xf32, #tpu.memory_space<hbm>> -> memref<16384x256xf32, #tpu.memory_space<hbm>>
        tpu.enqueue_indirect_dma source(%arg18 : memref<16x256xf32, #tpu.memory_space<vmem>>) target(%dma_start3A_560 : memref<16384x256xf32, #tpu.memory_space<hbm>>) offsets(%dma_start3A : memref<16xi32, #tpu.memory_space<vmem>>) semaphore(%arg38 : memref<!tpu.dma_semaphore, #tpu.memory_space<semaphore_mem>>)
        %add3A_561 = arith.constant 8 : i32
        %add3A_562 = arith.addi %add3A_521, %add3A_561 : i32
        %lt3A_563 = arith.cmpi slt, %add3A_562, %select_n3A_198 : i32
        %convert_element_type3A_564 = arith.extui %lt3A_563 : i1 to i32
        %cond3A_565 = arith.constant 0 : i32
        %cond3A_566 = arith.cmpi ne, %convert_element_type3A_564, %cond3A_565 : i32
        scf.if %cond3A_566 {
          %ge3A = arith.constant 2 : i32
          %ge3A_567 = arith.cmpi sge, %add3A_521, %ge3A : i32
          %convert_element_type3A_568 = arith.extui %ge3A_567 : i1 to i32
          %cond3A_569 = arith.constant 0 : i32
          %cond3A_570 = arith.cmpi ne, %convert_element_type3A_568, %cond3A_569 : i32
          scf.if %cond3A_570 {
            %dma_wait3A_579 = arith.constant 0 : i32
            %dma_wait3A_580 = tpu.memref_slice %arg11[%dma_wait3A_579] : memref<16416xi32, #tpu.memory_space<vmem>> -> memref<16xi32, #tpu.memory_space<vmem>>
            %dma_wait3A_581 = arith.constant 0 : i32
            %dma_wait3A_582 = arith.constant 0 : i32
            %dma_wait3A_583 = tpu.memref_slice %arg6[%dma_wait3A_581, %dma_wait3A_582] : memref<16384x256xf32, #tpu.memory_space<hbm>> -> memref<16384x256xf32, #tpu.memory_space<hbm>>
            tpu.wait_indirect_dma semaphore(%arg36 : memref<!tpu.dma_semaphore, #tpu.memory_space<semaphore_mem>>) src(%arg16 : memref<16x256xf32, #tpu.memory_space<vmem>>) dst(%dma_wait3A_583 : memref<16384x256xf32, #tpu.memory_space<hbm>>)
          } else {
          }
          %add3A_571 = arith.constant 8 : i32
          %add3A_572 = arith.addi %add3A_521, %add3A_571 : i32
          %mul3A_573 = arith.constant 16 : i32
          %mul3A_574 = arith.muli %add3A_572, %mul3A_573 : i32
          %dma_start3A_575 = tpu.memref_slice %arg12[%mul3A_574] : memref<16416xi32, #tpu.memory_space<vmem>> -> memref<16xi32, #tpu.memory_space<vmem>>
          %dma_start3A_576 = arith.constant 0 : i32
          %dma_start3A_577 = arith.constant 0 : i32
          %dma_start3A_578 = tpu.memref_slice %arg4[%dma_start3A_576, %dma_start3A_577] : memref<16384x256xf32, #tpu.memory_space<hbm>> -> memref<16384x256xf32, #tpu.memory_space<hbm>>
          tpu.enqueue_indirect_dma source(%dma_start3A_578 : memref<16384x256xf32, #tpu.memory_space<hbm>>) target(%arg16 : memref<16x256xf32, #tpu.memory_space<vmem>>) offsets(%dma_start3A_575 : memref<16xi32, #tpu.memory_space<vmem>>) semaphore(%arg26 : memref<!tpu.dma_semaphore, #tpu.memory_space<semaphore_mem>>)
        } else {
        }
      } else {
      }
      %add3A_526 = arith.constant 6 : i32
      %add3A_527 = arith.addi %mul3A_489, %add3A_526 : i32
      %lt3A_528 = arith.cmpi slt, %add3A_527, %select_n3A_198 : i32
      %convert_element_type3A_529 = arith.extui %lt3A_528 : i1 to i32
      %cond3A_530 = arith.constant 0 : i32
      %cond3A_531 = arith.cmpi ne, %convert_element_type3A_529, %cond3A_530 : i32
      scf.if %cond3A_531 {
        %mul3A_551 = arith.constant 16 : i32
        %mul3A_552 = arith.muli %add3A_527, %mul3A_551 : i32
        %dma_wait3A = tpu.memref_slice %arg12[%mul3A_552] : memref<16416xi32, #tpu.memory_space<vmem>> -> memref<16xi32, #tpu.memory_space<vmem>>
        %dma_wait3A_553 = arith.constant 0 : i32
        %dma_wait3A_554 = arith.constant 0 : i32
        %dma_wait3A_555 = tpu.memref_slice %arg4[%dma_wait3A_553, %dma_wait3A_554] : memref<16384x256xf32, #tpu.memory_space<hbm>> -> memref<16384x256xf32, #tpu.memory_space<hbm>>
        tpu.wait_indirect_dma semaphore(%arg29 : memref<!tpu.dma_semaphore, #tpu.memory_space<semaphore_mem>>) src(%dma_wait3A_555 : memref<16384x256xf32, #tpu.memory_space<hbm>>) dst(%arg19 : memref<16x256xf32, #tpu.memory_space<vmem>>)
        %mul3A_556 = arith.constant 16 : i32
        %mul3A_557 = arith.muli %add3A_527, %mul3A_556 : i32
        %dma_start3A = tpu.memref_slice %arg11[%mul3A_557] : memref<16416xi32, #tpu.memory_space<vmem>> -> memref<16xi32, #tpu.memory_space<vmem>>
        %dma_start3A_558 = arith.constant 0 : i32
        %dma_start3A_559 = arith.constant 0 : i32
        %dma_start3A_560 = tpu.memref_slice %arg6[%dma_start3A_558, %dma_start3A_559] : memref<16384x256xf32, #tpu.memory_space<hbm>> -> memref<16384x256xf32, #tpu.memory_space<hbm>>
        tpu.enqueue_indirect_dma source(%arg19 : memref<16x256xf32, #tpu.memory_space<vmem>>) target(%dma_start3A_560 : memref<16384x256xf32, #tpu.memory_space<hbm>>) offsets(%dma_start3A : memref<16xi32, #tpu.memory_space<vmem>>) semaphore(%arg39 : memref<!tpu.dma_semaphore, #tpu.memory_space<semaphore_mem>>)
        %add3A_561 = arith.constant 8 : i32
        %add3A_562 = arith.addi %add3A_527, %add3A_561 : i32
        %lt3A_563 = arith.cmpi slt, %add3A_562, %select_n3A_198 : i32
        %convert_element_type3A_564 = arith.extui %lt3A_563 : i1 to i32
        %cond3A_565 = arith.constant 0 : i32
        %cond3A_566 = arith.cmpi ne, %convert_element_type3A_564, %cond3A_565 : i32
        scf.if %cond3A_566 {
          %ge3A = arith.constant 2 : i32
          %ge3A_567 = arith.cmpi sge, %add3A_527, %ge3A : i32
          %convert_element_type3A_568 = arith.extui %ge3A_567 : i1 to i32
          %cond3A_569 = arith.constant 0 : i32
          %cond3A_570 = arith.cmpi ne, %convert_element_type3A_568, %cond3A_569 : i32
          scf.if %cond3A_570 {
            %dma_wait3A_579 = arith.constant 0 : i32
            %dma_wait3A_580 = tpu.memref_slice %arg11[%dma_wait3A_579] : memref<16416xi32, #tpu.memory_space<vmem>> -> memref<16xi32, #tpu.memory_space<vmem>>
            %dma_wait3A_581 = arith.constant 0 : i32
            %dma_wait3A_582 = arith.constant 0 : i32
            %dma_wait3A_583 = tpu.memref_slice %arg6[%dma_wait3A_581, %dma_wait3A_582] : memref<16384x256xf32, #tpu.memory_space<hbm>> -> memref<16384x256xf32, #tpu.memory_space<hbm>>
            tpu.wait_indirect_dma semaphore(%arg37 : memref<!tpu.dma_semaphore, #tpu.memory_space<semaphore_mem>>) src(%arg17 : memref<16x256xf32, #tpu.memory_space<vmem>>) dst(%dma_wait3A_583 : memref<16384x256xf32, #tpu.memory_space<hbm>>)
          } else {
          }
          %add3A_571 = arith.constant 8 : i32
          %add3A_572 = arith.addi %add3A_527, %add3A_571 : i32
          %mul3A_573 = arith.constant 16 : i32
          %mul3A_574 = arith.muli %add3A_572, %mul3A_573 : i32
          %dma_start3A_575 = tpu.memref_slice %arg12[%mul3A_574] : memref<16416xi32, #tpu.memory_space<vmem>> -> memref<16xi32, #tpu.memory_space<vmem>>
          %dma_start3A_576 = arith.constant 0 : i32
          %dma_start3A_577 = arith.constant 0 : i32
          %dma_start3A_578 = tpu.memref_slice %arg4[%dma_start3A_576, %dma_start3A_577] : memref<16384x256xf32, #tpu.memory_space<hbm>> -> memref<16384x256xf32, #tpu.memory_space<hbm>>
          tpu.enqueue_indirect_dma source(%dma_start3A_578 : memref<16384x256xf32, #tpu.memory_space<hbm>>) target(%arg17 : memref<16x256xf32, #tpu.memory_space<vmem>>) offsets(%dma_start3A_575 : memref<16xi32, #tpu.memory_space<vmem>>) semaphore(%arg27 : memref<!tpu.dma_semaphore, #tpu.memory_space<semaphore_mem>>)
        } else {
        }
      } else {
      }
      %add3A_532 = arith.constant 7 : i32
      %add3A_533 = arith.addi %mul3A_489, %add3A_532 : i32
      %lt3A_534 = arith.cmpi slt, %add3A_533, %select_n3A_198 : i32
      %convert_element_type3A_535 = arith.extui %lt3A_534 : i1 to i32
      %cond3A_536 = arith.constant 0 : i32
      %cond3A_537 = arith.cmpi ne, %convert_element_type3A_535, %cond3A_536 : i32
      scf.if %cond3A_537 {
        %mul3A_551 = arith.constant 16 : i32
        %mul3A_552 = arith.muli %add3A_533, %mul3A_551 : i32
        %dma_wait3A = tpu.memref_slice %arg12[%mul3A_552] : memref<16416xi32, #tpu.memory_space<vmem>> -> memref<16xi32, #tpu.memory_space<vmem>>
        %dma_wait3A_553 = arith.constant 0 : i32
        %dma_wait3A_554 = arith.constant 0 : i32
        %dma_wait3A_555 = tpu.memref_slice %arg4[%dma_wait3A_553, %dma_wait3A_554] : memref<16384x256xf32, #tpu.memory_space<hbm>> -> memref<16384x256xf32, #tpu.memory_space<hbm>>
        tpu.wait_indirect_dma semaphore(%arg30 : memref<!tpu.dma_semaphore, #tpu.memory_space<semaphore_mem>>) src(%dma_wait3A_555 : memref<16384x256xf32, #tpu.memory_space<hbm>>) dst(%arg20 : memref<16x256xf32, #tpu.memory_space<vmem>>)
        %mul3A_556 = arith.constant 16 : i32
        %mul3A_557 = arith.muli %add3A_533, %mul3A_556 : i32
        %dma_start3A = tpu.memref_slice %arg11[%mul3A_557] : memref<16416xi32, #tpu.memory_space<vmem>> -> memref<16xi32, #tpu.memory_space<vmem>>
        %dma_start3A_558 = arith.constant 0 : i32
        %dma_start3A_559 = arith.constant 0 : i32
        %dma_start3A_560 = tpu.memref_slice %arg6[%dma_start3A_558, %dma_start3A_559] : memref<16384x256xf32, #tpu.memory_space<hbm>> -> memref<16384x256xf32, #tpu.memory_space<hbm>>
        tpu.enqueue_indirect_dma source(%arg20 : memref<16x256xf32, #tpu.memory_space<vmem>>) target(%dma_start3A_560 : memref<16384x256xf32, #tpu.memory_space<hbm>>) offsets(%dma_start3A : memref<16xi32, #tpu.memory_space<vmem>>) semaphore(%arg40 : memref<!tpu.dma_semaphore, #tpu.memory_space<semaphore_mem>>)
        %add3A_561 = arith.constant 8 : i32
        %add3A_562 = arith.addi %add3A_533, %add3A_561 : i32
        %lt3A_563 = arith.cmpi slt, %add3A_562, %select_n3A_198 : i32
        %convert_element_type3A_564 = arith.extui %lt3A_563 : i1 to i32
        %cond3A_565 = arith.constant 0 : i32
        %cond3A_566 = arith.cmpi ne, %convert_element_type3A_564, %cond3A_565 : i32
        scf.if %cond3A_566 {
          %ge3A = arith.constant 2 : i32
          %ge3A_567 = arith.cmpi sge, %add3A_533, %ge3A : i32
          %convert_element_type3A_568 = arith.extui %ge3A_567 : i1 to i32
          %cond3A_569 = arith.constant 0 : i32
          %cond3A_570 = arith.cmpi ne, %convert_element_type3A_568, %cond3A_569 : i32
          scf.if %cond3A_570 {
            %dma_wait3A_579 = arith.constant 0 : i32
            %dma_wait3A_580 = tpu.memref_slice %arg11[%dma_wait3A_579] : memref<16416xi32, #tpu.memory_space<vmem>> -> memref<16xi32, #tpu.memory_space<vmem>>
            %dma_wait3A_581 = arith.constant 0 : i32
            %dma_wait3A_582 = arith.constant 0 : i32
            %dma_wait3A_583 = tpu.memref_slice %arg6[%dma_wait3A_581, %dma_wait3A_582] : memref<16384x256xf32, #tpu.memory_space<hbm>> -> memref<16384x256xf32, #tpu.memory_space<hbm>>
            tpu.wait_indirect_dma semaphore(%arg38 : memref<!tpu.dma_semaphore, #tpu.memory_space<semaphore_mem>>) src(%arg18 : memref<16x256xf32, #tpu.memory_space<vmem>>) dst(%dma_wait3A_583 : memref<16384x256xf32, #tpu.memory_space<hbm>>)
          } else {
          }
          %add3A_571 = arith.constant 8 : i32
          %add3A_572 = arith.addi %add3A_533, %add3A_571 : i32
          %mul3A_573 = arith.constant 16 : i32
          %mul3A_574 = arith.muli %add3A_572, %mul3A_573 : i32
          %dma_start3A_575 = tpu.memref_slice %arg12[%mul3A_574] : memref<16416xi32, #tpu.memory_space<vmem>> -> memref<16xi32, #tpu.memory_space<vmem>>
          %dma_start3A_576 = arith.constant 0 : i32
          %dma_start3A_577 = arith.constant 0 : i32
          %dma_start3A_578 = tpu.memref_slice %arg4[%dma_start3A_576, %dma_start3A_577] : memref<16384x256xf32, #tpu.memory_space<hbm>> -> memref<16384x256xf32, #tpu.memory_space<hbm>>
          tpu.enqueue_indirect_dma source(%dma_start3A_578 : memref<16384x256xf32, #tpu.memory_space<hbm>>) target(%arg18 : memref<16x256xf32, #tpu.memory_space<vmem>>) offsets(%dma_start3A_575 : memref<16xi32, #tpu.memory_space<vmem>>) semaphore(%arg28 : memref<!tpu.dma_semaphore, #tpu.memory_space<semaphore_mem>>)
        } else {
        }
      } else {
      }
      %add3A_538 = arith.constant 8 : i32
      %add3A_539 = arith.addi %mul3A_489, %add3A_538 : i32
      %lt3A_540 = arith.cmpi slt, %add3A_539, %select_n3A_198 : i32
      %convert_element_type3A_541 = arith.extui %lt3A_540 : i1 to i32
      %cond3A_542 = arith.constant 0 : i32
      %cond3A_543 = arith.cmpi ne, %convert_element_type3A_541, %cond3A_542 : i32
      scf.if %cond3A_543 {
        %mul3A_551 = arith.constant 16 : i32
        %mul3A_552 = arith.muli %add3A_539, %mul3A_551 : i32
        %dma_wait3A = tpu.memref_slice %arg12[%mul3A_552] : memref<16416xi32, #tpu.memory_space<vmem>> -> memref<16xi32, #tpu.memory_space<vmem>>
        %dma_wait3A_553 = arith.constant 0 : i32
        %dma_wait3A_554 = arith.constant 0 : i32
        %dma_wait3A_555 = tpu.memref_slice %arg4[%dma_wait3A_553, %dma_wait3A_554] : memref<16384x256xf32, #tpu.memory_space<hbm>> -> memref<16384x256xf32, #tpu.memory_space<hbm>>
        tpu.wait_indirect_dma semaphore(%arg31 : memref<!tpu.dma_semaphore, #tpu.memory_space<semaphore_mem>>) src(%dma_wait3A_555 : memref<16384x256xf32, #tpu.memory_space<hbm>>) dst(%arg21 : memref<16x256xf32, #tpu.memory_space<vmem>>)
        %mul3A_556 = arith.constant 16 : i32
        %mul3A_557 = arith.muli %add3A_539, %mul3A_556 : i32
        %dma_start3A = tpu.memref_slice %arg11[%mul3A_557] : memref<16416xi32, #tpu.memory_space<vmem>> -> memref<16xi32, #tpu.memory_space<vmem>>
        %dma_start3A_558 = arith.constant 0 : i32
        %dma_start3A_559 = arith.constant 0 : i32
        %dma_start3A_560 = tpu.memref_slice %arg6[%dma_start3A_558, %dma_start3A_559] : memref<16384x256xf32, #tpu.memory_space<hbm>> -> memref<16384x256xf32, #tpu.memory_space<hbm>>
        tpu.enqueue_indirect_dma source(%arg21 : memref<16x256xf32, #tpu.memory_space<vmem>>) target(%dma_start3A_560 : memref<16384x256xf32, #tpu.memory_space<hbm>>) offsets(%dma_start3A : memref<16xi32, #tpu.memory_space<vmem>>) semaphore(%arg41 : memref<!tpu.dma_semaphore, #tpu.memory_space<semaphore_mem>>)
        %add3A_561 = arith.constant 8 : i32
        %add3A_562 = arith.addi %add3A_539, %add3A_561 : i32
        %lt3A_563 = arith.cmpi slt, %add3A_562, %select_n3A_198 : i32
        %convert_element_type3A_564 = arith.extui %lt3A_563 : i1 to i32
        %cond3A_565 = arith.constant 0 : i32
        %cond3A_566 = arith.cmpi ne, %convert_element_type3A_564, %cond3A_565 : i32
        scf.if %cond3A_566 {
          %ge3A = arith.constant 2 : i32
          %ge3A_567 = arith.cmpi sge, %add3A_539, %ge3A : i32
          %convert_element_type3A_568 = arith.extui %ge3A_567 : i1 to i32
          %cond3A_569 = arith.constant 0 : i32
          %cond3A_570 = arith.cmpi ne, %convert_element_type3A_568, %cond3A_569 : i32
          scf.if %cond3A_570 {
            %dma_wait3A_579 = arith.constant 0 : i32
            %dma_wait3A_580 = tpu.memref_slice %arg11[%dma_wait3A_579] : memref<16416xi32, #tpu.memory_space<vmem>> -> memref<16xi32, #tpu.memory_space<vmem>>
            %dma_wait3A_581 = arith.constant 0 : i32
            %dma_wait3A_582 = arith.constant 0 : i32
            %dma_wait3A_583 = tpu.memref_slice %arg6[%dma_wait3A_581, %dma_wait3A_582] : memref<16384x256xf32, #tpu.memory_space<hbm>> -> memref<16384x256xf32, #tpu.memory_space<hbm>>
            tpu.wait_indirect_dma semaphore(%arg39 : memref<!tpu.dma_semaphore, #tpu.memory_space<semaphore_mem>>) src(%arg19 : memref<16x256xf32, #tpu.memory_space<vmem>>) dst(%dma_wait3A_583 : memref<16384x256xf32, #tpu.memory_space<hbm>>)
          } else {
          }
          %add3A_571 = arith.constant 8 : i32
          %add3A_572 = arith.addi %add3A_539, %add3A_571 : i32
          %mul3A_573 = arith.constant 16 : i32
          %mul3A_574 = arith.muli %add3A_572, %mul3A_573 : i32
          %dma_start3A_575 = tpu.memref_slice %arg12[%mul3A_574] : memref<16416xi32, #tpu.memory_space<vmem>> -> memref<16xi32, #tpu.memory_space<vmem>>
          %dma_start3A_576 = arith.constant 0 : i32
          %dma_start3A_577 = arith.constant 0 : i32
          %dma_start3A_578 = tpu.memref_slice %arg4[%dma_start3A_576, %dma_start3A_577] : memref<16384x256xf32, #tpu.memory_space<hbm>> -> memref<16384x256xf32, #tpu.memory_space<hbm>>
          tpu.enqueue_indirect_dma source(%dma_start3A_578 : memref<16384x256xf32, #tpu.memory_space<hbm>>) target(%arg19 : memref<16x256xf32, #tpu.memory_space<vmem>>) offsets(%dma_start3A_575 : memref<16xi32, #tpu.memory_space<vmem>>) semaphore(%arg29 : memref<!tpu.dma_semaphore, #tpu.memory_space<semaphore_mem>>)
        } else {
        }
      } else {
      }
      %add3A_544 = arith.constant 9 : i32
      %add3A_545 = arith.addi %mul3A_489, %add3A_544 : i32
      %lt3A_546 = arith.cmpi slt, %add3A_545, %select_n3A_198 : i32
      %convert_element_type3A_547 = arith.extui %lt3A_546 : i1 to i32
      %cond3A_548 = arith.constant 0 : i32
      %cond3A_549 = arith.cmpi ne, %convert_element_type3A_547, %cond3A_548 : i32
      scf.if %cond3A_549 {
        %mul3A_551 = arith.constant 16 : i32
        %mul3A_552 = arith.muli %add3A_545, %mul3A_551 : i32
        %dma_wait3A = tpu.memref_slice %arg12[%mul3A_552] : memref<16416xi32, #tpu.memory_space<vmem>> -> memref<16xi32, #tpu.memory_space<vmem>>
        %dma_wait3A_553 = arith.constant 0 : i32
        %dma_wait3A_554 = arith.constant 0 : i32
        %dma_wait3A_555 = tpu.memref_slice %arg4[%dma_wait3A_553, %dma_wait3A_554] : memref<16384x256xf32, #tpu.memory_space<hbm>> -> memref<16384x256xf32, #tpu.memory_space<hbm>>
        tpu.wait_indirect_dma semaphore(%arg32 : memref<!tpu.dma_semaphore, #tpu.memory_space<semaphore_mem>>) src(%dma_wait3A_555 : memref<16384x256xf32, #tpu.memory_space<hbm>>) dst(%arg22 : memref<16x256xf32, #tpu.memory_space<vmem>>)
        %mul3A_556 = arith.constant 16 : i32
        %mul3A_557 = arith.muli %add3A_545, %mul3A_556 : i32
        %dma_start3A = tpu.memref_slice %arg11[%mul3A_557] : memref<16416xi32, #tpu.memory_space<vmem>> -> memref<16xi32, #tpu.memory_space<vmem>>
        %dma_start3A_558 = arith.constant 0 : i32
        %dma_start3A_559 = arith.constant 0 : i32
        %dma_start3A_560 = tpu.memref_slice %arg6[%dma_start3A_558, %dma_start3A_559] : memref<16384x256xf32, #tpu.memory_space<hbm>> -> memref<16384x256xf32, #tpu.memory_space<hbm>>
        tpu.enqueue_indirect_dma source(%arg22 : memref<16x256xf32, #tpu.memory_space<vmem>>) target(%dma_start3A_560 : memref<16384x256xf32, #tpu.memory_space<hbm>>) offsets(%dma_start3A : memref<16xi32, #tpu.memory_space<vmem>>) semaphore(%arg42 : memref<!tpu.dma_semaphore, #tpu.memory_space<semaphore_mem>>)
        %add3A_561 = arith.constant 8 : i32
        %add3A_562 = arith.addi %add3A_545, %add3A_561 : i32
        %lt3A_563 = arith.cmpi slt, %add3A_562, %select_n3A_198 : i32
        %convert_element_type3A_564 = arith.extui %lt3A_563 : i1 to i32
        %cond3A_565 = arith.constant 0 : i32
        %cond3A_566 = arith.cmpi ne, %convert_element_type3A_564, %cond3A_565 : i32
        scf.if %cond3A_566 {
          %ge3A = arith.constant 2 : i32
          %ge3A_567 = arith.cmpi sge, %add3A_545, %ge3A : i32
          %convert_element_type3A_568 = arith.extui %ge3A_567 : i1 to i32
          %cond3A_569 = arith.constant 0 : i32
          %cond3A_570 = arith.cmpi ne, %convert_element_type3A_568, %cond3A_569 : i32
          scf.if %cond3A_570 {
            %dma_wait3A_579 = arith.constant 0 : i32
            %dma_wait3A_580 = tpu.memref_slice %arg11[%dma_wait3A_579] : memref<16416xi32, #tpu.memory_space<vmem>> -> memref<16xi32, #tpu.memory_space<vmem>>
            %dma_wait3A_581 = arith.constant 0 : i32
            %dma_wait3A_582 = arith.constant 0 : i32
            %dma_wait3A_583 = tpu.memref_slice %arg6[%dma_wait3A_581, %dma_wait3A_582] : memref<16384x256xf32, #tpu.memory_space<hbm>> -> memref<16384x256xf32, #tpu.memory_space<hbm>>
            tpu.wait_indirect_dma semaphore(%arg40 : memref<!tpu.dma_semaphore, #tpu.memory_space<semaphore_mem>>) src(%arg20 : memref<16x256xf32, #tpu.memory_space<vmem>>) dst(%dma_wait3A_583 : memref<16384x256xf32, #tpu.memory_space<hbm>>)
          } else {
          }
          %add3A_571 = arith.constant 8 : i32
          %add3A_572 = arith.addi %add3A_545, %add3A_571 : i32
          %mul3A_573 = arith.constant 16 : i32
          %mul3A_574 = arith.muli %add3A_572, %mul3A_573 : i32
          %dma_start3A_575 = tpu.memref_slice %arg12[%mul3A_574] : memref<16416xi32, #tpu.memory_space<vmem>> -> memref<16xi32, #tpu.memory_space<vmem>>
          %dma_start3A_576 = arith.constant 0 : i32
          %dma_start3A_577 = arith.constant 0 : i32
          %dma_start3A_578 = tpu.memref_slice %arg4[%dma_start3A_576, %dma_start3A_577] : memref<16384x256xf32, #tpu.memory_space<hbm>> -> memref<16384x256xf32, #tpu.memory_space<hbm>>
          tpu.enqueue_indirect_dma source(%dma_start3A_578 : memref<16384x256xf32, #tpu.memory_space<hbm>>) target(%arg20 : memref<16x256xf32, #tpu.memory_space<vmem>>) offsets(%dma_start3A_575 : memref<16xi32, #tpu.memory_space<vmem>>) semaphore(%arg30 : memref<!tpu.dma_semaphore, #tpu.memory_space<semaphore_mem>>)
        } else {
        }
      } else {
      }
      %while3A_550 = arith.constant 0 : i32
      scf.yield %while3A_550 : i32
    }
    %gt3A_278 = arith.constant 0 : i32
    %gt3A_279 = arith.cmpi sgt, %select_n3A_198, %gt3A_278 : i32
    %convert_element_type3A_280 = arith.extui %gt3A_279 : i1 to i32
    %cond3A_281 = arith.constant 0 : i32
    %cond3A_282 = arith.cmpi ne, %convert_element_type3A_280, %cond3A_281 : i32
    scf.if %cond3A_282 {
      %dma_wait3A = arith.constant 0 : i32
      %dma_wait3A_486 = tpu.memref_slice %arg11[%dma_wait3A] : memref<16416xi32, #tpu.memory_space<vmem>> -> memref<16xi32, #tpu.memory_space<vmem>>
      %dma_wait3A_487 = arith.constant 0 : i32
      %dma_wait3A_488 = arith.constant 0 : i32
      %dma_wait3A_489 = tpu.memref_slice %arg6[%dma_wait3A_487, %dma_wait3A_488] : memref<16384x256xf32, #tpu.memory_space<hbm>> -> memref<16384x256xf32, #tpu.memory_space<hbm>>
      tpu.wait_indirect_dma semaphore(%arg33 : memref<!tpu.dma_semaphore, #tpu.memory_space<semaphore_mem>>) src(%arg13 : memref<16x256xf32, #tpu.memory_space<vmem>>) dst(%dma_wait3A_489 : memref<16384x256xf32, #tpu.memory_space<hbm>>)
    } else {
    }
    %gt3A_283 = arith.constant 1 : i32
    %gt3A_284 = arith.cmpi sgt, %select_n3A_198, %gt3A_283 : i32
    %convert_element_type3A_285 = arith.extui %gt3A_284 : i1 to i32
    %cond3A_286 = arith.constant 0 : i32
    %cond3A_287 = arith.cmpi ne, %convert_element_type3A_285, %cond3A_286 : i32
    scf.if %cond3A_287 {
      %dma_wait3A = arith.constant 0 : i32
      %dma_wait3A_486 = tpu.memref_slice %arg11[%dma_wait3A] : memref<16416xi32, #tpu.memory_space<vmem>> -> memref<16xi32, #tpu.memory_space<vmem>>
      %dma_wait3A_487 = arith.constant 0 : i32
      %dma_wait3A_488 = arith.constant 0 : i32
      %dma_wait3A_489 = tpu.memref_slice %arg6[%dma_wait3A_487, %dma_wait3A_488] : memref<16384x256xf32, #tpu.memory_space<hbm>> -> memref<16384x256xf32, #tpu.memory_space<hbm>>
      tpu.wait_indirect_dma semaphore(%arg34 : memref<!tpu.dma_semaphore, #tpu.memory_space<semaphore_mem>>) src(%arg14 : memref<16x256xf32, #tpu.memory_space<vmem>>) dst(%dma_wait3A_489 : memref<16384x256xf32, #tpu.memory_space<hbm>>)
    } else {
    }
    %gt3A_288 = arith.constant 2 : i32
    %gt3A_289 = arith.cmpi sgt, %select_n3A_198, %gt3A_288 : i32
    %convert_element_type3A_290 = arith.extui %gt3A_289 : i1 to i32
    %cond3A_291 = arith.constant 0 : i32
    %cond3A_292 = arith.cmpi ne, %convert_element_type3A_290, %cond3A_291 : i32
    scf.if %cond3A_292 {
      %dma_wait3A = arith.constant 0 : i32
      %dma_wait3A_486 = tpu.memref_slice %arg11[%dma_wait3A] : memref<16416xi32, #tpu.memory_space<vmem>> -> memref<16xi32, #tpu.memory_space<vmem>>
      %dma_wait3A_487 = arith.constant 0 : i32
      %dma_wait3A_488 = arith.constant 0 : i32
      %dma_wait3A_489 = tpu.memref_slice %arg6[%dma_wait3A_487, %dma_wait3A_488] : memref<16384x256xf32, #tpu.memory_space<hbm>> -> memref<16384x256xf32, #tpu.memory_space<hbm>>
      tpu.wait_indirect_dma semaphore(%arg35 : memref<!tpu.dma_semaphore, #tpu.memory_space<semaphore_mem>>) src(%arg15 : memref<16x256xf32, #tpu.memory_space<vmem>>) dst(%dma_wait3A_489 : memref<16384x256xf32, #tpu.memory_space<hbm>>)
    } else {
    }
    %gt3A_293 = arith.constant 3 : i32
    %gt3A_294 = arith.cmpi sgt, %select_n3A_198, %gt3A_293 : i32
    %convert_element_type3A_295 = arith.extui %gt3A_294 : i1 to i32
    %cond3A_296 = arith.constant 0 : i32
    %cond3A_297 = arith.cmpi ne, %convert_element_type3A_295, %cond3A_296 : i32
    scf.if %cond3A_297 {
      %dma_wait3A = arith.constant 0 : i32
      %dma_wait3A_486 = tpu.memref_slice %arg11[%dma_wait3A] : memref<16416xi32, #tpu.memory_space<vmem>> -> memref<16xi32, #tpu.memory_space<vmem>>
      %dma_wait3A_487 = arith.constant 0 : i32
      %dma_wait3A_488 = arith.constant 0 : i32
      %dma_wait3A_489 = tpu.memref_slice %arg6[%dma_wait3A_487, %dma_wait3A_488] : memref<16384x256xf32, #tpu.memory_space<hbm>> -> memref<16384x256xf32, #tpu.memory_space<hbm>>
      tpu.wait_indirect_dma semaphore(%arg36 : memref<!tpu.dma_semaphore, #tpu.memory_space<semaphore_mem>>) src(%arg16 : memref<16x256xf32, #tpu.memory_space<vmem>>) dst(%dma_wait3A_489 : memref<16384x256xf32, #tpu.memory_space<hbm>>)
    } else {
    }
    %gt3A_298 = arith.constant 4 : i32
    %gt3A_299 = arith.cmpi sgt, %select_n3A_198, %gt3A_298 : i32
    %convert_element_type3A_300 = arith.extui %gt3A_299 : i1 to i32
    %cond3A_301 = arith.constant 0 : i32
    %cond3A_302 = arith.cmpi ne, %convert_element_type3A_300, %cond3A_301 : i32
    scf.if %cond3A_302 {
      %dma_wait3A = arith.constant 0 : i32
      %dma_wait3A_486 = tpu.memref_slice %arg11[%dma_wait3A] : memref<16416xi32, #tpu.memory_space<vmem>> -> memref<16xi32, #tpu.memory_space<vmem>>
      %dma_wait3A_487 = arith.constant 0 : i32
      %dma_wait3A_488 = arith.constant 0 : i32
      %dma_wait3A_489 = tpu.memref_slice %arg6[%dma_wait3A_487, %dma_wait3A_488] : memref<16384x256xf32, #tpu.memory_space<hbm>> -> memref<16384x256xf32, #tpu.memory_space<hbm>>
      tpu.wait_indirect_dma semaphore(%arg37 : memref<!tpu.dma_semaphore, #tpu.memory_space<semaphore_mem>>) src(%arg17 : memref<16x256xf32, #tpu.memory_space<vmem>>) dst(%dma_wait3A_489 : memref<16384x256xf32, #tpu.memory_space<hbm>>)
    } else {
    }
    %gt3A_303 = arith.constant 5 : i32
    %gt3A_304 = arith.cmpi sgt, %select_n3A_198, %gt3A_303 : i32
    %convert_element_type3A_305 = arith.extui %gt3A_304 : i1 to i32
    %cond3A_306 = arith.constant 0 : i32
    %cond3A_307 = arith.cmpi ne, %convert_element_type3A_305, %cond3A_306 : i32
    scf.if %cond3A_307 {
      %dma_wait3A = arith.constant 0 : i32
      %dma_wait3A_486 = tpu.memref_slice %arg11[%dma_wait3A] : memref<16416xi32, #tpu.memory_space<vmem>> -> memref<16xi32, #tpu.memory_space<vmem>>
      %dma_wait3A_487 = arith.constant 0 : i32
      %dma_wait3A_488 = arith.constant 0 : i32
      %dma_wait3A_489 = tpu.memref_slice %arg6[%dma_wait3A_487, %dma_wait3A_488] : memref<16384x256xf32, #tpu.memory_space<hbm>> -> memref<16384x256xf32, #tpu.memory_space<hbm>>
      tpu.wait_indirect_dma semaphore(%arg38 : memref<!tpu.dma_semaphore, #tpu.memory_space<semaphore_mem>>) src(%arg18 : memref<16x256xf32, #tpu.memory_space<vmem>>) dst(%dma_wait3A_489 : memref<16384x256xf32, #tpu.memory_space<hbm>>)
    } else {
    }
    %gt3A_308 = arith.constant 6 : i32
    %gt3A_309 = arith.cmpi sgt, %select_n3A_198, %gt3A_308 : i32
    %convert_element_type3A_310 = arith.extui %gt3A_309 : i1 to i32
    %cond3A_311 = arith.constant 0 : i32
    %cond3A_312 = arith.cmpi ne, %convert_element_type3A_310, %cond3A_311 : i32
    scf.if %cond3A_312 {
      %dma_wait3A = arith.constant 0 : i32
      %dma_wait3A_486 = tpu.memref_slice %arg11[%dma_wait3A] : memref<16416xi32, #tpu.memory_space<vmem>> -> memref<16xi32, #tpu.memory_space<vmem>>
      %dma_wait3A_487 = arith.constant 0 : i32
      %dma_wait3A_488 = arith.constant 0 : i32
      %dma_wait3A_489 = tpu.memref_slice %arg6[%dma_wait3A_487, %dma_wait3A_488] : memref<16384x256xf32, #tpu.memory_space<hbm>> -> memref<16384x256xf32, #tpu.memory_space<hbm>>
      tpu.wait_indirect_dma semaphore(%arg39 : memref<!tpu.dma_semaphore, #tpu.memory_space<semaphore_mem>>) src(%arg19 : memref<16x256xf32, #tpu.memory_space<vmem>>) dst(%dma_wait3A_489 : memref<16384x256xf32, #tpu.memory_space<hbm>>)
    } else {
    }
    %gt3A_313 = arith.constant 7 : i32
    %gt3A_314 = arith.cmpi sgt, %select_n3A_198, %gt3A_313 : i32
    %convert_element_type3A_315 = arith.extui %gt3A_314 : i1 to i32
    %cond3A_316 = arith.constant 0 : i32
    %cond3A_317 = arith.cmpi ne, %convert_element_type3A_315, %cond3A_316 : i32
    scf.if %cond3A_317 {
      %dma_wait3A = arith.constant 0 : i32
      %dma_wait3A_486 = tpu.memref_slice %arg11[%dma_wait3A] : memref<16416xi32, #tpu.memory_space<vmem>> -> memref<16xi32, #tpu.memory_space<vmem>>
      %dma_wait3A_487 = arith.constant 0 : i32
      %dma_wait3A_488 = arith.constant 0 : i32
      %dma_wait3A_489 = tpu.memref_slice %arg6[%dma_wait3A_487, %dma_wait3A_488] : memref<16384x256xf32, #tpu.memory_space<hbm>> -> memref<16384x256xf32, #tpu.memory_space<hbm>>
      tpu.wait_indirect_dma semaphore(%arg40 : memref<!tpu.dma_semaphore, #tpu.memory_space<semaphore_mem>>) src(%arg20 : memref<16x256xf32, #tpu.memory_space<vmem>>) dst(%dma_wait3A_489 : memref<16384x256xf32, #tpu.memory_space<hbm>>)
    } else {
    }
    %gt3A_318 = arith.constant 8 : i32
    %gt3A_319 = arith.cmpi sgt, %select_n3A_198, %gt3A_318 : i32
    %convert_element_type3A_320 = arith.extui %gt3A_319 : i1 to i32
    %cond3A_321 = arith.constant 0 : i32
    %cond3A_322 = arith.cmpi ne, %convert_element_type3A_320, %cond3A_321 : i32
    scf.if %cond3A_322 {
      %dma_wait3A = arith.constant 0 : i32
      %dma_wait3A_486 = tpu.memref_slice %arg11[%dma_wait3A] : memref<16416xi32, #tpu.memory_space<vmem>> -> memref<16xi32, #tpu.memory_space<vmem>>
      %dma_wait3A_487 = arith.constant 0 : i32
      %dma_wait3A_488 = arith.constant 0 : i32
      %dma_wait3A_489 = tpu.memref_slice %arg6[%dma_wait3A_487, %dma_wait3A_488] : memref<16384x256xf32, #tpu.memory_space<hbm>> -> memref<16384x256xf32, #tpu.memory_space<hbm>>
      tpu.wait_indirect_dma semaphore(%arg41 : memref<!tpu.dma_semaphore, #tpu.memory_space<semaphore_mem>>) src(%arg21 : memref<16x256xf32, #tpu.memory_space<vmem>>) dst(%dma_wait3A_489 : memref<16384x256xf32, #tpu.memory_space<hbm>>)
    } else {
    }
    %gt3A_323 = arith.constant 9 : i32
    %gt3A_324 = arith.cmpi sgt, %select_n3A_198, %gt3A_323 : i32
    %convert_element_type3A_325 = arith.extui %gt3A_324 : i1 to i32
    %cond3A_326 = arith.constant 0 : i32
    %cond3A_327 = arith.cmpi ne, %convert_element_type3A_325, %cond3A_326 : i32
    scf.if %cond3A_327 {
      %dma_wait3A = arith.constant 0 : i32
      %dma_wait3A_486 = tpu.memref_slice %arg11[%dma_wait3A] : memref<16416xi32, #tpu.memory_space<vmem>> -> memref<16xi32, #tpu.memory_space<vmem>>
      %dma_wait3A_487 = arith.constant 0 : i32
      %dma_wait3A_488 = arith.constant 0 : i32
      %dma_wait3A_489 = tpu.memref_slice %arg6[%dma_wait3A_487, %dma_wait3A_488] : memref<16384x256xf32, #tpu.memory_space<hbm>> -> memref<16384x256xf32, #tpu.memory_space<hbm>>
      tpu.wait_indirect_dma semaphore(%arg42 : memref<!tpu.dma_semaphore, #tpu.memory_space<semaphore_mem>>) src(%arg22 : memref<16x256xf32, #tpu.memory_space<vmem>>) dst(%dma_wait3A_489 : memref<16384x256xf32, #tpu.memory_space<hbm>>)
    } else {
    }
    %add3A_328 = arith.constant 16 : i32
    %add3A_329 = arith.addi %reduce_max3A_128, %add3A_328 : i32
    %sub3A_330 = arith.constant 1 : i32
    %sub3A_331 = arith.subi %add3A_329, %sub3A_330 : i32
    %jit3A_332 = arith.constant 16 : i32
    %div3A_333 = arith.divsi %sub3A_331, %jit3A_332 : i32
    %sign3A_334 = arith.constant 0 : i32
    %sign3A_335 = arith.cmpi sgt, %sub3A_331, %sign3A_334 : i32
    %sign3A_336 = arith.extui %sign3A_335 : i1 to i32
    %sign3A_337 = arith.constant 0 : i32
    %sign3A_338 = arith.cmpi slt, %sub3A_331, %sign3A_337 : i32
    %sign3A_339 = arith.extui %sign3A_338 : i1 to i32
    %sign3A_340 = arith.subi %sign3A_336, %sign3A_339 : i32
    %sign3A_341 = arith.constant 0 : i32
    %sign3A_342 = arith.cmpi sgt, %jit3A_332, %sign3A_341 : i32
    %sign3A_343 = arith.extui %sign3A_342 : i1 to i32
    %sign3A_344 = arith.constant 0 : i32
    %sign3A_345 = arith.cmpi slt, %jit3A_332, %sign3A_344 : i32
    %sign3A_346 = arith.extui %sign3A_345 : i1 to i32
    %sign3A_347 = arith.subi %sign3A_343, %sign3A_346 : i32
    %ne3A_348 = arith.cmpi ne, %sign3A_340, %sign3A_347 : i32
    %rem3A_349 = arith.remsi %sub3A_331, %jit3A_332 : i32
    %ne3A_350 = arith.constant 0 : i32
    %ne3A_351 = arith.cmpi ne, %rem3A_349, %ne3A_350 : i32
    %and3A_352 = arith.andi %ne3A_348, %ne3A_351 : i1
    %sub3A_353 = arith.constant 1 : i32
    %sub3A_354 = arith.subi %div3A_333, %sub3A_353 : i32
    %select_n3A_355 = arith.select %and3A_352, %sub3A_354, %div3A_333 : i32
    %gt3A_356 = arith.constant 0 : i32
    %gt3A_357 = arith.cmpi sgt, %select_n3A_355, %gt3A_356 : i32
    %convert_element_type3A_358 = arith.extui %gt3A_357 : i1 to i32
    %cond3A_359 = arith.constant 0 : i32
    %cond3A_360 = arith.cmpi ne, %convert_element_type3A_358, %cond3A_359 : i32
    scf.if %cond3A_360 {
      %dma_start3A = arith.constant 16400 : i32
      %dma_start3A_486 = tpu.memref_slice %arg12[%dma_start3A] : memref<16416xi32, #tpu.memory_space<vmem>> -> memref<16xi32, #tpu.memory_space<vmem>>
      %dma_start3A_487 = arith.constant 0 : i32
      %dma_start3A_488 = arith.constant 0 : i32
      %dma_start3A_489 = tpu.memref_slice %arg2[%dma_start3A_487, %dma_start3A_488] : memref<65536x256xf32, #tpu.memory_space<hbm>> -> memref<65536x256xf32, #tpu.memory_space<hbm>>
      tpu.enqueue_indirect_dma source(%dma_start3A_489 : memref<65536x256xf32, #tpu.memory_space<hbm>>) target(%arg13 : memref<16x256xf32, #tpu.memory_space<vmem>>) offsets(%dma_start3A_486 : memref<16xi32, #tpu.memory_space<vmem>>) semaphore(%arg23 : memref<!tpu.dma_semaphore, #tpu.memory_space<semaphore_mem>>)
    } else {
    }
    %gt3A_361 = arith.constant 1 : i32
    %gt3A_362 = arith.cmpi sgt, %select_n3A_355, %gt3A_361 : i32
    %convert_element_type3A_363 = arith.extui %gt3A_362 : i1 to i32
    %cond3A_364 = arith.constant 0 : i32
    %cond3A_365 = arith.cmpi ne, %convert_element_type3A_363, %cond3A_364 : i32
    scf.if %cond3A_365 {
      %dma_start3A = arith.constant 16384 : i32
      %dma_start3A_486 = tpu.memref_slice %arg12[%dma_start3A] : memref<16416xi32, #tpu.memory_space<vmem>> -> memref<16xi32, #tpu.memory_space<vmem>>
      %dma_start3A_487 = arith.constant 0 : i32
      %dma_start3A_488 = arith.constant 0 : i32
      %dma_start3A_489 = tpu.memref_slice %arg2[%dma_start3A_487, %dma_start3A_488] : memref<65536x256xf32, #tpu.memory_space<hbm>> -> memref<65536x256xf32, #tpu.memory_space<hbm>>
      tpu.enqueue_indirect_dma source(%dma_start3A_489 : memref<65536x256xf32, #tpu.memory_space<hbm>>) target(%arg14 : memref<16x256xf32, #tpu.memory_space<vmem>>) offsets(%dma_start3A_486 : memref<16xi32, #tpu.memory_space<vmem>>) semaphore(%arg24 : memref<!tpu.dma_semaphore, #tpu.memory_space<semaphore_mem>>)
    } else {
    }
    %gt3A_366 = arith.constant 2 : i32
    %gt3A_367 = arith.cmpi sgt, %select_n3A_355, %gt3A_366 : i32
    %convert_element_type3A_368 = arith.extui %gt3A_367 : i1 to i32
    %cond3A_369 = arith.constant 0 : i32
    %cond3A_370 = arith.cmpi ne, %convert_element_type3A_368, %cond3A_369 : i32
    scf.if %cond3A_370 {
      %dma_start3A = arith.constant 16368 : i32
      %dma_start3A_486 = tpu.memref_slice %arg12[%dma_start3A] : memref<16416xi32, #tpu.memory_space<vmem>> -> memref<16xi32, #tpu.memory_space<vmem>>
      %dma_start3A_487 = arith.constant 0 : i32
      %dma_start3A_488 = arith.constant 0 : i32
      %dma_start3A_489 = tpu.memref_slice %arg2[%dma_start3A_487, %dma_start3A_488] : memref<65536x256xf32, #tpu.memory_space<hbm>> -> memref<65536x256xf32, #tpu.memory_space<hbm>>
      tpu.enqueue_indirect_dma source(%dma_start3A_489 : memref<65536x256xf32, #tpu.memory_space<hbm>>) target(%arg15 : memref<16x256xf32, #tpu.memory_space<vmem>>) offsets(%dma_start3A_486 : memref<16xi32, #tpu.memory_space<vmem>>) semaphore(%arg25 : memref<!tpu.dma_semaphore, #tpu.memory_space<semaphore_mem>>)
    } else {
    }
    %gt3A_371 = arith.constant 3 : i32
    %gt3A_372 = arith.cmpi sgt, %select_n3A_355, %gt3A_371 : i32
    %convert_element_type3A_373 = arith.extui %gt3A_372 : i1 to i32
    %cond3A_374 = arith.constant 0 : i32
    %cond3A_375 = arith.cmpi ne, %convert_element_type3A_373, %cond3A_374 : i32
    scf.if %cond3A_375 {
      %dma_start3A = arith.constant 16352 : i32
      %dma_start3A_486 = tpu.memref_slice %arg12[%dma_start3A] : memref<16416xi32, #tpu.memory_space<vmem>> -> memref<16xi32, #tpu.memory_space<vmem>>
      %dma_start3A_487 = arith.constant 0 : i32
      %dma_start3A_488 = arith.constant 0 : i32
      %dma_start3A_489 = tpu.memref_slice %arg2[%dma_start3A_487, %dma_start3A_488] : memref<65536x256xf32, #tpu.memory_space<hbm>> -> memref<65536x256xf32, #tpu.memory_space<hbm>>
      tpu.enqueue_indirect_dma source(%dma_start3A_489 : memref<65536x256xf32, #tpu.memory_space<hbm>>) target(%arg16 : memref<16x256xf32, #tpu.memory_space<vmem>>) offsets(%dma_start3A_486 : memref<16xi32, #tpu.memory_space<vmem>>) semaphore(%arg26 : memref<!tpu.dma_semaphore, #tpu.memory_space<semaphore_mem>>)
    } else {
    }
    %gt3A_376 = arith.constant 4 : i32
    %gt3A_377 = arith.cmpi sgt, %select_n3A_355, %gt3A_376 : i32
    %convert_element_type3A_378 = arith.extui %gt3A_377 : i1 to i32
    %cond3A_379 = arith.constant 0 : i32
    %cond3A_380 = arith.cmpi ne, %convert_element_type3A_378, %cond3A_379 : i32
    scf.if %cond3A_380 {
      %dma_start3A = arith.constant 16336 : i32
      %dma_start3A_486 = tpu.memref_slice %arg12[%dma_start3A] : memref<16416xi32, #tpu.memory_space<vmem>> -> memref<16xi32, #tpu.memory_space<vmem>>
      %dma_start3A_487 = arith.constant 0 : i32
      %dma_start3A_488 = arith.constant 0 : i32
      %dma_start3A_489 = tpu.memref_slice %arg2[%dma_start3A_487, %dma_start3A_488] : memref<65536x256xf32, #tpu.memory_space<hbm>> -> memref<65536x256xf32, #tpu.memory_space<hbm>>
      tpu.enqueue_indirect_dma source(%dma_start3A_489 : memref<65536x256xf32, #tpu.memory_space<hbm>>) target(%arg17 : memref<16x256xf32, #tpu.memory_space<vmem>>) offsets(%dma_start3A_486 : memref<16xi32, #tpu.memory_space<vmem>>) semaphore(%arg27 : memref<!tpu.dma_semaphore, #tpu.memory_space<semaphore_mem>>)
    } else {
    }
    %gt3A_381 = arith.constant 5 : i32
    %gt3A_382 = arith.cmpi sgt, %select_n3A_355, %gt3A_381 : i32
    %convert_element_type3A_383 = arith.extui %gt3A_382 : i1 to i32
    %cond3A_384 = arith.constant 0 : i32
    %cond3A_385 = arith.cmpi ne, %convert_element_type3A_383, %cond3A_384 : i32
    scf.if %cond3A_385 {
      %dma_start3A = arith.constant 16320 : i32
      %dma_start3A_486 = tpu.memref_slice %arg12[%dma_start3A] : memref<16416xi32, #tpu.memory_space<vmem>> -> memref<16xi32, #tpu.memory_space<vmem>>
      %dma_start3A_487 = arith.constant 0 : i32
      %dma_start3A_488 = arith.constant 0 : i32
      %dma_start3A_489 = tpu.memref_slice %arg2[%dma_start3A_487, %dma_start3A_488] : memref<65536x256xf32, #tpu.memory_space<hbm>> -> memref<65536x256xf32, #tpu.memory_space<hbm>>
      tpu.enqueue_indirect_dma source(%dma_start3A_489 : memref<65536x256xf32, #tpu.memory_space<hbm>>) target(%arg18 : memref<16x256xf32, #tpu.memory_space<vmem>>) offsets(%dma_start3A_486 : memref<16xi32, #tpu.memory_space<vmem>>) semaphore(%arg28 : memref<!tpu.dma_semaphore, #tpu.memory_space<semaphore_mem>>)
    } else {
    }
    %gt3A_386 = arith.constant 6 : i32
    %gt3A_387 = arith.cmpi sgt, %select_n3A_355, %gt3A_386 : i32
    %convert_element_type3A_388 = arith.extui %gt3A_387 : i1 to i32
    %cond3A_389 = arith.constant 0 : i32
    %cond3A_390 = arith.cmpi ne, %convert_element_type3A_388, %cond3A_389 : i32
    scf.if %cond3A_390 {
      %dma_start3A = arith.constant 16304 : i32
      %dma_start3A_486 = tpu.memref_slice %arg12[%dma_start3A] : memref<16416xi32, #tpu.memory_space<vmem>> -> memref<16xi32, #tpu.memory_space<vmem>>
      %dma_start3A_487 = arith.constant 0 : i32
      %dma_start3A_488 = arith.constant 0 : i32
      %dma_start3A_489 = tpu.memref_slice %arg2[%dma_start3A_487, %dma_start3A_488] : memref<65536x256xf32, #tpu.memory_space<hbm>> -> memref<65536x256xf32, #tpu.memory_space<hbm>>
      tpu.enqueue_indirect_dma source(%dma_start3A_489 : memref<65536x256xf32, #tpu.memory_space<hbm>>) target(%arg19 : memref<16x256xf32, #tpu.memory_space<vmem>>) offsets(%dma_start3A_486 : memref<16xi32, #tpu.memory_space<vmem>>) semaphore(%arg29 : memref<!tpu.dma_semaphore, #tpu.memory_space<semaphore_mem>>)
    } else {
    }
    %gt3A_391 = arith.constant 7 : i32
    %gt3A_392 = arith.cmpi sgt, %select_n3A_355, %gt3A_391 : i32
    %convert_element_type3A_393 = arith.extui %gt3A_392 : i1 to i32
    %cond3A_394 = arith.constant 0 : i32
    %cond3A_395 = arith.cmpi ne, %convert_element_type3A_393, %cond3A_394 : i32
    scf.if %cond3A_395 {
      %dma_start3A = arith.constant 16288 : i32
      %dma_start3A_486 = tpu.memref_slice %arg12[%dma_start3A] : memref<16416xi32, #tpu.memory_space<vmem>> -> memref<16xi32, #tpu.memory_space<vmem>>
      %dma_start3A_487 = arith.constant 0 : i32
      %dma_start3A_488 = arith.constant 0 : i32
      %dma_start3A_489 = tpu.memref_slice %arg2[%dma_start3A_487, %dma_start3A_488] : memref<65536x256xf32, #tpu.memory_space<hbm>> -> memref<65536x256xf32, #tpu.memory_space<hbm>>
      tpu.enqueue_indirect_dma source(%dma_start3A_489 : memref<65536x256xf32, #tpu.memory_space<hbm>>) target(%arg20 : memref<16x256xf32, #tpu.memory_space<vmem>>) offsets(%dma_start3A_486 : memref<16xi32, #tpu.memory_space<vmem>>) semaphore(%arg30 : memref<!tpu.dma_semaphore, #tpu.memory_space<semaphore_mem>>)
    } else {
    }
    %add3A_396 = arith.constant 10 : i32
    %add3A_397 = arith.addi %select_n3A_355, %add3A_396 : i32
    %sub3A_398 = arith.constant 1 : i32
    %sub3A_399 = arith.subi %add3A_397, %sub3A_398 : i32
    %jit3A_400 = arith.constant 10 : i32
    %div3A_401 = arith.divsi %sub3A_399, %jit3A_400 : i32
    %sign3A_402 = arith.constant 0 : i32
    %sign3A_403 = arith.cmpi sgt, %sub3A_399, %sign3A_402 : i32
    %sign3A_404 = arith.extui %sign3A_403 : i1 to i32
    %sign3A_405 = arith.constant 0 : i32
    %sign3A_406 = arith.cmpi slt, %sub3A_399, %sign3A_405 : i32
    %sign3A_407 = arith.extui %sign3A_406 : i1 to i32
    %sign3A_408 = arith.subi %sign3A_404, %sign3A_407 : i32
    %sign3A_409 = arith.constant 0 : i32
    %sign3A_410 = arith.cmpi sgt, %jit3A_400, %sign3A_409 : i32
    %sign3A_411 = arith.extui %sign3A_410 : i1 to i32
    %sign3A_412 = arith.constant 0 : i32
    %sign3A_413 = arith.cmpi slt, %jit3A_400, %sign3A_412 : i32
    %sign3A_414 = arith.extui %sign3A_413 : i1 to i32
    %sign3A_415 = arith.subi %sign3A_411, %sign3A_414 : i32
    %ne3A_416 = arith.cmpi ne, %sign3A_408, %sign3A_415 : i32
    %rem3A_417 = arith.remsi %sub3A_399, %jit3A_400 : i32
    %ne3A_418 = arith.constant 0 : i32
    %ne3A_419 = arith.cmpi ne, %rem3A_417, %ne3A_418 : i32
    %and3A_420 = arith.andi %ne3A_416, %ne3A_419 : i1
    %sub3A_421 = arith.constant 1 : i32
    %sub3A_422 = arith.subi %div3A_401, %sub3A_421 : i32
    %select_n3A_423 = arith.select %and3A_420, %sub3A_422, %div3A_401 : i32
    %while3A_424 = arith.constant 0 : i32
    %while3A_425 = arith.constant 0 : i32
    %while3A_426 = arith.subi %select_n3A_423, %while3A_424 : i32
    %while3A_427 = arith.addi %while3A_424, %while3A_426 : i32
    %while3A_428 = arith.constant 1 : i32
    %while3A_429 = arith.divsi %while3A_426, %while3A_428 : i32
    %while3A_430 = arith.muli %while3A_429, %while3A_428 : i32
    %while3A_431 = arith.addi %while3A_424, %while3A_430 : i32
    %while3A_432 = arith.constant 1 : i32
    %while3A_433 = scf.for %while3A_486 = %while3A_424 to %while3A_431 step %while3A_432 iter_args(%while3A_487 = %while3A_425) -> (i32)  : i32 {
      %mul3A_488 = arith.constant 10 : i32
      %mul3A_489 = arith.muli %while3A_486, %mul3A_488 : i32
      %add3A_490 = arith.constant 0 : i32
      %add3A_491 = arith.addi %mul3A_489, %add3A_490 : i32
      %lt3A_492 = arith.cmpi slt, %add3A_491, %select_n3A_355 : i32
      %convert_element_type3A_493 = arith.extui %lt3A_492 : i1 to i32
      %cond3A_494 = arith.constant 0 : i32
      %cond3A_495 = arith.cmpi ne, %convert_element_type3A_493, %cond3A_494 : i32
      scf.if %cond3A_495 {
        %add3A_551 = arith.constant 1 : i32
        %add3A_552 = arith.addi %add3A_491, %add3A_551 : i32
        %mul3A_553 = arith.constant 16 : i32
        %mul3A_554 = arith.muli %add3A_552, %mul3A_553 : i32
        %sub3A_555 = arith.constant 16416 : i32
        %sub3A_556 = arith.subi %sub3A_555, %mul3A_554 : i32
        %dma_wait3A = tpu.memref_slice %arg12[%sub3A_556] : memref<16416xi32, #tpu.memory_space<vmem>> -> memref<16xi32, #tpu.memory_space<vmem>>
        %dma_wait3A_557 = arith.constant 0 : i32
        %dma_wait3A_558 = arith.constant 0 : i32
        %dma_wait3A_559 = tpu.memref_slice %arg2[%dma_wait3A_557, %dma_wait3A_558] : memref<65536x256xf32, #tpu.memory_space<hbm>> -> memref<65536x256xf32, #tpu.memory_space<hbm>>
        tpu.wait_indirect_dma semaphore(%arg23 : memref<!tpu.dma_semaphore, #tpu.memory_space<semaphore_mem>>) src(%dma_wait3A_559 : memref<65536x256xf32, #tpu.memory_space<hbm>>) dst(%arg13 : memref<16x256xf32, #tpu.memory_space<vmem>>)
        %add3A_560 = arith.constant 1 : i32
        %add3A_561 = arith.addi %add3A_491, %add3A_560 : i32
        %mul3A_562 = arith.constant 16 : i32
        %mul3A_563 = arith.muli %add3A_561, %mul3A_562 : i32
        %sub3A_564 = arith.constant 16416 : i32
        %sub3A_565 = arith.subi %sub3A_564, %mul3A_563 : i32
        %dma_start3A = tpu.memref_slice %arg11[%sub3A_565] : memref<16416xi32, #tpu.memory_space<vmem>> -> memref<16xi32, #tpu.memory_space<vmem>>
        %dma_start3A_566 = arith.constant 0 : i32
        %dma_start3A_567 = arith.constant 0 : i32
        %dma_start3A_568 = tpu.memref_slice %arg6[%dma_start3A_566, %dma_start3A_567] : memref<16384x256xf32, #tpu.memory_space<hbm>> -> memref<16384x256xf32, #tpu.memory_space<hbm>>
        tpu.enqueue_indirect_dma source(%arg13 : memref<16x256xf32, #tpu.memory_space<vmem>>) target(%dma_start3A_568 : memref<16384x256xf32, #tpu.memory_space<hbm>>) offsets(%dma_start3A : memref<16xi32, #tpu.memory_space<vmem>>) semaphore(%arg33 : memref<!tpu.dma_semaphore, #tpu.memory_space<semaphore_mem>>)
        %add3A_569 = arith.constant 8 : i32
        %add3A_570 = arith.addi %add3A_491, %add3A_569 : i32
        %lt3A_571 = arith.cmpi slt, %add3A_570, %select_n3A_355 : i32
        %convert_element_type3A_572 = arith.extui %lt3A_571 : i1 to i32
        %cond3A_573 = arith.constant 0 : i32
        %cond3A_574 = arith.cmpi ne, %convert_element_type3A_572, %cond3A_573 : i32
        scf.if %cond3A_574 {
          %ge3A = arith.constant 2 : i32
          %ge3A_575 = arith.cmpi sge, %add3A_491, %ge3A : i32
          %convert_element_type3A_576 = arith.extui %ge3A_575 : i1 to i32
          %cond3A_577 = arith.constant 0 : i32
          %cond3A_578 = arith.cmpi ne, %convert_element_type3A_576, %cond3A_577 : i32
          scf.if %cond3A_578 {
            %dma_wait3A_591 = arith.constant 16400 : i32
            %dma_wait3A_592 = tpu.memref_slice %arg11[%dma_wait3A_591] : memref<16416xi32, #tpu.memory_space<vmem>> -> memref<16xi32, #tpu.memory_space<vmem>>
            %dma_wait3A_593 = arith.constant 0 : i32
            %dma_wait3A_594 = arith.constant 0 : i32
            %dma_wait3A_595 = tpu.memref_slice %arg6[%dma_wait3A_593, %dma_wait3A_594] : memref<16384x256xf32, #tpu.memory_space<hbm>> -> memref<16384x256xf32, #tpu.memory_space<hbm>>
            tpu.wait_indirect_dma semaphore(%arg41 : memref<!tpu.dma_semaphore, #tpu.memory_space<semaphore_mem>>) src(%arg21 : memref<16x256xf32, #tpu.memory_space<vmem>>) dst(%dma_wait3A_595 : memref<16384x256xf32, #tpu.memory_space<hbm>>)
          } else {
          }
          %add3A_579 = arith.constant 8 : i32
          %add3A_580 = arith.addi %add3A_491, %add3A_579 : i32
          %add3A_581 = arith.constant 1 : i32
          %add3A_582 = arith.addi %add3A_580, %add3A_581 : i32
          %mul3A_583 = arith.constant 16 : i32
          %mul3A_584 = arith.muli %add3A_582, %mul3A_583 : i32
          %sub3A_585 = arith.constant 16416 : i32
          %sub3A_586 = arith.subi %sub3A_585, %mul3A_584 : i32
          %dma_start3A_587 = tpu.memref_slice %arg12[%sub3A_586] : memref<16416xi32, #tpu.memory_space<vmem>> -> memref<16xi32, #tpu.memory_space<vmem>>
          %dma_start3A_588 = arith.constant 0 : i32
          %dma_start3A_589 = arith.constant 0 : i32
          %dma_start3A_590 = tpu.memref_slice %arg2[%dma_start3A_588, %dma_start3A_589] : memref<65536x256xf32, #tpu.memory_space<hbm>> -> memref<65536x256xf32, #tpu.memory_space<hbm>>
          tpu.enqueue_indirect_dma source(%dma_start3A_590 : memref<65536x256xf32, #tpu.memory_space<hbm>>) target(%arg21 : memref<16x256xf32, #tpu.memory_space<vmem>>) offsets(%dma_start3A_587 : memref<16xi32, #tpu.memory_space<vmem>>) semaphore(%arg31 : memref<!tpu.dma_semaphore, #tpu.memory_space<semaphore_mem>>)
        } else {
        }
      } else {
      }
      %add3A_496 = arith.constant 1 : i32
      %add3A_497 = arith.addi %mul3A_489, %add3A_496 : i32
      %lt3A_498 = arith.cmpi slt, %add3A_497, %select_n3A_355 : i32
      %convert_element_type3A_499 = arith.extui %lt3A_498 : i1 to i32
      %cond3A_500 = arith.constant 0 : i32
      %cond3A_501 = arith.cmpi ne, %convert_element_type3A_499, %cond3A_500 : i32
      scf.if %cond3A_501 {
        %add3A_551 = arith.constant 1 : i32
        %add3A_552 = arith.addi %add3A_497, %add3A_551 : i32
        %mul3A_553 = arith.constant 16 : i32
        %mul3A_554 = arith.muli %add3A_552, %mul3A_553 : i32
        %sub3A_555 = arith.constant 16416 : i32
        %sub3A_556 = arith.subi %sub3A_555, %mul3A_554 : i32
        %dma_wait3A = tpu.memref_slice %arg12[%sub3A_556] : memref<16416xi32, #tpu.memory_space<vmem>> -> memref<16xi32, #tpu.memory_space<vmem>>
        %dma_wait3A_557 = arith.constant 0 : i32
        %dma_wait3A_558 = arith.constant 0 : i32
        %dma_wait3A_559 = tpu.memref_slice %arg2[%dma_wait3A_557, %dma_wait3A_558] : memref<65536x256xf32, #tpu.memory_space<hbm>> -> memref<65536x256xf32, #tpu.memory_space<hbm>>
        tpu.wait_indirect_dma semaphore(%arg24 : memref<!tpu.dma_semaphore, #tpu.memory_space<semaphore_mem>>) src(%dma_wait3A_559 : memref<65536x256xf32, #tpu.memory_space<hbm>>) dst(%arg14 : memref<16x256xf32, #tpu.memory_space<vmem>>)
        %add3A_560 = arith.constant 1 : i32
        %add3A_561 = arith.addi %add3A_497, %add3A_560 : i32
        %mul3A_562 = arith.constant 16 : i32
        %mul3A_563 = arith.muli %add3A_561, %mul3A_562 : i32
        %sub3A_564 = arith.constant 16416 : i32
        %sub3A_565 = arith.subi %sub3A_564, %mul3A_563 : i32
        %dma_start3A = tpu.memref_slice %arg11[%sub3A_565] : memref<16416xi32, #tpu.memory_space<vmem>> -> memref<16xi32, #tpu.memory_space<vmem>>
        %dma_start3A_566 = arith.constant 0 : i32
        %dma_start3A_567 = arith.constant 0 : i32
        %dma_start3A_568 = tpu.memref_slice %arg6[%dma_start3A_566, %dma_start3A_567] : memref<16384x256xf32, #tpu.memory_space<hbm>> -> memref<16384x256xf32, #tpu.memory_space<hbm>>
        tpu.enqueue_indirect_dma source(%arg14 : memref<16x256xf32, #tpu.memory_space<vmem>>) target(%dma_start3A_568 : memref<16384x256xf32, #tpu.memory_space<hbm>>) offsets(%dma_start3A : memref<16xi32, #tpu.memory_space<vmem>>) semaphore(%arg34 : memref<!tpu.dma_semaphore, #tpu.memory_space<semaphore_mem>>)
        %add3A_569 = arith.constant 8 : i32
        %add3A_570 = arith.addi %add3A_497, %add3A_569 : i32
        %lt3A_571 = arith.cmpi slt, %add3A_570, %select_n3A_355 : i32
        %convert_element_type3A_572 = arith.extui %lt3A_571 : i1 to i32
        %cond3A_573 = arith.constant 0 : i32
        %cond3A_574 = arith.cmpi ne, %convert_element_type3A_572, %cond3A_573 : i32
        scf.if %cond3A_574 {
          %ge3A = arith.constant 2 : i32
          %ge3A_575 = arith.cmpi sge, %add3A_497, %ge3A : i32
          %convert_element_type3A_576 = arith.extui %ge3A_575 : i1 to i32
          %cond3A_577 = arith.constant 0 : i32
          %cond3A_578 = arith.cmpi ne, %convert_element_type3A_576, %cond3A_577 : i32
          scf.if %cond3A_578 {
            %dma_wait3A_591 = arith.constant 16400 : i32
            %dma_wait3A_592 = tpu.memref_slice %arg11[%dma_wait3A_591] : memref<16416xi32, #tpu.memory_space<vmem>> -> memref<16xi32, #tpu.memory_space<vmem>>
            %dma_wait3A_593 = arith.constant 0 : i32
            %dma_wait3A_594 = arith.constant 0 : i32
            %dma_wait3A_595 = tpu.memref_slice %arg6[%dma_wait3A_593, %dma_wait3A_594] : memref<16384x256xf32, #tpu.memory_space<hbm>> -> memref<16384x256xf32, #tpu.memory_space<hbm>>
            tpu.wait_indirect_dma semaphore(%arg42 : memref<!tpu.dma_semaphore, #tpu.memory_space<semaphore_mem>>) src(%arg22 : memref<16x256xf32, #tpu.memory_space<vmem>>) dst(%dma_wait3A_595 : memref<16384x256xf32, #tpu.memory_space<hbm>>)
          } else {
          }
          %add3A_579 = arith.constant 8 : i32
          %add3A_580 = arith.addi %add3A_497, %add3A_579 : i32
          %add3A_581 = arith.constant 1 : i32
          %add3A_582 = arith.addi %add3A_580, %add3A_581 : i32
          %mul3A_583 = arith.constant 16 : i32
          %mul3A_584 = arith.muli %add3A_582, %mul3A_583 : i32
          %sub3A_585 = arith.constant 16416 : i32
          %sub3A_586 = arith.subi %sub3A_585, %mul3A_584 : i32
          %dma_start3A_587 = tpu.memref_slice %arg12[%sub3A_586] : memref<16416xi32, #tpu.memory_space<vmem>> -> memref<16xi32, #tpu.memory_space<vmem>>
          %dma_start3A_588 = arith.constant 0 : i32
          %dma_start3A_589 = arith.constant 0 : i32
          %dma_start3A_590 = tpu.memref_slice %arg2[%dma_start3A_588, %dma_start3A_589] : memref<65536x256xf32, #tpu.memory_space<hbm>> -> memref<65536x256xf32, #tpu.memory_space<hbm>>
          tpu.enqueue_indirect_dma source(%dma_start3A_590 : memref<65536x256xf32, #tpu.memory_space<hbm>>) target(%arg22 : memref<16x256xf32, #tpu.memory_space<vmem>>) offsets(%dma_start3A_587 : memref<16xi32, #tpu.memory_space<vmem>>) semaphore(%arg32 : memref<!tpu.dma_semaphore, #tpu.memory_space<semaphore_mem>>)
        } else {
        }
      } else {
      }
      %add3A_502 = arith.constant 2 : i32
      %add3A_503 = arith.addi %mul3A_489, %add3A_502 : i32
      %lt3A_504 = arith.cmpi slt, %add3A_503, %select_n3A_355 : i32
      %convert_element_type3A_505 = arith.extui %lt3A_504 : i1 to i32
      %cond3A_506 = arith.constant 0 : i32
      %cond3A_507 = arith.cmpi ne, %convert_element_type3A_505, %cond3A_506 : i32
      scf.if %cond3A_507 {
        %add3A_551 = arith.constant 1 : i32
        %add3A_552 = arith.addi %add3A_503, %add3A_551 : i32
        %mul3A_553 = arith.constant 16 : i32
        %mul3A_554 = arith.muli %add3A_552, %mul3A_553 : i32
        %sub3A_555 = arith.constant 16416 : i32
        %sub3A_556 = arith.subi %sub3A_555, %mul3A_554 : i32
        %dma_wait3A = tpu.memref_slice %arg12[%sub3A_556] : memref<16416xi32, #tpu.memory_space<vmem>> -> memref<16xi32, #tpu.memory_space<vmem>>
        %dma_wait3A_557 = arith.constant 0 : i32
        %dma_wait3A_558 = arith.constant 0 : i32
        %dma_wait3A_559 = tpu.memref_slice %arg2[%dma_wait3A_557, %dma_wait3A_558] : memref<65536x256xf32, #tpu.memory_space<hbm>> -> memref<65536x256xf32, #tpu.memory_space<hbm>>
        tpu.wait_indirect_dma semaphore(%arg25 : memref<!tpu.dma_semaphore, #tpu.memory_space<semaphore_mem>>) src(%dma_wait3A_559 : memref<65536x256xf32, #tpu.memory_space<hbm>>) dst(%arg15 : memref<16x256xf32, #tpu.memory_space<vmem>>)
        %add3A_560 = arith.constant 1 : i32
        %add3A_561 = arith.addi %add3A_503, %add3A_560 : i32
        %mul3A_562 = arith.constant 16 : i32
        %mul3A_563 = arith.muli %add3A_561, %mul3A_562 : i32
        %sub3A_564 = arith.constant 16416 : i32
        %sub3A_565 = arith.subi %sub3A_564, %mul3A_563 : i32
        %dma_start3A = tpu.memref_slice %arg11[%sub3A_565] : memref<16416xi32, #tpu.memory_space<vmem>> -> memref<16xi32, #tpu.memory_space<vmem>>
        %dma_start3A_566 = arith.constant 0 : i32
        %dma_start3A_567 = arith.constant 0 : i32
        %dma_start3A_568 = tpu.memref_slice %arg6[%dma_start3A_566, %dma_start3A_567] : memref<16384x256xf32, #tpu.memory_space<hbm>> -> memref<16384x256xf32, #tpu.memory_space<hbm>>
        tpu.enqueue_indirect_dma source(%arg15 : memref<16x256xf32, #tpu.memory_space<vmem>>) target(%dma_start3A_568 : memref<16384x256xf32, #tpu.memory_space<hbm>>) offsets(%dma_start3A : memref<16xi32, #tpu.memory_space<vmem>>) semaphore(%arg35 : memref<!tpu.dma_semaphore, #tpu.memory_space<semaphore_mem>>)
        %add3A_569 = arith.constant 8 : i32
        %add3A_570 = arith.addi %add3A_503, %add3A_569 : i32
        %lt3A_571 = arith.cmpi slt, %add3A_570, %select_n3A_355 : i32
        %convert_element_type3A_572 = arith.extui %lt3A_571 : i1 to i32
        %cond3A_573 = arith.constant 0 : i32
        %cond3A_574 = arith.cmpi ne, %convert_element_type3A_572, %cond3A_573 : i32
        scf.if %cond3A_574 {
          %ge3A = arith.constant 2 : i32
          %ge3A_575 = arith.cmpi sge, %add3A_503, %ge3A : i32
          %convert_element_type3A_576 = arith.extui %ge3A_575 : i1 to i32
          %cond3A_577 = arith.constant 0 : i32
          %cond3A_578 = arith.cmpi ne, %convert_element_type3A_576, %cond3A_577 : i32
          scf.if %cond3A_578 {
            %dma_wait3A_591 = arith.constant 16400 : i32
            %dma_wait3A_592 = tpu.memref_slice %arg11[%dma_wait3A_591] : memref<16416xi32, #tpu.memory_space<vmem>> -> memref<16xi32, #tpu.memory_space<vmem>>
            %dma_wait3A_593 = arith.constant 0 : i32
            %dma_wait3A_594 = arith.constant 0 : i32
            %dma_wait3A_595 = tpu.memref_slice %arg6[%dma_wait3A_593, %dma_wait3A_594] : memref<16384x256xf32, #tpu.memory_space<hbm>> -> memref<16384x256xf32, #tpu.memory_space<hbm>>
            tpu.wait_indirect_dma semaphore(%arg33 : memref<!tpu.dma_semaphore, #tpu.memory_space<semaphore_mem>>) src(%arg13 : memref<16x256xf32, #tpu.memory_space<vmem>>) dst(%dma_wait3A_595 : memref<16384x256xf32, #tpu.memory_space<hbm>>)
          } else {
          }
          %add3A_579 = arith.constant 8 : i32
          %add3A_580 = arith.addi %add3A_503, %add3A_579 : i32
          %add3A_581 = arith.constant 1 : i32
          %add3A_582 = arith.addi %add3A_580, %add3A_581 : i32
          %mul3A_583 = arith.constant 16 : i32
          %mul3A_584 = arith.muli %add3A_582, %mul3A_583 : i32
          %sub3A_585 = arith.constant 16416 : i32
          %sub3A_586 = arith.subi %sub3A_585, %mul3A_584 : i32
          %dma_start3A_587 = tpu.memref_slice %arg12[%sub3A_586] : memref<16416xi32, #tpu.memory_space<vmem>> -> memref<16xi32, #tpu.memory_space<vmem>>
          %dma_start3A_588 = arith.constant 0 : i32
          %dma_start3A_589 = arith.constant 0 : i32
          %dma_start3A_590 = tpu.memref_slice %arg2[%dma_start3A_588, %dma_start3A_589] : memref<65536x256xf32, #tpu.memory_space<hbm>> -> memref<65536x256xf32, #tpu.memory_space<hbm>>
          tpu.enqueue_indirect_dma source(%dma_start3A_590 : memref<65536x256xf32, #tpu.memory_space<hbm>>) target(%arg13 : memref<16x256xf32, #tpu.memory_space<vmem>>) offsets(%dma_start3A_587 : memref<16xi32, #tpu.memory_space<vmem>>) semaphore(%arg23 : memref<!tpu.dma_semaphore, #tpu.memory_space<semaphore_mem>>)
        } else {
        }
      } else {
      }
      %add3A_508 = arith.constant 3 : i32
      %add3A_509 = arith.addi %mul3A_489, %add3A_508 : i32
      %lt3A_510 = arith.cmpi slt, %add3A_509, %select_n3A_355 : i32
      %convert_element_type3A_511 = arith.extui %lt3A_510 : i1 to i32
      %cond3A_512 = arith.constant 0 : i32
      %cond3A_513 = arith.cmpi ne, %convert_element_type3A_511, %cond3A_512 : i32
      scf.if %cond3A_513 {
        %add3A_551 = arith.constant 1 : i32
        %add3A_552 = arith.addi %add3A_509, %add3A_551 : i32
        %mul3A_553 = arith.constant 16 : i32
        %mul3A_554 = arith.muli %add3A_552, %mul3A_553 : i32
        %sub3A_555 = arith.constant 16416 : i32
        %sub3A_556 = arith.subi %sub3A_555, %mul3A_554 : i32
        %dma_wait3A = tpu.memref_slice %arg12[%sub3A_556] : memref<16416xi32, #tpu.memory_space<vmem>> -> memref<16xi32, #tpu.memory_space<vmem>>
        %dma_wait3A_557 = arith.constant 0 : i32
        %dma_wait3A_558 = arith.constant 0 : i32
        %dma_wait3A_559 = tpu.memref_slice %arg2[%dma_wait3A_557, %dma_wait3A_558] : memref<65536x256xf32, #tpu.memory_space<hbm>> -> memref<65536x256xf32, #tpu.memory_space<hbm>>
        tpu.wait_indirect_dma semaphore(%arg26 : memref<!tpu.dma_semaphore, #tpu.memory_space<semaphore_mem>>) src(%dma_wait3A_559 : memref<65536x256xf32, #tpu.memory_space<hbm>>) dst(%arg16 : memref<16x256xf32, #tpu.memory_space<vmem>>)
        %add3A_560 = arith.constant 1 : i32
        %add3A_561 = arith.addi %add3A_509, %add3A_560 : i32
        %mul3A_562 = arith.constant 16 : i32
        %mul3A_563 = arith.muli %add3A_561, %mul3A_562 : i32
        %sub3A_564 = arith.constant 16416 : i32
        %sub3A_565 = arith.subi %sub3A_564, %mul3A_563 : i32
        %dma_start3A = tpu.memref_slice %arg11[%sub3A_565] : memref<16416xi32, #tpu.memory_space<vmem>> -> memref<16xi32, #tpu.memory_space<vmem>>
        %dma_start3A_566 = arith.constant 0 : i32
        %dma_start3A_567 = arith.constant 0 : i32
        %dma_start3A_568 = tpu.memref_slice %arg6[%dma_start3A_566, %dma_start3A_567] : memref<16384x256xf32, #tpu.memory_space<hbm>> -> memref<16384x256xf32, #tpu.memory_space<hbm>>
        tpu.enqueue_indirect_dma source(%arg16 : memref<16x256xf32, #tpu.memory_space<vmem>>) target(%dma_start3A_568 : memref<16384x256xf32, #tpu.memory_space<hbm>>) offsets(%dma_start3A : memref<16xi32, #tpu.memory_space<vmem>>) semaphore(%arg36 : memref<!tpu.dma_semaphore, #tpu.memory_space<semaphore_mem>>)
        %add3A_569 = arith.constant 8 : i32
        %add3A_570 = arith.addi %add3A_509, %add3A_569 : i32
        %lt3A_571 = arith.cmpi slt, %add3A_570, %select_n3A_355 : i32
        %convert_element_type3A_572 = arith.extui %lt3A_571 : i1 to i32
        %cond3A_573 = arith.constant 0 : i32
        %cond3A_574 = arith.cmpi ne, %convert_element_type3A_572, %cond3A_573 : i32
        scf.if %cond3A_574 {
          %ge3A = arith.constant 2 : i32
          %ge3A_575 = arith.cmpi sge, %add3A_509, %ge3A : i32
          %convert_element_type3A_576 = arith.extui %ge3A_575 : i1 to i32
          %cond3A_577 = arith.constant 0 : i32
          %cond3A_578 = arith.cmpi ne, %convert_element_type3A_576, %cond3A_577 : i32
          scf.if %cond3A_578 {
            %dma_wait3A_591 = arith.constant 16400 : i32
            %dma_wait3A_592 = tpu.memref_slice %arg11[%dma_wait3A_591] : memref<16416xi32, #tpu.memory_space<vmem>> -> memref<16xi32, #tpu.memory_space<vmem>>
            %dma_wait3A_593 = arith.constant 0 : i32
            %dma_wait3A_594 = arith.constant 0 : i32
            %dma_wait3A_595 = tpu.memref_slice %arg6[%dma_wait3A_593, %dma_wait3A_594] : memref<16384x256xf32, #tpu.memory_space<hbm>> -> memref<16384x256xf32, #tpu.memory_space<hbm>>
            tpu.wait_indirect_dma semaphore(%arg34 : memref<!tpu.dma_semaphore, #tpu.memory_space<semaphore_mem>>) src(%arg14 : memref<16x256xf32, #tpu.memory_space<vmem>>) dst(%dma_wait3A_595 : memref<16384x256xf32, #tpu.memory_space<hbm>>)
          } else {
          }
          %add3A_579 = arith.constant 8 : i32
          %add3A_580 = arith.addi %add3A_509, %add3A_579 : i32
          %add3A_581 = arith.constant 1 : i32
          %add3A_582 = arith.addi %add3A_580, %add3A_581 : i32
          %mul3A_583 = arith.constant 16 : i32
          %mul3A_584 = arith.muli %add3A_582, %mul3A_583 : i32
          %sub3A_585 = arith.constant 16416 : i32
          %sub3A_586 = arith.subi %sub3A_585, %mul3A_584 : i32
          %dma_start3A_587 = tpu.memref_slice %arg12[%sub3A_586] : memref<16416xi32, #tpu.memory_space<vmem>> -> memref<16xi32, #tpu.memory_space<vmem>>
          %dma_start3A_588 = arith.constant 0 : i32
          %dma_start3A_589 = arith.constant 0 : i32
          %dma_start3A_590 = tpu.memref_slice %arg2[%dma_start3A_588, %dma_start3A_589] : memref<65536x256xf32, #tpu.memory_space<hbm>> -> memref<65536x256xf32, #tpu.memory_space<hbm>>
          tpu.enqueue_indirect_dma source(%dma_start3A_590 : memref<65536x256xf32, #tpu.memory_space<hbm>>) target(%arg14 : memref<16x256xf32, #tpu.memory_space<vmem>>) offsets(%dma_start3A_587 : memref<16xi32, #tpu.memory_space<vmem>>) semaphore(%arg24 : memref<!tpu.dma_semaphore, #tpu.memory_space<semaphore_mem>>)
        } else {
        }
      } else {
      }
      %add3A_514 = arith.constant 4 : i32
      %add3A_515 = arith.addi %mul3A_489, %add3A_514 : i32
      %lt3A_516 = arith.cmpi slt, %add3A_515, %select_n3A_355 : i32
      %convert_element_type3A_517 = arith.extui %lt3A_516 : i1 to i32
      %cond3A_518 = arith.constant 0 : i32
      %cond3A_519 = arith.cmpi ne, %convert_element_type3A_517, %cond3A_518 : i32
      scf.if %cond3A_519 {
        %add3A_551 = arith.constant 1 : i32
        %add3A_552 = arith.addi %add3A_515, %add3A_551 : i32
        %mul3A_553 = arith.constant 16 : i32
        %mul3A_554 = arith.muli %add3A_552, %mul3A_553 : i32
        %sub3A_555 = arith.constant 16416 : i32
        %sub3A_556 = arith.subi %sub3A_555, %mul3A_554 : i32
        %dma_wait3A = tpu.memref_slice %arg12[%sub3A_556] : memref<16416xi32, #tpu.memory_space<vmem>> -> memref<16xi32, #tpu.memory_space<vmem>>
        %dma_wait3A_557 = arith.constant 0 : i32
        %dma_wait3A_558 = arith.constant 0 : i32
        %dma_wait3A_559 = tpu.memref_slice %arg2[%dma_wait3A_557, %dma_wait3A_558] : memref<65536x256xf32, #tpu.memory_space<hbm>> -> memref<65536x256xf32, #tpu.memory_space<hbm>>
        tpu.wait_indirect_dma semaphore(%arg27 : memref<!tpu.dma_semaphore, #tpu.memory_space<semaphore_mem>>) src(%dma_wait3A_559 : memref<65536x256xf32, #tpu.memory_space<hbm>>) dst(%arg17 : memref<16x256xf32, #tpu.memory_space<vmem>>)
        %add3A_560 = arith.constant 1 : i32
        %add3A_561 = arith.addi %add3A_515, %add3A_560 : i32
        %mul3A_562 = arith.constant 16 : i32
        %mul3A_563 = arith.muli %add3A_561, %mul3A_562 : i32
        %sub3A_564 = arith.constant 16416 : i32
        %sub3A_565 = arith.subi %sub3A_564, %mul3A_563 : i32
        %dma_start3A = tpu.memref_slice %arg11[%sub3A_565] : memref<16416xi32, #tpu.memory_space<vmem>> -> memref<16xi32, #tpu.memory_space<vmem>>
        %dma_start3A_566 = arith.constant 0 : i32
        %dma_start3A_567 = arith.constant 0 : i32
        %dma_start3A_568 = tpu.memref_slice %arg6[%dma_start3A_566, %dma_start3A_567] : memref<16384x256xf32, #tpu.memory_space<hbm>> -> memref<16384x256xf32, #tpu.memory_space<hbm>>
        tpu.enqueue_indirect_dma source(%arg17 : memref<16x256xf32, #tpu.memory_space<vmem>>) target(%dma_start3A_568 : memref<16384x256xf32, #tpu.memory_space<hbm>>) offsets(%dma_start3A : memref<16xi32, #tpu.memory_space<vmem>>) semaphore(%arg37 : memref<!tpu.dma_semaphore, #tpu.memory_space<semaphore_mem>>)
        %add3A_569 = arith.constant 8 : i32
        %add3A_570 = arith.addi %add3A_515, %add3A_569 : i32
        %lt3A_571 = arith.cmpi slt, %add3A_570, %select_n3A_355 : i32
        %convert_element_type3A_572 = arith.extui %lt3A_571 : i1 to i32
        %cond3A_573 = arith.constant 0 : i32
        %cond3A_574 = arith.cmpi ne, %convert_element_type3A_572, %cond3A_573 : i32
        scf.if %cond3A_574 {
          %ge3A = arith.constant 2 : i32
          %ge3A_575 = arith.cmpi sge, %add3A_515, %ge3A : i32
          %convert_element_type3A_576 = arith.extui %ge3A_575 : i1 to i32
          %cond3A_577 = arith.constant 0 : i32
          %cond3A_578 = arith.cmpi ne, %convert_element_type3A_576, %cond3A_577 : i32
          scf.if %cond3A_578 {
            %dma_wait3A_591 = arith.constant 16400 : i32
            %dma_wait3A_592 = tpu.memref_slice %arg11[%dma_wait3A_591] : memref<16416xi32, #tpu.memory_space<vmem>> -> memref<16xi32, #tpu.memory_space<vmem>>
            %dma_wait3A_593 = arith.constant 0 : i32
            %dma_wait3A_594 = arith.constant 0 : i32
            %dma_wait3A_595 = tpu.memref_slice %arg6[%dma_wait3A_593, %dma_wait3A_594] : memref<16384x256xf32, #tpu.memory_space<hbm>> -> memref<16384x256xf32, #tpu.memory_space<hbm>>
            tpu.wait_indirect_dma semaphore(%arg35 : memref<!tpu.dma_semaphore, #tpu.memory_space<semaphore_mem>>) src(%arg15 : memref<16x256xf32, #tpu.memory_space<vmem>>) dst(%dma_wait3A_595 : memref<16384x256xf32, #tpu.memory_space<hbm>>)
          } else {
          }
          %add3A_579 = arith.constant 8 : i32
          %add3A_580 = arith.addi %add3A_515, %add3A_579 : i32
          %add3A_581 = arith.constant 1 : i32
          %add3A_582 = arith.addi %add3A_580, %add3A_581 : i32
          %mul3A_583 = arith.constant 16 : i32
          %mul3A_584 = arith.muli %add3A_582, %mul3A_583 : i32
          %sub3A_585 = arith.constant 16416 : i32
          %sub3A_586 = arith.subi %sub3A_585, %mul3A_584 : i32
          %dma_start3A_587 = tpu.memref_slice %arg12[%sub3A_586] : memref<16416xi32, #tpu.memory_space<vmem>> -> memref<16xi32, #tpu.memory_space<vmem>>
          %dma_start3A_588 = arith.constant 0 : i32
          %dma_start3A_589 = arith.constant 0 : i32
          %dma_start3A_590 = tpu.memref_slice %arg2[%dma_start3A_588, %dma_start3A_589] : memref<65536x256xf32, #tpu.memory_space<hbm>> -> memref<65536x256xf32, #tpu.memory_space<hbm>>
          tpu.enqueue_indirect_dma source(%dma_start3A_590 : memref<65536x256xf32, #tpu.memory_space<hbm>>) target(%arg15 : memref<16x256xf32, #tpu.memory_space<vmem>>) offsets(%dma_start3A_587 : memref<16xi32, #tpu.memory_space<vmem>>) semaphore(%arg25 : memref<!tpu.dma_semaphore, #tpu.memory_space<semaphore_mem>>)
        } else {
        }
      } else {
      }
      %add3A_520 = arith.constant 5 : i32
      %add3A_521 = arith.addi %mul3A_489, %add3A_520 : i32
      %lt3A_522 = arith.cmpi slt, %add3A_521, %select_n3A_355 : i32
      %convert_element_type3A_523 = arith.extui %lt3A_522 : i1 to i32
      %cond3A_524 = arith.constant 0 : i32
      %cond3A_525 = arith.cmpi ne, %convert_element_type3A_523, %cond3A_524 : i32
      scf.if %cond3A_525 {
        %add3A_551 = arith.constant 1 : i32
        %add3A_552 = arith.addi %add3A_521, %add3A_551 : i32
        %mul3A_553 = arith.constant 16 : i32
        %mul3A_554 = arith.muli %add3A_552, %mul3A_553 : i32
        %sub3A_555 = arith.constant 16416 : i32
        %sub3A_556 = arith.subi %sub3A_555, %mul3A_554 : i32
        %dma_wait3A = tpu.memref_slice %arg12[%sub3A_556] : memref<16416xi32, #tpu.memory_space<vmem>> -> memref<16xi32, #tpu.memory_space<vmem>>
        %dma_wait3A_557 = arith.constant 0 : i32
        %dma_wait3A_558 = arith.constant 0 : i32
        %dma_wait3A_559 = tpu.memref_slice %arg2[%dma_wait3A_557, %dma_wait3A_558] : memref<65536x256xf32, #tpu.memory_space<hbm>> -> memref<65536x256xf32, #tpu.memory_space<hbm>>
        tpu.wait_indirect_dma semaphore(%arg28 : memref<!tpu.dma_semaphore, #tpu.memory_space<semaphore_mem>>) src(%dma_wait3A_559 : memref<65536x256xf32, #tpu.memory_space<hbm>>) dst(%arg18 : memref<16x256xf32, #tpu.memory_space<vmem>>)
        %add3A_560 = arith.constant 1 : i32
        %add3A_561 = arith.addi %add3A_521, %add3A_560 : i32
        %mul3A_562 = arith.constant 16 : i32
        %mul3A_563 = arith.muli %add3A_561, %mul3A_562 : i32
        %sub3A_564 = arith.constant 16416 : i32
        %sub3A_565 = arith.subi %sub3A_564, %mul3A_563 : i32
        %dma_start3A = tpu.memref_slice %arg11[%sub3A_565] : memref<16416xi32, #tpu.memory_space<vmem>> -> memref<16xi32, #tpu.memory_space<vmem>>
        %dma_start3A_566 = arith.constant 0 : i32
        %dma_start3A_567 = arith.constant 0 : i32
        %dma_start3A_568 = tpu.memref_slice %arg6[%dma_start3A_566, %dma_start3A_567] : memref<16384x256xf32, #tpu.memory_space<hbm>> -> memref<16384x256xf32, #tpu.memory_space<hbm>>
        tpu.enqueue_indirect_dma source(%arg18 : memref<16x256xf32, #tpu.memory_space<vmem>>) target(%dma_start3A_568 : memref<16384x256xf32, #tpu.memory_space<hbm>>) offsets(%dma_start3A : memref<16xi32, #tpu.memory_space<vmem>>) semaphore(%arg38 : memref<!tpu.dma_semaphore, #tpu.memory_space<semaphore_mem>>)
        %add3A_569 = arith.constant 8 : i32
        %add3A_570 = arith.addi %add3A_521, %add3A_569 : i32
        %lt3A_571 = arith.cmpi slt, %add3A_570, %select_n3A_355 : i32
        %convert_element_type3A_572 = arith.extui %lt3A_571 : i1 to i32
        %cond3A_573 = arith.constant 0 : i32
        %cond3A_574 = arith.cmpi ne, %convert_element_type3A_572, %cond3A_573 : i32
        scf.if %cond3A_574 {
          %ge3A = arith.constant 2 : i32
          %ge3A_575 = arith.cmpi sge, %add3A_521, %ge3A : i32
          %convert_element_type3A_576 = arith.extui %ge3A_575 : i1 to i32
          %cond3A_577 = arith.constant 0 : i32
          %cond3A_578 = arith.cmpi ne, %convert_element_type3A_576, %cond3A_577 : i32
          scf.if %cond3A_578 {
            %dma_wait3A_591 = arith.constant 16400 : i32
            %dma_wait3A_592 = tpu.memref_slice %arg11[%dma_wait3A_591] : memref<16416xi32, #tpu.memory_space<vmem>> -> memref<16xi32, #tpu.memory_space<vmem>>
            %dma_wait3A_593 = arith.constant 0 : i32
            %dma_wait3A_594 = arith.constant 0 : i32
            %dma_wait3A_595 = tpu.memref_slice %arg6[%dma_wait3A_593, %dma_wait3A_594] : memref<16384x256xf32, #tpu.memory_space<hbm>> -> memref<16384x256xf32, #tpu.memory_space<hbm>>
            tpu.wait_indirect_dma semaphore(%arg36 : memref<!tpu.dma_semaphore, #tpu.memory_space<semaphore_mem>>) src(%arg16 : memref<16x256xf32, #tpu.memory_space<vmem>>) dst(%dma_wait3A_595 : memref<16384x256xf32, #tpu.memory_space<hbm>>)
          } else {
          }
          %add3A_579 = arith.constant 8 : i32
          %add3A_580 = arith.addi %add3A_521, %add3A_579 : i32
          %add3A_581 = arith.constant 1 : i32
          %add3A_582 = arith.addi %add3A_580, %add3A_581 : i32
          %mul3A_583 = arith.constant 16 : i32
          %mul3A_584 = arith.muli %add3A_582, %mul3A_583 : i32
          %sub3A_585 = arith.constant 16416 : i32
          %sub3A_586 = arith.subi %sub3A_585, %mul3A_584 : i32
          %dma_start3A_587 = tpu.memref_slice %arg12[%sub3A_586] : memref<16416xi32, #tpu.memory_space<vmem>> -> memref<16xi32, #tpu.memory_space<vmem>>
          %dma_start3A_588 = arith.constant 0 : i32
          %dma_start3A_589 = arith.constant 0 : i32
          %dma_start3A_590 = tpu.memref_slice %arg2[%dma_start3A_588, %dma_start3A_589] : memref<65536x256xf32, #tpu.memory_space<hbm>> -> memref<65536x256xf32, #tpu.memory_space<hbm>>
          tpu.enqueue_indirect_dma source(%dma_start3A_590 : memref<65536x256xf32, #tpu.memory_space<hbm>>) target(%arg16 : memref<16x256xf32, #tpu.memory_space<vmem>>) offsets(%dma_start3A_587 : memref<16xi32, #tpu.memory_space<vmem>>) semaphore(%arg26 : memref<!tpu.dma_semaphore, #tpu.memory_space<semaphore_mem>>)
        } else {
        }
      } else {
      }
      %add3A_526 = arith.constant 6 : i32
      %add3A_527 = arith.addi %mul3A_489, %add3A_526 : i32
      %lt3A_528 = arith.cmpi slt, %add3A_527, %select_n3A_355 : i32
      %convert_element_type3A_529 = arith.extui %lt3A_528 : i1 to i32
      %cond3A_530 = arith.constant 0 : i32
      %cond3A_531 = arith.cmpi ne, %convert_element_type3A_529, %cond3A_530 : i32
      scf.if %cond3A_531 {
        %add3A_551 = arith.constant 1 : i32
        %add3A_552 = arith.addi %add3A_527, %add3A_551 : i32
        %mul3A_553 = arith.constant 16 : i32
        %mul3A_554 = arith.muli %add3A_552, %mul3A_553 : i32
        %sub3A_555 = arith.constant 16416 : i32
        %sub3A_556 = arith.subi %sub3A_555, %mul3A_554 : i32
        %dma_wait3A = tpu.memref_slice %arg12[%sub3A_556] : memref<16416xi32, #tpu.memory_space<vmem>> -> memref<16xi32, #tpu.memory_space<vmem>>
        %dma_wait3A_557 = arith.constant 0 : i32
        %dma_wait3A_558 = arith.constant 0 : i32
        %dma_wait3A_559 = tpu.memref_slice %arg2[%dma_wait3A_557, %dma_wait3A_558] : memref<65536x256xf32, #tpu.memory_space<hbm>> -> memref<65536x256xf32, #tpu.memory_space<hbm>>
        tpu.wait_indirect_dma semaphore(%arg29 : memref<!tpu.dma_semaphore, #tpu.memory_space<semaphore_mem>>) src(%dma_wait3A_559 : memref<65536x256xf32, #tpu.memory_space<hbm>>) dst(%arg19 : memref<16x256xf32, #tpu.memory_space<vmem>>)
        %add3A_560 = arith.constant 1 : i32
        %add3A_561 = arith.addi %add3A_527, %add3A_560 : i32
        %mul3A_562 = arith.constant 16 : i32
        %mul3A_563 = arith.muli %add3A_561, %mul3A_562 : i32
        %sub3A_564 = arith.constant 16416 : i32
        %sub3A_565 = arith.subi %sub3A_564, %mul3A_563 : i32
        %dma_start3A = tpu.memref_slice %arg11[%sub3A_565] : memref<16416xi32, #tpu.memory_space<vmem>> -> memref<16xi32, #tpu.memory_space<vmem>>
        %dma_start3A_566 = arith.constant 0 : i32
        %dma_start3A_567 = arith.constant 0 : i32
        %dma_start3A_568 = tpu.memref_slice %arg6[%dma_start3A_566, %dma_start3A_567] : memref<16384x256xf32, #tpu.memory_space<hbm>> -> memref<16384x256xf32, #tpu.memory_space<hbm>>
        tpu.enqueue_indirect_dma source(%arg19 : memref<16x256xf32, #tpu.memory_space<vmem>>) target(%dma_start3A_568 : memref<16384x256xf32, #tpu.memory_space<hbm>>) offsets(%dma_start3A : memref<16xi32, #tpu.memory_space<vmem>>) semaphore(%arg39 : memref<!tpu.dma_semaphore, #tpu.memory_space<semaphore_mem>>)
        %add3A_569 = arith.constant 8 : i32
        %add3A_570 = arith.addi %add3A_527, %add3A_569 : i32
        %lt3A_571 = arith.cmpi slt, %add3A_570, %select_n3A_355 : i32
        %convert_element_type3A_572 = arith.extui %lt3A_571 : i1 to i32
        %cond3A_573 = arith.constant 0 : i32
        %cond3A_574 = arith.cmpi ne, %convert_element_type3A_572, %cond3A_573 : i32
        scf.if %cond3A_574 {
          %ge3A = arith.constant 2 : i32
          %ge3A_575 = arith.cmpi sge, %add3A_527, %ge3A : i32
          %convert_element_type3A_576 = arith.extui %ge3A_575 : i1 to i32
          %cond3A_577 = arith.constant 0 : i32
          %cond3A_578 = arith.cmpi ne, %convert_element_type3A_576, %cond3A_577 : i32
          scf.if %cond3A_578 {
            %dma_wait3A_591 = arith.constant 16400 : i32
            %dma_wait3A_592 = tpu.memref_slice %arg11[%dma_wait3A_591] : memref<16416xi32, #tpu.memory_space<vmem>> -> memref<16xi32, #tpu.memory_space<vmem>>
            %dma_wait3A_593 = arith.constant 0 : i32
            %dma_wait3A_594 = arith.constant 0 : i32
            %dma_wait3A_595 = tpu.memref_slice %arg6[%dma_wait3A_593, %dma_wait3A_594] : memref<16384x256xf32, #tpu.memory_space<hbm>> -> memref<16384x256xf32, #tpu.memory_space<hbm>>
            tpu.wait_indirect_dma semaphore(%arg37 : memref<!tpu.dma_semaphore, #tpu.memory_space<semaphore_mem>>) src(%arg17 : memref<16x256xf32, #tpu.memory_space<vmem>>) dst(%dma_wait3A_595 : memref<16384x256xf32, #tpu.memory_space<hbm>>)
          } else {
          }
          %add3A_579 = arith.constant 8 : i32
          %add3A_580 = arith.addi %add3A_527, %add3A_579 : i32
          %add3A_581 = arith.constant 1 : i32
          %add3A_582 = arith.addi %add3A_580, %add3A_581 : i32
          %mul3A_583 = arith.constant 16 : i32
          %mul3A_584 = arith.muli %add3A_582, %mul3A_583 : i32
          %sub3A_585 = arith.constant 16416 : i32
          %sub3A_586 = arith.subi %sub3A_585, %mul3A_584 : i32
          %dma_start3A_587 = tpu.memref_slice %arg12[%sub3A_586] : memref<16416xi32, #tpu.memory_space<vmem>> -> memref<16xi32, #tpu.memory_space<vmem>>
          %dma_start3A_588 = arith.constant 0 : i32
          %dma_start3A_589 = arith.constant 0 : i32
          %dma_start3A_590 = tpu.memref_slice %arg2[%dma_start3A_588, %dma_start3A_589] : memref<65536x256xf32, #tpu.memory_space<hbm>> -> memref<65536x256xf32, #tpu.memory_space<hbm>>
          tpu.enqueue_indirect_dma source(%dma_start3A_590 : memref<65536x256xf32, #tpu.memory_space<hbm>>) target(%arg17 : memref<16x256xf32, #tpu.memory_space<vmem>>) offsets(%dma_start3A_587 : memref<16xi32, #tpu.memory_space<vmem>>) semaphore(%arg27 : memref<!tpu.dma_semaphore, #tpu.memory_space<semaphore_mem>>)
        } else {
        }
      } else {
      }
      %add3A_532 = arith.constant 7 : i32
      %add3A_533 = arith.addi %mul3A_489, %add3A_532 : i32
      %lt3A_534 = arith.cmpi slt, %add3A_533, %select_n3A_355 : i32
      %convert_element_type3A_535 = arith.extui %lt3A_534 : i1 to i32
      %cond3A_536 = arith.constant 0 : i32
      %cond3A_537 = arith.cmpi ne, %convert_element_type3A_535, %cond3A_536 : i32
      scf.if %cond3A_537 {
        %add3A_551 = arith.constant 1 : i32
        %add3A_552 = arith.addi %add3A_533, %add3A_551 : i32
        %mul3A_553 = arith.constant 16 : i32
        %mul3A_554 = arith.muli %add3A_552, %mul3A_553 : i32
        %sub3A_555 = arith.constant 16416 : i32
        %sub3A_556 = arith.subi %sub3A_555, %mul3A_554 : i32
        %dma_wait3A = tpu.memref_slice %arg12[%sub3A_556] : memref<16416xi32, #tpu.memory_space<vmem>> -> memref<16xi32, #tpu.memory_space<vmem>>
        %dma_wait3A_557 = arith.constant 0 : i32
        %dma_wait3A_558 = arith.constant 0 : i32
        %dma_wait3A_559 = tpu.memref_slice %arg2[%dma_wait3A_557, %dma_wait3A_558] : memref<65536x256xf32, #tpu.memory_space<hbm>> -> memref<65536x256xf32, #tpu.memory_space<hbm>>
        tpu.wait_indirect_dma semaphore(%arg30 : memref<!tpu.dma_semaphore, #tpu.memory_space<semaphore_mem>>) src(%dma_wait3A_559 : memref<65536x256xf32, #tpu.memory_space<hbm>>) dst(%arg20 : memref<16x256xf32, #tpu.memory_space<vmem>>)
        %add3A_560 = arith.constant 1 : i32
        %add3A_561 = arith.addi %add3A_533, %add3A_560 : i32
        %mul3A_562 = arith.constant 16 : i32
        %mul3A_563 = arith.muli %add3A_561, %mul3A_562 : i32
        %sub3A_564 = arith.constant 16416 : i32
        %sub3A_565 = arith.subi %sub3A_564, %mul3A_563 : i32
        %dma_start3A = tpu.memref_slice %arg11[%sub3A_565] : memref<16416xi32, #tpu.memory_space<vmem>> -> memref<16xi32, #tpu.memory_space<vmem>>
        %dma_start3A_566 = arith.constant 0 : i32
        %dma_start3A_567 = arith.constant 0 : i32
        %dma_start3A_568 = tpu.memref_slice %arg6[%dma_start3A_566, %dma_start3A_567] : memref<16384x256xf32, #tpu.memory_space<hbm>> -> memref<16384x256xf32, #tpu.memory_space<hbm>>
        tpu.enqueue_indirect_dma source(%arg20 : memref<16x256xf32, #tpu.memory_space<vmem>>) target(%dma_start3A_568 : memref<16384x256xf32, #tpu.memory_space<hbm>>) offsets(%dma_start3A : memref<16xi32, #tpu.memory_space<vmem>>) semaphore(%arg40 : memref<!tpu.dma_semaphore, #tpu.memory_space<semaphore_mem>>)
        %add3A_569 = arith.constant 8 : i32
        %add3A_570 = arith.addi %add3A_533, %add3A_569 : i32
        %lt3A_571 = arith.cmpi slt, %add3A_570, %select_n3A_355 : i32
        %convert_element_type3A_572 = arith.extui %lt3A_571 : i1 to i32
        %cond3A_573 = arith.constant 0 : i32
        %cond3A_574 = arith.cmpi ne, %convert_element_type3A_572, %cond3A_573 : i32
        scf.if %cond3A_574 {
          %ge3A = arith.constant 2 : i32
          %ge3A_575 = arith.cmpi sge, %add3A_533, %ge3A : i32
          %convert_element_type3A_576 = arith.extui %ge3A_575 : i1 to i32
          %cond3A_577 = arith.constant 0 : i32
          %cond3A_578 = arith.cmpi ne, %convert_element_type3A_576, %cond3A_577 : i32
          scf.if %cond3A_578 {
            %dma_wait3A_591 = arith.constant 16400 : i32
            %dma_wait3A_592 = tpu.memref_slice %arg11[%dma_wait3A_591] : memref<16416xi32, #tpu.memory_space<vmem>> -> memref<16xi32, #tpu.memory_space<vmem>>
            %dma_wait3A_593 = arith.constant 0 : i32
            %dma_wait3A_594 = arith.constant 0 : i32
            %dma_wait3A_595 = tpu.memref_slice %arg6[%dma_wait3A_593, %dma_wait3A_594] : memref<16384x256xf32, #tpu.memory_space<hbm>> -> memref<16384x256xf32, #tpu.memory_space<hbm>>
            tpu.wait_indirect_dma semaphore(%arg38 : memref<!tpu.dma_semaphore, #tpu.memory_space<semaphore_mem>>) src(%arg18 : memref<16x256xf32, #tpu.memory_space<vmem>>) dst(%dma_wait3A_595 : memref<16384x256xf32, #tpu.memory_space<hbm>>)
          } else {
          }
          %add3A_579 = arith.constant 8 : i32
          %add3A_580 = arith.addi %add3A_533, %add3A_579 : i32
          %add3A_581 = arith.constant 1 : i32
          %add3A_582 = arith.addi %add3A_580, %add3A_581 : i32
          %mul3A_583 = arith.constant 16 : i32
          %mul3A_584 = arith.muli %add3A_582, %mul3A_583 : i32
          %sub3A_585 = arith.constant 16416 : i32
          %sub3A_586 = arith.subi %sub3A_585, %mul3A_584 : i32
          %dma_start3A_587 = tpu.memref_slice %arg12[%sub3A_586] : memref<16416xi32, #tpu.memory_space<vmem>> -> memref<16xi32, #tpu.memory_space<vmem>>
          %dma_start3A_588 = arith.constant 0 : i32
          %dma_start3A_589 = arith.constant 0 : i32
          %dma_start3A_590 = tpu.memref_slice %arg2[%dma_start3A_588, %dma_start3A_589] : memref<65536x256xf32, #tpu.memory_space<hbm>> -> memref<65536x256xf32, #tpu.memory_space<hbm>>
          tpu.enqueue_indirect_dma source(%dma_start3A_590 : memref<65536x256xf32, #tpu.memory_space<hbm>>) target(%arg18 : memref<16x256xf32, #tpu.memory_space<vmem>>) offsets(%dma_start3A_587 : memref<16xi32, #tpu.memory_space<vmem>>) semaphore(%arg28 : memref<!tpu.dma_semaphore, #tpu.memory_space<semaphore_mem>>)
        } else {
        }
      } else {
      }
      %add3A_538 = arith.constant 8 : i32
      %add3A_539 = arith.addi %mul3A_489, %add3A_538 : i32
      %lt3A_540 = arith.cmpi slt, %add3A_539, %select_n3A_355 : i32
      %convert_element_type3A_541 = arith.extui %lt3A_540 : i1 to i32
      %cond3A_542 = arith.constant 0 : i32
      %cond3A_543 = arith.cmpi ne, %convert_element_type3A_541, %cond3A_542 : i32
      scf.if %cond3A_543 {
        %add3A_551 = arith.constant 1 : i32
        %add3A_552 = arith.addi %add3A_539, %add3A_551 : i32
        %mul3A_553 = arith.constant 16 : i32
        %mul3A_554 = arith.muli %add3A_552, %mul3A_553 : i32
        %sub3A_555 = arith.constant 16416 : i32
        %sub3A_556 = arith.subi %sub3A_555, %mul3A_554 : i32
        %dma_wait3A = tpu.memref_slice %arg12[%sub3A_556] : memref<16416xi32, #tpu.memory_space<vmem>> -> memref<16xi32, #tpu.memory_space<vmem>>
        %dma_wait3A_557 = arith.constant 0 : i32
        %dma_wait3A_558 = arith.constant 0 : i32
        %dma_wait3A_559 = tpu.memref_slice %arg2[%dma_wait3A_557, %dma_wait3A_558] : memref<65536x256xf32, #tpu.memory_space<hbm>> -> memref<65536x256xf32, #tpu.memory_space<hbm>>
        tpu.wait_indirect_dma semaphore(%arg31 : memref<!tpu.dma_semaphore, #tpu.memory_space<semaphore_mem>>) src(%dma_wait3A_559 : memref<65536x256xf32, #tpu.memory_space<hbm>>) dst(%arg21 : memref<16x256xf32, #tpu.memory_space<vmem>>)
        %add3A_560 = arith.constant 1 : i32
        %add3A_561 = arith.addi %add3A_539, %add3A_560 : i32
        %mul3A_562 = arith.constant 16 : i32
        %mul3A_563 = arith.muli %add3A_561, %mul3A_562 : i32
        %sub3A_564 = arith.constant 16416 : i32
        %sub3A_565 = arith.subi %sub3A_564, %mul3A_563 : i32
        %dma_start3A = tpu.memref_slice %arg11[%sub3A_565] : memref<16416xi32, #tpu.memory_space<vmem>> -> memref<16xi32, #tpu.memory_space<vmem>>
        %dma_start3A_566 = arith.constant 0 : i32
        %dma_start3A_567 = arith.constant 0 : i32
        %dma_start3A_568 = tpu.memref_slice %arg6[%dma_start3A_566, %dma_start3A_567] : memref<16384x256xf32, #tpu.memory_space<hbm>> -> memref<16384x256xf32, #tpu.memory_space<hbm>>
        tpu.enqueue_indirect_dma source(%arg21 : memref<16x256xf32, #tpu.memory_space<vmem>>) target(%dma_start3A_568 : memref<16384x256xf32, #tpu.memory_space<hbm>>) offsets(%dma_start3A : memref<16xi32, #tpu.memory_space<vmem>>) semaphore(%arg41 : memref<!tpu.dma_semaphore, #tpu.memory_space<semaphore_mem>>)
        %add3A_569 = arith.constant 8 : i32
        %add3A_570 = arith.addi %add3A_539, %add3A_569 : i32
        %lt3A_571 = arith.cmpi slt, %add3A_570, %select_n3A_355 : i32
        %convert_element_type3A_572 = arith.extui %lt3A_571 : i1 to i32
        %cond3A_573 = arith.constant 0 : i32
        %cond3A_574 = arith.cmpi ne, %convert_element_type3A_572, %cond3A_573 : i32
        scf.if %cond3A_574 {
          %ge3A = arith.constant 2 : i32
          %ge3A_575 = arith.cmpi sge, %add3A_539, %ge3A : i32
          %convert_element_type3A_576 = arith.extui %ge3A_575 : i1 to i32
          %cond3A_577 = arith.constant 0 : i32
          %cond3A_578 = arith.cmpi ne, %convert_element_type3A_576, %cond3A_577 : i32
          scf.if %cond3A_578 {
            %dma_wait3A_591 = arith.constant 16400 : i32
            %dma_wait3A_592 = tpu.memref_slice %arg11[%dma_wait3A_591] : memref<16416xi32, #tpu.memory_space<vmem>> -> memref<16xi32, #tpu.memory_space<vmem>>
            %dma_wait3A_593 = arith.constant 0 : i32
            %dma_wait3A_594 = arith.constant 0 : i32
            %dma_wait3A_595 = tpu.memref_slice %arg6[%dma_wait3A_593, %dma_wait3A_594] : memref<16384x256xf32, #tpu.memory_space<hbm>> -> memref<16384x256xf32, #tpu.memory_space<hbm>>
            tpu.wait_indirect_dma semaphore(%arg39 : memref<!tpu.dma_semaphore, #tpu.memory_space<semaphore_mem>>) src(%arg19 : memref<16x256xf32, #tpu.memory_space<vmem>>) dst(%dma_wait3A_595 : memref<16384x256xf32, #tpu.memory_space<hbm>>)
          } else {
          }
          %add3A_579 = arith.constant 8 : i32
          %add3A_580 = arith.addi %add3A_539, %add3A_579 : i32
          %add3A_581 = arith.constant 1 : i32
          %add3A_582 = arith.addi %add3A_580, %add3A_581 : i32
          %mul3A_583 = arith.constant 16 : i32
          %mul3A_584 = arith.muli %add3A_582, %mul3A_583 : i32
          %sub3A_585 = arith.constant 16416 : i32
          %sub3A_586 = arith.subi %sub3A_585, %mul3A_584 : i32
          %dma_start3A_587 = tpu.memref_slice %arg12[%sub3A_586] : memref<16416xi32, #tpu.memory_space<vmem>> -> memref<16xi32, #tpu.memory_space<vmem>>
          %dma_start3A_588 = arith.constant 0 : i32
          %dma_start3A_589 = arith.constant 0 : i32
          %dma_start3A_590 = tpu.memref_slice %arg2[%dma_start3A_588, %dma_start3A_589] : memref<65536x256xf32, #tpu.memory_space<hbm>> -> memref<65536x256xf32, #tpu.memory_space<hbm>>
          tpu.enqueue_indirect_dma source(%dma_start3A_590 : memref<65536x256xf32, #tpu.memory_space<hbm>>) target(%arg19 : memref<16x256xf32, #tpu.memory_space<vmem>>) offsets(%dma_start3A_587 : memref<16xi32, #tpu.memory_space<vmem>>) semaphore(%arg29 : memref<!tpu.dma_semaphore, #tpu.memory_space<semaphore_mem>>)
        } else {
        }
      } else {
      }
      %add3A_544 = arith.constant 9 : i32
      %add3A_545 = arith.addi %mul3A_489, %add3A_544 : i32
      %lt3A_546 = arith.cmpi slt, %add3A_545, %select_n3A_355 : i32
      %convert_element_type3A_547 = arith.extui %lt3A_546 : i1 to i32
      %cond3A_548 = arith.constant 0 : i32
      %cond3A_549 = arith.cmpi ne, %convert_element_type3A_547, %cond3A_548 : i32
      scf.if %cond3A_549 {
        %add3A_551 = arith.constant 1 : i32
        %add3A_552 = arith.addi %add3A_545, %add3A_551 : i32
        %mul3A_553 = arith.constant 16 : i32
        %mul3A_554 = arith.muli %add3A_552, %mul3A_553 : i32
        %sub3A_555 = arith.constant 16416 : i32
        %sub3A_556 = arith.subi %sub3A_555, %mul3A_554 : i32
        %dma_wait3A = tpu.memref_slice %arg12[%sub3A_556] : memref<16416xi32, #tpu.memory_space<vmem>> -> memref<16xi32, #tpu.memory_space<vmem>>
        %dma_wait3A_557 = arith.constant 0 : i32
        %dma_wait3A_558 = arith.constant 0 : i32
        %dma_wait3A_559 = tpu.memref_slice %arg2[%dma_wait3A_557, %dma_wait3A_558] : memref<65536x256xf32, #tpu.memory_space<hbm>> -> memref<65536x256xf32, #tpu.memory_space<hbm>>
        tpu.wait_indirect_dma semaphore(%arg32 : memref<!tpu.dma_semaphore, #tpu.memory_space<semaphore_mem>>) src(%dma_wait3A_559 : memref<65536x256xf32, #tpu.memory_space<hbm>>) dst(%arg22 : memref<16x256xf32, #tpu.memory_space<vmem>>)
        %add3A_560 = arith.constant 1 : i32
        %add3A_561 = arith.addi %add3A_545, %add3A_560 : i32
        %mul3A_562 = arith.constant 16 : i32
        %mul3A_563 = arith.muli %add3A_561, %mul3A_562 : i32
        %sub3A_564 = arith.constant 16416 : i32
        %sub3A_565 = arith.subi %sub3A_564, %mul3A_563 : i32
        %dma_start3A = tpu.memref_slice %arg11[%sub3A_565] : memref<16416xi32, #tpu.memory_space<vmem>> -> memref<16xi32, #tpu.memory_space<vmem>>
        %dma_start3A_566 = arith.constant 0 : i32
        %dma_start3A_567 = arith.constant 0 : i32
        %dma_start3A_568 = tpu.memref_slice %arg6[%dma_start3A_566, %dma_start3A_567] : memref<16384x256xf32, #tpu.memory_space<hbm>> -> memref<16384x256xf32, #tpu.memory_space<hbm>>
        tpu.enqueue_indirect_dma source(%arg22 : memref<16x256xf32, #tpu.memory_space<vmem>>) target(%dma_start3A_568 : memref<16384x256xf32, #tpu.memory_space<hbm>>) offsets(%dma_start3A : memref<16xi32, #tpu.memory_space<vmem>>) semaphore(%arg42 : memref<!tpu.dma_semaphore, #tpu.memory_space<semaphore_mem>>)
        %add3A_569 = arith.constant 8 : i32
        %add3A_570 = arith.addi %add3A_545, %add3A_569 : i32
        %lt3A_571 = arith.cmpi slt, %add3A_570, %select_n3A_355 : i32
        %convert_element_type3A_572 = arith.extui %lt3A_571 : i1 to i32
        %cond3A_573 = arith.constant 0 : i32
        %cond3A_574 = arith.cmpi ne, %convert_element_type3A_572, %cond3A_573 : i32
        scf.if %cond3A_574 {
          %ge3A = arith.constant 2 : i32
          %ge3A_575 = arith.cmpi sge, %add3A_545, %ge3A : i32
          %convert_element_type3A_576 = arith.extui %ge3A_575 : i1 to i32
          %cond3A_577 = arith.constant 0 : i32
          %cond3A_578 = arith.cmpi ne, %convert_element_type3A_576, %cond3A_577 : i32
          scf.if %cond3A_578 {
            %dma_wait3A_591 = arith.constant 16400 : i32
            %dma_wait3A_592 = tpu.memref_slice %arg11[%dma_wait3A_591] : memref<16416xi32, #tpu.memory_space<vmem>> -> memref<16xi32, #tpu.memory_space<vmem>>
            %dma_wait3A_593 = arith.constant 0 : i32
            %dma_wait3A_594 = arith.constant 0 : i32
            %dma_wait3A_595 = tpu.memref_slice %arg6[%dma_wait3A_593, %dma_wait3A_594] : memref<16384x256xf32, #tpu.memory_space<hbm>> -> memref<16384x256xf32, #tpu.memory_space<hbm>>
            tpu.wait_indirect_dma semaphore(%arg40 : memref<!tpu.dma_semaphore, #tpu.memory_space<semaphore_mem>>) src(%arg20 : memref<16x256xf32, #tpu.memory_space<vmem>>) dst(%dma_wait3A_595 : memref<16384x256xf32, #tpu.memory_space<hbm>>)
          } else {
          }
          %add3A_579 = arith.constant 8 : i32
          %add3A_580 = arith.addi %add3A_545, %add3A_579 : i32
          %add3A_581 = arith.constant 1 : i32
          %add3A_582 = arith.addi %add3A_580, %add3A_581 : i32
          %mul3A_583 = arith.constant 16 : i32
          %mul3A_584 = arith.muli %add3A_582, %mul3A_583 : i32
          %sub3A_585 = arith.constant 16416 : i32
          %sub3A_586 = arith.subi %sub3A_585, %mul3A_584 : i32
          %dma_start3A_587 = tpu.memref_slice %arg12[%sub3A_586] : memref<16416xi32, #tpu.memory_space<vmem>> -> memref<16xi32, #tpu.memory_space<vmem>>
          %dma_start3A_588 = arith.constant 0 : i32
          %dma_start3A_589 = arith.constant 0 : i32
          %dma_start3A_590 = tpu.memref_slice %arg2[%dma_start3A_588, %dma_start3A_589] : memref<65536x256xf32, #tpu.memory_space<hbm>> -> memref<65536x256xf32, #tpu.memory_space<hbm>>
          tpu.enqueue_indirect_dma source(%dma_start3A_590 : memref<65536x256xf32, #tpu.memory_space<hbm>>) target(%arg20 : memref<16x256xf32, #tpu.memory_space<vmem>>) offsets(%dma_start3A_587 : memref<16xi32, #tpu.memory_space<vmem>>) semaphore(%arg30 : memref<!tpu.dma_semaphore, #tpu.memory_space<semaphore_mem>>)
        } else {
        }
      } else {
      }
      %while3A_550 = arith.constant 0 : i32
      scf.yield %while3A_550 : i32
    }
    %while3A_434 = arith.constant 1 : i32
    %while3A_435 = scf.for %while3A_486 = %while3A_431 to %while3A_427 step %while3A_434 iter_args(%while3A_487 = %while3A_433) -> (i32)  : i32 {
      %mul3A_488 = arith.constant 10 : i32
      %mul3A_489 = arith.muli %while3A_486, %mul3A_488 : i32
      %add3A_490 = arith.constant 0 : i32
      %add3A_491 = arith.addi %mul3A_489, %add3A_490 : i32
      %lt3A_492 = arith.cmpi slt, %add3A_491, %select_n3A_355 : i32
      %convert_element_type3A_493 = arith.extui %lt3A_492 : i1 to i32
      %cond3A_494 = arith.constant 0 : i32
      %cond3A_495 = arith.cmpi ne, %convert_element_type3A_493, %cond3A_494 : i32
      scf.if %cond3A_495 {
        %add3A_551 = arith.constant 1 : i32
        %add3A_552 = arith.addi %add3A_491, %add3A_551 : i32
        %mul3A_553 = arith.constant 16 : i32
        %mul3A_554 = arith.muli %add3A_552, %mul3A_553 : i32
        %sub3A_555 = arith.constant 16416 : i32
        %sub3A_556 = arith.subi %sub3A_555, %mul3A_554 : i32
        %dma_wait3A = tpu.memref_slice %arg12[%sub3A_556] : memref<16416xi32, #tpu.memory_space<vmem>> -> memref<16xi32, #tpu.memory_space<vmem>>
        %dma_wait3A_557 = arith.constant 0 : i32
        %dma_wait3A_558 = arith.constant 0 : i32
        %dma_wait3A_559 = tpu.memref_slice %arg2[%dma_wait3A_557, %dma_wait3A_558] : memref<65536x256xf32, #tpu.memory_space<hbm>> -> memref<65536x256xf32, #tpu.memory_space<hbm>>
        tpu.wait_indirect_dma semaphore(%arg23 : memref<!tpu.dma_semaphore, #tpu.memory_space<semaphore_mem>>) src(%dma_wait3A_559 : memref<65536x256xf32, #tpu.memory_space<hbm>>) dst(%arg13 : memref<16x256xf32, #tpu.memory_space<vmem>>)
        %add3A_560 = arith.constant 1 : i32
        %add3A_561 = arith.addi %add3A_491, %add3A_560 : i32
        %mul3A_562 = arith.constant 16 : i32
        %mul3A_563 = arith.muli %add3A_561, %mul3A_562 : i32
        %sub3A_564 = arith.constant 16416 : i32
        %sub3A_565 = arith.subi %sub3A_564, %mul3A_563 : i32
        %dma_start3A = tpu.memref_slice %arg11[%sub3A_565] : memref<16416xi32, #tpu.memory_space<vmem>> -> memref<16xi32, #tpu.memory_space<vmem>>
        %dma_start3A_566 = arith.constant 0 : i32
        %dma_start3A_567 = arith.constant 0 : i32
        %dma_start3A_568 = tpu.memref_slice %arg6[%dma_start3A_566, %dma_start3A_567] : memref<16384x256xf32, #tpu.memory_space<hbm>> -> memref<16384x256xf32, #tpu.memory_space<hbm>>
        tpu.enqueue_indirect_dma source(%arg13 : memref<16x256xf32, #tpu.memory_space<vmem>>) target(%dma_start3A_568 : memref<16384x256xf32, #tpu.memory_space<hbm>>) offsets(%dma_start3A : memref<16xi32, #tpu.memory_space<vmem>>) semaphore(%arg33 : memref<!tpu.dma_semaphore, #tpu.memory_space<semaphore_mem>>)
        %add3A_569 = arith.constant 8 : i32
        %add3A_570 = arith.addi %add3A_491, %add3A_569 : i32
        %lt3A_571 = arith.cmpi slt, %add3A_570, %select_n3A_355 : i32
        %convert_element_type3A_572 = arith.extui %lt3A_571 : i1 to i32
        %cond3A_573 = arith.constant 0 : i32
        %cond3A_574 = arith.cmpi ne, %convert_element_type3A_572, %cond3A_573 : i32
        scf.if %cond3A_574 {
          %ge3A = arith.constant 2 : i32
          %ge3A_575 = arith.cmpi sge, %add3A_491, %ge3A : i32
          %convert_element_type3A_576 = arith.extui %ge3A_575 : i1 to i32
          %cond3A_577 = arith.constant 0 : i32
          %cond3A_578 = arith.cmpi ne, %convert_element_type3A_576, %cond3A_577 : i32
          scf.if %cond3A_578 {
            %dma_wait3A_591 = arith.constant 16400 : i32
            %dma_wait3A_592 = tpu.memref_slice %arg11[%dma_wait3A_591] : memref<16416xi32, #tpu.memory_space<vmem>> -> memref<16xi32, #tpu.memory_space<vmem>>
            %dma_wait3A_593 = arith.constant 0 : i32
            %dma_wait3A_594 = arith.constant 0 : i32
            %dma_wait3A_595 = tpu.memref_slice %arg6[%dma_wait3A_593, %dma_wait3A_594] : memref<16384x256xf32, #tpu.memory_space<hbm>> -> memref<16384x256xf32, #tpu.memory_space<hbm>>
            tpu.wait_indirect_dma semaphore(%arg41 : memref<!tpu.dma_semaphore, #tpu.memory_space<semaphore_mem>>) src(%arg21 : memref<16x256xf32, #tpu.memory_space<vmem>>) dst(%dma_wait3A_595 : memref<16384x256xf32, #tpu.memory_space<hbm>>)
          } else {
          }
          %add3A_579 = arith.constant 8 : i32
          %add3A_580 = arith.addi %add3A_491, %add3A_579 : i32
          %add3A_581 = arith.constant 1 : i32
          %add3A_582 = arith.addi %add3A_580, %add3A_581 : i32
          %mul3A_583 = arith.constant 16 : i32
          %mul3A_584 = arith.muli %add3A_582, %mul3A_583 : i32
          %sub3A_585 = arith.constant 16416 : i32
          %sub3A_586 = arith.subi %sub3A_585, %mul3A_584 : i32
          %dma_start3A_587 = tpu.memref_slice %arg12[%sub3A_586] : memref<16416xi32, #tpu.memory_space<vmem>> -> memref<16xi32, #tpu.memory_space<vmem>>
          %dma_start3A_588 = arith.constant 0 : i32
          %dma_start3A_589 = arith.constant 0 : i32
          %dma_start3A_590 = tpu.memref_slice %arg2[%dma_start3A_588, %dma_start3A_589] : memref<65536x256xf32, #tpu.memory_space<hbm>> -> memref<65536x256xf32, #tpu.memory_space<hbm>>
          tpu.enqueue_indirect_dma source(%dma_start3A_590 : memref<65536x256xf32, #tpu.memory_space<hbm>>) target(%arg21 : memref<16x256xf32, #tpu.memory_space<vmem>>) offsets(%dma_start3A_587 : memref<16xi32, #tpu.memory_space<vmem>>) semaphore(%arg31 : memref<!tpu.dma_semaphore, #tpu.memory_space<semaphore_mem>>)
        } else {
        }
      } else {
      }
      %add3A_496 = arith.constant 1 : i32
      %add3A_497 = arith.addi %mul3A_489, %add3A_496 : i32
      %lt3A_498 = arith.cmpi slt, %add3A_497, %select_n3A_355 : i32
      %convert_element_type3A_499 = arith.extui %lt3A_498 : i1 to i32
      %cond3A_500 = arith.constant 0 : i32
      %cond3A_501 = arith.cmpi ne, %convert_element_type3A_499, %cond3A_500 : i32
      scf.if %cond3A_501 {
        %add3A_551 = arith.constant 1 : i32
        %add3A_552 = arith.addi %add3A_497, %add3A_551 : i32
        %mul3A_553 = arith.constant 16 : i32
        %mul3A_554 = arith.muli %add3A_552, %mul3A_553 : i32
        %sub3A_555 = arith.constant 16416 : i32
        %sub3A_556 = arith.subi %sub3A_555, %mul3A_554 : i32
        %dma_wait3A = tpu.memref_slice %arg12[%sub3A_556] : memref<16416xi32, #tpu.memory_space<vmem>> -> memref<16xi32, #tpu.memory_space<vmem>>
        %dma_wait3A_557 = arith.constant 0 : i32
        %dma_wait3A_558 = arith.constant 0 : i32
        %dma_wait3A_559 = tpu.memref_slice %arg2[%dma_wait3A_557, %dma_wait3A_558] : memref<65536x256xf32, #tpu.memory_space<hbm>> -> memref<65536x256xf32, #tpu.memory_space<hbm>>
        tpu.wait_indirect_dma semaphore(%arg24 : memref<!tpu.dma_semaphore, #tpu.memory_space<semaphore_mem>>) src(%dma_wait3A_559 : memref<65536x256xf32, #tpu.memory_space<hbm>>) dst(%arg14 : memref<16x256xf32, #tpu.memory_space<vmem>>)
        %add3A_560 = arith.constant 1 : i32
        %add3A_561 = arith.addi %add3A_497, %add3A_560 : i32
        %mul3A_562 = arith.constant 16 : i32
        %mul3A_563 = arith.muli %add3A_561, %mul3A_562 : i32
        %sub3A_564 = arith.constant 16416 : i32
        %sub3A_565 = arith.subi %sub3A_564, %mul3A_563 : i32
        %dma_start3A = tpu.memref_slice %arg11[%sub3A_565] : memref<16416xi32, #tpu.memory_space<vmem>> -> memref<16xi32, #tpu.memory_space<vmem>>
        %dma_start3A_566 = arith.constant 0 : i32
        %dma_start3A_567 = arith.constant 0 : i32
        %dma_start3A_568 = tpu.memref_slice %arg6[%dma_start3A_566, %dma_start3A_567] : memref<16384x256xf32, #tpu.memory_space<hbm>> -> memref<16384x256xf32, #tpu.memory_space<hbm>>
        tpu.enqueue_indirect_dma source(%arg14 : memref<16x256xf32, #tpu.memory_space<vmem>>) target(%dma_start3A_568 : memref<16384x256xf32, #tpu.memory_space<hbm>>) offsets(%dma_start3A : memref<16xi32, #tpu.memory_space<vmem>>) semaphore(%arg34 : memref<!tpu.dma_semaphore, #tpu.memory_space<semaphore_mem>>)
        %add3A_569 = arith.constant 8 : i32
        %add3A_570 = arith.addi %add3A_497, %add3A_569 : i32
        %lt3A_571 = arith.cmpi slt, %add3A_570, %select_n3A_355 : i32
        %convert_element_type3A_572 = arith.extui %lt3A_571 : i1 to i32
        %cond3A_573 = arith.constant 0 : i32
        %cond3A_574 = arith.cmpi ne, %convert_element_type3A_572, %cond3A_573 : i32
        scf.if %cond3A_574 {
          %ge3A = arith.constant 2 : i32
          %ge3A_575 = arith.cmpi sge, %add3A_497, %ge3A : i32
          %convert_element_type3A_576 = arith.extui %ge3A_575 : i1 to i32
          %cond3A_577 = arith.constant 0 : i32
          %cond3A_578 = arith.cmpi ne, %convert_element_type3A_576, %cond3A_577 : i32
          scf.if %cond3A_578 {
            %dma_wait3A_591 = arith.constant 16400 : i32
            %dma_wait3A_592 = tpu.memref_slice %arg11[%dma_wait3A_591] : memref<16416xi32, #tpu.memory_space<vmem>> -> memref<16xi32, #tpu.memory_space<vmem>>
            %dma_wait3A_593 = arith.constant 0 : i32
            %dma_wait3A_594 = arith.constant 0 : i32
            %dma_wait3A_595 = tpu.memref_slice %arg6[%dma_wait3A_593, %dma_wait3A_594] : memref<16384x256xf32, #tpu.memory_space<hbm>> -> memref<16384x256xf32, #tpu.memory_space<hbm>>
            tpu.wait_indirect_dma semaphore(%arg42 : memref<!tpu.dma_semaphore, #tpu.memory_space<semaphore_mem>>) src(%arg22 : memref<16x256xf32, #tpu.memory_space<vmem>>) dst(%dma_wait3A_595 : memref<16384x256xf32, #tpu.memory_space<hbm>>)
          } else {
          }
          %add3A_579 = arith.constant 8 : i32
          %add3A_580 = arith.addi %add3A_497, %add3A_579 : i32
          %add3A_581 = arith.constant 1 : i32
          %add3A_582 = arith.addi %add3A_580, %add3A_581 : i32
          %mul3A_583 = arith.constant 16 : i32
          %mul3A_584 = arith.muli %add3A_582, %mul3A_583 : i32
          %sub3A_585 = arith.constant 16416 : i32
          %sub3A_586 = arith.subi %sub3A_585, %mul3A_584 : i32
          %dma_start3A_587 = tpu.memref_slice %arg12[%sub3A_586] : memref<16416xi32, #tpu.memory_space<vmem>> -> memref<16xi32, #tpu.memory_space<vmem>>
          %dma_start3A_588 = arith.constant 0 : i32
          %dma_start3A_589 = arith.constant 0 : i32
          %dma_start3A_590 = tpu.memref_slice %arg2[%dma_start3A_588, %dma_start3A_589] : memref<65536x256xf32, #tpu.memory_space<hbm>> -> memref<65536x256xf32, #tpu.memory_space<hbm>>
          tpu.enqueue_indirect_dma source(%dma_start3A_590 : memref<65536x256xf32, #tpu.memory_space<hbm>>) target(%arg22 : memref<16x256xf32, #tpu.memory_space<vmem>>) offsets(%dma_start3A_587 : memref<16xi32, #tpu.memory_space<vmem>>) semaphore(%arg32 : memref<!tpu.dma_semaphore, #tpu.memory_space<semaphore_mem>>)
        } else {
        }
      } else {
      }
      %add3A_502 = arith.constant 2 : i32
      %add3A_503 = arith.addi %mul3A_489, %add3A_502 : i32
      %lt3A_504 = arith.cmpi slt, %add3A_503, %select_n3A_355 : i32
      %convert_element_type3A_505 = arith.extui %lt3A_504 : i1 to i32
      %cond3A_506 = arith.constant 0 : i32
      %cond3A_507 = arith.cmpi ne, %convert_element_type3A_505, %cond3A_506 : i32
      scf.if %cond3A_507 {
        %add3A_551 = arith.constant 1 : i32
        %add3A_552 = arith.addi %add3A_503, %add3A_551 : i32
        %mul3A_553 = arith.constant 16 : i32
        %mul3A_554 = arith.muli %add3A_552, %mul3A_553 : i32
        %sub3A_555 = arith.constant 16416 : i32
        %sub3A_556 = arith.subi %sub3A_555, %mul3A_554 : i32
        %dma_wait3A = tpu.memref_slice %arg12[%sub3A_556] : memref<16416xi32, #tpu.memory_space<vmem>> -> memref<16xi32, #tpu.memory_space<vmem>>
        %dma_wait3A_557 = arith.constant 0 : i32
        %dma_wait3A_558 = arith.constant 0 : i32
        %dma_wait3A_559 = tpu.memref_slice %arg2[%dma_wait3A_557, %dma_wait3A_558] : memref<65536x256xf32, #tpu.memory_space<hbm>> -> memref<65536x256xf32, #tpu.memory_space<hbm>>
        tpu.wait_indirect_dma semaphore(%arg25 : memref<!tpu.dma_semaphore, #tpu.memory_space<semaphore_mem>>) src(%dma_wait3A_559 : memref<65536x256xf32, #tpu.memory_space<hbm>>) dst(%arg15 : memref<16x256xf32, #tpu.memory_space<vmem>>)
        %add3A_560 = arith.constant 1 : i32
        %add3A_561 = arith.addi %add3A_503, %add3A_560 : i32
        %mul3A_562 = arith.constant 16 : i32
        %mul3A_563 = arith.muli %add3A_561, %mul3A_562 : i32
        %sub3A_564 = arith.constant 16416 : i32
        %sub3A_565 = arith.subi %sub3A_564, %mul3A_563 : i32
        %dma_start3A = tpu.memref_slice %arg11[%sub3A_565] : memref<16416xi32, #tpu.memory_space<vmem>> -> memref<16xi32, #tpu.memory_space<vmem>>
        %dma_start3A_566 = arith.constant 0 : i32
        %dma_start3A_567 = arith.constant 0 : i32
        %dma_start3A_568 = tpu.memref_slice %arg6[%dma_start3A_566, %dma_start3A_567] : memref<16384x256xf32, #tpu.memory_space<hbm>> -> memref<16384x256xf32, #tpu.memory_space<hbm>>
        tpu.enqueue_indirect_dma source(%arg15 : memref<16x256xf32, #tpu.memory_space<vmem>>) target(%dma_start3A_568 : memref<16384x256xf32, #tpu.memory_space<hbm>>) offsets(%dma_start3A : memref<16xi32, #tpu.memory_space<vmem>>) semaphore(%arg35 : memref<!tpu.dma_semaphore, #tpu.memory_space<semaphore_mem>>)
        %add3A_569 = arith.constant 8 : i32
        %add3A_570 = arith.addi %add3A_503, %add3A_569 : i32
        %lt3A_571 = arith.cmpi slt, %add3A_570, %select_n3A_355 : i32
        %convert_element_type3A_572 = arith.extui %lt3A_571 : i1 to i32
        %cond3A_573 = arith.constant 0 : i32
        %cond3A_574 = arith.cmpi ne, %convert_element_type3A_572, %cond3A_573 : i32
        scf.if %cond3A_574 {
          %ge3A = arith.constant 2 : i32
          %ge3A_575 = arith.cmpi sge, %add3A_503, %ge3A : i32
          %convert_element_type3A_576 = arith.extui %ge3A_575 : i1 to i32
          %cond3A_577 = arith.constant 0 : i32
          %cond3A_578 = arith.cmpi ne, %convert_element_type3A_576, %cond3A_577 : i32
          scf.if %cond3A_578 {
            %dma_wait3A_591 = arith.constant 16400 : i32
            %dma_wait3A_592 = tpu.memref_slice %arg11[%dma_wait3A_591] : memref<16416xi32, #tpu.memory_space<vmem>> -> memref<16xi32, #tpu.memory_space<vmem>>
            %dma_wait3A_593 = arith.constant 0 : i32
            %dma_wait3A_594 = arith.constant 0 : i32
            %dma_wait3A_595 = tpu.memref_slice %arg6[%dma_wait3A_593, %dma_wait3A_594] : memref<16384x256xf32, #tpu.memory_space<hbm>> -> memref<16384x256xf32, #tpu.memory_space<hbm>>
            tpu.wait_indirect_dma semaphore(%arg33 : memref<!tpu.dma_semaphore, #tpu.memory_space<semaphore_mem>>) src(%arg13 : memref<16x256xf32, #tpu.memory_space<vmem>>) dst(%dma_wait3A_595 : memref<16384x256xf32, #tpu.memory_space<hbm>>)
          } else {
          }
          %add3A_579 = arith.constant 8 : i32
          %add3A_580 = arith.addi %add3A_503, %add3A_579 : i32
          %add3A_581 = arith.constant 1 : i32
          %add3A_582 = arith.addi %add3A_580, %add3A_581 : i32
          %mul3A_583 = arith.constant 16 : i32
          %mul3A_584 = arith.muli %add3A_582, %mul3A_583 : i32
          %sub3A_585 = arith.constant 16416 : i32
          %sub3A_586 = arith.subi %sub3A_585, %mul3A_584 : i32
          %dma_start3A_587 = tpu.memref_slice %arg12[%sub3A_586] : memref<16416xi32, #tpu.memory_space<vmem>> -> memref<16xi32, #tpu.memory_space<vmem>>
          %dma_start3A_588 = arith.constant 0 : i32
          %dma_start3A_589 = arith.constant 0 : i32
          %dma_start3A_590 = tpu.memref_slice %arg2[%dma_start3A_588, %dma_start3A_589] : memref<65536x256xf32, #tpu.memory_space<hbm>> -> memref<65536x256xf32, #tpu.memory_space<hbm>>
          tpu.enqueue_indirect_dma source(%dma_start3A_590 : memref<65536x256xf32, #tpu.memory_space<hbm>>) target(%arg13 : memref<16x256xf32, #tpu.memory_space<vmem>>) offsets(%dma_start3A_587 : memref<16xi32, #tpu.memory_space<vmem>>) semaphore(%arg23 : memref<!tpu.dma_semaphore, #tpu.memory_space<semaphore_mem>>)
        } else {
        }
      } else {
      }
      %add3A_508 = arith.constant 3 : i32
      %add3A_509 = arith.addi %mul3A_489, %add3A_508 : i32
      %lt3A_510 = arith.cmpi slt, %add3A_509, %select_n3A_355 : i32
      %convert_element_type3A_511 = arith.extui %lt3A_510 : i1 to i32
      %cond3A_512 = arith.constant 0 : i32
      %cond3A_513 = arith.cmpi ne, %convert_element_type3A_511, %cond3A_512 : i32
      scf.if %cond3A_513 {
        %add3A_551 = arith.constant 1 : i32
        %add3A_552 = arith.addi %add3A_509, %add3A_551 : i32
        %mul3A_553 = arith.constant 16 : i32
        %mul3A_554 = arith.muli %add3A_552, %mul3A_553 : i32
        %sub3A_555 = arith.constant 16416 : i32
        %sub3A_556 = arith.subi %sub3A_555, %mul3A_554 : i32
        %dma_wait3A = tpu.memref_slice %arg12[%sub3A_556] : memref<16416xi32, #tpu.memory_space<vmem>> -> memref<16xi32, #tpu.memory_space<vmem>>
        %dma_wait3A_557 = arith.constant 0 : i32
        %dma_wait3A_558 = arith.constant 0 : i32
        %dma_wait3A_559 = tpu.memref_slice %arg2[%dma_wait3A_557, %dma_wait3A_558] : memref<65536x256xf32, #tpu.memory_space<hbm>> -> memref<65536x256xf32, #tpu.memory_space<hbm>>
        tpu.wait_indirect_dma semaphore(%arg26 : memref<!tpu.dma_semaphore, #tpu.memory_space<semaphore_mem>>) src(%dma_wait3A_559 : memref<65536x256xf32, #tpu.memory_space<hbm>>) dst(%arg16 : memref<16x256xf32, #tpu.memory_space<vmem>>)
        %add3A_560 = arith.constant 1 : i32
        %add3A_561 = arith.addi %add3A_509, %add3A_560 : i32
        %mul3A_562 = arith.constant 16 : i32
        %mul3A_563 = arith.muli %add3A_561, %mul3A_562 : i32
        %sub3A_564 = arith.constant 16416 : i32
        %sub3A_565 = arith.subi %sub3A_564, %mul3A_563 : i32
        %dma_start3A = tpu.memref_slice %arg11[%sub3A_565] : memref<16416xi32, #tpu.memory_space<vmem>> -> memref<16xi32, #tpu.memory_space<vmem>>
        %dma_start3A_566 = arith.constant 0 : i32
        %dma_start3A_567 = arith.constant 0 : i32
        %dma_start3A_568 = tpu.memref_slice %arg6[%dma_start3A_566, %dma_start3A_567] : memref<16384x256xf32, #tpu.memory_space<hbm>> -> memref<16384x256xf32, #tpu.memory_space<hbm>>
        tpu.enqueue_indirect_dma source(%arg16 : memref<16x256xf32, #tpu.memory_space<vmem>>) target(%dma_start3A_568 : memref<16384x256xf32, #tpu.memory_space<hbm>>) offsets(%dma_start3A : memref<16xi32, #tpu.memory_space<vmem>>) semaphore(%arg36 : memref<!tpu.dma_semaphore, #tpu.memory_space<semaphore_mem>>)
        %add3A_569 = arith.constant 8 : i32
        %add3A_570 = arith.addi %add3A_509, %add3A_569 : i32
        %lt3A_571 = arith.cmpi slt, %add3A_570, %select_n3A_355 : i32
        %convert_element_type3A_572 = arith.extui %lt3A_571 : i1 to i32
        %cond3A_573 = arith.constant 0 : i32
        %cond3A_574 = arith.cmpi ne, %convert_element_type3A_572, %cond3A_573 : i32
        scf.if %cond3A_574 {
          %ge3A = arith.constant 2 : i32
          %ge3A_575 = arith.cmpi sge, %add3A_509, %ge3A : i32
          %convert_element_type3A_576 = arith.extui %ge3A_575 : i1 to i32
          %cond3A_577 = arith.constant 0 : i32
          %cond3A_578 = arith.cmpi ne, %convert_element_type3A_576, %cond3A_577 : i32
          scf.if %cond3A_578 {
            %dma_wait3A_591 = arith.constant 16400 : i32
            %dma_wait3A_592 = tpu.memref_slice %arg11[%dma_wait3A_591] : memref<16416xi32, #tpu.memory_space<vmem>> -> memref<16xi32, #tpu.memory_space<vmem>>
            %dma_wait3A_593 = arith.constant 0 : i32
            %dma_wait3A_594 = arith.constant 0 : i32
            %dma_wait3A_595 = tpu.memref_slice %arg6[%dma_wait3A_593, %dma_wait3A_594] : memref<16384x256xf32, #tpu.memory_space<hbm>> -> memref<16384x256xf32, #tpu.memory_space<hbm>>
            tpu.wait_indirect_dma semaphore(%arg34 : memref<!tpu.dma_semaphore, #tpu.memory_space<semaphore_mem>>) src(%arg14 : memref<16x256xf32, #tpu.memory_space<vmem>>) dst(%dma_wait3A_595 : memref<16384x256xf32, #tpu.memory_space<hbm>>)
          } else {
          }
          %add3A_579 = arith.constant 8 : i32
          %add3A_580 = arith.addi %add3A_509, %add3A_579 : i32
          %add3A_581 = arith.constant 1 : i32
          %add3A_582 = arith.addi %add3A_580, %add3A_581 : i32
          %mul3A_583 = arith.constant 16 : i32
          %mul3A_584 = arith.muli %add3A_582, %mul3A_583 : i32
          %sub3A_585 = arith.constant 16416 : i32
          %sub3A_586 = arith.subi %sub3A_585, %mul3A_584 : i32
          %dma_start3A_587 = tpu.memref_slice %arg12[%sub3A_586] : memref<16416xi32, #tpu.memory_space<vmem>> -> memref<16xi32, #tpu.memory_space<vmem>>
          %dma_start3A_588 = arith.constant 0 : i32
          %dma_start3A_589 = arith.constant 0 : i32
          %dma_start3A_590 = tpu.memref_slice %arg2[%dma_start3A_588, %dma_start3A_589] : memref<65536x256xf32, #tpu.memory_space<hbm>> -> memref<65536x256xf32, #tpu.memory_space<hbm>>
          tpu.enqueue_indirect_dma source(%dma_start3A_590 : memref<65536x256xf32, #tpu.memory_space<hbm>>) target(%arg14 : memref<16x256xf32, #tpu.memory_space<vmem>>) offsets(%dma_start3A_587 : memref<16xi32, #tpu.memory_space<vmem>>) semaphore(%arg24 : memref<!tpu.dma_semaphore, #tpu.memory_space<semaphore_mem>>)
        } else {
        }
      } else {
      }
      %add3A_514 = arith.constant 4 : i32
      %add3A_515 = arith.addi %mul3A_489, %add3A_514 : i32
      %lt3A_516 = arith.cmpi slt, %add3A_515, %select_n3A_355 : i32
      %convert_element_type3A_517 = arith.extui %lt3A_516 : i1 to i32
      %cond3A_518 = arith.constant 0 : i32
      %cond3A_519 = arith.cmpi ne, %convert_element_type3A_517, %cond3A_518 : i32
      scf.if %cond3A_519 {
        %add3A_551 = arith.constant 1 : i32
        %add3A_552 = arith.addi %add3A_515, %add3A_551 : i32
        %mul3A_553 = arith.constant 16 : i32
        %mul3A_554 = arith.muli %add3A_552, %mul3A_553 : i32
        %sub3A_555 = arith.constant 16416 : i32
        %sub3A_556 = arith.subi %sub3A_555, %mul3A_554 : i32
        %dma_wait3A = tpu.memref_slice %arg12[%sub3A_556] : memref<16416xi32, #tpu.memory_space<vmem>> -> memref<16xi32, #tpu.memory_space<vmem>>
        %dma_wait3A_557 = arith.constant 0 : i32
        %dma_wait3A_558 = arith.constant 0 : i32
        %dma_wait3A_559 = tpu.memref_slice %arg2[%dma_wait3A_557, %dma_wait3A_558] : memref<65536x256xf32, #tpu.memory_space<hbm>> -> memref<65536x256xf32, #tpu.memory_space<hbm>>
        tpu.wait_indirect_dma semaphore(%arg27 : memref<!tpu.dma_semaphore, #tpu.memory_space<semaphore_mem>>) src(%dma_wait3A_559 : memref<65536x256xf32, #tpu.memory_space<hbm>>) dst(%arg17 : memref<16x256xf32, #tpu.memory_space<vmem>>)
        %add3A_560 = arith.constant 1 : i32
        %add3A_561 = arith.addi %add3A_515, %add3A_560 : i32
        %mul3A_562 = arith.constant 16 : i32
        %mul3A_563 = arith.muli %add3A_561, %mul3A_562 : i32
        %sub3A_564 = arith.constant 16416 : i32
        %sub3A_565 = arith.subi %sub3A_564, %mul3A_563 : i32
        %dma_start3A = tpu.memref_slice %arg11[%sub3A_565] : memref<16416xi32, #tpu.memory_space<vmem>> -> memref<16xi32, #tpu.memory_space<vmem>>
        %dma_start3A_566 = arith.constant 0 : i32
        %dma_start3A_567 = arith.constant 0 : i32
        %dma_start3A_568 = tpu.memref_slice %arg6[%dma_start3A_566, %dma_start3A_567] : memref<16384x256xf32, #tpu.memory_space<hbm>> -> memref<16384x256xf32, #tpu.memory_space<hbm>>
        tpu.enqueue_indirect_dma source(%arg17 : memref<16x256xf32, #tpu.memory_space<vmem>>) target(%dma_start3A_568 : memref<16384x256xf32, #tpu.memory_space<hbm>>) offsets(%dma_start3A : memref<16xi32, #tpu.memory_space<vmem>>) semaphore(%arg37 : memref<!tpu.dma_semaphore, #tpu.memory_space<semaphore_mem>>)
        %add3A_569 = arith.constant 8 : i32
        %add3A_570 = arith.addi %add3A_515, %add3A_569 : i32
        %lt3A_571 = arith.cmpi slt, %add3A_570, %select_n3A_355 : i32
        %convert_element_type3A_572 = arith.extui %lt3A_571 : i1 to i32
        %cond3A_573 = arith.constant 0 : i32
        %cond3A_574 = arith.cmpi ne, %convert_element_type3A_572, %cond3A_573 : i32
        scf.if %cond3A_574 {
          %ge3A = arith.constant 2 : i32
          %ge3A_575 = arith.cmpi sge, %add3A_515, %ge3A : i32
          %convert_element_type3A_576 = arith.extui %ge3A_575 : i1 to i32
          %cond3A_577 = arith.constant 0 : i32
          %cond3A_578 = arith.cmpi ne, %convert_element_type3A_576, %cond3A_577 : i32
          scf.if %cond3A_578 {
            %dma_wait3A_591 = arith.constant 16400 : i32
            %dma_wait3A_592 = tpu.memref_slice %arg11[%dma_wait3A_591] : memref<16416xi32, #tpu.memory_space<vmem>> -> memref<16xi32, #tpu.memory_space<vmem>>
            %dma_wait3A_593 = arith.constant 0 : i32
            %dma_wait3A_594 = arith.constant 0 : i32
            %dma_wait3A_595 = tpu.memref_slice %arg6[%dma_wait3A_593, %dma_wait3A_594] : memref<16384x256xf32, #tpu.memory_space<hbm>> -> memref<16384x256xf32, #tpu.memory_space<hbm>>
            tpu.wait_indirect_dma semaphore(%arg35 : memref<!tpu.dma_semaphore, #tpu.memory_space<semaphore_mem>>) src(%arg15 : memref<16x256xf32, #tpu.memory_space<vmem>>) dst(%dma_wait3A_595 : memref<16384x256xf32, #tpu.memory_space<hbm>>)
          } else {
          }
          %add3A_579 = arith.constant 8 : i32
          %add3A_580 = arith.addi %add3A_515, %add3A_579 : i32
          %add3A_581 = arith.constant 1 : i32
          %add3A_582 = arith.addi %add3A_580, %add3A_581 : i32
          %mul3A_583 = arith.constant 16 : i32
          %mul3A_584 = arith.muli %add3A_582, %mul3A_583 : i32
          %sub3A_585 = arith.constant 16416 : i32
          %sub3A_586 = arith.subi %sub3A_585, %mul3A_584 : i32
          %dma_start3A_587 = tpu.memref_slice %arg12[%sub3A_586] : memref<16416xi32, #tpu.memory_space<vmem>> -> memref<16xi32, #tpu.memory_space<vmem>>
          %dma_start3A_588 = arith.constant 0 : i32
          %dma_start3A_589 = arith.constant 0 : i32
          %dma_start3A_590 = tpu.memref_slice %arg2[%dma_start3A_588, %dma_start3A_589] : memref<65536x256xf32, #tpu.memory_space<hbm>> -> memref<65536x256xf32, #tpu.memory_space<hbm>>
          tpu.enqueue_indirect_dma source(%dma_start3A_590 : memref<65536x256xf32, #tpu.memory_space<hbm>>) target(%arg15 : memref<16x256xf32, #tpu.memory_space<vmem>>) offsets(%dma_start3A_587 : memref<16xi32, #tpu.memory_space<vmem>>) semaphore(%arg25 : memref<!tpu.dma_semaphore, #tpu.memory_space<semaphore_mem>>)
        } else {
        }
      } else {
      }
      %add3A_520 = arith.constant 5 : i32
      %add3A_521 = arith.addi %mul3A_489, %add3A_520 : i32
      %lt3A_522 = arith.cmpi slt, %add3A_521, %select_n3A_355 : i32
      %convert_element_type3A_523 = arith.extui %lt3A_522 : i1 to i32
      %cond3A_524 = arith.constant 0 : i32
      %cond3A_525 = arith.cmpi ne, %convert_element_type3A_523, %cond3A_524 : i32
      scf.if %cond3A_525 {
        %add3A_551 = arith.constant 1 : i32
        %add3A_552 = arith.addi %add3A_521, %add3A_551 : i32
        %mul3A_553 = arith.constant 16 : i32
        %mul3A_554 = arith.muli %add3A_552, %mul3A_553 : i32
        %sub3A_555 = arith.constant 16416 : i32
        %sub3A_556 = arith.subi %sub3A_555, %mul3A_554 : i32
        %dma_wait3A = tpu.memref_slice %arg12[%sub3A_556] : memref<16416xi32, #tpu.memory_space<vmem>> -> memref<16xi32, #tpu.memory_space<vmem>>
        %dma_wait3A_557 = arith.constant 0 : i32
        %dma_wait3A_558 = arith.constant 0 : i32
        %dma_wait3A_559 = tpu.memref_slice %arg2[%dma_wait3A_557, %dma_wait3A_558] : memref<65536x256xf32, #tpu.memory_space<hbm>> -> memref<65536x256xf32, #tpu.memory_space<hbm>>
        tpu.wait_indirect_dma semaphore(%arg28 : memref<!tpu.dma_semaphore, #tpu.memory_space<semaphore_mem>>) src(%dma_wait3A_559 : memref<65536x256xf32, #tpu.memory_space<hbm>>) dst(%arg18 : memref<16x256xf32, #tpu.memory_space<vmem>>)
        %add3A_560 = arith.constant 1 : i32
        %add3A_561 = arith.addi %add3A_521, %add3A_560 : i32
        %mul3A_562 = arith.constant 16 : i32
        %mul3A_563 = arith.muli %add3A_561, %mul3A_562 : i32
        %sub3A_564 = arith.constant 16416 : i32
        %sub3A_565 = arith.subi %sub3A_564, %mul3A_563 : i32
        %dma_start3A = tpu.memref_slice %arg11[%sub3A_565] : memref<16416xi32, #tpu.memory_space<vmem>> -> memref<16xi32, #tpu.memory_space<vmem>>
        %dma_start3A_566 = arith.constant 0 : i32
        %dma_start3A_567 = arith.constant 0 : i32
        %dma_start3A_568 = tpu.memref_slice %arg6[%dma_start3A_566, %dma_start3A_567] : memref<16384x256xf32, #tpu.memory_space<hbm>> -> memref<16384x256xf32, #tpu.memory_space<hbm>>
        tpu.enqueue_indirect_dma source(%arg18 : memref<16x256xf32, #tpu.memory_space<vmem>>) target(%dma_start3A_568 : memref<16384x256xf32, #tpu.memory_space<hbm>>) offsets(%dma_start3A : memref<16xi32, #tpu.memory_space<vmem>>) semaphore(%arg38 : memref<!tpu.dma_semaphore, #tpu.memory_space<semaphore_mem>>)
        %add3A_569 = arith.constant 8 : i32
        %add3A_570 = arith.addi %add3A_521, %add3A_569 : i32
        %lt3A_571 = arith.cmpi slt, %add3A_570, %select_n3A_355 : i32
        %convert_element_type3A_572 = arith.extui %lt3A_571 : i1 to i32
        %cond3A_573 = arith.constant 0 : i32
        %cond3A_574 = arith.cmpi ne, %convert_element_type3A_572, %cond3A_573 : i32
        scf.if %cond3A_574 {
          %ge3A = arith.constant 2 : i32
          %ge3A_575 = arith.cmpi sge, %add3A_521, %ge3A : i32
          %convert_element_type3A_576 = arith.extui %ge3A_575 : i1 to i32
          %cond3A_577 = arith.constant 0 : i32
          %cond3A_578 = arith.cmpi ne, %convert_element_type3A_576, %cond3A_577 : i32
          scf.if %cond3A_578 {
            %dma_wait3A_591 = arith.constant 16400 : i32
            %dma_wait3A_592 = tpu.memref_slice %arg11[%dma_wait3A_591] : memref<16416xi32, #tpu.memory_space<vmem>> -> memref<16xi32, #tpu.memory_space<vmem>>
            %dma_wait3A_593 = arith.constant 0 : i32
            %dma_wait3A_594 = arith.constant 0 : i32
            %dma_wait3A_595 = tpu.memref_slice %arg6[%dma_wait3A_593, %dma_wait3A_594] : memref<16384x256xf32, #tpu.memory_space<hbm>> -> memref<16384x256xf32, #tpu.memory_space<hbm>>
            tpu.wait_indirect_dma semaphore(%arg36 : memref<!tpu.dma_semaphore, #tpu.memory_space<semaphore_mem>>) src(%arg16 : memref<16x256xf32, #tpu.memory_space<vmem>>) dst(%dma_wait3A_595 : memref<16384x256xf32, #tpu.memory_space<hbm>>)
          } else {
          }
          %add3A_579 = arith.constant 8 : i32
          %add3A_580 = arith.addi %add3A_521, %add3A_579 : i32
          %add3A_581 = arith.constant 1 : i32
          %add3A_582 = arith.addi %add3A_580, %add3A_581 : i32
          %mul3A_583 = arith.constant 16 : i32
          %mul3A_584 = arith.muli %add3A_582, %mul3A_583 : i32
          %sub3A_585 = arith.constant 16416 : i32
          %sub3A_586 = arith.subi %sub3A_585, %mul3A_584 : i32
          %dma_start3A_587 = tpu.memref_slice %arg12[%sub3A_586] : memref<16416xi32, #tpu.memory_space<vmem>> -> memref<16xi32, #tpu.memory_space<vmem>>
          %dma_start3A_588 = arith.constant 0 : i32
          %dma_start3A_589 = arith.constant 0 : i32
          %dma_start3A_590 = tpu.memref_slice %arg2[%dma_start3A_588, %dma_start3A_589] : memref<65536x256xf32, #tpu.memory_space<hbm>> -> memref<65536x256xf32, #tpu.memory_space<hbm>>
          tpu.enqueue_indirect_dma source(%dma_start3A_590 : memref<65536x256xf32, #tpu.memory_space<hbm>>) target(%arg16 : memref<16x256xf32, #tpu.memory_space<vmem>>) offsets(%dma_start3A_587 : memref<16xi32, #tpu.memory_space<vmem>>) semaphore(%arg26 : memref<!tpu.dma_semaphore, #tpu.memory_space<semaphore_mem>>)
        } else {
        }
      } else {
      }
      %add3A_526 = arith.constant 6 : i32
      %add3A_527 = arith.addi %mul3A_489, %add3A_526 : i32
      %lt3A_528 = arith.cmpi slt, %add3A_527, %select_n3A_355 : i32
      %convert_element_type3A_529 = arith.extui %lt3A_528 : i1 to i32
      %cond3A_530 = arith.constant 0 : i32
      %cond3A_531 = arith.cmpi ne, %convert_element_type3A_529, %cond3A_530 : i32
      scf.if %cond3A_531 {
        %add3A_551 = arith.constant 1 : i32
        %add3A_552 = arith.addi %add3A_527, %add3A_551 : i32
        %mul3A_553 = arith.constant 16 : i32
        %mul3A_554 = arith.muli %add3A_552, %mul3A_553 : i32
        %sub3A_555 = arith.constant 16416 : i32
        %sub3A_556 = arith.subi %sub3A_555, %mul3A_554 : i32
        %dma_wait3A = tpu.memref_slice %arg12[%sub3A_556] : memref<16416xi32, #tpu.memory_space<vmem>> -> memref<16xi32, #tpu.memory_space<vmem>>
        %dma_wait3A_557 = arith.constant 0 : i32
        %dma_wait3A_558 = arith.constant 0 : i32
        %dma_wait3A_559 = tpu.memref_slice %arg2[%dma_wait3A_557, %dma_wait3A_558] : memref<65536x256xf32, #tpu.memory_space<hbm>> -> memref<65536x256xf32, #tpu.memory_space<hbm>>
        tpu.wait_indirect_dma semaphore(%arg29 : memref<!tpu.dma_semaphore, #tpu.memory_space<semaphore_mem>>) src(%dma_wait3A_559 : memref<65536x256xf32, #tpu.memory_space<hbm>>) dst(%arg19 : memref<16x256xf32, #tpu.memory_space<vmem>>)
        %add3A_560 = arith.constant 1 : i32
        %add3A_561 = arith.addi %add3A_527, %add3A_560 : i32
        %mul3A_562 = arith.constant 16 : i32
        %mul3A_563 = arith.muli %add3A_561, %mul3A_562 : i32
        %sub3A_564 = arith.constant 16416 : i32
        %sub3A_565 = arith.subi %sub3A_564, %mul3A_563 : i32
        %dma_start3A = tpu.memref_slice %arg11[%sub3A_565] : memref<16416xi32, #tpu.memory_space<vmem>> -> memref<16xi32, #tpu.memory_space<vmem>>
        %dma_start3A_566 = arith.constant 0 : i32
        %dma_start3A_567 = arith.constant 0 : i32
        %dma_start3A_568 = tpu.memref_slice %arg6[%dma_start3A_566, %dma_start3A_567] : memref<16384x256xf32, #tpu.memory_space<hbm>> -> memref<16384x256xf32, #tpu.memory_space<hbm>>
        tpu.enqueue_indirect_dma source(%arg19 : memref<16x256xf32, #tpu.memory_space<vmem>>) target(%dma_start3A_568 : memref<16384x256xf32, #tpu.memory_space<hbm>>) offsets(%dma_start3A : memref<16xi32, #tpu.memory_space<vmem>>) semaphore(%arg39 : memref<!tpu.dma_semaphore, #tpu.memory_space<semaphore_mem>>)
        %add3A_569 = arith.constant 8 : i32
        %add3A_570 = arith.addi %add3A_527, %add3A_569 : i32
        %lt3A_571 = arith.cmpi slt, %add3A_570, %select_n3A_355 : i32
        %convert_element_type3A_572 = arith.extui %lt3A_571 : i1 to i32
        %cond3A_573 = arith.constant 0 : i32
        %cond3A_574 = arith.cmpi ne, %convert_element_type3A_572, %cond3A_573 : i32
        scf.if %cond3A_574 {
          %ge3A = arith.constant 2 : i32
          %ge3A_575 = arith.cmpi sge, %add3A_527, %ge3A : i32
          %convert_element_type3A_576 = arith.extui %ge3A_575 : i1 to i32
          %cond3A_577 = arith.constant 0 : i32
          %cond3A_578 = arith.cmpi ne, %convert_element_type3A_576, %cond3A_577 : i32
          scf.if %cond3A_578 {
            %dma_wait3A_591 = arith.constant 16400 : i32
            %dma_wait3A_592 = tpu.memref_slice %arg11[%dma_wait3A_591] : memref<16416xi32, #tpu.memory_space<vmem>> -> memref<16xi32, #tpu.memory_space<vmem>>
            %dma_wait3A_593 = arith.constant 0 : i32
            %dma_wait3A_594 = arith.constant 0 : i32
            %dma_wait3A_595 = tpu.memref_slice %arg6[%dma_wait3A_593, %dma_wait3A_594] : memref<16384x256xf32, #tpu.memory_space<hbm>> -> memref<16384x256xf32, #tpu.memory_space<hbm>>
            tpu.wait_indirect_dma semaphore(%arg37 : memref<!tpu.dma_semaphore, #tpu.memory_space<semaphore_mem>>) src(%arg17 : memref<16x256xf32, #tpu.memory_space<vmem>>) dst(%dma_wait3A_595 : memref<16384x256xf32, #tpu.memory_space<hbm>>)
          } else {
          }
          %add3A_579 = arith.constant 8 : i32
          %add3A_580 = arith.addi %add3A_527, %add3A_579 : i32
          %add3A_581 = arith.constant 1 : i32
          %add3A_582 = arith.addi %add3A_580, %add3A_581 : i32
          %mul3A_583 = arith.constant 16 : i32
          %mul3A_584 = arith.muli %add3A_582, %mul3A_583 : i32
          %sub3A_585 = arith.constant 16416 : i32
          %sub3A_586 = arith.subi %sub3A_585, %mul3A_584 : i32
          %dma_start3A_587 = tpu.memref_slice %arg12[%sub3A_586] : memref<16416xi32, #tpu.memory_space<vmem>> -> memref<16xi32, #tpu.memory_space<vmem>>
          %dma_start3A_588 = arith.constant 0 : i32
          %dma_start3A_589 = arith.constant 0 : i32
          %dma_start3A_590 = tpu.memref_slice %arg2[%dma_start3A_588, %dma_start3A_589] : memref<65536x256xf32, #tpu.memory_space<hbm>> -> memref<65536x256xf32, #tpu.memory_space<hbm>>
          tpu.enqueue_indirect_dma source(%dma_start3A_590 : memref<65536x256xf32, #tpu.memory_space<hbm>>) target(%arg17 : memref<16x256xf32, #tpu.memory_space<vmem>>) offsets(%dma_start3A_587 : memref<16xi32, #tpu.memory_space<vmem>>) semaphore(%arg27 : memref<!tpu.dma_semaphore, #tpu.memory_space<semaphore_mem>>)
        } else {
        }
      } else {
      }
      %add3A_532 = arith.constant 7 : i32
      %add3A_533 = arith.addi %mul3A_489, %add3A_532 : i32
      %lt3A_534 = arith.cmpi slt, %add3A_533, %select_n3A_355 : i32
      %convert_element_type3A_535 = arith.extui %lt3A_534 : i1 to i32
      %cond3A_536 = arith.constant 0 : i32
      %cond3A_537 = arith.cmpi ne, %convert_element_type3A_535, %cond3A_536 : i32
      scf.if %cond3A_537 {
        %add3A_551 = arith.constant 1 : i32
        %add3A_552 = arith.addi %add3A_533, %add3A_551 : i32
        %mul3A_553 = arith.constant 16 : i32
        %mul3A_554 = arith.muli %add3A_552, %mul3A_553 : i32
        %sub3A_555 = arith.constant 16416 : i32
        %sub3A_556 = arith.subi %sub3A_555, %mul3A_554 : i32
        %dma_wait3A = tpu.memref_slice %arg12[%sub3A_556] : memref<16416xi32, #tpu.memory_space<vmem>> -> memref<16xi32, #tpu.memory_space<vmem>>
        %dma_wait3A_557 = arith.constant 0 : i32
        %dma_wait3A_558 = arith.constant 0 : i32
        %dma_wait3A_559 = tpu.memref_slice %arg2[%dma_wait3A_557, %dma_wait3A_558] : memref<65536x256xf32, #tpu.memory_space<hbm>> -> memref<65536x256xf32, #tpu.memory_space<hbm>>
        tpu.wait_indirect_dma semaphore(%arg30 : memref<!tpu.dma_semaphore, #tpu.memory_space<semaphore_mem>>) src(%dma_wait3A_559 : memref<65536x256xf32, #tpu.memory_space<hbm>>) dst(%arg20 : memref<16x256xf32, #tpu.memory_space<vmem>>)
        %add3A_560 = arith.constant 1 : i32
        %add3A_561 = arith.addi %add3A_533, %add3A_560 : i32
        %mul3A_562 = arith.constant 16 : i32
        %mul3A_563 = arith.muli %add3A_561, %mul3A_562 : i32
        %sub3A_564 = arith.constant 16416 : i32
        %sub3A_565 = arith.subi %sub3A_564, %mul3A_563 : i32
        %dma_start3A = tpu.memref_slice %arg11[%sub3A_565] : memref<16416xi32, #tpu.memory_space<vmem>> -> memref<16xi32, #tpu.memory_space<vmem>>
        %dma_start3A_566 = arith.constant 0 : i32
        %dma_start3A_567 = arith.constant 0 : i32
        %dma_start3A_568 = tpu.memref_slice %arg6[%dma_start3A_566, %dma_start3A_567] : memref<16384x256xf32, #tpu.memory_space<hbm>> -> memref<16384x256xf32, #tpu.memory_space<hbm>>
        tpu.enqueue_indirect_dma source(%arg20 : memref<16x256xf32, #tpu.memory_space<vmem>>) target(%dma_start3A_568 : memref<16384x256xf32, #tpu.memory_space<hbm>>) offsets(%dma_start3A : memref<16xi32, #tpu.memory_space<vmem>>) semaphore(%arg40 : memref<!tpu.dma_semaphore, #tpu.memory_space<semaphore_mem>>)
        %add3A_569 = arith.constant 8 : i32
        %add3A_570 = arith.addi %add3A_533, %add3A_569 : i32
        %lt3A_571 = arith.cmpi slt, %add3A_570, %select_n3A_355 : i32
        %convert_element_type3A_572 = arith.extui %lt3A_571 : i1 to i32
        %cond3A_573 = arith.constant 0 : i32
        %cond3A_574 = arith.cmpi ne, %convert_element_type3A_572, %cond3A_573 : i32
        scf.if %cond3A_574 {
          %ge3A = arith.constant 2 : i32
          %ge3A_575 = arith.cmpi sge, %add3A_533, %ge3A : i32
          %convert_element_type3A_576 = arith.extui %ge3A_575 : i1 to i32
          %cond3A_577 = arith.constant 0 : i32
          %cond3A_578 = arith.cmpi ne, %convert_element_type3A_576, %cond3A_577 : i32
          scf.if %cond3A_578 {
            %dma_wait3A_591 = arith.constant 16400 : i32
            %dma_wait3A_592 = tpu.memref_slice %arg11[%dma_wait3A_591] : memref<16416xi32, #tpu.memory_space<vmem>> -> memref<16xi32, #tpu.memory_space<vmem>>
            %dma_wait3A_593 = arith.constant 0 : i32
            %dma_wait3A_594 = arith.constant 0 : i32
            %dma_wait3A_595 = tpu.memref_slice %arg6[%dma_wait3A_593, %dma_wait3A_594] : memref<16384x256xf32, #tpu.memory_space<hbm>> -> memref<16384x256xf32, #tpu.memory_space<hbm>>
            tpu.wait_indirect_dma semaphore(%arg38 : memref<!tpu.dma_semaphore, #tpu.memory_space<semaphore_mem>>) src(%arg18 : memref<16x256xf32, #tpu.memory_space<vmem>>) dst(%dma_wait3A_595 : memref<16384x256xf32, #tpu.memory_space<hbm>>)
          } else {
          }
          %add3A_579 = arith.constant 8 : i32
          %add3A_580 = arith.addi %add3A_533, %add3A_579 : i32
          %add3A_581 = arith.constant 1 : i32
          %add3A_582 = arith.addi %add3A_580, %add3A_581 : i32
          %mul3A_583 = arith.constant 16 : i32
          %mul3A_584 = arith.muli %add3A_582, %mul3A_583 : i32
          %sub3A_585 = arith.constant 16416 : i32
          %sub3A_586 = arith.subi %sub3A_585, %mul3A_584 : i32
          %dma_start3A_587 = tpu.memref_slice %arg12[%sub3A_586] : memref<16416xi32, #tpu.memory_space<vmem>> -> memref<16xi32, #tpu.memory_space<vmem>>
          %dma_start3A_588 = arith.constant 0 : i32
          %dma_start3A_589 = arith.constant 0 : i32
          %dma_start3A_590 = tpu.memref_slice %arg2[%dma_start3A_588, %dma_start3A_589] : memref<65536x256xf32, #tpu.memory_space<hbm>> -> memref<65536x256xf32, #tpu.memory_space<hbm>>
          tpu.enqueue_indirect_dma source(%dma_start3A_590 : memref<65536x256xf32, #tpu.memory_space<hbm>>) target(%arg18 : memref<16x256xf32, #tpu.memory_space<vmem>>) offsets(%dma_start3A_587 : memref<16xi32, #tpu.memory_space<vmem>>) semaphore(%arg28 : memref<!tpu.dma_semaphore, #tpu.memory_space<semaphore_mem>>)
        } else {
        }
      } else {
      }
      %add3A_538 = arith.constant 8 : i32
      %add3A_539 = arith.addi %mul3A_489, %add3A_538 : i32
      %lt3A_540 = arith.cmpi slt, %add3A_539, %select_n3A_355 : i32
      %convert_element_type3A_541 = arith.extui %lt3A_540 : i1 to i32
      %cond3A_542 = arith.constant 0 : i32
      %cond3A_543 = arith.cmpi ne, %convert_element_type3A_541, %cond3A_542 : i32
      scf.if %cond3A_543 {
        %add3A_551 = arith.constant 1 : i32
        %add3A_552 = arith.addi %add3A_539, %add3A_551 : i32
        %mul3A_553 = arith.constant 16 : i32
        %mul3A_554 = arith.muli %add3A_552, %mul3A_553 : i32
        %sub3A_555 = arith.constant 16416 : i32
        %sub3A_556 = arith.subi %sub3A_555, %mul3A_554 : i32
        %dma_wait3A = tpu.memref_slice %arg12[%sub3A_556] : memref<16416xi32, #tpu.memory_space<vmem>> -> memref<16xi32, #tpu.memory_space<vmem>>
        %dma_wait3A_557 = arith.constant 0 : i32
        %dma_wait3A_558 = arith.constant 0 : i32
        %dma_wait3A_559 = tpu.memref_slice %arg2[%dma_wait3A_557, %dma_wait3A_558] : memref<65536x256xf32, #tpu.memory_space<hbm>> -> memref<65536x256xf32, #tpu.memory_space<hbm>>
        tpu.wait_indirect_dma semaphore(%arg31 : memref<!tpu.dma_semaphore, #tpu.memory_space<semaphore_mem>>) src(%dma_wait3A_559 : memref<65536x256xf32, #tpu.memory_space<hbm>>) dst(%arg21 : memref<16x256xf32, #tpu.memory_space<vmem>>)
        %add3A_560 = arith.constant 1 : i32
        %add3A_561 = arith.addi %add3A_539, %add3A_560 : i32
        %mul3A_562 = arith.constant 16 : i32
        %mul3A_563 = arith.muli %add3A_561, %mul3A_562 : i32
        %sub3A_564 = arith.constant 16416 : i32
        %sub3A_565 = arith.subi %sub3A_564, %mul3A_563 : i32
        %dma_start3A = tpu.memref_slice %arg11[%sub3A_565] : memref<16416xi32, #tpu.memory_space<vmem>> -> memref<16xi32, #tpu.memory_space<vmem>>
        %dma_start3A_566 = arith.constant 0 : i32
        %dma_start3A_567 = arith.constant 0 : i32
        %dma_start3A_568 = tpu.memref_slice %arg6[%dma_start3A_566, %dma_start3A_567] : memref<16384x256xf32, #tpu.memory_space<hbm>> -> memref<16384x256xf32, #tpu.memory_space<hbm>>
        tpu.enqueue_indirect_dma source(%arg21 : memref<16x256xf32, #tpu.memory_space<vmem>>) target(%dma_start3A_568 : memref<16384x256xf32, #tpu.memory_space<hbm>>) offsets(%dma_start3A : memref<16xi32, #tpu.memory_space<vmem>>) semaphore(%arg41 : memref<!tpu.dma_semaphore, #tpu.memory_space<semaphore_mem>>)
        %add3A_569 = arith.constant 8 : i32
        %add3A_570 = arith.addi %add3A_539, %add3A_569 : i32
        %lt3A_571 = arith.cmpi slt, %add3A_570, %select_n3A_355 : i32
        %convert_element_type3A_572 = arith.extui %lt3A_571 : i1 to i32
        %cond3A_573 = arith.constant 0 : i32
        %cond3A_574 = arith.cmpi ne, %convert_element_type3A_572, %cond3A_573 : i32
        scf.if %cond3A_574 {
          %ge3A = arith.constant 2 : i32
          %ge3A_575 = arith.cmpi sge, %add3A_539, %ge3A : i32
          %convert_element_type3A_576 = arith.extui %ge3A_575 : i1 to i32
          %cond3A_577 = arith.constant 0 : i32
          %cond3A_578 = arith.cmpi ne, %convert_element_type3A_576, %cond3A_577 : i32
          scf.if %cond3A_578 {
            %dma_wait3A_591 = arith.constant 16400 : i32
            %dma_wait3A_592 = tpu.memref_slice %arg11[%dma_wait3A_591] : memref<16416xi32, #tpu.memory_space<vmem>> -> memref<16xi32, #tpu.memory_space<vmem>>
            %dma_wait3A_593 = arith.constant 0 : i32
            %dma_wait3A_594 = arith.constant 0 : i32
            %dma_wait3A_595 = tpu.memref_slice %arg6[%dma_wait3A_593, %dma_wait3A_594] : memref<16384x256xf32, #tpu.memory_space<hbm>> -> memref<16384x256xf32, #tpu.memory_space<hbm>>
            tpu.wait_indirect_dma semaphore(%arg39 : memref<!tpu.dma_semaphore, #tpu.memory_space<semaphore_mem>>) src(%arg19 : memref<16x256xf32, #tpu.memory_space<vmem>>) dst(%dma_wait3A_595 : memref<16384x256xf32, #tpu.memory_space<hbm>>)
          } else {
          }
          %add3A_579 = arith.constant 8 : i32
          %add3A_580 = arith.addi %add3A_539, %add3A_579 : i32
          %add3A_581 = arith.constant 1 : i32
          %add3A_582 = arith.addi %add3A_580, %add3A_581 : i32
          %mul3A_583 = arith.constant 16 : i32
          %mul3A_584 = arith.muli %add3A_582, %mul3A_583 : i32
          %sub3A_585 = arith.constant 16416 : i32
          %sub3A_586 = arith.subi %sub3A_585, %mul3A_584 : i32
          %dma_start3A_587 = tpu.memref_slice %arg12[%sub3A_586] : memref<16416xi32, #tpu.memory_space<vmem>> -> memref<16xi32, #tpu.memory_space<vmem>>
          %dma_start3A_588 = arith.constant 0 : i32
          %dma_start3A_589 = arith.constant 0 : i32
          %dma_start3A_590 = tpu.memref_slice %arg2[%dma_start3A_588, %dma_start3A_589] : memref<65536x256xf32, #tpu.memory_space<hbm>> -> memref<65536x256xf32, #tpu.memory_space<hbm>>
          tpu.enqueue_indirect_dma source(%dma_start3A_590 : memref<65536x256xf32, #tpu.memory_space<hbm>>) target(%arg19 : memref<16x256xf32, #tpu.memory_space<vmem>>) offsets(%dma_start3A_587 : memref<16xi32, #tpu.memory_space<vmem>>) semaphore(%arg29 : memref<!tpu.dma_semaphore, #tpu.memory_space<semaphore_mem>>)
        } else {
        }
      } else {
      }
      %add3A_544 = arith.constant 9 : i32
      %add3A_545 = arith.addi %mul3A_489, %add3A_544 : i32
      %lt3A_546 = arith.cmpi slt, %add3A_545, %select_n3A_355 : i32
      %convert_element_type3A_547 = arith.extui %lt3A_546 : i1 to i32
      %cond3A_548 = arith.constant 0 : i32
      %cond3A_549 = arith.cmpi ne, %convert_element_type3A_547, %cond3A_548 : i32
      scf.if %cond3A_549 {
        %add3A_551 = arith.constant 1 : i32
        %add3A_552 = arith.addi %add3A_545, %add3A_551 : i32
        %mul3A_553 = arith.constant 16 : i32
        %mul3A_554 = arith.muli %add3A_552, %mul3A_553 : i32
        %sub3A_555 = arith.constant 16416 : i32
        %sub3A_556 = arith.subi %sub3A_555, %mul3A_554 : i32
        %dma_wait3A = tpu.memref_slice %arg12[%sub3A_556] : memref<16416xi32, #tpu.memory_space<vmem>> -> memref<16xi32, #tpu.memory_space<vmem>>
        %dma_wait3A_557 = arith.constant 0 : i32
        %dma_wait3A_558 = arith.constant 0 : i32
        %dma_wait3A_559 = tpu.memref_slice %arg2[%dma_wait3A_557, %dma_wait3A_558] : memref<65536x256xf32, #tpu.memory_space<hbm>> -> memref<65536x256xf32, #tpu.memory_space<hbm>>
        tpu.wait_indirect_dma semaphore(%arg32 : memref<!tpu.dma_semaphore, #tpu.memory_space<semaphore_mem>>) src(%dma_wait3A_559 : memref<65536x256xf32, #tpu.memory_space<hbm>>) dst(%arg22 : memref<16x256xf32, #tpu.memory_space<vmem>>)
        %add3A_560 = arith.constant 1 : i32
        %add3A_561 = arith.addi %add3A_545, %add3A_560 : i32
        %mul3A_562 = arith.constant 16 : i32
        %mul3A_563 = arith.muli %add3A_561, %mul3A_562 : i32
        %sub3A_564 = arith.constant 16416 : i32
        %sub3A_565 = arith.subi %sub3A_564, %mul3A_563 : i32
        %dma_start3A = tpu.memref_slice %arg11[%sub3A_565] : memref<16416xi32, #tpu.memory_space<vmem>> -> memref<16xi32, #tpu.memory_space<vmem>>
        %dma_start3A_566 = arith.constant 0 : i32
        %dma_start3A_567 = arith.constant 0 : i32
        %dma_start3A_568 = tpu.memref_slice %arg6[%dma_start3A_566, %dma_start3A_567] : memref<16384x256xf32, #tpu.memory_space<hbm>> -> memref<16384x256xf32, #tpu.memory_space<hbm>>
        tpu.enqueue_indirect_dma source(%arg22 : memref<16x256xf32, #tpu.memory_space<vmem>>) target(%dma_start3A_568 : memref<16384x256xf32, #tpu.memory_space<hbm>>) offsets(%dma_start3A : memref<16xi32, #tpu.memory_space<vmem>>) semaphore(%arg42 : memref<!tpu.dma_semaphore, #tpu.memory_space<semaphore_mem>>)
        %add3A_569 = arith.constant 8 : i32
        %add3A_570 = arith.addi %add3A_545, %add3A_569 : i32
        %lt3A_571 = arith.cmpi slt, %add3A_570, %select_n3A_355 : i32
        %convert_element_type3A_572 = arith.extui %lt3A_571 : i1 to i32
        %cond3A_573 = arith.constant 0 : i32
        %cond3A_574 = arith.cmpi ne, %convert_element_type3A_572, %cond3A_573 : i32
        scf.if %cond3A_574 {
          %ge3A = arith.constant 2 : i32
          %ge3A_575 = arith.cmpi sge, %add3A_545, %ge3A : i32
          %convert_element_type3A_576 = arith.extui %ge3A_575 : i1 to i32
          %cond3A_577 = arith.constant 0 : i32
          %cond3A_578 = arith.cmpi ne, %convert_element_type3A_576, %cond3A_577 : i32
          scf.if %cond3A_578 {
            %dma_wait3A_591 = arith.constant 16400 : i32
            %dma_wait3A_592 = tpu.memref_slice %arg11[%dma_wait3A_591] : memref<16416xi32, #tpu.memory_space<vmem>> -> memref<16xi32, #tpu.memory_space<vmem>>
            %dma_wait3A_593 = arith.constant 0 : i32
            %dma_wait3A_594 = arith.constant 0 : i32
            %dma_wait3A_595 = tpu.memref_slice %arg6[%dma_wait3A_593, %dma_wait3A_594] : memref<16384x256xf32, #tpu.memory_space<hbm>> -> memref<16384x256xf32, #tpu.memory_space<hbm>>
            tpu.wait_indirect_dma semaphore(%arg40 : memref<!tpu.dma_semaphore, #tpu.memory_space<semaphore_mem>>) src(%arg20 : memref<16x256xf32, #tpu.memory_space<vmem>>) dst(%dma_wait3A_595 : memref<16384x256xf32, #tpu.memory_space<hbm>>)
          } else {
          }
          %add3A_579 = arith.constant 8 : i32
          %add3A_580 = arith.addi %add3A_545, %add3A_579 : i32
          %add3A_581 = arith.constant 1 : i32
          %add3A_582 = arith.addi %add3A_580, %add3A_581 : i32
          %mul3A_583 = arith.constant 16 : i32
          %mul3A_584 = arith.muli %add3A_582, %mul3A_583 : i32
          %sub3A_585 = arith.constant 16416 : i32
          %sub3A_586 = arith.subi %sub3A_585, %mul3A_584 : i32
          %dma_start3A_587 = tpu.memref_slice %arg12[%sub3A_586] : memref<16416xi32, #tpu.memory_space<vmem>> -> memref<16xi32, #tpu.memory_space<vmem>>
          %dma_start3A_588 = arith.constant 0 : i32
          %dma_start3A_589 = arith.constant 0 : i32
          %dma_start3A_590 = tpu.memref_slice %arg2[%dma_start3A_588, %dma_start3A_589] : memref<65536x256xf32, #tpu.memory_space<hbm>> -> memref<65536x256xf32, #tpu.memory_space<hbm>>
          tpu.enqueue_indirect_dma source(%dma_start3A_590 : memref<65536x256xf32, #tpu.memory_space<hbm>>) target(%arg20 : memref<16x256xf32, #tpu.memory_space<vmem>>) offsets(%dma_start3A_587 : memref<16xi32, #tpu.memory_space<vmem>>) semaphore(%arg30 : memref<!tpu.dma_semaphore, #tpu.memory_space<semaphore_mem>>)
        } else {
        }
      } else {
      }
      %while3A_550 = arith.constant 0 : i32
      scf.yield %while3A_550 : i32
    }
    %gt3A_436 = arith.constant 0 : i32
    %gt3A_437 = arith.cmpi sgt, %select_n3A_355, %gt3A_436 : i32
    %convert_element_type3A_438 = arith.extui %gt3A_437 : i1 to i32
    %cond3A_439 = arith.constant 0 : i32
    %cond3A_440 = arith.cmpi ne, %convert_element_type3A_438, %cond3A_439 : i32
    scf.if %cond3A_440 {
      %dma_wait3A = arith.constant 16400 : i32
      %dma_wait3A_486 = tpu.memref_slice %arg11[%dma_wait3A] : memref<16416xi32, #tpu.memory_space<vmem>> -> memref<16xi32, #tpu.memory_space<vmem>>
      %dma_wait3A_487 = arith.constant 0 : i32
      %dma_wait3A_488 = arith.constant 0 : i32
      %dma_wait3A_489 = tpu.memref_slice %arg6[%dma_wait3A_487, %dma_wait3A_488] : memref<16384x256xf32, #tpu.memory_space<hbm>> -> memref<16384x256xf32, #tpu.memory_space<hbm>>
      tpu.wait_indirect_dma semaphore(%arg33 : memref<!tpu.dma_semaphore, #tpu.memory_space<semaphore_mem>>) src(%arg13 : memref<16x256xf32, #tpu.memory_space<vmem>>) dst(%dma_wait3A_489 : memref<16384x256xf32, #tpu.memory_space<hbm>>)
    } else {
    }
    %gt3A_441 = arith.constant 1 : i32
    %gt3A_442 = arith.cmpi sgt, %select_n3A_355, %gt3A_441 : i32
    %convert_element_type3A_443 = arith.extui %gt3A_442 : i1 to i32
    %cond3A_444 = arith.constant 0 : i32
    %cond3A_445 = arith.cmpi ne, %convert_element_type3A_443, %cond3A_444 : i32
    scf.if %cond3A_445 {
      %dma_wait3A = arith.constant 16400 : i32
      %dma_wait3A_486 = tpu.memref_slice %arg11[%dma_wait3A] : memref<16416xi32, #tpu.memory_space<vmem>> -> memref<16xi32, #tpu.memory_space<vmem>>
      %dma_wait3A_487 = arith.constant 0 : i32
      %dma_wait3A_488 = arith.constant 0 : i32
      %dma_wait3A_489 = tpu.memref_slice %arg6[%dma_wait3A_487, %dma_wait3A_488] : memref<16384x256xf32, #tpu.memory_space<hbm>> -> memref<16384x256xf32, #tpu.memory_space<hbm>>
      tpu.wait_indirect_dma semaphore(%arg34 : memref<!tpu.dma_semaphore, #tpu.memory_space<semaphore_mem>>) src(%arg14 : memref<16x256xf32, #tpu.memory_space<vmem>>) dst(%dma_wait3A_489 : memref<16384x256xf32, #tpu.memory_space<hbm>>)
    } else {
    }
    %gt3A_446 = arith.constant 2 : i32
    %gt3A_447 = arith.cmpi sgt, %select_n3A_355, %gt3A_446 : i32
    %convert_element_type3A_448 = arith.extui %gt3A_447 : i1 to i32
    %cond3A_449 = arith.constant 0 : i32
    %cond3A_450 = arith.cmpi ne, %convert_element_type3A_448, %cond3A_449 : i32
    scf.if %cond3A_450 {
      %dma_wait3A = arith.constant 16400 : i32
      %dma_wait3A_486 = tpu.memref_slice %arg11[%dma_wait3A] : memref<16416xi32, #tpu.memory_space<vmem>> -> memref<16xi32, #tpu.memory_space<vmem>>
      %dma_wait3A_487 = arith.constant 0 : i32
      %dma_wait3A_488 = arith.constant 0 : i32
      %dma_wait3A_489 = tpu.memref_slice %arg6[%dma_wait3A_487, %dma_wait3A_488] : memref<16384x256xf32, #tpu.memory_space<hbm>> -> memref<16384x256xf32, #tpu.memory_space<hbm>>
      tpu.wait_indirect_dma semaphore(%arg35 : memref<!tpu.dma_semaphore, #tpu.memory_space<semaphore_mem>>) src(%arg15 : memref<16x256xf32, #tpu.memory_space<vmem>>) dst(%dma_wait3A_489 : memref<16384x256xf32, #tpu.memory_space<hbm>>)
    } else {
    }
    %gt3A_451 = arith.constant 3 : i32
    %gt3A_452 = arith.cmpi sgt, %select_n3A_355, %gt3A_451 : i32
    %convert_element_type3A_453 = arith.extui %gt3A_452 : i1 to i32
    %cond3A_454 = arith.constant 0 : i32
    %cond3A_455 = arith.cmpi ne, %convert_element_type3A_453, %cond3A_454 : i32
    scf.if %cond3A_455 {
      %dma_wait3A = arith.constant 16400 : i32
      %dma_wait3A_486 = tpu.memref_slice %arg11[%dma_wait3A] : memref<16416xi32, #tpu.memory_space<vmem>> -> memref<16xi32, #tpu.memory_space<vmem>>
      %dma_wait3A_487 = arith.constant 0 : i32
      %dma_wait3A_488 = arith.constant 0 : i32
      %dma_wait3A_489 = tpu.memref_slice %arg6[%dma_wait3A_487, %dma_wait3A_488] : memref<16384x256xf32, #tpu.memory_space<hbm>> -> memref<16384x256xf32, #tpu.memory_space<hbm>>
      tpu.wait_indirect_dma semaphore(%arg36 : memref<!tpu.dma_semaphore, #tpu.memory_space<semaphore_mem>>) src(%arg16 : memref<16x256xf32, #tpu.memory_space<vmem>>) dst(%dma_wait3A_489 : memref<16384x256xf32, #tpu.memory_space<hbm>>)
    } else {
    }
    %gt3A_456 = arith.constant 4 : i32
    %gt3A_457 = arith.cmpi sgt, %select_n3A_355, %gt3A_456 : i32
    %convert_element_type3A_458 = arith.extui %gt3A_457 : i1 to i32
    %cond3A_459 = arith.constant 0 : i32
    %cond3A_460 = arith.cmpi ne, %convert_element_type3A_458, %cond3A_459 : i32
    scf.if %cond3A_460 {
      %dma_wait3A = arith.constant 16400 : i32
      %dma_wait3A_486 = tpu.memref_slice %arg11[%dma_wait3A] : memref<16416xi32, #tpu.memory_space<vmem>> -> memref<16xi32, #tpu.memory_space<vmem>>
      %dma_wait3A_487 = arith.constant 0 : i32
      %dma_wait3A_488 = arith.constant 0 : i32
      %dma_wait3A_489 = tpu.memref_slice %arg6[%dma_wait3A_487, %dma_wait3A_488] : memref<16384x256xf32, #tpu.memory_space<hbm>> -> memref<16384x256xf32, #tpu.memory_space<hbm>>
      tpu.wait_indirect_dma semaphore(%arg37 : memref<!tpu.dma_semaphore, #tpu.memory_space<semaphore_mem>>) src(%arg17 : memref<16x256xf32, #tpu.memory_space<vmem>>) dst(%dma_wait3A_489 : memref<16384x256xf32, #tpu.memory_space<hbm>>)
    } else {
    }
    %gt3A_461 = arith.constant 5 : i32
    %gt3A_462 = arith.cmpi sgt, %select_n3A_355, %gt3A_461 : i32
    %convert_element_type3A_463 = arith.extui %gt3A_462 : i1 to i32
    %cond3A_464 = arith.constant 0 : i32
    %cond3A_465 = arith.cmpi ne, %convert_element_type3A_463, %cond3A_464 : i32
    scf.if %cond3A_465 {
      %dma_wait3A = arith.constant 16400 : i32
      %dma_wait3A_486 = tpu.memref_slice %arg11[%dma_wait3A] : memref<16416xi32, #tpu.memory_space<vmem>> -> memref<16xi32, #tpu.memory_space<vmem>>
      %dma_wait3A_487 = arith.constant 0 : i32
      %dma_wait3A_488 = arith.constant 0 : i32
      %dma_wait3A_489 = tpu.memref_slice %arg6[%dma_wait3A_487, %dma_wait3A_488] : memref<16384x256xf32, #tpu.memory_space<hbm>> -> memref<16384x256xf32, #tpu.memory_space<hbm>>
      tpu.wait_indirect_dma semaphore(%arg38 : memref<!tpu.dma_semaphore, #tpu.memory_space<semaphore_mem>>) src(%arg18 : memref<16x256xf32, #tpu.memory_space<vmem>>) dst(%dma_wait3A_489 : memref<16384x256xf32, #tpu.memory_space<hbm>>)
    } else {
    }
    %gt3A_466 = arith.constant 6 : i32
    %gt3A_467 = arith.cmpi sgt, %select_n3A_355, %gt3A_466 : i32
    %convert_element_type3A_468 = arith.extui %gt3A_467 : i1 to i32
    %cond3A_469 = arith.constant 0 : i32
    %cond3A_470 = arith.cmpi ne, %convert_element_type3A_468, %cond3A_469 : i32
    scf.if %cond3A_470 {
      %dma_wait3A = arith.constant 16400 : i32
      %dma_wait3A_486 = tpu.memref_slice %arg11[%dma_wait3A] : memref<16416xi32, #tpu.memory_space<vmem>> -> memref<16xi32, #tpu.memory_space<vmem>>
      %dma_wait3A_487 = arith.constant 0 : i32
      %dma_wait3A_488 = arith.constant 0 : i32
      %dma_wait3A_489 = tpu.memref_slice %arg6[%dma_wait3A_487, %dma_wait3A_488] : memref<16384x256xf32, #tpu.memory_space<hbm>> -> memref<16384x256xf32, #tpu.memory_space<hbm>>
      tpu.wait_indirect_dma semaphore(%arg39 : memref<!tpu.dma_semaphore, #tpu.memory_space<semaphore_mem>>) src(%arg19 : memref<16x256xf32, #tpu.memory_space<vmem>>) dst(%dma_wait3A_489 : memref<16384x256xf32, #tpu.memory_space<hbm>>)
    } else {
    }
    %gt3A_471 = arith.constant 7 : i32
    %gt3A_472 = arith.cmpi sgt, %select_n3A_355, %gt3A_471 : i32
    %convert_element_type3A_473 = arith.extui %gt3A_472 : i1 to i32
    %cond3A_474 = arith.constant 0 : i32
    %cond3A_475 = arith.cmpi ne, %convert_element_type3A_473, %cond3A_474 : i32
    scf.if %cond3A_475 {
      %dma_wait3A = arith.constant 16400 : i32
      %dma_wait3A_486 = tpu.memref_slice %arg11[%dma_wait3A] : memref<16416xi32, #tpu.memory_space<vmem>> -> memref<16xi32, #tpu.memory_space<vmem>>
      %dma_wait3A_487 = arith.constant 0 : i32
      %dma_wait3A_488 = arith.constant 0 : i32
      %dma_wait3A_489 = tpu.memref_slice %arg6[%dma_wait3A_487, %dma_wait3A_488] : memref<16384x256xf32, #tpu.memory_space<hbm>> -> memref<16384x256xf32, #tpu.memory_space<hbm>>
      tpu.wait_indirect_dma semaphore(%arg40 : memref<!tpu.dma_semaphore, #tpu.memory_space<semaphore_mem>>) src(%arg20 : memref<16x256xf32, #tpu.memory_space<vmem>>) dst(%dma_wait3A_489 : memref<16384x256xf32, #tpu.memory_space<hbm>>)
    } else {
    }
    %gt3A_476 = arith.constant 8 : i32
    %gt3A_477 = arith.cmpi sgt, %select_n3A_355, %gt3A_476 : i32
    %convert_element_type3A_478 = arith.extui %gt3A_477 : i1 to i32
    %cond3A_479 = arith.constant 0 : i32
    %cond3A_480 = arith.cmpi ne, %convert_element_type3A_478, %cond3A_479 : i32
    scf.if %cond3A_480 {
      %dma_wait3A = arith.constant 16400 : i32
      %dma_wait3A_486 = tpu.memref_slice %arg11[%dma_wait3A] : memref<16416xi32, #tpu.memory_space<vmem>> -> memref<16xi32, #tpu.memory_space<vmem>>
      %dma_wait3A_487 = arith.constant 0 : i32
      %dma_wait3A_488 = arith.constant 0 : i32
      %dma_wait3A_489 = tpu.memref_slice %arg6[%dma_wait3A_487, %dma_wait3A_488] : memref<16384x256xf32, #tpu.memory_space<hbm>> -> memref<16384x256xf32, #tpu.memory_space<hbm>>
      tpu.wait_indirect_dma semaphore(%arg41 : memref<!tpu.dma_semaphore, #tpu.memory_space<semaphore_mem>>) src(%arg21 : memref<16x256xf32, #tpu.memory_space<vmem>>) dst(%dma_wait3A_489 : memref<16384x256xf32, #tpu.memory_space<hbm>>)
    } else {
    }
    %gt3A_481 = arith.constant 9 : i32
    %gt3A_482 = arith.cmpi sgt, %select_n3A_355, %gt3A_481 : i32
    %convert_element_type3A_483 = arith.extui %gt3A_482 : i1 to i32
    %cond3A_484 = arith.constant 0 : i32
    %cond3A_485 = arith.cmpi ne, %convert_element_type3A_483, %cond3A_484 : i32
    scf.if %cond3A_485 {
      %dma_wait3A = arith.constant 16400 : i32
      %dma_wait3A_486 = tpu.memref_slice %arg11[%dma_wait3A] : memref<16416xi32, #tpu.memory_space<vmem>> -> memref<16xi32, #tpu.memory_space<vmem>>
      %dma_wait3A_487 = arith.constant 0 : i32
      %dma_wait3A_488 = arith.constant 0 : i32
      %dma_wait3A_489 = tpu.memref_slice %arg6[%dma_wait3A_487, %dma_wait3A_488] : memref<16384x256xf32, #tpu.memory_space<hbm>> -> memref<16384x256xf32, #tpu.memory_space<hbm>>
      tpu.wait_indirect_dma semaphore(%arg42 : memref<!tpu.dma_semaphore, #tpu.memory_space<semaphore_mem>>) src(%arg22 : memref<16x256xf32, #tpu.memory_space<vmem>>) dst(%dma_wait3A_489 : memref<16384x256xf32, #tpu.memory_space<hbm>>)
    } else {
    }
    return
  }
}

</mosaic_0001>

<sc_bundles>
// kernel: kernel.3.cloned.1.call-start
scs
__scs_entry_jumppad:
0x0: {  	(pc) =	sbr.rel $0x88, $3  }
0x1: {  	(tag) =	ssettag $0x0;
	lr =	simm.s32 $0x1  }
0x2: {  	[smem:$0x3F9D] =	sst lr;
	_ =	strace $0xD0000000  }
0x3: {  	_ = 	snop  }
0x4: {  	_ = 	snop  }
0x5: {  	_ = 	snop  }
0x6: {  	_ = 	snop  }
0x7: {  	_ = 	snop  }
__scs_overlays_trampoline_lowered:
0x8: {  	[smem:$0x3FAC] =	sst s0  }
0x9: {  	[smem:$0x3FAD] =	sst s1  }
0xa: {  	[smem:$0x3FAE] =	sst s2  }
0xb: {  	[smem:$0x3FAF] =	sst s3  }
0xc: {  	[smem:$0x3FB0] =	sst s4  }
0xd: {  	[smem:$0x3FB1] =	sst s5  }
0xe: {  	[smem:$0x3FB2] =	sst s6  }
0xf: {  	[smem:$0x3FB3] =	sst s7  }
0x10: {  	[smem:$0x3FB4] =	sst s8  }
0x11: {  	[smem:$0x3FB5] =	sst s9;
	s0 =	simm.s32 @!p0 $0x0  }
0x12: {  	s1 =	sld [smem:$0x3F9B];
	s0 =	simm.s32 @p0 $0x1  }
0x13: {  	[smem:$0x3FB6] =	sst s0;
	s0 =	simm.s32 @!p1 $0x0  }
0x14: {  	s2 =	sld [smem:$0x3F9A];
	s0 =	simm.s32 @p1 $0x1  }
0x15: {  	[smem:$0x3FB7] =	sst s0;
	s0 =	simm.s32 @!p2 $0x0  }
0x16: {  	s3 =	sld [smem:$0x3FDB];
	s0 =	simm.s32 @p2 $0x1  }
0x17: {  	s4 =	simm.s32 $0x1BF5;
	[smem:$0x3FB9] =	sst s0  }
0x18: {  	s0 =	sld [smem:$0x3F9C];
	_ =	swait.ge [sflag:s4], $0x0  }
0x19: {  	s7 =	sld [smem:$0x3F9D]  }
0x1a: {  	s8 =	sadd.s32 $0xFFFFE003, lr  }
0x1b: {  	s9 =	sadd.s32 $0xFFFFFEF7, lr;
	s5 =	simm.s32 $0xFFFFFFFF;
	p2 =	slt.u32 s8, $0xFFFFF086  }
0x1c: {  	p1 =	slt.u32 s9, $0xF7A;
	s5 =	simm.s32 @!p2 $0x0  }
0x1d: {  	s5 =	simm.s32 @p1 $0x1;
	p0 =	seq.s32 s7, s2  }
0x1e: {  	s7 =	smul.u32 @!p0 $0xF7A, s2;
	p2 =	seq.s32 @!p0 s5, $0x0  }
0x1f: {  	s9 =	smul.u32 $0xF7A, s1;
	s8 =	simm.s32 @!p0 $0x1BF5;
	p2 =	por !p2, p0  }
0x20: {  	[sflag:s8] =	ssyncset.s32 @!p0 $0xFFFFF086;
	s6 =	sadd.s32 @!p0 s3, s7;
	s7 =	simm.s32 @!p0 $0x108  }
0x21: {  	s3 =	sadd.s32 s3, s9;
	s6 =	sadd.s32 @!p0 $0x88, s6;
	s7 =	simm.s32 @p2 $0x1082  }
0x22: {  	[simem:s7], [sflag:s8] =	dma.local @!p0 [hbm:s6], $0xF7A  }
0x23: {  	s9 =	sor.u32 $0xD0000000, s2;
	s6 =	simm.s32 $0x108;
	_ =	swait.ge @!p0 [sflag:s8], $0x0  }
0x24: {  	s3 =	sadd.s32 $0x88, s3;
	s6 =	simm.s32 @!p1 $0x1082;
	[sflag:s4] =	ssyncset.s32 $0xFFFFF086  }
0x25: {  	[simem:s6], [sflag:s4] =	dma.local [hbm:s3], $0xF7A  }
0x26: {  	[smem:$0x3F9D] =	sst s1;
	(tag) =	ssettag s2;
	_ =	strace s9  }
0x27: {  	s1 =	sld [smem:$0x3FAD]  }
0x28: {  	s2 =	sld [smem:$0x3FAE]  }
0x29: {  	s4 =	sld [smem:$0x3FB0]  }
0x2a: {  	p0 =	seq.s32 s5, $0x0;
	s5 =	sld [smem:$0x3FB1]  }
0x2b: {  	s6 =	sld [smem:$0x3FB2]  }
0x2c: {  	s7 =	sld [smem:$0x3FB3]  }
0x2d: {  	s3 =	simm.s32 $0x108;
	s8 =	sld [smem:$0x3FB4]  }
0x2e: {  	s3 =	simm.s32 @!p0 $0x1082;
	s9 =	sld [smem:$0x3FB5]  }
0x2f: {  	lr =	sadd.s32 s0, s3;
	s0 =	sld [smem:$0x3FAC]  }
0x30: {  	s3 =	sld [smem:$0x3FAF]  }
0x31: {  	[smem:$0x3FB8] =	sst s10  }
0x32: {  	s10 =	sld [smem:$0x3FB6];
	_ =	sdelay $0x3  }
0x33: {  	p0 =	seq.s32 s10, $0x1;
	s10 =	sld [smem:$0x3FB8];
	_ =	sdelay $0x3  }
0x34: {  	[smem:$0x3FB8] =	sst s10  }
0x35: {  	s10 =	sld [smem:$0x3FB7];
	_ =	sdelay $0x3  }
0x36: {  	p1 =	seq.s32 s10, $0x1;
	s10 =	sld [smem:$0x3FB8];
	_ =	sdelay $0x3  }
0x37: {  	[smem:$0x3FB8] =	sst s10  }
0x38: {  	s10 =	sld [smem:$0x3FB9]  }
0x39: {  	_ = 	snop;
	(pc) =	sbr.ind lr, $3  }
0x3a: {  	_ = 	snop  }
0x3b: {  	_ = 	snop  }
0x3c: {  	p2 =	seq.s32 s10, $0x1;
	s10 =	sld [smem:$0x3FB8]  }
0x3d: {  	_ =	shalt  }
0x3e: {  	_ =	shalt  }
0x3f: {  	_ =	shalt  }
0x40: {  	_ =	shalt  }
0x41: {  	_ =	shalt  }
0x42: {  	_ =	shalt  }
0x43: {  	_ =	shalt  }
0x44: {  	_ =	shalt  }
0x45: {  	_ =	shalt  }
0x46: {  	_ =	shalt  }
0x47: {  	_ =	shalt  }
0x48: {  	_ =	shalt  }
0x49: {  	_ =	shalt  }
0x4a: {  	_ =	shalt  }
0x4b: {  	_ =	shalt  }
0x4c: {  	_ =	shalt  }
0x4d: {  	_ =	shalt  }
0x4e: {  	_ =	shalt  }
0x4f: {  	_ =	shalt  }
0x50: {  	_ =	shalt  }
0x51: {  	_ =	shalt  }
0x52: {  	_ =	shalt  }
0x53: {  	_ =	shalt  }
0x54: {  	_ =	shalt  }
0x55: {  	_ =	shalt  }
0x56: {  	_ =	shalt  }
0x57: {  	_ =	shalt  }
0x58: {  	_ =	shalt  }
0x59: {  	_ =	shalt  }
0x5a: {  	_ =	shalt  }
0x5b: {  	_ =	shalt  }
0x5c: {  	_ =	shalt  }
0x5d: {  	_ =	shalt  }
0x5e: {  	_ =	shalt  }
0x5f: {  	_ =	shalt  }
0x60: {  	_ =	shalt  }
0x61: {  	_ =	shalt  }
0x62: {  	_ =	shalt  }
0x63: {  	_ =	shalt  }
0x64: {  	_ =	shalt  }
0x65: {  	_ =	shalt  }
0x66: {  	_ =	shalt  }
0x67: {  	_ =	shalt  }
0x68: {  	_ =	shalt  }
0x69: {  	_ =	shalt  }
0x6a: {  	_ =	shalt  }
0x6b: {  	_ =	shalt  }
0x6c: {  	_ =	shalt  }
0x6d: {  	_ =	shalt  }
0x6e: {  	_ =	shalt  }
0x6f: {  	_ =	shalt  }
0x70: {  	_ =	shalt  }
0x71: {  	_ =	shalt  }
0x72: {  	_ =	shalt  }
0x73: {  	_ =	shalt  }
0x74: {  	_ =	shalt  }
0x75: {  	_ =	shalt  }
0x76: {  	_ =	shalt  }
0x77: {  	_ =	shalt  }
0x78: {  	_ =	shalt  }
0x79: {  	_ =	shalt  }
0x7a: {  	_ =	shalt  }
0x7b: {  	_ =	shalt  }
0x7c: {  	_ =	shalt  }
0x7d: {  	_ =	shalt  }
0x7e: {  	_ =	shalt  }
0x7f: {  	_ =	shalt  }
0x80: {  	_ =	shalt  }
0x81: {  	_ =	shalt  }
0x82: {  	_ =	shalt  }
0x83: {  	_ =	shalt  }
0x84: {  	_ =	shalt  }
0x85: {  	_ =	shalt  }
0x86: {  	_ =	shalt  }
0x87: {  	_ =	shalt  }
.Lfunc_end0:
.L_simem_size_0:
called_computation_lowered:
.L_overlay_start_0:
0x88: {  	s2 =	sld [smem:$0x3FD9]  }
0x89: {  	s3 =	sld [smem:$0x3FFE];
	_ =	sdelay $0x1  }
0x8a: {  	s1 =	srdreg.scid  }
0x8b: {  	s0 =	sand.u32 $0x1, s1  }
0x8c: {  	s18 =	sshll.u32 s0, $0xA;
	s2 =	sadd.s32 s3, s2  }
0x8d: {  	s2 =	sadd.s32 s2, s18  }
0x8e: {  	[smem:$0x3FC4] =	sst s2  }
0x8f: {  	_ = 	snop  }
0x90: {  	s2 =	sld [smem:$0x3FC9]  }
0x91: {  	s19 =	sld [smem:$0x3FC8]  }
0x92: {  	s4 =	sld [smem:$0x3FC7]  }
0x93: {  	s5 =	sld [smem:$0x3FC6]  }
0x94: {  	s6 =	sld [smem:$0x3FD0];
	(tm) =	ssettm $0x1  }
0x95: {  	s7 =	sld [smem:$0x3FFB];
	_ =	sdelay $0x3  }
0x96: {  	_ =	strace s7  }
0x97: {  	s7 =	sld [smem:$0x3FFC];
	_ =	sdelay $0x3  }
0x98: {  	_ =	strace s7  }
0x99: {  	s7 =	sld [smem:$0x3FFD];
	_ =	sdelay $0x3  }
0x9a: {  	_ =	strace s7  }
0x9b: {  	_ =	strace $0x8FFFFFFF  }
0x9c: {  	s20 =	sld [smem:$0x3FDB];
	_ =	sdelay $0x1  }
0x9d: {  	s8 =	simm.s32 $_scs_section_size  }
0x9e: {  	s9 =	simm.s32 $_size__tile_overlayer_lowered;
	s10 =	simm.s32 $_tile_overlayer_lowered  }
0x9f: {  	s23 =	simm.s32 $0x1BFF;
	s22 =	sshll.u32 s10, $0x1;
	s7 =	sadd.s32 s8, s20  }
0xa0: {  	s11 =	simm.s32 $0x0;
	s21 =	sshll.u32 s9, $0x1;
	s9 =	sadd.s32 s22, s7  }
0xa1: {  	[timem:s11], [sflag:s23] =	dma.local [hbm:s9], s21  }
0xa2: {  	_ =	swait.ge [sflag:s23], s21  }
0xa3: {  	s8 =	ssub.s32 $0x0, s21;
	[sflag:s23] =	ssyncset.done $0x0  }
0xa4: {  	[sflag:s23] =	ssyncadd.s32 s8;
	_ =	sdelay $0x1  }
0xa5: {  	s24 =	simm.s32 $0x1B8B  }
0xa6: {  	_ =	swait.ge [sflag:s24], $0x1  }
0xa7: {  	[sflag:s24] =	ssyncset.done $0x0  }
0xa8: {  	s25 =	simm.s32 $0x1B8E;
	[sflag:s24] =	ssyncadd.s32 $0xFFFFFFFF  }
0xa9: {  	s26 =	simm.s32 $execute0_lowered;
	[smem:$0x3FD2] =	sst s25  }
0xaa: {  	s8 =	sshll.u32 s26, $0x1;
	_ =	strace $0x80000046;
	[dreg:$0x1] =	wrdreg $0xFFFFFFFF  }
0xab: {  	s28 =	simm.s32 $_size_execute0_lowered;
	s7 =	sadd.s32 s7, s8;
	[dreg:$0x0] =	wrdreg $0x0  }
0xac: {  	s8 =	sshll.u32 s28, $0x1;
	[dreg:$0x2] =	wrdreg s7  }
0xad: {  	[dreg:$0x3] =	wrdreg s8  }
0xae: {  	[dreg:$0x4] =	wrdreg $0xC0  }
0xaf: {  	_ =	task [dreg:s11], $0x5FFFF  }
0xb0: {  	[dreg:$0x1] =	wrdreg $0xFFFFFFFF  }
0xb1: {  	[dreg:$0x0] =	wrdreg $0x60  }
0xb2: {  	[dreg:$0x2] =	wrdreg s2  }
0xb3: {  	[dreg:$0x3] =	wrdreg s19  }
0xb4: {  	[dreg:$0x4] =	wrdreg s4  }
0xb5: {  	[dreg:$0x5] =	wrdreg s5  }
0xb6: {  	[dreg:$0x6] =	wrdreg s6  }
0xb7: {  	[dreg:$0x7] =	wrdreg $0x9  }
0xb8: {  	_ =	task.clear_ibuf [dreg:s11], $0x8FFFF;
	_ =	strace $0x90000046  }
0xb9: {  	s29 =	simm.s32 $0x9;
	_ =	strace $0x80000048  }
0xba: {  	_ =	swait.ge [sflag:s29], $0x1  }
0xbb: {  	[sflag:s29] =	ssyncadd.s32 $0xFFFFFFFF  }
0xbc: {  	_ =	strace $0x90000048  }
0xbd: {  	_ =	sfence  }
0xbe: {  	s30 =	sld [smem:$0x0];
	_ =	sdelay $0x2  }
0xbf: {  	s31 =	sshll.u32 s1, $0xD;
	s1 =	sshrl.u32 s1, $0x2  }
0xc0: {  	s3 =	sand.u32 $0x4000, s31;
	s1 =	sadd.s32 s1, s30  }
0xc1: {  	s0 =	sor.u32 s3, s0;
	s1 =	sshll.u32 s1, $0x11  }
0xc2: {  	s0 =	sor.u32 s1, s0  }
0xc3: {  	s0 =	sadd.s32 $0x8F2B, s0  }
0xc4: {  	[sflag:s0] =	ssyncadd.remote.s32 $0x1  }
0xc5: {  	_ =	sfence.sel $0xFFFF  }
0xc6: {  	[dreg:$0x0] =	wrdreg $0xFFFFFFFF;
	(pc) =	sbr.abs _section_cstart, $3  }
0xc7: {  	[dreg:$0x1] =	wrdreg $0xFFFFFFFF  }
0xc8: {  	_ =	task.clear_ibuf [dreg:s11], $0x2FFFF;
	_ =	strace $0x9FFFFFFF  }
0xc9: {  	(tm) =	ssettm $0x7FFFFFFF  }
tec
execute0_lowered:
.L_overlay_start_1:
0x0: {  	(tag) =	ssettag $0x1  }
0x1: {  	s0 =	rddreg [dreg:$0x0]  }
0x2: {  	s1 =	rddreg [dreg:$0x1]  }
0x3: {  	s3 =	rddreg [dreg:$0x2]  }
0x4: {  	s4 =	rddreg [dreg:$0x3]  }
0x5: {  	s5 =	srdreg.scid;
	s6 =	rddreg [dreg:$0x4]  }
0x6: {  	s2 =	stileid.u32;
	s12 =	simm.s32 $0x16;
	s13 =	simm.s32 $0x8800  }
0x7: {  	s14 =	simm.s32 $0xC880;
	s15 =	simm.s32 $0x10900;
	s16 =	simm.s32 $0x19980  }
0x8: {  	s17 =	simm.s32 $0x1A180;
	s18 =	simm.s32 $0x0;
	s5 =	sand.u32 $0x1, s5  }
.Ltmp0:
0x9: {  	s8 =	sshll.u32 s2, $0xC;
	s7 =	ssub.s32 $0x2, s5;
	(pc) =	sbr.rel .LBB2_1-.Ltmp0, $4  }
0xa: {  	s9 =	sshll.u32 s5, $0xB;
	s5 =	rddreg [dreg:$0x5];
	_ =	strace $0x80000047  }
0xb: {  	v2 =	vimm.s32 $0xFFFFFFFF;
	vm0 =	vmxor vm0, vm0;
	s10 =	sshrl.u32 s7, $0x1;
	s11 =	sor.u32 s9, s8;
	s8 =	simm.s32 $0x0  }
0xc: {  	v3 =	vlaneseq.u32;
	v4 =	vimm.s32 $0x0;
	v5 =	vimm.f32 $0.0e+00;
	s9 =	simm.s32 $0x800;
	s7 =	ssub.s32 s7, s10;
	s31 =	sadd.s32 $0x800, s11  }
0xd: {  	v6 =	vimm.s32 $0x4020;
	v0 =	vmov s11;
	s10 =	simm.s32 $0x4800;
	s11 =	simm.s32 $0x15;
	s7 =	smax.u32 s7, $0x1;
	v1 =	vmov s31  }
.LBB2_24:
0xe: {  	s20 =	sld [smem:$0x7F6];
	_ =	sdelay $0x2  }
0xf: {  	p0 =	seq.s32 s20, $0x1  }
0x10: {  	s20 =	simm.s32 @!p0 $0xB  }
0x11: {  	_ =	swait.ge @!p0 [sflag:s20], $0x1000  }
0x12: {  	s26 =	sld [smem:$0x7F2];
	_ =	sdelay $0x1  }
0x13: {  	[sflag:s20] =	ssyncset.done @!p0 $0x0  }
0x14: {  	[sflag:s20] =	ssyncadd.s32 @!p0 $0xFFFFF000;
	p0 =	seq.s32 s26, $0x1  }
0x15: {  	s20 =	simm.s32 @p0 $0xC  }
0x16: {  	_ =	swait.ge @p0 [sflag:s20], $0x1000  }
0x17: {  	s28 =	sld [smem:$0x7F3];
	_ =	sdelay $0x1  }
0x18: {  	[sflag:s20] =	ssyncset.done @p0 $0x0  }
0x19: {  	[sflag:s20] =	ssyncadd.s32 @p0 $0xFFFFF000;
	p0 =	seq.s32 s28, $0x1  }
0x1a: {  	s20 =	simm.s32 @p0 $0xD  }
0x1b: {  	_ =	swait.ge @p0 [sflag:s20], $0x1000  }
0x1c: {  	s29 =	sld [smem:$0x7F1];
	_ =	sdelay $0x1  }
0x1d: {  	[sflag:s20] =	ssyncset.done @p0 $0x0  }
0x1e: {  	[sflag:s20] =	ssyncadd.s32 @p0 $0xFFFFF000;
	p0 =	seq.s32 s29, $0x1  }
0x1f: {  	s20 =	simm.s32 @p0 $0xE  }
0x20: {  	_ =	swait.ge @p0 [sflag:s20], $0x1000  }
0x21: {  	s30 =	sld [smem:$0x7F4];
	_ =	sdelay $0x1  }
0x22: {  	[sflag:s20] =	ssyncset.done @p0 $0x0  }
0x23: {  	[sflag:s20] =	ssyncadd.s32 @p0 $0xFFFFF000;
	p0 =	seq.s32 s30, $0x1  }
0x24: {  	s20 =	simm.s32 @p0 $0xF  }
0x25: {  	_ =	swait.ge @p0 [sflag:s20], $0x1000  }
0x26: {  	[sflag:s20] =	ssyncset.done @p0 $0x0  }
0x27: {  	[sflag:s20] =	ssyncadd.s32 @p0 $0xFFFFF000;
	s20 =	simm.s32 @p6 $0x10  }
0x28: {  	_ =	swait.ge @p6 [sflag:s20], $0x1000  }
0x29: {  	[sflag:s20] =	ssyncset.done @p6 $0x0  }
0x2a: {  	[sflag:s20] =	ssyncadd.s32 @p6 $0xFFFFF000;
	s20 =	simm.s32 @p1 $0x11  }
0x2b: {  	_ =	swait.ge @p1 [sflag:s20], $0x1000  }
0x2c: {  	s31 =	sld [smem:$0x7F5];
	_ =	sdelay $0x1  }
0x2d: {  	[sflag:s20] =	ssyncset.done @p1 $0x0  }
0x2e: {  	[sflag:s20] =	ssyncadd.s32 @p1 $0xFFFFF000;
	p1 =	seq.s32 s31, $0x1  }
0x2f: {  	s20 =	simm.s32 @p1 $0x12  }
0x30: {  	_ =	swait.ge @p1 [sflag:s20], $0x1000  }
0x31: {  	p0 =	slt.s32 s19, $0x9;
	[sflag:s20] =	ssyncset.done @p1 $0x0  }
0x32: {  	[sflag:s20] =	ssyncadd.s32 @p1 $0xFFFFF000;
	s20 =	simm.s32 @!p0 $0x13  }
0x33: {  	_ =	swait.ge @!p0 [sflag:s20], $0x1000  }
0x34: {  	s18 =	sadd.s32 $0x1, s18;
	p1 =	seq.s32 @!p0 s19, $0x9;
	[sflag:s20] =	ssyncset.done @!p0 $0x0  }
0x35: {  	p1 =	por p1, p0;
	[sflag:s20] =	ssyncadd.s32 @!p0 $0xFFFFF000;
	p0 =	sne.s32 s18, s7  }
.Ltmp1:
0x36: {  	_ = 	snop;
	(pc) =	sbr.rel @!p0 .LBB2_25-.Ltmp1, $4  }
0x37: {  	s19 =	simm.s32 @!p1 $0x14  }
0x38: {  	_ =	swait.ge @!p1 [sflag:s19], $0x1000  }
0x39: {  	[sflag:s19] =	ssyncset.done @!p1 $0x0  }
0x3a: {  	[sflag:s19] =	ssyncadd.s32 @!p1 $0xFFFFF000  }
.LBB2_1:
0x3b: {  	[tilespmem:s9], [sflag:$0x15] =	stream.linear.gather [hbm4b:s1+s8], $0x4000, $0x38;
	[tilespmem:$0x1E980] =	vst v63  }
0x3c: {  	s20 =	simm.s32 $0x100;
	s19 =	simm.s32 $0x0  }
0x3d: {  	[tilespmem:s10], [sflag:$0x16] =	stream.linear.gather [hbm4b:s4+s8], $0x4000, $0x38;
	[tilespmem:$0x1E980] =	vst v63  }
.LBB2_2:
0x3e: {  	p0 =	sne.s32 s20, $0x1F00;
	[tilespmem:s19+$0x30] =	vst v2;
	s21 =	smov.u32 s20;
	s20 =	sadd.s32 $0x100, s20  }
.Ltmp2:
0x3f: {  	[tilespmem:s19+$0x20] =	vst v2;
	(pc) =	sbr.rel @p0 .LBB2_2-.Ltmp2, $3  }
0x40: {  	[tilespmem:s19+$0x0] =	vst v2  }
0x41: {  	[tilespmem:s19+$0x10] =	vst v2;
	_ =	sdelay $0x1  }
0x42: {  	s19 =	sshra.s32 s21, $0x2  }
0x43: {  	[tilespmem:s19+$0x30] =	vst v2  }
0x44: {  	[tilespmem:s19+$0x20] =	vst v2  }
0x45: {  	[tilespmem:s19+$0x0] =	vst v2  }
0x46: {  	[tilespmem:s19+$0x10] =	vst v2  }
0x47: {  	_ =	swait.ge [sflag:s11], $0x4000  }
0x48: {  	[sflag:s11] =	ssyncset.done $0x0  }
0x49: {  	[sflag:s11] =	ssyncadd.s32 $0xFFFFC000  }
0x4a: {  	_ =	swait.ge [sflag:s12], $0x4000  }
0x4b: {  	[sflag:s12] =	ssyncset.done $0x0  }
0x4c: {  	s20 =	simm.s32 $0x4840;
	[sflag:s12] =	ssyncadd.s32 $0xFFFFC000  }
0x4d: {  	v7 =	vld [tilespmem:s20+$0xFFFFFFC0]  }
0x4e: {  	v8 =	vld [tilespmem:s20+$0xFFFFFFD0]  }
0x4f: {  	v9 =	vld [tilespmem:s20+$0xFFFFFFE0]  }
0x50: {  	s19 =	simm.s32 $0x840;
	v12 =	vld [tilespmem:s20+$0x0]  }
0x51: {  	v20 =	vld [tilespmem:s19+$0xFFFFFFD0]  }
0x52: {  	v34 =	vld [tilespmem:s19+$0x30]  }
0x53: {  	v35 =	vld [tilespmem:s19+$0x20];
	_ =	sdelay $0x1  }
0x54: {  	v11 =	vsub.s32 v7, v0  }
0x55: {  	v14 =	vsub.s32 v8, v0;
	v16 =	vsub.s32 v9, v0;
	v15 =	vsub.s32 v12, v0  }
0x56: {  	v7 =	vld [tilespmem:s20+$0xFFFFFFF0];
	v26 =	vsub.s32 v20, v0;
	v20 =	vand.u32 $0x7F, v20;
	v38 =	vsub.s32 v34, v0  }
0x57: {  	v8 =	vld [tilespmem:s19+$0xFFFFFFC0];
	v40 =	vsub.s32 v35, v0;
	vm9 =	vlt.u32 v11, $0x800;
	vm13 =	vlt.u32 v14, $0x800  }
0x58: {  	vm10 =	vlt.u32 v16, $0x800;
	vm14 =	vlt.u32 v15, $0x800;
	vm4 =	vlt.u32 v26, $0x800  }
0x59: {  	v63 =	vand.u32 $0xFFFFFF80, v40;
	v10 =	vsel vm9, $0x1, v4;
	v21 =	vmpcnt.ones.xlane vm9  }
0x5a: {  	v9 =	vsel vm13, $0x1, v4;
	v13 =	vsel vm9, $0xFFFFFFFF, v4;
	(xrf0) =	vadd.scan.msk.s32 $0xffff, v10;
	v10 =	vimm.s32 $0x0  }
0x5b: {  	v19 =	vmpcnt.ones.xlane vm13;
	v32 =	vsel vm14, $0x1, v4;
	(xrf0) =	vadd.scan.msk.s32 $0xffff, v9;
	v21 =	vadd.s32 v10, v21  }
0x5c: {  	v17 =	vsub.s32 v7, v0;
	v7 =	vsel vm10, $0x1, v4;
	v23 =	vsub.s32 v8, v0  }
0x5d: {  	v9 =	vand.u32 $0x7F, v8;
	v8 =	vadd.s32 v13, v10;
	v12 =	vand.u32 $0xFFFFFF80, v23  }
0x5e: {  	v10 =	vsel vm10, $0xFFFFFFFF, v4;
	vm2 =	vlt.u32 v17, $0x800;
	(xrf0) =	vadd.scan.msk.s32 $0xffff, v7;
	v9 =	vor.u32 v9, v12;
	v12 =	vld [tilespmem:s20+$0x10]  }
0x5f: {  	s21 =	simm.s32 $0x70;
	v19 =	vadd.s32 v21, v19;
	vm1 =	vlt.u32 v23, $0x800;
	v7 =	vsel vm2, $0x1, v4  }
0x60: {  	v22 =	vmpcnt.ones.xlane vm2;
	v28 =	vsel vm2, $0xFFFFFFFF, v4;
	v13, _, _ =	vpop (xrf0);
	(xrf0) =	vadd.scan.msk.s32 $0xffff, v7;
	v7 =	vor.u32 s21, v3  }
0x61: {  	s24 =	simm.s32 $0x0;
	v25 =	vadd.s32 v13, v8;
	v8 =	vsel vm13, $0xFFFFFFFF, v4;
	v13 =	vmpcnt.ones.xlane vm10;
	v24, _, _ =	vpop (xrf0)  }
0x62: {  	v30 =	vld [tilespmem:s19+$0xFFFFFFE0];
	v18 =	vshll.u32 v7, $0xB;
	v24 =	vadd.s32 v8, v24;
	v8 =	vor.u32 s24, v3  }
0x63: {  	v23 =	vshll.u32 v8, $0xB;
	v12 =	vsub.s32 v12, v0;
	v33 =	vadd.s32 v21, v24  }
0x64: {  	s25 =	simm.s32 $0x10;
	v27, _, _ =	vpop (xrf0);
	v24 =	vand.u32 $0xFFFFFF80, v26;
	v13 =	vadd.s32 v19, v13;
	v26 =	vsel vm14, $0xFFFFFFFF, v4  }
0x65: {  	s26 =	simm.s32 $0x20;
	v27 =	vadd.s32 v10, v27;
	v10 =	vor.u32 s25, v3;
	vm5 =	vlt.u32 v12, $0x800  }
0x66: {  	v23 =	vor.u32 v23, v11;
	v11 =	vor.u32 s26, v3;
	v22 =	vadd.s32 v13, v22  }
0x67: {  	v21 =	vld [tilespmem:s20+$0x20];
	v31 =	vshll.u32 v10, $0xB;
	v59 =	vadd.s32 v19, v27;
	v27 =	vsub.s32 v30, v0  }
0x68: {  	v29, _, _ =	vpop (xrf0);
	vm3 =	vlt.u32 v27, $0x800;
	v27 =	vand.u32 $0xFFFFFF80, v27;
	v31 =	vor.u32 v31, v14  }
0x69: {  	(xrf0) =	vadd.scan.msk.s32 $0xffff, v32;
	v14 =	vand.u32 $0x7F, v30;
	v32 =	vand.u32 $0xFFFFFF80, v38;
	v28 =	vadd.s32 v28, v29  }
0x6a: {  	v19 =	vld [tilespmem:s19+$0xFFFFFFF0];
	v29 =	vmpcnt.ones.xlane vm14;
	v14 =	vor.u32 v14, v27;
	v27 =	vshll.u32 v11, $0xB  }
0x6b: {  	v36 =	vadd.s32 v13, v28;
	v13 =	vor.u32 v20, v24;
	v20 =	vsel vm5, $0x1, v4;
	v28 =	vld [tilespmem:s19+$0x10]  }
0x6c: {  	v24 =	vmpcnt.ones.xlane vm5;
	v30 =	vsub.s32 v21, v0;
	v21 =	vld [tilespmem:s19+$0x0];
	v37 =	vor.u32 v27, v16  }
0x6d: {  	s30 =	simm.s32 $0x40;
	v16 =	vld [tilespmem:s20+$0x30];
	[tilespmem:v9+s8+$0x0] =	vst.idx.msk vm1, v8;
	(xrf0) =	vadd.scan.msk.s32 $0xffff, v20;
	vm8 =	vlt.u32 v30, $0x800;
	v29 =	vadd.s32 v22, v29  }
0x6e: {  	[tilespmem:v25+s13+$0x0] =	vst.idx.msk vm9, v23;
	vm9 =	vlt.u32 v38, $0x800;
	v23 =	vor.u32 s30, v3;
	v43 =	vmpcnt.ones.xlane vm8  }
0x6f: {  	v24 =	vadd.s32 v29, v24;
	v47 =	vsel vm8, $0xFFFFFFFF, v4;
	v62 =	vshll.u32 v23, $0xB;
	v20, _, _ =	vpop (xrf0)  }
0x70: {  	v20 =	vadd.s32 v26, v20;
	v26 =	vand.u32 $0x7F, v19;
	v19 =	vsub.s32 v19, v0  }
0x71: {  	s28 =	simm.s32 $0x30;
	v27 =	vand.u32 $0x7F, v21;
	v41 =	vsub.s32 v28, v0;
	v21 =	vsub.s32 v21, v0  }
0x72: {  	v44 =	vsub.s32 v16, v0;
	v16 =	vor.u32 s28, v3;
	v39 =	vadd.s32 v22, v20  }
0x73: {  	vm6 =	vlt.u32 v19, $0x800;
	v20 =	vsel vm5, $0xFFFFFFFF, v4;
	v22 =	vsel vm8, $0x1, v4;
	v42, _, _ =	vpop (xrf0)  }
0x74: {  	[tilespmem:v13+s8+$0x0] =	vst.idx.msk vm4, v10;
	vm12 =	vlt.u32 v44, $0x800;
	v42 =	vadd.s32 v20, v42;
	v20 =	vshll.u32 v16, $0xB  }
0x75: {  	v19 =	vand.u32 $0xFFFFFF80, v19;
	(xrf0) =	vadd.scan.msk.s32 $0xffff, v22;
	v45 =	vor.u32 v20, v17;
	v17 =	vsel vm12, $0x1, v4  }
0x76: {  	vm7 =	vlt.u32 v21, $0x800;
	v46 =	vand.u32 $0xFFFFFF80, v41;
	v22 =	vor.u32 v26, v19;
	(xrf0) =	vadd.scan.msk.s32 $0xffff, v17  }
0x77: {  	vm11 =	vlt.u32 v41, $0x800;
	[tilespmem:v33+s13+$0x0] =	vst.idx.msk vm13, v31;
	v33 =	vand.u32 $0x7F, v34;
	v20 =	vand.u32 $0xFFFFFF80, v21  }
0x78: {  	s31 =	simm.s32 $0x60;
	v18 =	vor.u32 v18, v44;
	v19 =	vand.u32 $0x7F, v28;
	v21 =	vor.u32 v27, v20  }
0x79: {  	v60 =	vmpcnt.ones.xlane vm12;
	[tilespmem:v14+s8+$0x0] =	vst.idx.msk vm3, v11;
	v25 =	vor.u32 v19, v46;
	v20 =	vor.u32 s31, v3  }
0x7a: {  	v19 =	vsel vm12, $0xFFFFFFFF, v4;
	[tilespmem:v59+s13+$0x0] =	vst.idx.msk vm10, v37;
	v28 =	vadd.s32 v29, v42;
	v29 =	vshll.u32 v20, $0xB  }
0x7b: {  	s29 =	simm.s32 $0x50;
	vm10 =	vlt.u32 v40, $0x800;
	[tilespmem:v22+s8+$0x0] =	vst.idx.msk vm6, v16;
	v29 =	vor.u32 v29, v30;
	v30 =	vand.u32 $0x7F, v35;
	v61, _, _ =	vpop (xrf0)  }
0x7c: {  	v17 =	vor.u32 s29, v3;
	v27 =	vadd.s32 v24, v43;
	[tilespmem:v36+s13+$0x0] =	vst.idx.msk vm2, v45;
	v30 =	vor.u32 v30, v63;
	v31, _, _ =	vpop (xrf0)  }
0x7d: {  	v26 =	vshll.u32 v17, $0xB;
	[tilespmem:v21+s8+$0x0] =	vst.idx.msk vm7, v23;
	v31 =	vadd.s32 v19, v31;
	v19 =	vor.u32 v62, v15  }
0x7e: {  	s21 =	simm.s32 $0x48C0;
	s20 =	simm.s32 $0xF0;
	vm2 =	vmmov vm0;
	v34 =	vadd.s32 v47, v61;
	v15 =	vadd.s32 v27, v60;
	[tilespmem:v39+s13+$0x0] =	vst.idx.msk vm14, v19  }
.LBB2_4:
0x7f: {  	p0 =	sne.s32 s20, $0x3FF0  }
0x80: {  	v12 =	vor.u32 v26, v12;
	v19 =	vadd.s32 v24, v34;
	s19 =	sadd.s32 $0x80, s19;
	s22 =	smov.u32 s20;
	s20 =	sadd.s32 $0x80, s20  }
0x81: {  	v24 =	vor.u32 v33, v32  }
0x82: {  	v26 =	vadd.s32 v27, v31;
	[tilespmem:v25+s8+$0x0] =	vst.idx.msk vm11, v17  }
0x83: {  	[tilespmem:v28+s13+$0x0] =	vst.idx.msk vm5, v12  }
0x84: {  	[tilespmem:v30+s8+$0x0] =	vst.idx.msk vm10, v20  }
0x85: {  	[tilespmem:v19+s13+$0x0] =	vst.idx.msk vm8, v29  }
0x86: {  	[tilespmem:v24+s8+$0x0] =	vst.idx.msk vm9, v7  }
0x87: {  	[tilespmem:v26+s13+$0x0] =	vst.idx.msk vm12, v18  }
0x88: {  	v9 =	vld.idx.msk [tilespmem:v9+s8+$0x0], vm1  }
0x89: {  	v12 =	vld.idx.msk [tilespmem:v13+s8+$0x0], vm4  }
0x8a: {  	v13 =	vld.idx.msk [tilespmem:v21+s8+$0x0], vm7  }
0x8b: {  	v18 =	vld.idx.msk [tilespmem:v22+s8+$0x0], vm6  }
0x8c: {  	v19 =	vld.idx.msk [tilespmem:v25+s8+$0x0], vm11  }
0x8d: {  	v21 =	vld.idx.msk [tilespmem:v30+s8+$0x0], vm10  }
0x8e: {  	vm5 =	vlt.s32 v9, v8;
	v8 =	vld.idx.msk [tilespmem:v24+s8+$0x0], vm9  }
0x8f: {  	vm1 =	vmand vm1, vm5;
	vm5 =	vlt.s32 v12, v10;
	v9 =	vld.idx.msk [tilespmem:v14+s8+$0x0], vm3  }
0x90: {  	vm4 =	vmand vm4, vm5;
	vm5 =	vlt.s32 v13, v23;
	v10 =	vld [tilespmem:s21+$0xFFFFFFC0]  }
0x91: {  	vm8 =	vmor vm1, vm4;
	vm1 =	vlt.s32 v18, v16;
	v12 =	vld [tilespmem:s21+$0xFFFFFFD0]  }
0x92: {  	vm12 =	vmand vm6, vm1;
	vm1 =	vlt.s32 v19, v17  }
0x93: {  	vm7 =	vmand vm7, vm5;
	vm4 =	vmand vm11, vm1;
	vm1 =	vlt.s32 v21, v20;
	v13 =	vld [tilespmem:s21+$0xFFFFFFE0]  }
0x94: {  	vm1 =	vmand vm10, vm1;
	vm5 =	vlt.s32 v8, v7  }
0x95: {  	vm10 =	vlt.s32 v9, v11;
	vm5 =	vmand vm9, vm5;
	v7 =	vld [tilespmem:s21+$0xFFFFFFF0];
	v14 =	vsub.s32 v10, v0  }
0x96: {  	vm3 =	vmand vm3, vm10;
	v8 =	vld [tilespmem:s21+$0x0];
	vm6 =	vlt.u32 v14, $0x800;
	v16 =	vsub.s32 v12, v0  }
0x97: {  	vm3 =	vmor vm8, vm3;
	v9 =	vld [tilespmem:s19+$0xFFFFFFC0];
	v10 =	vsel vm6, $0xFFFFFFFF, v4;
	v11 =	vsel vm6, $0x1, v4  }
0x98: {  	vm9 =	vlt.u32 v16, $0x800;
	vm3 =	vmor vm3, vm12;
	v17 =	vsub.s32 v13, v0;
	(xrf0) =	vadd.scan.msk.s32 $0xffff, v11  }
0x99: {  	v11 =	vsel vm9, $0x1, v4;
	v13 =	vmpcnt.ones.xlane vm9;
	vm3 =	vmor vm3, vm7  }
0x9a: {  	vm7 =	vlt.u32 v17, $0x800;
	vm3 =	vmor vm3, vm4;
	v12 =	vld [tilespmem:s19+$0xFFFFFFD0];
	v20 =	vsub.s32 v7, v0;
	(xrf0) =	vadd.scan.msk.s32 $0xffff, v11  }
0x9b: {  	v11 =	vmpcnt.ones.xlane vm6;
	v7 =	vsel vm7, $0x1, v4;
	vm1 =	vmor vm3, vm1  }
0x9c: {  	vm10 =	vlt.u32 v20, $0x800;
	vm1 =	vmor vm1, vm5;
	v21 =	vand.u32 $0x7F, v9;
	(xrf0) =	vadd.scan.msk.s32 $0xffff, v7  }
0x9d: {  	v7 =	vsel vm10, $0x1, v4;
	v22 =	vmpcnt.ones.xlane vm10;
	vm2 =	vmor vm2, vm1  }
0x9e: {  	v18 =	vsub.s32 v8, v0;
	v23 =	vsub.s32 v9, v0;
	v9 =	vadd.s32 v10, v15;
	v8, _, _ =	vpop (xrf0);
	(xrf0) =	vadd.scan.msk.s32 $0xffff, v7  }
0x9f: {  	v10 =	vand.u32 $0xFFFFFF80, v23;
	v7 =	vor.u32 s22, v3;
	v24 =	vadd.s32 v8, v9  }
0xa0: {  	s23 =	sadd.s32 $0xFFFFFF90, s22;
	v26 =	vmpcnt.ones.xlane vm7;
	v8 =	vsel vm9, $0xFFFFFFFF, v4;
	v19 =	vshll.u32 v7, $0xB;
	v25 =	vld [tilespmem:s21+$0x10];
	v27, _, _ =	vpop (xrf0)  }
0xa1: {  	v9 =	vor.u32 v21, v10;
	v21 =	vsub.s32 v12, v0;
	v28 =	vld [tilespmem:s19+$0xFFFFFFE0];
	v27 =	vadd.s32 v8, v27  }
0xa2: {  	v11 =	vadd.s32 v15, v11;
	v10 =	vsel vm7, $0xFFFFFFFF, v4;
	v8 =	vor.u32 s23, v3;
	v15, _, _ =	vpop (xrf0)  }
0xa3: {  	vm1 =	vlt.u32 v23, $0x800;
	s23 =	sadd.s32 $0xFFFFFFA0, s22;
	v23 =	vshll.u32 v8, $0xB;
	v15 =	vadd.s32 v10, v15  }
0xa4: {  	v29 =	vsel vm10, $0xFFFFFFFF, v4;
	vm13 =	vlt.u32 v18, $0x800;
	v10 =	vor.u32 s23, v3;
	v30, _, _ =	vpop (xrf0)  }
0xa5: {  	s25 =	sadd.s32 $0xFFFFFFB0, s22;
	v32 =	vand.u32 $0x7F, v12;
	v31 =	vld [tilespmem:s21+$0x20];
	v29 =	vadd.s32 v29, v30;
	v30 =	vmpcnt.ones.xlane vm13  }
0xa6: {  	v34 =	vsel vm13, $0x1, v4;
	v33 =	vshll.u32 v10, $0xB;
	v12 =	vsub.s32 v25, v0  }
0xa7: {  	s24 =	sadd.s32 $0xFFFFFFC0, s22;
	v25 =	vadd.s32 v11, v27;
	v11 =	vadd.s32 v11, v13;
	vm5 =	vlt.u32 v12, $0x800;
	(xrf0) =	vadd.scan.msk.s32 $0xffff, v34  }
0xa8: {  	vm4 =	vlt.u32 v21, $0x800;
	v23 =	vor.u32 v23, v14;
	v15 =	vadd.s32 v11, v15  }
0xa9: {  	s23 =	sadd.s32 $0xFFFFFFD0, s22;
	v13 =	vand.u32 $0xFFFFFF80, v21;
	v21 =	vsel vm13, $0xFFFFFFFF, v4;
	v14 =	vadd.s32 v11, v26;
	v27 =	vld [tilespmem:s19+$0xFFFFFFF0]  }
0xaa: {  	v11 =	vor.u32 s25, v3;
	v26 =	vsub.s32 v28, v0;
	v22 =	vadd.s32 v14, v22;
	v34 =	vld [tilespmem:s19+$0x30]  }
0xab: {  	vm3 =	vlt.u32 v26, $0x800;
	v26 =	vand.u32 $0xFFFFFF80, v26;
	v36 =	vadd.s32 v14, v29;
	v35 =	vld [tilespmem:s19+$0x20]  }
0xac: {  	v13 =	vor.u32 v32, v13;
	v14 =	vsel vm5, $0x1, v4;
	v32 =	vmpcnt.ones.xlane vm5;
	v29 =	vld [tilespmem:s21+$0x30]  }
0xad: {  	v16 =	vor.u32 v33, v16;
	v28 =	vand.u32 $0x7F, v28;
	v31 =	vsub.s32 v31, v0;
	v37 =	vld [tilespmem:s19+$0x10];
	v33, _, _ =	vpop (xrf0);
	(xrf0) =	vadd.scan.msk.s32 $0xffff, v14  }
0xae: {  	v14 =	vor.u32 v28, v26;
	v26 =	vshll.u32 v11, $0xB;
	v38 =	vld [tilespmem:s19+$0x0];
	v21 =	vadd.s32 v21, v33  }
0xaf: {  	v17 =	vor.u32 v26, v17;
	v26 =	vand.u32 $0x7F, v27;
	[tilespmem:v9+s8+$0x0] =	vst.idx.msk vm1, v8;
	v33 =	vsub.s32 v34, v0  }
0xb0: {  	vm8 =	vlt.u32 v31, $0x800;
	v39 =	vadd.s32 v22, v21;
	[tilespmem:v24+s13+$0x0] =	vst.idx.msk vm6, v23;
	v23 =	vsub.s32 v27, v0  }
0xb1: {  	v21 =	vsel vm5, $0xFFFFFFFF, v4;
	v40 =	vsub.s32 v35, v0;
	[tilespmem:v13+s8+$0x0] =	vst.idx.msk vm4, v10;
	vm6 =	vlt.u32 v23, $0x800  }
0xb2: {  	v28 =	vadd.s32 v22, v30;
	v23 =	vand.u32 $0xFFFFFF80, v23;
	[tilespmem:v25+s13+$0x0] =	vst.idx.msk vm9, v16;
	v16 =	vsel vm8, $0x1, v4  }
0xb3: {  	v27 =	vmpcnt.ones.xlane vm8;
	v25 =	vsub.s32 v37, v0;
	[tilespmem:v14+s8+$0x0] =	vst.idx.msk vm3, v11;
	v22 =	vand.u32 $0x7F, v38;
	v24, _, _ =	vpop (xrf0)  }
0xb4: {  	v41 =	vsub.s32 v29, v0;
	v30 =	vsub.s32 v38, v0;
	v38 =	vadd.s32 v21, v24;
	(xrf0) =	vadd.scan.msk.s32 $0xffff, v16  }
0xb5: {  	vm12 =	vlt.u32 v41, $0x800;
	v24 =	vadd.s32 v28, v32;
	[tilespmem:v15+s13+$0x0] =	vst.idx.msk vm7, v17;
	vm7 =	vlt.u32 v30, $0x800  }
0xb6: {  	s25 =	sadd.s32 $0xFFFFFFE0, s22;
	v16 =	vor.u32 s24, v3;
	v21 =	vsel vm12, $0x1, v4;
	v15 =	vand.u32 $0xFFFFFF80, v25  }
0xb7: {  	v29 =	vshll.u32 v16, $0xB;
	v30 =	vand.u32 $0xFFFFFF80, v30;
	v17 =	vor.u32 s25, v3;
	(xrf0) =	vadd.scan.msk.s32 $0xffff, v21  }
0xb8: {  	v42 =	vor.u32 v29, v20;
	v21 =	vor.u32 v22, v30;
	v30 =	vsel vm8, $0xFFFFFFFF, v4  }
0xb9: {  	vm9 =	vlt.u32 v33, $0x800;
	v22 =	vor.u32 v26, v23;
	v26 =	vshll.u32 v17, $0xB  }
0xba: {  	vm11 =	vlt.u32 v25, $0x800;
	v20 =	vand.u32 $0x7F, v37;
	v37 =	vmpcnt.ones.xlane vm12;
	v43, _, _ =	vpop (xrf0)  }
0xbb: {  	s22 =	sadd.s32 $0xFFFFFFF0, s22;
	v27 =	vadd.s32 v24, v27;
	v25 =	vor.u32 v20, v15;
	v15 =	vsel vm12, $0xFFFFFFFF, v4  }
0xbc: {  	v28 =	vadd.s32 v28, v38;
	v23 =	vor.u32 s23, v3;
	v20 =	vor.u32 s22, v3  }
.Ltmp3:
0xbd: {  	v44 =	vand.u32 $0xFFFFFF80, v40;
	v38 =	vshll.u32 v23, $0xB;
	v29 =	vshll.u32 v20, $0xB;
	v45, _, _ =	vpop (xrf0);
	(pc) =	sbr.rel @p0 .LBB2_4-.Ltmp3, $4  }
0xbe: {  	v32 =	vand.u32 $0xFFFFFF80, v33;
	v29 =	vor.u32 v29, v31;
	[tilespmem:v22+s8+$0x0] =	vst.idx.msk vm6, v16;
	v31 =	vadd.s32 v15, v45  }
0xbf: {  	v33 =	vand.u32 $0x7F, v34;
	v18 =	vor.u32 v38, v18;
	v15 =	vadd.s32 v27, v37;
	[tilespmem:v36+s13+$0x0] =	vst.idx.msk vm10, v42  }
0xc0: {  	v35 =	vand.u32 $0x7F, v35;
	v34 =	vadd.s32 v30, v43;
	vm10 =	vlt.u32 v40, $0x800;
	[tilespmem:v21+s8+$0x0] =	vst.idx.msk vm7, v23  }
0xc1: {  	s21 =	sadd.s32 $0x80, s21;
	v30 =	vor.u32 v35, v44;
	[tilespmem:v39+s13+$0x0] =	vst.idx.msk vm13, v18;
	v18 =	vor.u32 v19, v41  }
0xc2: {  	_ =	sdelay $0x2  }
0xc3: {  	v19 =	vadd.s32 v24, v34  }
0xc4: {  	v59 =	vor.u32 v33, v32  }
0xc5: {  	v12 =	vor.u32 v26, v12;
	[tilespmem:v25+s8+$0x0] =	vst.idx.msk vm11, v17;
	v60 =	vadd.s32 v27, v31  }
0xc6: {  	[tilespmem:v28+s13+$0x0] =	vst.idx.msk vm5, v12  }
0xc7: {  	[tilespmem:v30+s8+$0x0] =	vst.idx.msk vm10, v20  }
0xc8: {  	[tilespmem:v19+s13+$0x0] =	vst.idx.msk vm8, v29  }
0xc9: {  	[tilespmem:v59+s8+$0x0] =	vst.idx.msk vm9, v7  }
0xca: {  	[tilespmem:v60+s13+$0x0] =	vst.idx.msk vm12, v18  }
0xcb: {  	v9 =	vld.idx.msk [tilespmem:v9+s8+$0x0], vm1  }
0xcc: {  	v12 =	vld.idx.msk [tilespmem:v13+s8+$0x0], vm4  }
0xcd: {  	v61 =	vld.idx.msk [tilespmem:v14+s8+$0x0], vm3  }
0xce: {  	v62 =	vld.idx.msk [tilespmem:v22+s8+$0x0], vm6  }
0xcf: {  	v18 =	vld.idx.msk [tilespmem:v21+s8+$0x0], vm7  }
0xd0: {  	v19 =	vld.idx.msk [tilespmem:v25+s8+$0x0], vm11  }
0xd1: {  	v63 =	vld.idx.msk [tilespmem:v30+s8+$0x0], vm10;
	vm13 =	vlt.s32 v9, v8;
	vm14 =	vlt.s32 v12, v10  }
0xd2: {  	v8 =	vld.idx.msk [tilespmem:v59+s8+$0x0], vm9;
	vm8 =	vlt.s32 v61, v11;
	vm1 =	vmand vm1, vm13;
	vm15 =	vmand vm4, vm14  }
0xd3: {  	vm12 =	vlt.s32 v62, v16;
	vm3 =	vmand vm3, vm8;
	vm1 =	vmor vm1, vm15  }
0xd4: {  	vm13 =	vlt.s32 v18, v23;
	vm4 =	vmand vm6, vm12;
	vm1 =	vmor vm1, vm3  }
0xd5: {  	vm5 =	vmand vm7, vm13;
	vm3 =	vlt.s32 v19, v17;
	vm1 =	vmor vm1, vm4  }
0xd6: {  	vm14 =	vlt.s32 v63, v20;
	vm3 =	vmand vm11, vm3;
	vm1 =	vmor vm1, vm5  }
0xd7: {  	vm4 =	vmand vm10, vm14;
	vm15 =	vlt.s32 v8, v7;
	vm1 =	vmor vm1, vm3  }
0xd8: {  	vm3 =	vmand vm9, vm15;
	vm1 =	vmor vm1, vm4  }
0xd9: {  	vm1 =	vmor vm1, vm3  }
0xda: {  	v7 =	vxor.u32 $0x80000000, v15;
	vm1 =	vmor vm2, vm1  }
0xdb: {  	(xrf0) =	vmax.scan.msk.u32 $0xffff, v7;
	v7 =	vsel vm1, $0x3F800000, v5  }
0xdc: {  	(xrf0) =	vmax.scan.msk.f32 $0xffff, v7;
	_ =	sdelay $0x4  }
0xdd: {  	v7, _, _ =	vpop (xrf0)  }
0xde: {  	(v2sf) =	vpush v7, $0xF;
	v7, _, _ =	vpop (xrf0)  }
0xdf: {  	(v2sf) =	vpush v7, $0xF;
	_ =	sdelay $0xd  }
0xe0: {  	s19 =	spop (v2sf)  }
0xe1: {  	s20 =	spop (v2sf)  }
0xe2: {  	p0 =	sgt.f32 s20, $0.0e+00  }
.Ltmp4:
0xe3: {  	_ = 	snop;
	(pc) =	sbr.rel @!p0 .LBB2_7-.Ltmp4, $2  }
0xe4: {  	_ =	sdelay $0x2  }
0xe5: {  	vm1 =	vmmov vm0;
	s20 =	simm.s32 $0x0  }
.LBB2_6:
0xe6: {  	s21 =	sshll.u32 s20, $0x4  }
0xe7: {  	v7 =	vld [tilespmem:s21+$0x800];
	_ =	sdelay $0x4  }
0xe8: {  	vm2 =	vge.s32 v7, v0;
	vm3 =	vlt.s32 v7, v1;
	v8 =	vsub.s32 v7, v0  }
0xe9: {  	v7 =	vand.u32 $0x7F, v7;
	vm2 =	vmand vm2, vm3;
	v8 =	vand.u32 $0xFFFFFF80, v8  }
0xea: {  	v7 =	vor.u32 v7, v8;
	_ =	sdelay $0x4  }
0xeb: {  	v8 =	vld.idx.msk [tilespmem:v7+s8+$0x0], vm2;
	_ =	sdelay $0x3  }
0xec: {  	v9 =	vor.u32 s21, v3  }
0xed: {  	s20 =	sadd.s32 $0x1, s20;
	vm3 =	vlt.s32 v8, v9  }
0xee: {  	p0 =	sne.s32 s20, $0x400;
	vm2 =	vmand vm2, vm3  }
0xef: {  	v8 =	vimm.f32 @!p0 $0.0e+00;
	vm3 =	vmor vm1, vm2  }
0xf0: {  	v8 =	vsel @!p0 vm3, $0x3F800000, v8  }
0xf1: {  	(xrf0) =	vmax.scan.msk.f32 @!p0 $0xffff, v8;
	_ =	sdelay $0x5  }
0xf2: {  	v8, _, _ =	vpop @!p0 (xrf0)  }
0xf3: {  	(v2sf) =	vpush @!p0 v8, $0xF;
	_ =	sdelay $0xe  }
0xf4: {  	s21 =	spop @!p0 (v2sf)  }
0xf5: {  	p1 =	sgt.f32 @!p0 s21, $0.0e+00;
	_ =	sdelay $0x1  }
0xf6: {  	p1 =	por p0, p1  }
.Ltmp5:
0xf7: {  	_ = 	snop;
	(pc) =	sbr.rel @p1 .LBB2_6-.Ltmp5, $3  }
0xf8: {  	_ =	sdelay $0x1  }
0xf9: {  	vm1 =	vmxor @!p0 vm1, vm1  }
0xfa: {  	s20 =	simm.s32 @!p0 $0x0;
	vm1 =	vmmov @p0 vm3;
	[tilespmem:v7+s8+$0x0] =	vst.idx.msk vm2, v9  }
.LBB2_7:
0xfb: {  	s20 =	sand.u32 $0xF, s19;
	s21 =	sadd.s32 $0x8000000F, s19  }
0xfc: {  	p0 =	seq.s32 s20, $0x0;
	s29 =	sand.u32 $0xF, s21;
	p1 =	slt.s32 s21, $0x1  }
0xfd: {  	s30 =	sshra.s32 s21, $0x1F;
	s20 =	sadd.s32 @!p0 $0x7FFFFFFF, s19;
	p2 =	sne.s32 s29, $0x0  }
0xfe: {  	v7 =	vmov @!p0 s20;
	p1 =	por !p1, !p2;
	s20 =	sshrl.u32 s30, $0x1C  }
0xff: {  	s20 =	sadd.s32 s20, s21;
	p1 =	por !p1, !p1;
	s21 =	simm.s32 $0x1  }
0x100: {  	s19 =	sxor.u32 $0x80000000, s19;
	v8 =	vlaneseq.u32 @!p0;
	s31 =	sshrl.u32 s20, $0x4;
	s21 =	simm.s32 @!p1 $0x0  }
0x101: {  	v8 =	vadd.s32 @!p0 s19, v8;
	s19 =	ssub.s32 s31, s21  }
0x102: {  	s19 =	sshll.u32 s19, $0x4  }
0x103: {  	s22 =	simm.s32 @!p0 $0x8800;
	s19 =	sshra.s32 s19, $0x4  }
0x104: {  	v7 =	vld.idx.msk @!p0 [tilespmem:v7+s22+$0x0], $0xffff;
	p1 =	slt.s32 s19, $0x1  }
.Ltmp6:
0x105: {  	_ = 	snop;
	(pc) =	sbr.rel @p1 .LBB2_8-.Ltmp6, $2  }
0x106: {  	_ =	sdelay $0x2  }
0x107: {  	[tilespmem:v8+s22+$0x0] =	vst.idx.msk @!p0 $0xffff, v7  }
0x108: {  	v7 =	vimm.s32 $0x0;
	s20 =	simm.s32 $0x8800;
	v8 =	vimm.s32 $0x0  }
.LBB2_10:
0x109: {  	v9 =	vld [tilespmem:s20+$0x0];
	_ =	sdelay $0x4  }
0x10a: {  	v10 =	vand.u32 $0x7FF, v9;
	_ =	sdelay $0x4  }
0x10b: {  	v11 =	vld.idx.msk [tilespmem:v10+s8+$0x0], $0xffff;
	_ =	sdelay $0x4  }
0x10c: {  	vm1 =	vgt.s32 v11, $0xFFFFFFFF  }
0x10d: {  	vm2 =	vle.s32 v11, $0xFFFFFFFF;
	v12 =	vsel vm1, $0x1, v4  }
0x10e: {  	v13 =	vsel vm2, $0x1, v4;
	(xrf0) =	vadd.scan.msk.s32 $0xffff, v12  }
0x10f: {  	(xrf0) =	vadd.scan.msk.s32 $0xffff, v13;
	_ =	sdelay $0x3  }
0x110: {  	v60 =	vsel vm1, $0xFFFFFFFF, v4  }
0x111: {  	v12 =	vadd.s32 v60, v8;
	v61, _, _ =	vpop (xrf0)  }
0x112: {  	v12 =	vadd.s32 v61, v12;
	v62, _, _ =	vpop (xrf0)  }
0x113: {  	v14 =	vsel vm1, $0x401F, v6;
	v13 =	vadd.s32 v62, v7  }
0x114: {  	v13 =	vsub.s32 v14, v13  }
0x115: {  	p0 =	sne.s32 s19, $0x1  }
.Ltmp7:
0x116: {  	v9 =	vshra.s32 v9, $0xB;
	(pc) =	sbr.rel @p0 .LBB2_10-.Ltmp7, $4  }
0x117: {  	[tilespmem:v12+s14+$0x0] =	vst.idx.msk vm1, v9  }
0x118: {  	v63 =	vmpcnt.ones.xlane vm2;
	[tilespmem:v12+s15+$0x0] =	vst.idx.msk vm1, v11;
	v11 =	vmpcnt.ones.xlane vm1  }
0x119: {  	[tilespmem:v13+s14+$0x0] =	vst.idx.msk vm2, v9;
	v9 =	vor.u32 v0, v10  }
0x11a: {  	s20 =	sadd.s32 $0x10, s20;
	s19 =	sadd.s32 $0xFFFFFFFF, s19;
	v7 =	vadd.s32 v7, v63;
	[tilespmem:v13+s15+$0x0] =	vst.idx.msk vm2, v9;
	v8 =	vadd.s32 v8, v11  }
.Ltmp8:
0x11b: {  	(pc) =	sbr.rel .LBB2_12-.Ltmp8, $2  }
0x11c: {  	_ =	sdelay $0x2  }
0x11d: {  	v8 =	vxor.u32 $0x80000000, v8;
	v7 =	vxor.u32 $0x80000000, v7  }
.LBB2_8:
0x11e: {  	v8 =	vimm.s32 $0x80000000;
	v7 =	vimm.s32 $0x80000000  }
.LBB2_12:
0x11f: {  	(xrf0) =	vmax.scan.msk.u32 $0xffff, v8;
	_ =	sdelay $0x3  }
0x120: {  	(xrf0) =	vmax.scan.msk.u32 $0xffff, v7;
	_ =	sdelay $0x1  }
0x121: {  	v7, _, _ =	vpop (xrf0)  }
0x122: {  	(v2sf) =	vpush v7, $0xF;
	_ =	sdelay $0x2  }
0x123: {  	v7, _, _ =	vpop (xrf0)  }
0x124: {  	(v2sf) =	vpush v7, $0xF;
	_ =	sdelay $0xa  }
0x125: {  	s20 =	spop (v2sf)  }
0x126: {  	s19 =	sand.u32 $0xF, s20  }
0x127: {  	p1 =	seq.s32 s19, $0x0  }
0x128: {  	s21 =	sadd.s32 @!p1 $0x7FFFFFFF, s20  }
0x129: {  	s19 =	spop (v2sf);
	v7 =	vmov @!p1 s21  }
0x12a: {  	s29 =	sand.u32 $0xF, s19  }
0x12b: {  	p0 =	seq.s32 s29, $0x0  }
0x12c: {  	s21 =	sadd.s32 @!p0 $0x7FFFFFFF, s19  }
0x12d: {  	s22 =	sxor.u32 @!p1 $0x80000000, s20;
	s23 =	simm.s32 @!p1 $0xC880;
	v8 =	vlaneseq.u32 @!p1;
	v9 =	vmov @!p0 s21  }
0x12e: {  	v8 =	vadd.s32 @!p1 s22, v8;
	s21 =	simm.s32 @!p1 $0x10900;
	v9 =	vsub.s32 @!p0 $0x401F, v9;
	v10 =	vld.idx.msk @!p1 [tilespmem:v7+s23+$0x0], $0xffff  }
0x12f: {  	v9 =	vbroadcast @!p0 v9, $0x0;
	v7 =	vld.idx.msk @!p1 [tilespmem:v7+s21+$0x0], $0xffff;
	_ =	sdelay $0x1  }
0x130: {  	v11 =	vlaneseq.u32 @!p0  }
0x131: {  	v11 =	vmul.u32 @!p0 $0xFFFFFFFF, v11  }
0x132: {  	s22 =	sxor.u32 $0x80000000, s19;
	[tilespmem:v8+s23+$0x0] =	vst.idx.msk @!p1 $0xffff, v10  }
0x133: {  	s20 =	sadd.s32 $0x8000000F, s20;
	[tilespmem:v8+s21+$0x0] =	vst.idx.msk @!p1 $0xffff, v7;
	s21 =	simm.s32 @!p0 $0xC880;
	v7 =	vmov @!p0 s22;
	v8 =	vadd.s32 @!p0 $0x401F, v11  }
0x134: {  	s30 =	sand.u32 $0xF, s20;
	s22 =	simm.s32 @!p0 $0x10900;
	v10 =	vld.idx.msk @!p0 [tilespmem:v9+s21+$0x0], $0xffff;
	v7 =	vsub.s32 @!p0 v8, v7  }
0x135: {  	s24 =	sshra.s32 s20, $0x1F;
	p6 =	slt.s32 s20, $0x1;
	p2 =	sne.s32 s30, $0x0;
	v8 =	vld.idx.msk @!p0 [tilespmem:v9+s22+$0x0], $0xffff  }
0x136: {  	s31 =	sshrl.u32 s24, $0x1C;
	p1 =	por !p6, !p2  }
0x137: {  	s20 =	sadd.s32 s31, s20;
	s23 =	simm.s32 $0x1;
	p1 =	por !p1, !p1  }
0x138: {  	s20 =	sshra.s32 s20, $0x4;
	s23 =	simm.s32 @!p1 $0x0  }
0x139: {  	s20 =	ssub.s32 s20, s23;
	[tilespmem:v7+s21+$0x0] =	vst.idx.msk @!p0 $0xffff, v10  }
0x13a: {  	[tilespmem:v7+s22+$0x0] =	vst.idx.msk @!p0 $0xffff, v8;
	p0 =	slt.s32 s20, $0x1  }
0x13b: {  	v7 =	vld @!p0 [tilespmem:$0x10900];
	_ =	sdelay $0x4  }
0x13c: {  	v8 =	vshll.u32 @!p0 v7, $0x1  }
0x13d: {  	v9 =	vlaneseq.u32 @!p0;
	v7 =	vand.u32 @!p0 $0x7, v7;
	v8 =	vand.u32 @!p0 $0xFFFFFFF0, v8  }
0x13e: {  	v10 =	vshrl.u32 @!p0 v9, $0x3;
	v7 =	vor.u32 @!p0 v7, v8;
	v8 =	vand.u32 @!p0 $0x7, v9  }
0x13f: {  	v10 =	vmul.u32 @!p0 $0x8, v10;
	v8 =	vperm.xlane @!p0 v7, v8  }
0x140: {  	v9 =	vor.u32 @!p0 $0x8, v9  }
0x141: {  	v7 =	vperm.xlane @!p0 v7, v9;
	v8 =	vadd.s32 @!p0 v10, v8;
	_ =	sdelay $0x1  }
0x142: {  	v7 =	vadd.s32 @!p0 v10, v7;
	_ =	sdelay $0x1  }
0x143: {  	vm1 =	vmmov @!p0 $0xffff;
	s21 =	simm.s32 @!p0 $0x0;
	s22 =	simm.s32 @!p0 $0x14980;
	p1 =	seq.s32 @!p0 s20, $0x1  }
0x144: {  	[tilespmem:s22], [sflag:$0x1] =	stream.indirect_vreg.gather @!p0 [hbm4b:s3+s21], $0x80, v8, vm1, $0xb8;
	[tilespmem:$0x1E980] =	vst v63  }
0x145: {  	p1 =	por p0, p1;
	s22 =	simm.s32 @!p0 $0x15180  }
0x146: {  	[tilespmem:s22], [sflag:$0x1] =	stream.indirect_vreg.gather @!p0 [hbm4b:s3+s21], $0x80, v7, vm1, $0xb8;
	[tilespmem:$0x1E980] =	vst v63  }
0x147: {  	v7 =	vld @!p1 [tilespmem:$0x10910];
	_ =	sdelay $0x4  }
0x148: {  	v8 =	vshll.u32 @!p1 v7, $0x1  }
0x149: {  	v9 =	vlaneseq.u32 @!p1;
	v7 =	vand.u32 @!p1 $0x7, v7;
	v8 =	vand.u32 @!p1 $0xFFFFFFF0, v8  }
0x14a: {  	v10 =	vshrl.u32 @!p1 v9, $0x3;
	v7 =	vor.u32 @!p1 v7, v8;
	v8 =	vand.u32 @!p1 $0x7, v9  }
0x14b: {  	v10 =	vmul.u32 @!p1 $0x8, v10;
	v8 =	vperm.xlane @!p1 v7, v8  }
0x14c: {  	v9 =	vor.u32 @!p1 $0x8, v9  }
0x14d: {  	v7 =	vperm.xlane @!p1 v7, v9;
	v8 =	vadd.s32 @!p1 v10, v8;
	_ =	sdelay $0x1  }
0x14e: {  	v7 =	vadd.s32 @!p1 v10, v7;
	_ =	sdelay $0x1  }
0x14f: {  	p2 =	slt.u32 @!p1 s20, $0x3;
	vm1 =	vmmov @!p1 $0xffff;
	s21 =	simm.s32 @!p1 $0x0;
	s22 =	simm.s32 @!p1 $0x15980  }
0x150: {  	[tilespmem:s22], [sflag:$0x2] =	stream.indirect_vreg.gather @!p1 [hbm4b:s3+s21], $0x80, v8, vm1, $0xb8;
	[tilespmem:$0x1E980] =	vst v63  }
0x151: {  	p6 =	por p1, p2;
	s22 =	simm.s32 @!p1 $0x16180  }
0x152: {  	[tilespmem:s22], [sflag:$0x2] =	stream.indirect_vreg.gather @!p1 [hbm4b:s3+s21], $0x80, v7, vm1, $0xb8;
	[tilespmem:$0x1E980] =	vst v63  }
0x153: {  	v7 =	vld @!p6 [tilespmem:$0x10920];
	_ =	sdelay $0x4  }
0x154: {  	v8 =	vshll.u32 @!p6 v7, $0x1  }
0x155: {  	v9 =	vlaneseq.u32 @!p6;
	v7 =	vand.u32 @!p6 $0x7, v7;
	v8 =	vand.u32 @!p6 $0xFFFFFFF0, v8  }
0x156: {  	v10 =	vshrl.u32 @!p6 v9, $0x3;
	v7 =	vor.u32 @!p6 v7, v8;
	v8 =	vand.u32 @!p6 $0x7, v9  }
0x157: {  	v10 =	vmul.u32 @!p6 $0x8, v10;
	v8 =	vperm.xlane @!p6 v7, v8  }
0x158: {  	v9 =	vor.u32 @!p6 $0x8, v9  }
0x159: {  	v7 =	vperm.xlane @!p6 v7, v9;
	v8 =	vadd.s32 @!p6 v10, v8;
	_ =	sdelay $0x1  }
0x15a: {  	v7 =	vadd.s32 @!p6 v10, v7;
	_ =	sdelay $0x1  }
0x15b: {  	p2 =	seq.s32 @!p6 s20, $0x3;
	vm1 =	vmmov @!p6 $0xffff;
	s21 =	simm.s32 @!p6 $0x0;
	s22 =	simm.s32 @!p6 $0x16980  }
0x15c: {  	[tilespmem:s22], [sflag:$0x3] =	stream.indirect_vreg.gather @!p6 [hbm4b:s3+s21], $0x80, v8, vm1, $0xb8;
	[tilespmem:$0x1E980] =	vst v63  }
0x15d: {  	p2 =	por p6, p2;
	s22 =	simm.s32 @!p6 $0x17180  }
0x15e: {  	[tilespmem:s22], [sflag:$0x3] =	stream.indirect_vreg.gather @!p6 [hbm4b:s3+s21], $0x80, v7, vm1, $0xb8;
	[tilespmem:$0x1E980] =	vst v63  }
0x15f: {  	v7 =	vld @!p2 [tilespmem:$0x10930];
	_ =	sdelay $0x4  }
0x160: {  	v8 =	vshll.u32 @!p2 v7, $0x1  }
0x161: {  	v9 =	vlaneseq.u32 @!p2;
	v7 =	vand.u32 @!p2 $0x7, v7;
	v8 =	vand.u32 @!p2 $0xFFFFFFF0, v8  }
0x162: {  	v10 =	vshrl.u32 @!p2 v9, $0x3;
	v7 =	vor.u32 @!p2 v7, v8;
	v8 =	vand.u32 @!p2 $0x7, v9  }
0x163: {  	v10 =	vmul.u32 @!p2 $0x8, v10;
	v8 =	vperm.xlane @!p2 v7, v8  }
0x164: {  	v9 =	vor.u32 @!p2 $0x8, v9  }
0x165: {  	v7 =	vperm.xlane @!p2 v7, v9;
	v8 =	vadd.s32 @!p2 v10, v8;
	_ =	sdelay $0x1  }
0x166: {  	v7 =	vadd.s32 @!p2 v10, v7;
	_ =	sdelay $0x1  }
0x167: {  	p3 =	slt.u32 @!p2 s20, $0x5;
	vm1 =	vmmov @!p2 $0xffff;
	s21 =	simm.s32 @!p2 $0x0;
	s22 =	simm.s32 @!p2 $0x17980  }
0x168: {  	[tilespmem:s22], [sflag:$0x4] =	stream.indirect_vreg.gather @!p2 [hbm4b:s3+s21], $0x80, v8, vm1, $0xb8;
	[tilespmem:$0x1E980] =	vst v63  }
0x169: {  	p3 =	por p2, p3;
	s22 =	simm.s32 @!p2 $0x18180  }
0x16a: {  	[tilespmem:s22], [sflag:$0x4] =	stream.indirect_vreg.gather @!p2 [hbm4b:s3+s21], $0x80, v7, vm1, $0xb8;
	[tilespmem:$0x1E980] =	vst v63  }
0x16b: {  	v7 =	vld @!p3 [tilespmem:$0x10940];
	_ =	sdelay $0x4  }
0x16c: {  	v8 =	vshll.u32 @!p3 v7, $0x1  }
0x16d: {  	v9 =	vlaneseq.u32 @!p3;
	v7 =	vand.u32 @!p3 $0x7, v7;
	v8 =	vand.u32 @!p3 $0xFFFFFFF0, v8  }
0x16e: {  	v10 =	vshrl.u32 @!p3 v9, $0x3;
	v7 =	vor.u32 @!p3 v7, v8;
	v8 =	vand.u32 @!p3 $0x7, v9  }
0x16f: {  	v10 =	vmul.u32 @!p3 $0x8, v10;
	v8 =	vperm.xlane @!p3 v7, v8  }
0x170: {  	v9 =	vor.u32 @!p3 $0x8, v9  }
0x171: {  	v7 =	vperm.xlane @!p3 v7, v9;
	v8 =	vadd.s32 @!p3 v10, v8;
	_ =	sdelay $0x1  }
0x172: {  	v7 =	vadd.s32 @!p3 v10, v7  }
0x173: {  	p4 =	seq.s32 @!p3 s20, $0x5  }
0x174: {  	p4 =	por p3, p4;
	vm1 =	vmmov @!p3 $0xffff;
	s21 =	simm.s32 @!p3 $0x0;
	s22 =	simm.s32 @!p3 $0x18980  }
0x175: {  	[tilespmem:s22], [sflag:$0x5] =	stream.indirect_vreg.gather @!p3 [hbm4b:s3+s21], $0x80, v8, vm1, $0xb8;
	[tilespmem:$0x1E980] =	vst v63  }
.Ltmp9:
0x176: {  	s22 =	simm.s32 @!p3 $0x19180;
	(pc) =	sbr.rel @!p4 .LBB2_14-.Ltmp9, $4  }
0x177: {  	[tilespmem:s22], [sflag:$0x5] =	stream.indirect_vreg.gather @!p3 [hbm4b:s3+s21], $0x80, v7, vm1, $0xb8;
	[tilespmem:$0x1E980] =	vst v63  }
0x178: {  	s21 =	simm.s32 @!p0 $0x0  }
0x179: {  	s21 =	simm.s32 @p0 $0x1  }
0x17a: {  	[smem:$0x7FD] =	sst s21  }
0x17b: {  	p5 =	por @!p0 $0x0, $0x0;
	p4 =	por $0x0, $0x0  }
0x17c: {  	p4 =	por @!p0 p5, p5  }
0x17d: {  	p5 =	por @!p1 $0x0, $0x0;
	p0 =	por p4, p4  }
0x17e: {  	p0 =	por @!p1 p5, p5  }
0x17f: {  	s21 =	simm.s32 @!p0 $0x0  }
0x180: {  	s21 =	simm.s32 @p0 $0x1  }
0x181: {  	[smem:$0x7F8] =	sst s21  }
0x182: {  	s21 =	sld [smem:$0x7F8];
	_ =	sdelay $0x1  }
0x183: {  	p5 =	por @!p1 $0x1, $0x1  }
0x184: {  	p4 =	por @!p1 p5, p5;
	p1 =	por @!p6 $0x0, $0x0;
	p5 =	seq.s32 s21, $0x1  }
0x185: {  	p5 =	por @!p6 p1, p1  }
0x186: {  	s21 =	simm.s32 @!p5 $0x0  }
0x187: {  	s21 =	simm.s32 @p5 $0x1  }
0x188: {  	[smem:$0x7F7] =	sst s21  }
0x189: {  	s21 =	sld [smem:$0x7F7]  }
0x18a: {  	p1 =	por @!p6 $0x1, $0x1  }
0x18b: {  	p4 =	por @!p6 p1, p1;
	p1 =	por @!p6 $0x1, $0x1  }
0x18c: {  	p0 =	por @!p6 p1, p1;
	p6 =	por @!p2 $0x0, $0x0;
	p1 =	seq.s32 s21, $0x1  }
0x18d: {  	p1 =	por @!p2 p6, p6;
	p6 =	por @!p2 $0x1, $0x1  }
0x18e: {  	p5 =	por @!p2 p6, p6;
	p4 =	por @!p2 p6, p6;
	p6 =	por @!p2 $0x1, $0x1  }
0x18f: {  	p0 =	por @!p2 p6, p6;
	p2 =	por @!p3 $0x1, $0x1  }
0x190: {  	p5 =	por @!p3 p2, p2  }
0x191: {  	s21 =	simm.s32 @!p5 $0x0  }
0x192: {  	p4 =	por @!p3 p2, p2;
	s21 =	simm.s32 @p5 $0x1  }
0x193: {  	p0 =	por @!p3 p2, p2;
	[smem:$0x7F8] =	sst s21;
	s21 =	simm.s32 @!p4 $0x0  }
0x194: {  	p5 =	por p1, p1;
	p1 =	por @!p3 $0x0, $0x0;
	s21 =	simm.s32 @p4 $0x1  }
0x195: {  	p2 =	por p5, p5;
	[smem:$0x7F9] =	sst s21;
	s21 =	simm.s32 @!p0 $0x0  }
0x196: {  	p2 =	por @!p3 p1, p1;
	s21 =	simm.s32 @p0 $0x1;
	p0 =	por p5, p5  }
.Ltmp10:
0x197: {  	[smem:$0x7FA] =	sst s21;
	s21 =	simm.s32 @!p2 $0x0;
	(pc) =	sbr.rel .LBB2_15-.Ltmp10, $4  }
0x198: {  	p0 =	por @!p3 p1, p1;
	s21 =	simm.s32 @p2 $0x1  }
0x199: {  	p6 =	por @!p3 $0x1, $0x1;
	[smem:$0x7FB] =	sst s21;
	s21 =	simm.s32 @!p0 $0x0  }
0x19a: {  	p4 =	por p5, p5;
	p5 =	por @!p3 p1, p1;
	s21 =	simm.s32 @p0 $0x1  }
0x19b: {  	p4 =	por @!p3 p6, p6;
	p6 =	por p5, p5;
	[smem:$0x7FC] =	sst s21  }
.LBB2_14:
0x19c: {  	v7 =	vld [tilespmem:$0x10950];
	_ =	sdelay $0x4  }
0x19d: {  	v8 =	vshll.u32 v7, $0x1  }
0x19e: {  	v7 =	vand.u32 $0x7, v7;
	v8 =	vand.u32 $0xFFFFFFF0, v8  }
0x19f: {  	v9 =	vshrl.u32 v3, $0x3;
	v7 =	vor.u32 v7, v8;
	v8 =	vand.u32 $0x7, v3  }
0x1a0: {  	v9 =	vmul.u32 $0x8, v9;
	v8 =	vperm.xlane v7, v8  }
0x1a1: {  	v10 =	vor.u32 $0x8, v3  }
0x1a2: {  	v7 =	vperm.xlane v7, v10;
	v8 =	vadd.s32 v9, v8;
	_ =	sdelay $0x1  }
0x1a3: {  	v7 =	vadd.s32 v9, v7;
	_ =	sdelay $0x1  }
0x1a4: {  	vm1 =	vmmov $0xffff  }
0x1a5: {  	[tilespmem:s16], [sflag:$0x6] =	stream.indirect_vreg.gather [hbm4b:s3+s8], $0x80, v8, vm1, $0xb8;
	[tilespmem:$0x1E980] =	vst v63  }
0x1a6: {  	p2 =	slt.u32 s20, $0x7  }
0x1a7: {  	[tilespmem:s17], [sflag:$0x6] =	stream.indirect_vreg.gather [hbm4b:s3+s8], $0x80, v7, vm1, $0xb8;
	[tilespmem:$0x1E980] =	vst v63  }
0x1a8: {  	v7 =	vld @!p2 [tilespmem:$0x10960];
	_ =	sdelay $0x4  }
0x1a9: {  	v8 =	vshll.u32 @!p2 v7, $0x1  }
0x1aa: {  	v9 =	vlaneseq.u32 @!p2;
	v7 =	vand.u32 @!p2 $0x7, v7;
	v8 =	vand.u32 @!p2 $0xFFFFFFF0, v8  }
0x1ab: {  	v10 =	vshrl.u32 @!p2 v9, $0x3;
	v7 =	vor.u32 @!p2 v7, v8;
	v8 =	vand.u32 @!p2 $0x7, v9  }
0x1ac: {  	v10 =	vmul.u32 @!p2 $0x8, v10;
	v8 =	vperm.xlane @!p2 v7, v8  }
0x1ad: {  	v9 =	vor.u32 @!p2 $0x8, v9  }
0x1ae: {  	v7 =	vperm.xlane @!p2 v7, v9;
	v8 =	vadd.s32 @!p2 v10, v8;
	_ =	sdelay $0x1  }
0x1af: {  	v7 =	vadd.s32 @!p2 v10, v7;
	_ =	sdelay $0x1  }
0x1b0: {  	s21 =	simm.s32 @!p2 $0x0;
	s22 =	simm.s32 @!p2 $0x1A980;
	p1 =	seq.s32 @!p2 s20, $0x7;
	vm1 =	vmmov @!p2 $0xffff  }
0x1b1: {  	[tilespmem:s22], [sflag:$0x7] =	stream.indirect_vreg.gather @!p2 [hbm4b:s3+s21], $0x80, v8, vm1, $0xb8;
	[tilespmem:$0x1E980] =	vst v63  }
0x1b2: {  	p3 =	por p1, p2;
	s22 =	simm.s32 @!p2 $0x1B180  }
0x1b3: {  	[tilespmem:s22], [sflag:$0x7] =	stream.indirect_vreg.gather @!p2 [hbm4b:s3+s21], $0x80, v7, vm1, $0xb8;
	[tilespmem:$0x1E980] =	vst v63  }
0x1b4: {  	v7 =	vld @!p3 [tilespmem:$0x10970];
	_ =	sdelay $0x4  }
0x1b5: {  	v8 =	vshll.u32 @!p3 v7, $0x1  }
0x1b6: {  	v9 =	vlaneseq.u32 @!p3;
	v7 =	vand.u32 @!p3 $0x7, v7;
	v8 =	vand.u32 @!p3 $0xFFFFFFF0, v8  }
0x1b7: {  	v10 =	vshrl.u32 @!p3 v9, $0x3;
	v7 =	vor.u32 @!p3 v7, v8;
	v8 =	vand.u32 @!p3 $0x7, v9  }
0x1b8: {  	v10 =	vmul.u32 @!p3 $0x8, v10;
	v8 =	vperm.xlane @!p3 v7, v8  }
0x1b9: {  	v9 =	vor.u32 @!p3 $0x8, v9  }
0x1ba: {  	v7 =	vperm.xlane @!p3 v7, v9;
	v8 =	vadd.s32 @!p3 v10, v8;
	_ =	sdelay $0x1  }
0x1bb: {  	v7 =	vadd.s32 @!p3 v10, v7;
	_ =	sdelay $0x1  }
0x1bc: {  	vm1 =	vmmov @!p3 $0xffff;
	s21 =	simm.s32 @!p3 $0x0;
	s22 =	simm.s32 @!p3 $0x1B980  }
0x1bd: {  	[tilespmem:s22], [sflag:$0x8] =	stream.indirect_vreg.gather @!p3 [hbm4b:s3+s21], $0x80, v8, vm1, $0xb8;
	[tilespmem:$0x1E980] =	vst v63  }
0x1be: {  	s22 =	simm.s32 @!p3 $0x1C180  }
0x1bf: {  	[tilespmem:s22], [sflag:$0x8] =	stream.indirect_vreg.gather @!p3 [hbm4b:s3+s21], $0x80, v7, vm1, $0xb8;
	[tilespmem:$0x1E980] =	vst v63  }
0x1c0: {  	p3 =	por @!p3 $0x1, $0x1  }
0x1c1: {  	p4 =	por @!p2 $0x0, $0x0;
	p1 =	por !p1, p2;
	p5 =	por p3, p3  }
0x1c2: {  	p5 =	por @!p1 p4, p4;
	p4 =	por $0x0, $0x0  }
0x1c3: {  	p6 =	por @!p2 $0x1, $0x1;
	p4 =	por @!p2 p5, p5  }
0x1c4: {  	p0 =	por $0x1, $0x1;
	p3 =	por @!p1 p6, p6;
	s21 =	simm.s32 @!p4 $0x0  }
0x1c5: {  	p0 =	por @!p2 p3, p3;
	s21 =	simm.s32 @p4 $0x1  }
0x1c6: {  	p1 =	por $0x1, $0x1;
	[smem:$0x7FB] =	sst s21;
	s21 =	simm.s32 @!p0 $0x0  }
0x1c7: {  	p1 =	por @!p2 p3, p3;
	s21 =	simm.s32 @p0 $0x1  }
0x1c8: {  	p0 =	por $0x1, $0x1;
	[smem:$0x7FC] =	sst s21;
	s21 =	simm.s32 @!p1 $0x0  }
0x1c9: {  	p0 =	por @!p2 p3, p3;
	s21 =	simm.s32 @p1 $0x1  }
0x1ca: {  	[smem:$0x7F8] =	sst s21;
	s21 =	simm.s32 @!p0 $0x0  }
0x1cb: {  	s21 =	simm.s32 @p0 $0x1;
	p0 =	por $0x1, $0x1  }
0x1cc: {  	p0 =	por @!p2 p3, p3  }
0x1cd: {  	[smem:$0x7F9] =	sst s21;
	s21 =	simm.s32 @!p0 $0x0  }
0x1ce: {  	p6 =	por $0x0, $0x0;
	p4 =	por $0x1, $0x1;
	s21 =	simm.s32 @p0 $0x1  }
0x1cf: {  	p6 =	por @!p2 p3, p3;
	p4 =	por @!p2 p3, p3;
	[smem:$0x7FA] =	sst s21  }
.LBB2_15:
0x1d0: {  	s21 =	sadd.s32 $0x9, s20  }
0x1d1: {  	s22 =	smulhi.u32 $0x66666667, s21;
	s21 =	sshra.s32 s21, $0x1F  }
0x1d2: {  	s21 =	smul.u32 $0x66666667, s21;
	_ =	sdelay $0x1  }
0x1d3: {  	s21 =	sadd.s32 s21, s22  }
0x1d4: {  	s22 =	sshrl.u32 s21, $0x1F;
	s21 =	sshra.s32 s21, $0x2  }
0x1d5: {  	s21 =	sadd.s32 s22, s21  }
0x1d6: {  	s22 =	smul.u32 $0xFFFFFFF6, s21  }
0x1d7: {  	s23 =	ssub.s32 $0xFFFFFFF7, s20  }
0x1d8: {  	p1 =	slt.s32 s20, $0xFFFFFFF8;
	p2 =	sne.s32 s22, s23  }
0x1d9: {  	p1 =	por !p1, !p2  }
0x1da: {  	s22 =	simm.s32 $0x1;
	p1 =	por !p1, !p1  }
0x1db: {  	s22 =	simm.s32 @!p1 $0x0  }
0x1dc: {  	s21 =	ssub.s32 s21, s22  }
0x1dd: {  	p1 =	slt.s32 s21, $0x1  }
.Ltmp11:
0x1de: {  	_ = 	snop;
	(pc) =	sbr.rel @p1 .LBB2_18-.Ltmp11, $1  }
0x1df: {  	_ =	sdelay $0x3  }
0x1e0: {  	s22 =	simm.s32 $0x8;
	s23 =	simm.s32 $0x10A10;
	s24 =	simm.s32 $0xC8D0  }
.LBB2_17:
0x1e1: {  	s25 =	sadd.s32 $0xFFFFFFF8, s22  }
0x1e2: {  	p2 =	sge.s32 s25, s20  }
0x1e3: {  	s25 =	simm.s32 @!p2 $0x1  }
0x1e4: {  	_ =	swait.ge @!p2 [sflag:s25], $0x1000  }
0x1e5: {  	[sflag:s25] =	ssyncset.done @!p2 $0x0  }
0x1e6: {  	[sflag:s25] =	ssyncadd.s32 @!p2 $0xFFFFF000  }
0x1e7: {  	v7 =	vld @!p2 [tilespmem:s24+$0xFFFFFFB0];
	_ =	sdelay $0x4  }
0x1e8: {  	v8 =	vshll.u32 @!p2 v7, $0x1  }
0x1e9: {  	v9 =	vlaneseq.u32 @!p2;
	v7 =	vand.u32 @!p2 $0x7, v7;
	v8 =	vand.u32 @!p2 $0xFFFFFFF0, v8  }
0x1ea: {  	v10 =	vshrl.u32 @!p2 v9, $0x3;
	v7 =	vor.u32 @!p2 v7, v8;
	v8 =	vand.u32 @!p2 $0x7, v9  }
0x1eb: {  	v10 =	vmul.u32 @!p2 $0x8, v10;
	v8 =	vperm.xlane @!p2 v7, v8  }
0x1ec: {  	v9 =	vor.u32 @!p2 $0x8, v9  }
0x1ed: {  	v7 =	vperm.xlane @!p2 v7, v9;
	v8 =	vadd.s32 @!p2 v10, v8  }
0x1ee: {  	p1 =	sge.u32 @!p2 s22, s20  }
0x1ef: {  	p3 =	por p1, p2;
	v7 =	vadd.s32 @!p2 v10, v7  }
0x1f0: {  	p5 =	seq.s32 @!p3 s22, $0x8  }
0x1f1: {  	vm1 =	vmmov @!p2 $0xffff;
	s26 =	simm.s32 @!p2 $0x14980;
	s25 =	simm.s32 @!p2 $0x0;
	p1 =	por @!p2 p5, p1  }
0x1f2: {  	[hbm4b:s6+s25] =	stream.indirect_vreg.scatter @!p2 [tilespmem:s26], [sflag:$0xB], $0x80, v8, vm1, $0xb8;
	[tilespmem:$0x1E980] =	vst v63  }
0x1f3: {  	p1 =	por p1, p2;
	s26 =	simm.s32 @!p2 $0x15180  }
0x1f4: {  	[hbm4b:s6+s25] =	stream.indirect_vreg.scatter @!p2 [tilespmem:s26], [sflag:$0xB], $0x80, v7, vm1, $0xb8;
	[tilespmem:$0x1E980] =	vst v63  }
0x1f5: {  	s25 =	simm.s32 @!p1 $0x13  }
0x1f6: {  	_ =	swait.ge @!p1 [sflag:s25], $0x1000  }
0x1f7: {  	[sflag:s25] =	ssyncset.done @!p1 $0x0  }
0x1f8: {  	[sflag:s25] =	ssyncadd.s32 @!p1 $0xFFFFF000  }
0x1f9: {  	v7 =	vld @!p3 [tilespmem:s23+$0xFFFFFF70];
	_ =	sdelay $0x4  }
0x1fa: {  	v8 =	vshll.u32 @!p3 v7, $0x1  }
0x1fb: {  	v9 =	vlaneseq.u32 @!p3;
	v7 =	vand.u32 @!p3 $0x7, v7;
	v8 =	vand.u32 @!p3 $0xFFFFFFF0, v8  }
0x1fc: {  	v10 =	vshrl.u32 @!p3 v9, $0x3;
	v7 =	vor.u32 @!p3 v7, v8;
	v8 =	vand.u32 @!p3 $0x7, v9  }
0x1fd: {  	v10 =	vmul.u32 @!p3 $0x8, v10;
	v8 =	vperm.xlane @!p3 v7, v8  }
0x1fe: {  	v9 =	vor.u32 @!p3 $0x8, v9  }
0x1ff: {  	v7 =	vperm.xlane @!p3 v7, v9;
	v8 =	vadd.s32 @!p3 v10, v8;
	_ =	sdelay $0x1  }
0x200: {  	v7 =	vadd.s32 @!p3 v10, v7;
	_ =	sdelay $0x1  }
0x201: {  	s29 =	sadd.s32 $0xFFFFFFF9, s22;
	vm1 =	vmmov @!p3 $0xffff;
	s26 =	simm.s32 @!p3 $0x1C980;
	s25 =	simm.s32 @!p3 $0x0  }
0x202: {  	[tilespmem:s26], [sflag:$0x9] =	stream.indirect_vreg.gather @!p3 [hbm4b:s3+s25], $0x80, v8, vm1, $0xb8;
	[tilespmem:$0x1E980] =	vst v63  }
0x203: {  	p2 =	sge.s32 s29, s20;
	s26 =	simm.s32 @!p3 $0x1D180  }
0x204: {  	[tilespmem:s26], [sflag:$0x9] =	stream.indirect_vreg.gather @!p3 [hbm4b:s3+s25], $0x80, v7, vm1, $0xb8;
	[tilespmem:$0x1E980] =	vst v63  }
0x205: {  	s25 =	simm.s32 @!p2 $0x2  }
0x206: {  	_ =	swait.ge @!p2 [sflag:s25], $0x1000  }
0x207: {  	[sflag:s25] =	ssyncset.done @!p2 $0x0  }
0x208: {  	[sflag:s25] =	ssyncadd.s32 @!p2 $0xFFFFF000  }
0x209: {  	v7 =	vld @!p2 [tilespmem:s24+$0xFFFFFFC0];
	_ =	sdelay $0x4  }
0x20a: {  	v8 =	vshll.u32 @!p2 v7, $0x1  }
0x20b: {  	v9 =	vlaneseq.u32 @!p2;
	v7 =	vand.u32 @!p2 $0x7, v7;
	v8 =	vand.u32 @!p2 $0xFFFFFFF0, v8  }
0x20c: {  	v10 =	vshrl.u32 @!p2 v9, $0x3;
	v7 =	vor.u32 @!p2 v7, v8;
	v8 =	vand.u32 @!p2 $0x7, v9  }
0x20d: {  	v10 =	vmul.u32 @!p2 $0x8, v10;
	v8 =	vperm.xlane @!p2 v7, v8  }
0x20e: {  	v9 =	vor.u32 @!p2 $0x8, v9  }
0x20f: {  	v7 =	vperm.xlane @!p2 v7, v9;
	v8 =	vadd.s32 @!p2 v10, v8;
	_ =	sdelay $0x1  }
0x210: {  	v7 =	vadd.s32 @!p2 v10, v7;
	_ =	sdelay $0x1  }
0x211: {  	vm1 =	vmmov @!p2 $0xffff;
	s26 =	simm.s32 @!p2 $0x15980;
	s25 =	simm.s32 @!p2 $0x0  }
0x212: {  	[hbm4b:s6+s25] =	stream.indirect_vreg.scatter @!p2 [tilespmem:s26], [sflag:$0xC], $0x80, v8, vm1, $0xb8;
	[tilespmem:$0x1E980] =	vst v63  }
0x213: {  	s26 =	simm.s32 @!p2 $0x16180  }
0x214: {  	[hbm4b:s6+s25] =	stream.indirect_vreg.scatter @!p2 [tilespmem:s26], [sflag:$0xC], $0x80, v7, vm1, $0xb8;
	[tilespmem:$0x1E980] =	vst v63  }
0x215: {  	s25 =	sadd.s32 @!p2 $0x1, s22  }
0x216: {  	p1 =	sge.s32 @!p2 s25, s20  }
0x217: {  	p3 =	por p1, p2  }
0x218: {  	p5 =	seq.s32 @!p3 s22, $0x8  }
0x219: {  	p1 =	por @!p2 p5, p1  }
0x21a: {  	p1 =	por p1, p2  }
0x21b: {  	s25 =	simm.s32 @!p1 $0x14  }
0x21c: {  	_ =	swait.ge @!p1 [sflag:s25], $0x1000  }
0x21d: {  	[sflag:s25] =	ssyncset.done @!p1 $0x0  }
0x21e: {  	[sflag:s25] =	ssyncadd.s32 @!p1 $0xFFFFF000  }
0x21f: {  	v7 =	vld @!p3 [tilespmem:s23+$0xFFFFFF80];
	_ =	sdelay $0x4  }
0x220: {  	v8 =	vshll.u32 @!p3 v7, $0x1  }
0x221: {  	v9 =	vlaneseq.u32 @!p3;
	v7 =	vand.u32 @!p3 $0x7, v7;
	v8 =	vand.u32 @!p3 $0xFFFFFFF0, v8  }
0x222: {  	v10 =	vshrl.u32 @!p3 v9, $0x3;
	v7 =	vor.u32 @!p3 v7, v8;
	v8 =	vand.u32 @!p3 $0x7, v9  }
0x223: {  	v10 =	vmul.u32 @!p3 $0x8, v10;
	v8 =	vperm.xlane @!p3 v7, v8  }
0x224: {  	v9 =	vor.u32 @!p3 $0x8, v9  }
0x225: {  	v7 =	vperm.xlane @!p3 v7, v9;
	v8 =	vadd.s32 @!p3 v10, v8;
	_ =	sdelay $0x1  }
0x226: {  	v7 =	vadd.s32 @!p3 v10, v7;
	_ =	sdelay $0x1  }
0x227: {  	s30 =	sadd.s32 $0xFFFFFFFA, s22;
	vm1 =	vmmov @!p3 $0xffff;
	s26 =	simm.s32 @!p3 $0x1D980;
	s25 =	simm.s32 @!p3 $0x0  }
0x228: {  	[tilespmem:s26], [sflag:$0xA] =	stream.indirect_vreg.gather @!p3 [hbm4b:s3+s25], $0x80, v8, vm1, $0xb8;
	[tilespmem:$0x1E980] =	vst v63  }
0x229: {  	p2 =	sge.s32 s30, s20;
	s26 =	simm.s32 @!p3 $0x1E180  }
0x22a: {  	[tilespmem:s26], [sflag:$0xA] =	stream.indirect_vreg.gather @!p3 [hbm4b:s3+s25], $0x80, v7, vm1, $0xb8;
	[tilespmem:$0x1E980] =	vst v63  }
0x22b: {  	s25 =	simm.s32 @!p2 $0x3  }
0x22c: {  	_ =	swait.ge @!p2 [sflag:s25], $0x1000  }
0x22d: {  	[sflag:s25] =	ssyncset.done @!p2 $0x0  }
0x22e: {  	[sflag:s25] =	ssyncadd.s32 @!p2 $0xFFFFF000  }
0x22f: {  	v7 =	vld @!p2 [tilespmem:s24+$0xFFFFFFD0];
	_ =	sdelay $0x4  }
0x230: {  	v8 =	vshll.u32 @!p2 v7, $0x1  }
0x231: {  	v9 =	vlaneseq.u32 @!p2;
	v7 =	vand.u32 @!p2 $0x7, v7;
	v8 =	vand.u32 @!p2 $0xFFFFFFF0, v8  }
0x232: {  	v10 =	vshrl.u32 @!p2 v9, $0x3;
	v7 =	vor.u32 @!p2 v7, v8;
	v8 =	vand.u32 @!p2 $0x7, v9  }
0x233: {  	v10 =	vmul.u32 @!p2 $0x8, v10;
	v8 =	vperm.xlane @!p2 v7, v8  }
0x234: {  	v9 =	vor.u32 @!p2 $0x8, v9  }
0x235: {  	v7 =	vperm.xlane @!p2 v7, v9;
	v8 =	vadd.s32 @!p2 v10, v8;
	_ =	sdelay $0x1  }
0x236: {  	v7 =	vadd.s32 @!p2 v10, v7;
	_ =	sdelay $0x1  }
0x237: {  	vm1 =	vmmov @!p2 $0xffff;
	s26 =	simm.s32 @!p2 $0x16980;
	s25 =	simm.s32 @!p2 $0x0  }
0x238: {  	[hbm4b:s6+s25] =	stream.indirect_vreg.scatter @!p2 [tilespmem:s26], [sflag:$0xD], $0x80, v8, vm1, $0xb8;
	[tilespmem:$0x1E980] =	vst v63  }
0x239: {  	s26 =	simm.s32 @!p2 $0x17180  }
0x23a: {  	[hbm4b:s6+s25] =	stream.indirect_vreg.scatter @!p2 [tilespmem:s26], [sflag:$0xD], $0x80, v7, vm1, $0xb8;
	[tilespmem:$0x1E980] =	vst v63  }
0x23b: {  	s25 =	sadd.s32 @!p2 $0x2, s22  }
0x23c: {  	p1 =	sge.s32 @!p2 s25, s20  }
0x23d: {  	p2 =	por p1, p2  }
0x23e: {  	s25 =	simm.s32 @!p2 $0xB  }
0x23f: {  	_ =	swait.ge @!p2 [sflag:s25], $0x1000  }
0x240: {  	[sflag:s25] =	ssyncset.done @!p2 $0x0  }
0x241: {  	[sflag:s25] =	ssyncadd.s32 @!p2 $0xFFFFF000  }
0x242: {  	v7 =	vld @!p2 [tilespmem:s23+$0xFFFFFF90];
	_ =	sdelay $0x4  }
0x243: {  	v8 =	vshll.u32 @!p2 v7, $0x1  }
0x244: {  	v9 =	vlaneseq.u32 @!p2;
	v7 =	vand.u32 @!p2 $0x7, v7;
	v8 =	vand.u32 @!p2 $0xFFFFFFF0, v8  }
0x245: {  	v10 =	vshrl.u32 @!p2 v9, $0x3;
	v7 =	vor.u32 @!p2 v7, v8;
	v8 =	vand.u32 @!p2 $0x7, v9  }
0x246: {  	v10 =	vmul.u32 @!p2 $0x8, v10;
	v8 =	vperm.xlane @!p2 v7, v8  }
0x247: {  	v9 =	vor.u32 @!p2 $0x8, v9  }
0x248: {  	v7 =	vperm.xlane @!p2 v7, v9;
	v8 =	vadd.s32 @!p2 v10, v8;
	_ =	sdelay $0x1  }
0x249: {  	v7 =	vadd.s32 @!p2 v10, v7;
	_ =	sdelay $0x1  }
0x24a: {  	vm1 =	vmmov @!p2 $0xffff;
	s26 =	simm.s32 @!p2 $0x14980;
	s25 =	simm.s32 @!p2 $0x0  }
0x24b: {  	[tilespmem:s26], [sflag:$0x1] =	stream.indirect_vreg.gather @!p2 [hbm4b:s3+s25], $0x80, v8, vm1, $0xb8;
	[tilespmem:$0x1E980] =	vst v63  }
0x24c: {  	s31 =	sadd.s32 $0xFFFFFFFB, s22;
	s26 =	simm.s32 @!p2 $0x15180  }
0x24d: {  	[tilespmem:s26], [sflag:$0x1] =	stream.indirect_vreg.gather @!p2 [hbm4b:s3+s25], $0x80, v7, vm1, $0xb8;
	[tilespmem:$0x1E980] =	vst v63  }
0x24e: {  	p2 =	sge.s32 s31, s20  }
0x24f: {  	s25 =	simm.s32 @!p2 $0x4  }
0x250: {  	_ =	swait.ge @!p2 [sflag:s25], $0x1000  }
0x251: {  	[sflag:s25] =	ssyncset.done @!p2 $0x0  }
0x252: {  	[sflag:s25] =	ssyncadd.s32 @!p2 $0xFFFFF000  }
0x253: {  	v7 =	vld @!p2 [tilespmem:s24+$0xFFFFFFE0];
	_ =	sdelay $0x4  }
0x254: {  	v8 =	vshll.u32 @!p2 v7, $0x1  }
0x255: {  	v9 =	vlaneseq.u32 @!p2;
	v7 =	vand.u32 @!p2 $0x7, v7;
	v8 =	vand.u32 @!p2 $0xFFFFFFF0, v8  }
0x256: {  	v10 =	vshrl.u32 @!p2 v9, $0x3;
	v7 =	vor.u32 @!p2 v7, v8;
	v8 =	vand.u32 @!p2 $0x7, v9  }
0x257: {  	v10 =	vmul.u32 @!p2 $0x8, v10;
	v8 =	vperm.xlane @!p2 v7, v8  }
0x258: {  	v9 =	vor.u32 @!p2 $0x8, v9  }
0x259: {  	v7 =	vperm.xlane @!p2 v7, v9;
	v8 =	vadd.s32 @!p2 v10, v8;
	_ =	sdelay $0x1  }
0x25a: {  	v7 =	vadd.s32 @!p2 v10, v7;
	_ =	sdelay $0x1  }
0x25b: {  	vm1 =	vmmov @!p2 $0xffff;
	s26 =	simm.s32 @!p2 $0x17980;
	s25 =	simm.s32 @!p2 $0x0  }
0x25c: {  	[hbm4b:s6+s25] =	stream.indirect_vreg.scatter @!p2 [tilespmem:s26], [sflag:$0xE], $0x80, v8, vm1, $0xb8;
	[tilespmem:$0x1E980] =	vst v63  }
0x25d: {  	s26 =	simm.s32 @!p2 $0x18180  }
0x25e: {  	[hbm4b:s6+s25] =	stream.indirect_vreg.scatter @!p2 [tilespmem:s26], [sflag:$0xE], $0x80, v7, vm1, $0xb8;
	[tilespmem:$0x1E980] =	vst v63  }
0x25f: {  	s25 =	sadd.s32 @!p2 $0x3, s22  }
0x260: {  	p1 =	sge.s32 @!p2 s25, s20  }
0x261: {  	p2 =	por p1, p2  }
0x262: {  	s25 =	simm.s32 @!p2 $0xC  }
0x263: {  	_ =	swait.ge @!p2 [sflag:s25], $0x1000  }
0x264: {  	[sflag:s25] =	ssyncset.done @!p2 $0x0  }
0x265: {  	[sflag:s25] =	ssyncadd.s32 @!p2 $0xFFFFF000  }
0x266: {  	v7 =	vld @!p2 [tilespmem:s23+$0xFFFFFFA0];
	_ =	sdelay $0x4  }
0x267: {  	v8 =	vshll.u32 @!p2 v7, $0x1  }
0x268: {  	v9 =	vlaneseq.u32 @!p2;
	v7 =	vand.u32 @!p2 $0x7, v7;
	v8 =	vand.u32 @!p2 $0xFFFFFFF0, v8  }
0x269: {  	v10 =	vshrl.u32 @!p2 v9, $0x3;
	v7 =	vor.u32 @!p2 v7, v8;
	v8 =	vand.u32 @!p2 $0x7, v9  }
0x26a: {  	v10 =	vmul.u32 @!p2 $0x8, v10;
	v8 =	vperm.xlane @!p2 v7, v8  }
0x26b: {  	v9 =	vor.u32 @!p2 $0x8, v9  }
0x26c: {  	v7 =	vperm.xlane @!p2 v7, v9;
	v8 =	vadd.s32 @!p2 v10, v8;
	_ =	sdelay $0x1  }
0x26d: {  	v7 =	vadd.s32 @!p2 v10, v7;
	_ =	sdelay $0x1  }
0x26e: {  	vm1 =	vmmov @!p2 $0xffff;
	s26 =	simm.s32 @!p2 $0x15980;
	s25 =	simm.s32 @!p2 $0x0  }
0x26f: {  	[tilespmem:s26], [sflag:$0x2] =	stream.indirect_vreg.gather @!p2 [hbm4b:s3+s25], $0x80, v8, vm1, $0xb8;
	[tilespmem:$0x1E980] =	vst v63  }
0x270: {  	s26 =	simm.s32 @!p2 $0x16180  }
0x271: {  	[tilespmem:s26], [sflag:$0x2] =	stream.indirect_vreg.gather @!p2 [hbm4b:s3+s25], $0x80, v7, vm1, $0xb8;
	[tilespmem:$0x1E980] =	vst v63  }
0x272: {  	s26 =	sadd.s32 $0xFFFFFFFC, s22  }
0x273: {  	p2 =	sge.s32 s26, s20  }
0x274: {  	s25 =	simm.s32 @!p2 $0x5  }
0x275: {  	_ =	swait.ge @!p2 [sflag:s25], $0x1000  }
0x276: {  	[sflag:s25] =	ssyncset.done @!p2 $0x0  }
0x277: {  	[sflag:s25] =	ssyncadd.s32 @!p2 $0xFFFFF000  }
0x278: {  	v7 =	vld @!p2 [tilespmem:s24+$0xFFFFFFF0];
	_ =	sdelay $0x4  }
0x279: {  	v8 =	vshll.u32 @!p2 v7, $0x1  }
0x27a: {  	v9 =	vlaneseq.u32 @!p2;
	v7 =	vand.u32 @!p2 $0x7, v7;
	v8 =	vand.u32 @!p2 $0xFFFFFFF0, v8  }
0x27b: {  	v10 =	vshrl.u32 @!p2 v9, $0x3;
	v7 =	vor.u32 @!p2 v7, v8;
	v8 =	vand.u32 @!p2 $0x7, v9  }
0x27c: {  	v10 =	vmul.u32 @!p2 $0x8, v10;
	v8 =	vperm.xlane @!p2 v7, v8  }
0x27d: {  	v9 =	vor.u32 @!p2 $0x8, v9  }
0x27e: {  	v7 =	vperm.xlane @!p2 v7, v9;
	v8 =	vadd.s32 @!p2 v10, v8;
	_ =	sdelay $0x1  }
0x27f: {  	v7 =	vadd.s32 @!p2 v10, v7;
	_ =	sdelay $0x1  }
0x280: {  	vm1 =	vmmov @!p2 $0xffff;
	s26 =	simm.s32 @!p2 $0x18980;
	s25 =	simm.s32 @!p2 $0x0  }
0x281: {  	[hbm4b:s6+s25] =	stream.indirect_vreg.scatter @!p2 [tilespmem:s26], [sflag:$0xF], $0x80, v8, vm1, $0xb8;
	[tilespmem:$0x1E980] =	vst v63  }
0x282: {  	s26 =	simm.s32 @!p2 $0x19180  }
0x283: {  	[hbm4b:s6+s25] =	stream.indirect_vreg.scatter @!p2 [tilespmem:s26], [sflag:$0xF], $0x80, v7, vm1, $0xb8;
	[tilespmem:$0x1E980] =	vst v63  }
0x284: {  	s25 =	sadd.s32 @!p2 $0x4, s22  }
0x285: {  	p1 =	sge.s32 @!p2 s25, s20  }
0x286: {  	p2 =	por p1, p2  }
0x287: {  	s25 =	simm.s32 @!p2 $0xD  }
0x288: {  	_ =	swait.ge @!p2 [sflag:s25], $0x1000  }
0x289: {  	[sflag:s25] =	ssyncset.done @!p2 $0x0  }
0x28a: {  	[sflag:s25] =	ssyncadd.s32 @!p2 $0xFFFFF000  }
0x28b: {  	v7 =	vld @!p2 [tilespmem:s23+$0xFFFFFFB0];
	_ =	sdelay $0x4  }
0x28c: {  	v8 =	vshll.u32 @!p2 v7, $0x1  }
0x28d: {  	v9 =	vlaneseq.u32 @!p2;
	v7 =	vand.u32 @!p2 $0x7, v7;
	v8 =	vand.u32 @!p2 $0xFFFFFFF0, v8  }
0x28e: {  	v10 =	vshrl.u32 @!p2 v9, $0x3;
	v7 =	vor.u32 @!p2 v7, v8;
	v8 =	vand.u32 @!p2 $0x7, v9  }
0x28f: {  	v10 =	vmul.u32 @!p2 $0x8, v10;
	v8 =	vperm.xlane @!p2 v7, v8  }
0x290: {  	v9 =	vor.u32 @!p2 $0x8, v9  }
0x291: {  	v7 =	vperm.xlane @!p2 v7, v9;
	v8 =	vadd.s32 @!p2 v10, v8;
	_ =	sdelay $0x1  }
0x292: {  	v7 =	vadd.s32 @!p2 v10, v7;
	_ =	sdelay $0x1  }
0x293: {  	vm1 =	vmmov @!p2 $0xffff;
	s26 =	simm.s32 @!p2 $0x16980;
	s25 =	simm.s32 @!p2 $0x0  }
0x294: {  	[tilespmem:s26], [sflag:$0x3] =	stream.indirect_vreg.gather @!p2 [hbm4b:s3+s25], $0x80, v8, vm1, $0xb8;
	[tilespmem:$0x1E980] =	vst v63  }
0x295: {  	s28 =	sadd.s32 $0xFFFFFFFD, s22;
	s26 =	simm.s32 @!p2 $0x17180  }
0x296: {  	[tilespmem:s26], [sflag:$0x3] =	stream.indirect_vreg.gather @!p2 [hbm4b:s3+s25], $0x80, v7, vm1, $0xb8;
	[tilespmem:$0x1E980] =	vst v63  }
0x297: {  	p2 =	sge.s32 s28, s20  }
0x298: {  	s25 =	simm.s32 @!p2 $0x6  }
0x299: {  	_ =	swait.ge @!p2 [sflag:s25], $0x1000  }
0x29a: {  	[sflag:s25] =	ssyncset.done @!p2 $0x0  }
0x29b: {  	[sflag:s25] =	ssyncadd.s32 @!p2 $0xFFFFF000  }
0x29c: {  	v7 =	vld @!p2 [tilespmem:s24+$0x0];
	_ =	sdelay $0x4  }
0x29d: {  	v8 =	vshll.u32 @!p2 v7, $0x1  }
0x29e: {  	v9 =	vlaneseq.u32 @!p2;
	v7 =	vand.u32 @!p2 $0x7, v7;
	v8 =	vand.u32 @!p2 $0xFFFFFFF0, v8  }
0x29f: {  	v10 =	vshrl.u32 @!p2 v9, $0x3;
	v7 =	vor.u32 @!p2 v7, v8;
	v8 =	vand.u32 @!p2 $0x7, v9  }
0x2a0: {  	v10 =	vmul.u32 @!p2 $0x8, v10;
	v8 =	vperm.xlane @!p2 v7, v8  }
0x2a1: {  	v9 =	vor.u32 @!p2 $0x8, v9  }
0x2a2: {  	v7 =	vperm.xlane @!p2 v7, v9;
	v8 =	vadd.s32 @!p2 v10, v8;
	_ =	sdelay $0x1  }
0x2a3: {  	v7 =	vadd.s32 @!p2 v10, v7;
	_ =	sdelay $0x1  }
0x2a4: {  	vm1 =	vmmov @!p2 $0xffff;
	s26 =	simm.s32 @!p2 $0x19980;
	s25 =	simm.s32 @!p2 $0x0  }
0x2a5: {  	[hbm4b:s6+s25] =	stream.indirect_vreg.scatter @!p2 [tilespmem:s26], [sflag:$0x10], $0x80, v8, vm1, $0xb8;
	[tilespmem:$0x1E980] =	vst v63  }
0x2a6: {  	s26 =	simm.s32 @!p2 $0x1A180  }
0x2a7: {  	[hbm4b:s6+s25] =	stream.indirect_vreg.scatter @!p2 [tilespmem:s26], [sflag:$0x10], $0x80, v7, vm1, $0xb8;
	[tilespmem:$0x1E980] =	vst v63  }
0x2a8: {  	s25 =	sadd.s32 @!p2 $0x5, s22  }
0x2a9: {  	p1 =	sge.s32 @!p2 s25, s20  }
0x2aa: {  	p2 =	por p1, p2  }
0x2ab: {  	s25 =	simm.s32 @!p2 $0xE  }
0x2ac: {  	_ =	swait.ge @!p2 [sflag:s25], $0x1000  }
0x2ad: {  	[sflag:s25] =	ssyncset.done @!p2 $0x0  }
0x2ae: {  	[sflag:s25] =	ssyncadd.s32 @!p2 $0xFFFFF000  }
0x2af: {  	v7 =	vld @!p2 [tilespmem:s23+$0xFFFFFFC0];
	_ =	sdelay $0x4  }
0x2b0: {  	v8 =	vshll.u32 @!p2 v7, $0x1  }
0x2b1: {  	v9 =	vlaneseq.u32 @!p2;
	v7 =	vand.u32 @!p2 $0x7, v7;
	v8 =	vand.u32 @!p2 $0xFFFFFFF0, v8  }
0x2b2: {  	v10 =	vshrl.u32 @!p2 v9, $0x3;
	v7 =	vor.u32 @!p2 v7, v8;
	v8 =	vand.u32 @!p2 $0x7, v9  }
0x2b3: {  	v10 =	vmul.u32 @!p2 $0x8, v10;
	v8 =	vperm.xlane @!p2 v7, v8  }
0x2b4: {  	v9 =	vor.u32 @!p2 $0x8, v9  }
0x2b5: {  	v7 =	vperm.xlane @!p2 v7, v9;
	v8 =	vadd.s32 @!p2 v10, v8;
	_ =	sdelay $0x1  }
0x2b6: {  	v7 =	vadd.s32 @!p2 v10, v7;
	_ =	sdelay $0x1  }
0x2b7: {  	vm1 =	vmmov @!p2 $0xffff;
	s26 =	simm.s32 @!p2 $0x17980;
	s25 =	simm.s32 @!p2 $0x0  }
0x2b8: {  	[tilespmem:s26], [sflag:$0x4] =	stream.indirect_vreg.gather @!p2 [hbm4b:s3+s25], $0x80, v8, vm1, $0xb8;
	[tilespmem:$0x1E980] =	vst v63  }
0x2b9: {  	s29 =	sadd.s32 $0xFFFFFFFE, s22;
	s26 =	simm.s32 @!p2 $0x18180  }
0x2ba: {  	[tilespmem:s26], [sflag:$0x4] =	stream.indirect_vreg.gather @!p2 [hbm4b:s3+s25], $0x80, v7, vm1, $0xb8;
	[tilespmem:$0x1E980] =	vst v63  }
0x2bb: {  	p2 =	sge.s32 s29, s20  }
0x2bc: {  	s25 =	simm.s32 @!p2 $0x7  }
0x2bd: {  	_ =	swait.ge @!p2 [sflag:s25], $0x1000  }
0x2be: {  	[sflag:s25] =	ssyncset.done @!p2 $0x0  }
0x2bf: {  	[sflag:s25] =	ssyncadd.s32 @!p2 $0xFFFFF000  }
0x2c0: {  	v7 =	vld @!p2 [tilespmem:s24+$0x10];
	_ =	sdelay $0x4  }
0x2c1: {  	v8 =	vshll.u32 @!p2 v7, $0x1  }
0x2c2: {  	v9 =	vlaneseq.u32 @!p2;
	v7 =	vand.u32 @!p2 $0x7, v7;
	v8 =	vand.u32 @!p2 $0xFFFFFFF0, v8  }
0x2c3: {  	v10 =	vshrl.u32 @!p2 v9, $0x3;
	v7 =	vor.u32 @!p2 v7, v8;
	v8 =	vand.u32 @!p2 $0x7, v9  }
0x2c4: {  	v10 =	vmul.u32 @!p2 $0x8, v10;
	v8 =	vperm.xlane @!p2 v7, v8  }
0x2c5: {  	v9 =	vor.u32 @!p2 $0x8, v9  }
0x2c6: {  	v7 =	vperm.xlane @!p2 v7, v9;
	v8 =	vadd.s32 @!p2 v10, v8;
	_ =	sdelay $0x1  }
0x2c7: {  	v7 =	vadd.s32 @!p2 v10, v7;
	_ =	sdelay $0x1  }
0x2c8: {  	vm1 =	vmmov @!p2 $0xffff;
	s26 =	simm.s32 @!p2 $0x1A980;
	s25 =	simm.s32 @!p2 $0x0  }
0x2c9: {  	[hbm4b:s6+s25] =	stream.indirect_vreg.scatter @!p2 [tilespmem:s26], [sflag:$0x11], $0x80, v8, vm1, $0xb8;
	[tilespmem:$0x1E980] =	vst v63  }
0x2ca: {  	s26 =	simm.s32 @!p2 $0x1B180  }
0x2cb: {  	[hbm4b:s6+s25] =	stream.indirect_vreg.scatter @!p2 [tilespmem:s26], [sflag:$0x11], $0x80, v7, vm1, $0xb8;
	[tilespmem:$0x1E980] =	vst v63  }
0x2cc: {  	s25 =	sadd.s32 @!p2 $0x6, s22  }
0x2cd: {  	p1 =	sge.s32 @!p2 s25, s20  }
0x2ce: {  	p2 =	por p1, p2  }
0x2cf: {  	s25 =	simm.s32 @!p2 $0xF  }
0x2d0: {  	_ =	swait.ge @!p2 [sflag:s25], $0x1000  }
0x2d1: {  	[sflag:s25] =	ssyncset.done @!p2 $0x0  }
0x2d2: {  	[sflag:s25] =	ssyncadd.s32 @!p2 $0xFFFFF000  }
0x2d3: {  	v7 =	vld @!p2 [tilespmem:s23+$0xFFFFFFD0];
	_ =	sdelay $0x4  }
0x2d4: {  	v8 =	vshll.u32 @!p2 v7, $0x1  }
0x2d5: {  	v9 =	vlaneseq.u32 @!p2;
	v7 =	vand.u32 @!p2 $0x7, v7;
	v8 =	vand.u32 @!p2 $0xFFFFFFF0, v8  }
0x2d6: {  	v10 =	vshrl.u32 @!p2 v9, $0x3;
	v7 =	vor.u32 @!p2 v7, v8;
	v8 =	vand.u32 @!p2 $0x7, v9  }
0x2d7: {  	v10 =	vmul.u32 @!p2 $0x8, v10;
	v8 =	vperm.xlane @!p2 v7, v8  }
0x2d8: {  	v9 =	vor.u32 @!p2 $0x8, v9  }
0x2d9: {  	v7 =	vperm.xlane @!p2 v7, v9;
	v8 =	vadd.s32 @!p2 v10, v8;
	_ =	sdelay $0x1  }
0x2da: {  	v7 =	vadd.s32 @!p2 v10, v7;
	_ =	sdelay $0x1  }
0x2db: {  	vm1 =	vmmov @!p2 $0xffff;
	s26 =	simm.s32 @!p2 $0x18980;
	s25 =	simm.s32 @!p2 $0x0  }
0x2dc: {  	[tilespmem:s26], [sflag:$0x5] =	stream.indirect_vreg.gather @!p2 [hbm4b:s3+s25], $0x80, v8, vm1, $0xb8;
	[tilespmem:$0x1E980] =	vst v63  }
0x2dd: {  	s30 =	sadd.s32 $0xFFFFFFFF, s22;
	s26 =	simm.s32 @!p2 $0x19180  }
0x2de: {  	[tilespmem:s26], [sflag:$0x5] =	stream.indirect_vreg.gather @!p2 [hbm4b:s3+s25], $0x80, v7, vm1, $0xb8;
	[tilespmem:$0x1E980] =	vst v63  }
0x2df: {  	p2 =	sge.s32 s30, s20  }
0x2e0: {  	s25 =	simm.s32 @!p2 $0x8  }
0x2e1: {  	_ =	swait.ge @!p2 [sflag:s25], $0x1000  }
0x2e2: {  	[sflag:s25] =	ssyncset.done @!p2 $0x0  }
0x2e3: {  	[sflag:s25] =	ssyncadd.s32 @!p2 $0xFFFFF000  }
0x2e4: {  	v7 =	vld @!p2 [tilespmem:s24+$0x20];
	_ =	sdelay $0x4  }
0x2e5: {  	v8 =	vshll.u32 @!p2 v7, $0x1  }
0x2e6: {  	v9 =	vlaneseq.u32 @!p2;
	v7 =	vand.u32 @!p2 $0x7, v7;
	v8 =	vand.u32 @!p2 $0xFFFFFFF0, v8  }
0x2e7: {  	v10 =	vshrl.u32 @!p2 v9, $0x3;
	v7 =	vor.u32 @!p2 v7, v8;
	v8 =	vand.u32 @!p2 $0x7, v9  }
0x2e8: {  	v10 =	vmul.u32 @!p2 $0x8, v10;
	v8 =	vperm.xlane @!p2 v7, v8  }
0x2e9: {  	v9 =	vor.u32 @!p2 $0x8, v9  }
0x2ea: {  	v7 =	vperm.xlane @!p2 v7, v9;
	v8 =	vadd.s32 @!p2 v10, v8;
	_ =	sdelay $0x1  }
0x2eb: {  	v7 =	vadd.s32 @!p2 v10, v7;
	_ =	sdelay $0x1  }
0x2ec: {  	vm1 =	vmmov @!p2 $0xffff;
	s26 =	simm.s32 @!p2 $0x1B980;
	s25 =	simm.s32 @!p2 $0x0  }
0x2ed: {  	[hbm4b:s6+s25] =	stream.indirect_vreg.scatter @!p2 [tilespmem:s26], [sflag:$0x12], $0x80, v8, vm1, $0xb8;
	[tilespmem:$0x1E980] =	vst v63  }
0x2ee: {  	s26 =	simm.s32 @!p2 $0x1C180  }
0x2ef: {  	[hbm4b:s6+s25] =	stream.indirect_vreg.scatter @!p2 [tilespmem:s26], [sflag:$0x12], $0x80, v7, vm1, $0xb8;
	[tilespmem:$0x1E980] =	vst v63  }
0x2f0: {  	s25 =	sadd.s32 @!p2 $0x7, s22  }
0x2f1: {  	p1 =	sge.s32 @!p2 s25, s20  }
0x2f2: {  	p2 =	por p1, p2  }
0x2f3: {  	s25 =	simm.s32 @!p2 $0x10  }
0x2f4: {  	_ =	swait.ge @!p2 [sflag:s25], $0x1000  }
0x2f5: {  	[sflag:s25] =	ssyncset.done @!p2 $0x0  }
0x2f6: {  	[sflag:s25] =	ssyncadd.s32 @!p2 $0xFFFFF000  }
0x2f7: {  	v7 =	vld @!p2 [tilespmem:s23+$0xFFFFFFE0];
	_ =	sdelay $0x4  }
0x2f8: {  	v8 =	vshll.u32 @!p2 v7, $0x1  }
0x2f9: {  	v9 =	vlaneseq.u32 @!p2;
	v7 =	vand.u32 @!p2 $0x7, v7;
	v8 =	vand.u32 @!p2 $0xFFFFFFF0, v8  }
0x2fa: {  	v10 =	vshrl.u32 @!p2 v9, $0x3;
	v7 =	vor.u32 @!p2 v7, v8;
	v8 =	vand.u32 @!p2 $0x7, v9  }
0x2fb: {  	v10 =	vmul.u32 @!p2 $0x8, v10;
	v8 =	vperm.xlane @!p2 v7, v8  }
0x2fc: {  	v9 =	vor.u32 @!p2 $0x8, v9  }
0x2fd: {  	v7 =	vperm.xlane @!p2 v7, v9;
	v8 =	vadd.s32 @!p2 v10, v8;
	_ =	sdelay $0x1  }
0x2fe: {  	v7 =	vadd.s32 @!p2 v10, v7;
	_ =	sdelay $0x1  }
0x2ff: {  	vm1 =	vmmov @!p2 $0xffff;
	s26 =	simm.s32 @!p2 $0x19980;
	s25 =	simm.s32 @!p2 $0x0  }
0x300: {  	[tilespmem:s26], [sflag:$0x6] =	stream.indirect_vreg.gather @!p2 [hbm4b:s3+s25], $0x80, v8, vm1, $0xb8;
	[tilespmem:$0x1E980] =	vst v63  }
0x301: {  	s26 =	simm.s32 @!p2 $0x1A180  }
0x302: {  	[tilespmem:s26], [sflag:$0x6] =	stream.indirect_vreg.gather @!p2 [hbm4b:s3+s25], $0x80, v7, vm1, $0xb8;
	[tilespmem:$0x1E980] =	vst v63  }
0x303: {  	p2 =	sge.s32 s22, s20  }
0x304: {  	s25 =	simm.s32 @!p2 $0x9  }
0x305: {  	_ =	swait.ge @!p2 [sflag:s25], $0x1000  }
0x306: {  	[sflag:s25] =	ssyncset.done @!p2 $0x0  }
0x307: {  	[sflag:s25] =	ssyncadd.s32 @!p2 $0xFFFFF000  }
0x308: {  	v7 =	vld @!p2 [tilespmem:s24+$0x30];
	_ =	sdelay $0x4  }
0x309: {  	v8 =	vshll.u32 @!p2 v7, $0x1  }
0x30a: {  	v9 =	vlaneseq.u32 @!p2;
	v7 =	vand.u32 @!p2 $0x7, v7;
	v8 =	vand.u32 @!p2 $0xFFFFFFF0, v8  }
0x30b: {  	v10 =	vshrl.u32 @!p2 v9, $0x3;
	v7 =	vor.u32 @!p2 v7, v8;
	v8 =	vand.u32 @!p2 $0x7, v9  }
0x30c: {  	v10 =	vmul.u32 @!p2 $0x8, v10;
	v8 =	vperm.xlane @!p2 v7, v8  }
0x30d: {  	v9 =	vor.u32 @!p2 $0x8, v9  }
0x30e: {  	v7 =	vperm.xlane @!p2 v7, v9;
	v8 =	vadd.s32 @!p2 v10, v8;
	_ =	sdelay $0x1  }
0x30f: {  	v7 =	vadd.s32 @!p2 v10, v7;
	_ =	sdelay $0x1  }
0x310: {  	vm1 =	vmmov @!p2 $0xffff;
	s26 =	simm.s32 @!p2 $0x1C980;
	s25 =	simm.s32 @!p2 $0x0  }
0x311: {  	[hbm4b:s6+s25] =	stream.indirect_vreg.scatter @!p2 [tilespmem:s26], [sflag:$0x13], $0x80, v8, vm1, $0xb8;
	[tilespmem:$0x1E980] =	vst v63  }
0x312: {  	s26 =	simm.s32 @!p2 $0x1D180  }
0x313: {  	[hbm4b:s6+s25] =	stream.indirect_vreg.scatter @!p2 [tilespmem:s26], [sflag:$0x13], $0x80, v7, vm1, $0xb8;
	[tilespmem:$0x1E980] =	vst v63  }
0x314: {  	s25 =	sadd.s32 @!p2 $0x8, s22  }
0x315: {  	p1 =	sge.s32 @!p2 s25, s20  }
0x316: {  	p2 =	por p1, p2  }
0x317: {  	s25 =	simm.s32 @!p2 $0x11  }
0x318: {  	_ =	swait.ge @!p2 [sflag:s25], $0x1000  }
0x319: {  	[sflag:s25] =	ssyncset.done @!p2 $0x0  }
0x31a: {  	[sflag:s25] =	ssyncadd.s32 @!p2 $0xFFFFF000  }
0x31b: {  	v7 =	vld @!p2 [tilespmem:s23+$0xFFFFFFF0];
	_ =	sdelay $0x4  }
0x31c: {  	v8 =	vshll.u32 @!p2 v7, $0x1  }
0x31d: {  	v9 =	vlaneseq.u32 @!p2;
	v7 =	vand.u32 @!p2 $0x7, v7;
	v8 =	vand.u32 @!p2 $0xFFFFFFF0, v8  }
0x31e: {  	v10 =	vshrl.u32 @!p2 v9, $0x3;
	v7 =	vor.u32 @!p2 v7, v8;
	v8 =	vand.u32 @!p2 $0x7, v9  }
0x31f: {  	v10 =	vmul.u32 @!p2 $0x8, v10;
	v8 =	vperm.xlane @!p2 v7, v8  }
0x320: {  	v9 =	vor.u32 @!p2 $0x8, v9  }
0x321: {  	v7 =	vperm.xlane @!p2 v7, v9;
	v8 =	vadd.s32 @!p2 v10, v8;
	_ =	sdelay $0x1  }
0x322: {  	v7 =	vadd.s32 @!p2 v10, v7;
	_ =	sdelay $0x1  }
0x323: {  	vm1 =	vmmov @!p2 $0xffff;
	s26 =	simm.s32 @!p2 $0x1A980;
	s25 =	simm.s32 @!p2 $0x0  }
0x324: {  	[tilespmem:s26], [sflag:$0x7] =	stream.indirect_vreg.gather @!p2 [hbm4b:s3+s25], $0x80, v8, vm1, $0xb8;
	[tilespmem:$0x1E980] =	vst v63  }
0x325: {  	s31 =	sadd.s32 $0x1, s22;
	s26 =	simm.s32 @!p2 $0x1B180  }
0x326: {  	[tilespmem:s26], [sflag:$0x7] =	stream.indirect_vreg.gather @!p2 [hbm4b:s3+s25], $0x80, v7, vm1, $0xb8;
	[tilespmem:$0x1E980] =	vst v63  }
0x327: {  	p2 =	sge.s32 s31, s20  }
0x328: {  	s25 =	simm.s32 @!p2 $0xA  }
0x329: {  	_ =	swait.ge @!p2 [sflag:s25], $0x1000  }
0x32a: {  	[sflag:s25] =	ssyncset.done @!p2 $0x0  }
0x32b: {  	[sflag:s25] =	ssyncadd.s32 @!p2 $0xFFFFF000  }
0x32c: {  	v7 =	vld @!p2 [tilespmem:s24+$0x40];
	_ =	sdelay $0x4  }
0x32d: {  	v8 =	vshll.u32 @!p2 v7, $0x1  }
0x32e: {  	v9 =	vlaneseq.u32 @!p2;
	v7 =	vand.u32 @!p2 $0x7, v7;
	v8 =	vand.u32 @!p2 $0xFFFFFFF0, v8  }
0x32f: {  	v10 =	vshrl.u32 @!p2 v9, $0x3;
	v7 =	vor.u32 @!p2 v7, v8;
	v8 =	vand.u32 @!p2 $0x7, v9  }
0x330: {  	v10 =	vmul.u32 @!p2 $0x8, v10;
	v8 =	vperm.xlane @!p2 v7, v8  }
0x331: {  	v9 =	vor.u32 @!p2 $0x8, v9  }
0x332: {  	v7 =	vperm.xlane @!p2 v7, v9;
	v8 =	vadd.s32 @!p2 v10, v8;
	_ =	sdelay $0x1  }
0x333: {  	v7 =	vadd.s32 @!p2 v10, v7;
	_ =	sdelay $0x1  }
0x334: {  	vm1 =	vmmov @!p2 $0xffff;
	s26 =	simm.s32 @!p2 $0x1D980;
	s25 =	simm.s32 @!p2 $0x0  }
0x335: {  	[hbm4b:s6+s25] =	stream.indirect_vreg.scatter @!p2 [tilespmem:s26], [sflag:$0x14], $0x80, v8, vm1, $0xb8;
	[tilespmem:$0x1E980] =	vst v63  }
0x336: {  	s26 =	simm.s32 @!p2 $0x1E180  }
0x337: {  	[hbm4b:s6+s25] =	stream.indirect_vreg.scatter @!p2 [tilespmem:s26], [sflag:$0x14], $0x80, v7, vm1, $0xb8;
	[tilespmem:$0x1E980] =	vst v63  }
0x338: {  	s25 =	sadd.s32 @!p2 $0x9, s22  }
0x339: {  	p1 =	sge.s32 @!p2 s25, s20  }
0x33a: {  	p2 =	por p1, p2  }
0x33b: {  	s25 =	simm.s32 @!p2 $0x12  }
0x33c: {  	_ =	swait.ge @!p2 [sflag:s25], $0x1000  }
0x33d: {  	[sflag:s25] =	ssyncset.done @!p2 $0x0  }
0x33e: {  	[sflag:s25] =	ssyncadd.s32 @!p2 $0xFFFFF000  }
0x33f: {  	v7 =	vld @!p2 [tilespmem:s23+$0x0];
	_ =	sdelay $0x4  }
0x340: {  	v8 =	vshll.u32 @!p2 v7, $0x1  }
0x341: {  	v9 =	vlaneseq.u32 @!p2;
	v7 =	vand.u32 @!p2 $0x7, v7;
	v8 =	vand.u32 @!p2 $0xFFFFFFF0, v8  }
0x342: {  	v10 =	vshrl.u32 @!p2 v9, $0x3;
	v7 =	vor.u32 @!p2 v7, v8;
	v8 =	vand.u32 @!p2 $0x7, v9  }
0x343: {  	v10 =	vmul.u32 @!p2 $0x8, v10;
	v8 =	vperm.xlane @!p2 v7, v8  }
0x344: {  	v9 =	vor.u32 @!p2 $0x8, v9  }
0x345: {  	v7 =	vperm.xlane @!p2 v7, v9;
	v8 =	vadd.s32 @!p2 v10, v8  }
0x346: {  	s21 =	sadd.s32 $0xFFFFFFFF, s21  }
0x347: {  	p1 =	sne.s32 s21, $0x0;
	v7 =	vadd.s32 @!p2 v10, v7  }
.Ltmp12:
0x348: {  	_ = 	snop;
	(pc) =	sbr.rel @p1 .LBB2_17-.Ltmp12, $4  }
0x349: {  	s24 =	sadd.s32 $0xA0, s24;
	vm1 =	vmmov @!p2 $0xffff;
	s26 =	simm.s32 @!p2 $0x1B980;
	s25 =	simm.s32 @!p2 $0x0  }
0x34a: {  	[tilespmem:s26], [sflag:$0x8] =	stream.indirect_vreg.gather @!p2 [hbm4b:s3+s25], $0x80, v8, vm1, $0xb8;
	[tilespmem:$0x1E980] =	vst v63  }
0x34b: {  	s22 =	sadd.s32 $0xA, s22;
	s23 =	sadd.s32 $0xA0, s23;
	s26 =	simm.s32 @!p2 $0x1C180  }
0x34c: {  	[tilespmem:s26], [sflag:$0x8] =	stream.indirect_vreg.gather @!p2 [hbm4b:s3+s25], $0x80, v7, vm1, $0xb8;
	[tilespmem:$0x1E980] =	vst v63  }
.LBB2_18:
0x34d: {  	s21 =	sld [smem:$0x7FD];
	_ =	sdelay $0x2  }
0x34e: {  	p0 =	seq.s32 s21, $0x1  }
0x34f: {  	s21 =	simm.s32 @!p0 $0xB  }
0x350: {  	_ =	swait.ge @!p0 [sflag:s21], $0x1000  }
0x351: {  	s24 =	sld [smem:$0x7F9];
	_ =	sdelay $0x1  }
0x352: {  	[sflag:s21] =	ssyncset.done @!p0 $0x0  }
0x353: {  	[sflag:s21] =	ssyncadd.s32 @!p0 $0xFFFFF000;
	p0 =	seq.s32 s24, $0x1  }
0x354: {  	s21 =	simm.s32 @p0 $0xC  }
0x355: {  	_ =	swait.ge @p0 [sflag:s21], $0x1000  }
0x356: {  	s25 =	sld [smem:$0x7FA];
	_ =	sdelay $0x1  }
0x357: {  	[sflag:s21] =	ssyncset.done @p0 $0x0  }
0x358: {  	[sflag:s21] =	ssyncadd.s32 @p0 $0xFFFFF000;
	p0 =	seq.s32 s25, $0x1  }
0x359: {  	s21 =	simm.s32 @p0 $0xD  }
0x35a: {  	_ =	swait.ge @p0 [sflag:s21], $0x1000  }
0x35b: {  	s26 =	sld [smem:$0x7F8];
	_ =	sdelay $0x1  }
0x35c: {  	[sflag:s21] =	ssyncset.done @p0 $0x0  }
0x35d: {  	[sflag:s21] =	ssyncadd.s32 @p0 $0xFFFFF000;
	p0 =	seq.s32 s26, $0x1  }
0x35e: {  	s21 =	simm.s32 @p0 $0xE  }
0x35f: {  	_ =	swait.ge @p0 [sflag:s21], $0x1000  }
0x360: {  	[sflag:s21] =	ssyncset.done @p0 $0x0  }
0x361: {  	[sflag:s21] =	ssyncadd.s32 @p0 $0xFFFFF000;
	s21 =	simm.s32 @p4 $0xF  }
0x362: {  	_ =	swait.ge @p4 [sflag:s21], $0x1000  }
0x363: {  	s28 =	sld [smem:$0x7FC];
	_ =	sdelay $0x2  }
0x364: {  	[sflag:s21] =	ssyncset.done @p4 $0x0;
	p0 =	seq.s32 s28, $0x1  }
0x365: {  	[sflag:s21] =	ssyncadd.s32 @p4 $0xFFFFF000;
	s21 =	simm.s32 @p0 $0x10  }
0x366: {  	_ =	swait.ge @p0 [sflag:s21], $0x1000  }
0x367: {  	[sflag:s21] =	ssyncset.done @p0 $0x0  }
0x368: {  	[sflag:s21] =	ssyncadd.s32 @p0 $0xFFFFF000;
	s21 =	simm.s32 @p6 $0x11  }
0x369: {  	_ =	swait.ge @p6 [sflag:s21], $0x1000  }
0x36a: {  	s29 =	sld [smem:$0x7FB];
	_ =	sdelay $0x2  }
0x36b: {  	[sflag:s21] =	ssyncset.done @p6 $0x0;
	p1 =	seq.s32 s29, $0x1  }
0x36c: {  	[sflag:s21] =	ssyncadd.s32 @p6 $0xFFFFF000;
	s21 =	simm.s32 @p1 $0x12  }
0x36d: {  	_ =	swait.ge @p1 [sflag:s21], $0x1000  }
0x36e: {  	p0 =	slt.s32 s20, $0x9;
	[sflag:s21] =	ssyncset.done @p1 $0x0  }
0x36f: {  	s19 =	sadd.s32 $0x8000000F, s19;
	[sflag:s21] =	ssyncadd.s32 @p1 $0xFFFFF000;
	s21 =	simm.s32 @!p0 $0x13  }
0x370: {  	s30 =	sand.u32 $0xF, s19;
	s31 =	sshra.s32 s19, $0x1F;
	_ =	swait.ge @!p0 [sflag:s21], $0x1000  }
0x371: {  	p2 =	sne.s32 s30, $0x0;
	p1 =	seq.s32 @!p0 s20, $0x9;
	[sflag:s21] =	ssyncset.done @!p0 $0x0  }
0x372: {  	p6 =	slt.s32 s19, $0x1;
	[sflag:s21] =	ssyncadd.s32 @!p0 $0xFFFFF000;
	p0 =	por p1, p0  }
0x373: {  	s21 =	sshrl.u32 s31, $0x1C;
	p1 =	por !p6, !p2;
	s20 =	simm.s32 @!p0 $0x14  }
0x374: {  	s19 =	sadd.s32 s21, s19;
	p1 =	por !p1, !p1;
	s21 =	simm.s32 $0x1  }
0x375: {  	_ =	swait.ge @!p0 [sflag:s20], $0x1000;
	s19 =	sshra.s32 s19, $0x4;
	s21 =	simm.s32 @!p1 $0x0  }
0x376: {  	[sflag:s20] =	ssyncset.done @!p0 $0x0;
	s19 =	ssub.s32 s19, s21  }
0x377: {  	[sflag:s20] =	ssyncadd.s32 @!p0 $0xFFFFF000;
	p0 =	slt.s32 s19, $0x1  }
0x378: {  	v7 =	vld @!p0 [tilespmem:$0x14910];
	_ =	sdelay $0x4  }
0x379: {  	v8 =	vshll.u32 @!p0 v7, $0x1  }
0x37a: {  	v9 =	vlaneseq.u32 @!p0;
	v7 =	vand.u32 @!p0 $0x7, v7;
	v8 =	vand.u32 @!p0 $0xFFFFFFF0, v8  }
0x37b: {  	v10 =	vshrl.u32 @!p0 v9, $0x3;
	v7 =	vor.u32 @!p0 v7, v8;
	v8 =	vand.u32 @!p0 $0x7, v9  }
0x37c: {  	v10 =	vmul.u32 @!p0 $0x8, v10;
	v8 =	vperm.xlane @!p0 v7, v8  }
0x37d: {  	v9 =	vor.u32 @!p0 $0x8, v9  }
0x37e: {  	v7 =	vperm.xlane @!p0 v7, v9;
	v8 =	vadd.s32 @!p0 v10, v8;
	_ =	sdelay $0x1  }
0x37f: {  	v7 =	vadd.s32 @!p0 v10, v7;
	_ =	sdelay $0x1  }
0x380: {  	vm1 =	vmmov @!p0 $0xffff;
	s20 =	simm.s32 @!p0 $0x0;
	s21 =	simm.s32 @!p0 $0x14980;
	p1 =	seq.s32 @!p0 s19, $0x1  }
0x381: {  	[tilespmem:s21], [sflag:$0x1] =	stream.indirect_vreg.gather @!p0 [hbm4b:s0+s20], $0x80, v8, vm1, $0xb8;
	[tilespmem:$0x1E980] =	vst v63  }
0x382: {  	p1 =	por p0, p1;
	s21 =	simm.s32 @!p0 $0x15180  }
0x383: {  	[tilespmem:s21], [sflag:$0x1] =	stream.indirect_vreg.gather @!p0 [hbm4b:s0+s20], $0x80, v7, vm1, $0xb8;
	[tilespmem:$0x1E980] =	vst v63  }
0x384: {  	v7 =	vld @!p1 [tilespmem:$0x14900];
	_ =	sdelay $0x4  }
0x385: {  	v8 =	vshll.u32 @!p1 v7, $0x1  }
0x386: {  	v9 =	vlaneseq.u32 @!p1;
	v7 =	vand.u32 @!p1 $0x7, v7;
	v8 =	vand.u32 @!p1 $0xFFFFFFF0, v8  }
0x387: {  	v10 =	vshrl.u32 @!p1 v9, $0x3;
	v7 =	vor.u32 @!p1 v7, v8;
	v8 =	vand.u32 @!p1 $0x7, v9  }
0x388: {  	v10 =	vmul.u32 @!p1 $0x8, v10;
	v8 =	vperm.xlane @!p1 v7, v8  }
0x389: {  	v9 =	vor.u32 @!p1 $0x8, v9  }
0x38a: {  	v7 =	vperm.xlane @!p1 v7, v9;
	v8 =	vadd.s32 @!p1 v10, v8;
	_ =	sdelay $0x1  }
0x38b: {  	v7 =	vadd.s32 @!p1 v10, v7;
	_ =	sdelay $0x1  }
0x38c: {  	p2 =	slt.u32 @!p1 s19, $0x3;
	vm1 =	vmmov @!p1 $0xffff;
	s20 =	simm.s32 @!p1 $0x0;
	s21 =	simm.s32 @!p1 $0x15980  }
0x38d: {  	[tilespmem:s21], [sflag:$0x2] =	stream.indirect_vreg.gather @!p1 [hbm4b:s0+s20], $0x80, v8, vm1, $0xb8;
	[tilespmem:$0x1E980] =	vst v63  }
0x38e: {  	p6 =	por p1, p2;
	s21 =	simm.s32 @!p1 $0x16180  }
0x38f: {  	[tilespmem:s21], [sflag:$0x2] =	stream.indirect_vreg.gather @!p1 [hbm4b:s0+s20], $0x80, v7, vm1, $0xb8;
	[tilespmem:$0x1E980] =	vst v63  }
0x390: {  	v7 =	vld @!p6 [tilespmem:$0x148F0];
	_ =	sdelay $0x4  }
0x391: {  	v8 =	vshll.u32 @!p6 v7, $0x1  }
0x392: {  	v9 =	vlaneseq.u32 @!p6;
	v7 =	vand.u32 @!p6 $0x7, v7;
	v8 =	vand.u32 @!p6 $0xFFFFFFF0, v8  }
0x393: {  	v10 =	vshrl.u32 @!p6 v9, $0x3;
	v7 =	vor.u32 @!p6 v7, v8;
	v8 =	vand.u32 @!p6 $0x7, v9  }
0x394: {  	v10 =	vmul.u32 @!p6 $0x8, v10;
	v8 =	vperm.xlane @!p6 v7, v8  }
0x395: {  	v9 =	vor.u32 @!p6 $0x8, v9  }
0x396: {  	v7 =	vperm.xlane @!p6 v7, v9;
	v8 =	vadd.s32 @!p6 v10, v8;
	_ =	sdelay $0x1  }
0x397: {  	v7 =	vadd.s32 @!p6 v10, v7;
	_ =	sdelay $0x1  }
0x398: {  	p2 =	seq.s32 @!p6 s19, $0x3;
	vm1 =	vmmov @!p6 $0xffff;
	s20 =	simm.s32 @!p6 $0x0;
	s21 =	simm.s32 @!p6 $0x16980  }
0x399: {  	[tilespmem:s21], [sflag:$0x3] =	stream.indirect_vreg.gather @!p6 [hbm4b:s0+s20], $0x80, v8, vm1, $0xb8;
	[tilespmem:$0x1E980] =	vst v63  }
0x39a: {  	p2 =	por p6, p2;
	s21 =	simm.s32 @!p6 $0x17180  }
0x39b: {  	[tilespmem:s21], [sflag:$0x3] =	stream.indirect_vreg.gather @!p6 [hbm4b:s0+s20], $0x80, v7, vm1, $0xb8;
	[tilespmem:$0x1E980] =	vst v63  }
0x39c: {  	v7 =	vld @!p2 [tilespmem:$0x148E0];
	_ =	sdelay $0x4  }
0x39d: {  	v8 =	vshll.u32 @!p2 v7, $0x1  }
0x39e: {  	v9 =	vlaneseq.u32 @!p2;
	v7 =	vand.u32 @!p2 $0x7, v7;
	v8 =	vand.u32 @!p2 $0xFFFFFFF0, v8  }
0x39f: {  	v10 =	vshrl.u32 @!p2 v9, $0x3;
	v7 =	vor.u32 @!p2 v7, v8;
	v8 =	vand.u32 @!p2 $0x7, v9  }
0x3a0: {  	v10 =	vmul.u32 @!p2 $0x8, v10;
	v8 =	vperm.xlane @!p2 v7, v8  }
0x3a1: {  	v9 =	vor.u32 @!p2 $0x8, v9  }
0x3a2: {  	v7 =	vperm.xlane @!p2 v7, v9;
	v8 =	vadd.s32 @!p2 v10, v8;
	_ =	sdelay $0x1  }
0x3a3: {  	v7 =	vadd.s32 @!p2 v10, v7;
	_ =	sdelay $0x1  }
0x3a4: {  	p3 =	slt.u32 @!p2 s19, $0x5;
	vm1 =	vmmov @!p2 $0xffff;
	s20 =	simm.s32 @!p2 $0x0;
	s21 =	simm.s32 @!p2 $0x17980  }
0x3a5: {  	[tilespmem:s21], [sflag:$0x4] =	stream.indirect_vreg.gather @!p2 [hbm4b:s0+s20], $0x80, v8, vm1, $0xb8;
	[tilespmem:$0x1E980] =	vst v63  }
0x3a6: {  	p3 =	por p2, p3;
	s21 =	simm.s32 @!p2 $0x18180  }
0x3a7: {  	[tilespmem:s21], [sflag:$0x4] =	stream.indirect_vreg.gather @!p2 [hbm4b:s0+s20], $0x80, v7, vm1, $0xb8;
	[tilespmem:$0x1E980] =	vst v63  }
0x3a8: {  	v7 =	vld @!p3 [tilespmem:$0x148D0];
	_ =	sdelay $0x4  }
0x3a9: {  	v8 =	vshll.u32 @!p3 v7, $0x1  }
0x3aa: {  	v9 =	vlaneseq.u32 @!p3;
	v7 =	vand.u32 @!p3 $0x7, v7;
	v8 =	vand.u32 @!p3 $0xFFFFFFF0, v8  }
0x3ab: {  	v10 =	vshrl.u32 @!p3 v9, $0x3;
	v7 =	vor.u32 @!p3 v7, v8;
	v8 =	vand.u32 @!p3 $0x7, v9  }
0x3ac: {  	v10 =	vmul.u32 @!p3 $0x8, v10;
	v8 =	vperm.xlane @!p3 v7, v8  }
0x3ad: {  	v9 =	vor.u32 @!p3 $0x8, v9  }
0x3ae: {  	v7 =	vperm.xlane @!p3 v7, v9;
	v8 =	vadd.s32 @!p3 v10, v8;
	_ =	sdelay $0x1  }
0x3af: {  	v7 =	vadd.s32 @!p3 v10, v7  }
0x3b0: {  	p4 =	seq.s32 @!p3 s19, $0x5  }
0x3b1: {  	p4 =	por p3, p4;
	vm1 =	vmmov @!p3 $0xffff;
	s20 =	simm.s32 @!p3 $0x0;
	s21 =	simm.s32 @!p3 $0x18980  }
0x3b2: {  	[tilespmem:s21], [sflag:$0x5] =	stream.indirect_vreg.gather @!p3 [hbm4b:s0+s20], $0x80, v8, vm1, $0xb8;
	[tilespmem:$0x1E980] =	vst v63  }
.Ltmp13:
0x3b3: {  	s21 =	simm.s32 @!p3 $0x19180;
	(pc) =	sbr.rel @!p4 .LBB2_20-.Ltmp13, $4  }
0x3b4: {  	[tilespmem:s21], [sflag:$0x5] =	stream.indirect_vreg.gather @!p3 [hbm4b:s0+s20], $0x80, v7, vm1, $0xb8;
	[tilespmem:$0x1E980] =	vst v63  }
0x3b5: {  	s20 =	simm.s32 @!p0 $0x0  }
0x3b6: {  	s20 =	simm.s32 @p0 $0x1  }
0x3b7: {  	[smem:$0x7F6] =	sst s20  }
0x3b8: {  	p5 =	por @!p0 $0x0, $0x0;
	p4 =	por $0x0, $0x0  }
0x3b9: {  	p4 =	por @!p0 p5, p5  }
0x3ba: {  	p5 =	por @!p1 $0x0, $0x0;
	p0 =	por p4, p4  }
0x3bb: {  	p0 =	por @!p1 p5, p5  }
0x3bc: {  	s20 =	simm.s32 @!p0 $0x0  }
0x3bd: {  	s20 =	simm.s32 @p0 $0x1  }
0x3be: {  	[smem:$0x7F1] =	sst s20  }
0x3bf: {  	s20 =	sld [smem:$0x7F1];
	_ =	sdelay $0x1  }
0x3c0: {  	p5 =	por @!p1 $0x1, $0x1  }
0x3c1: {  	p4 =	por @!p1 p5, p5;
	p1 =	por @!p6 $0x0, $0x0;
	p5 =	seq.s32 s20, $0x1  }
0x3c2: {  	p5 =	por @!p6 p1, p1  }
0x3c3: {  	s20 =	simm.s32 @!p5 $0x0  }
0x3c4: {  	s20 =	simm.s32 @p5 $0x1  }
0x3c5: {  	[smem:$0x7F0] =	sst s20  }
0x3c6: {  	s20 =	sld [smem:$0x7F0]  }
0x3c7: {  	p1 =	por @!p6 $0x1, $0x1  }
0x3c8: {  	p4 =	por @!p6 p1, p1;
	p1 =	por @!p6 $0x1, $0x1  }
0x3c9: {  	p0 =	por @!p6 p1, p1;
	p6 =	por @!p2 $0x0, $0x0;
	p1 =	seq.s32 s20, $0x1  }
0x3ca: {  	p1 =	por @!p2 p6, p6;
	p6 =	por @!p2 $0x1, $0x1  }
0x3cb: {  	p5 =	por @!p2 p6, p6;
	p4 =	por @!p2 p6, p6;
	p6 =	por @!p2 $0x1, $0x1  }
0x3cc: {  	p0 =	por @!p2 p6, p6;
	p6 =	por @!p3 $0x1, $0x1  }
0x3cd: {  	p5 =	por @!p3 p6, p6  }
0x3ce: {  	s20 =	simm.s32 @!p5 $0x0  }
0x3cf: {  	p4 =	por @!p3 p6, p6;
	s20 =	simm.s32 @p5 $0x1  }
0x3d0: {  	[smem:$0x7F1] =	sst s20;
	s20 =	simm.s32 @!p4 $0x0  }
0x3d1: {  	p0 =	por @!p3 p6, p6;
	s20 =	simm.s32 @p4 $0x1  }
0x3d2: {  	[smem:$0x7F2] =	sst s20;
	s20 =	simm.s32 @!p0 $0x0  }
0x3d3: {  	p5 =	por @!p3 $0x1, $0x1;
	s20 =	simm.s32 @p0 $0x1;
	p0 =	por p1, p1  }
0x3d4: {  	p2 =	por @!p3 $0x0, $0x0;
	p4 =	por p1, p1;
	p0 =	por @!p3 p5, p5  }
.Ltmp14:
0x3d5: {  	[smem:$0x7F3] =	sst s20;
	s20 =	simm.s32 @!p0 $0x0;
	(pc) =	sbr.rel .LBB2_21-.Ltmp14, $4  }
0x3d6: {  	p4 =	por @!p3 p2, p2;
	s20 =	simm.s32 @p0 $0x1  }
0x3d7: {  	[smem:$0x7F4] =	sst s20;
	s20 =	simm.s32 @!p4 $0x0  }
0x3d8: {  	p6 =	por p1, p1;
	s20 =	simm.s32 @p4 $0x1  }
0x3d9: {  	p6 =	por @!p3 p2, p2;
	p1 =	por @!p3 p2, p2;
	[smem:$0x7F5] =	sst s20  }
.LBB2_20:
0x3da: {  	v7 =	vld [tilespmem:$0x148C0];
	_ =	sdelay $0x4  }
0x3db: {  	v8 =	vshll.u32 v7, $0x1  }
0x3dc: {  	v7 =	vand.u32 $0x7, v7;
	v8 =	vand.u32 $0xFFFFFFF0, v8  }
0x3dd: {  	v9 =	vshrl.u32 v3, $0x3;
	v7 =	vor.u32 v7, v8;
	v8 =	vand.u32 $0x7, v3  }
0x3de: {  	v9 =	vmul.u32 $0x8, v9;
	v8 =	vperm.xlane v7, v8  }
0x3df: {  	v10 =	vor.u32 $0x8, v3  }
0x3e0: {  	v7 =	vperm.xlane v7, v10;
	v8 =	vadd.s32 v9, v8;
	_ =	sdelay $0x1  }
0x3e1: {  	v7 =	vadd.s32 v9, v7;
	_ =	sdelay $0x1  }
0x3e2: {  	vm1 =	vmmov $0xffff  }
0x3e3: {  	[tilespmem:s16], [sflag:$0x6] =	stream.indirect_vreg.gather [hbm4b:s0+s8], $0x80, v8, vm1, $0xb8;
	[tilespmem:$0x1E980] =	vst v63  }
0x3e4: {  	p2 =	slt.u32 s19, $0x7  }
0x3e5: {  	[tilespmem:s17], [sflag:$0x6] =	stream.indirect_vreg.gather [hbm4b:s0+s8], $0x80, v7, vm1, $0xb8;
	[tilespmem:$0x1E980] =	vst v63  }
0x3e6: {  	v7 =	vld @!p2 [tilespmem:$0x148B0];
	_ =	sdelay $0x4  }
0x3e7: {  	v8 =	vshll.u32 @!p2 v7, $0x1  }
0x3e8: {  	v9 =	vlaneseq.u32 @!p2;
	v7 =	vand.u32 @!p2 $0x7, v7;
	v8 =	vand.u32 @!p2 $0xFFFFFFF0, v8  }
0x3e9: {  	v10 =	vshrl.u32 @!p2 v9, $0x3;
	v7 =	vor.u32 @!p2 v7, v8;
	v8 =	vand.u32 @!p2 $0x7, v9  }
0x3ea: {  	v10 =	vmul.u32 @!p2 $0x8, v10;
	v8 =	vperm.xlane @!p2 v7, v8  }
0x3eb: {  	v9 =	vor.u32 @!p2 $0x8, v9  }
0x3ec: {  	v7 =	vperm.xlane @!p2 v7, v9;
	v8 =	vadd.s32 @!p2 v10, v8;
	_ =	sdelay $0x1  }
0x3ed: {  	v7 =	vadd.s32 @!p2 v10, v7;
	_ =	sdelay $0x1  }
0x3ee: {  	s20 =	simm.s32 @!p2 $0x0;
	s21 =	simm.s32 @!p2 $0x1A980;
	p1 =	seq.s32 @!p2 s19, $0x7;
	vm1 =	vmmov @!p2 $0xffff  }
0x3ef: {  	[tilespmem:s21], [sflag:$0x7] =	stream.indirect_vreg.gather @!p2 [hbm4b:s0+s20], $0x80, v8, vm1, $0xb8;
	[tilespmem:$0x1E980] =	vst v63  }
0x3f0: {  	p3 =	por p1, p2;
	s21 =	simm.s32 @!p2 $0x1B180  }
0x3f1: {  	[tilespmem:s21], [sflag:$0x7] =	stream.indirect_vreg.gather @!p2 [hbm4b:s0+s20], $0x80, v7, vm1, $0xb8;
	[tilespmem:$0x1E980] =	vst v63  }
0x3f2: {  	v7 =	vld @!p3 [tilespmem:$0x148A0];
	_ =	sdelay $0x4  }
0x3f3: {  	v8 =	vshll.u32 @!p3 v7, $0x1  }
0x3f4: {  	v9 =	vlaneseq.u32 @!p3;
	v7 =	vand.u32 @!p3 $0x7, v7;
	v8 =	vand.u32 @!p3 $0xFFFFFFF0, v8  }
0x3f5: {  	v10 =	vshrl.u32 @!p3 v9, $0x3;
	v7 =	vor.u32 @!p3 v7, v8;
	v8 =	vand.u32 @!p3 $0x7, v9  }
0x3f6: {  	v10 =	vmul.u32 @!p3 $0x8, v10;
	v8 =	vperm.xlane @!p3 v7, v8  }
0x3f7: {  	v9 =	vor.u32 @!p3 $0x8, v9  }
0x3f8: {  	v7 =	vperm.xlane @!p3 v7, v9;
	v8 =	vadd.s32 @!p3 v10, v8;
	_ =	sdelay $0x1  }
0x3f9: {  	v7 =	vadd.s32 @!p3 v10, v7;
	_ =	sdelay $0x1  }
0x3fa: {  	vm1 =	vmmov @!p3 $0xffff;
	s20 =	simm.s32 @!p3 $0x0;
	s21 =	simm.s32 @!p3 $0x1B980  }
0x3fb: {  	[tilespmem:s21], [sflag:$0x8] =	stream.indirect_vreg.gather @!p3 [hbm4b:s0+s20], $0x80, v8, vm1, $0xb8;
	[tilespmem:$0x1E980] =	vst v63  }
0x3fc: {  	s21 =	simm.s32 @!p3 $0x1C180  }
0x3fd: {  	[tilespmem:s21], [sflag:$0x8] =	stream.indirect_vreg.gather @!p3 [hbm4b:s0+s20], $0x80, v7, vm1, $0xb8;
	[tilespmem:$0x1E980] =	vst v63  }
0x3fe: {  	p3 =	por @!p3 $0x1, $0x1  }
0x3ff: {  	p4 =	por @!p2 $0x0, $0x0;
	p1 =	por !p1, p2;
	p5 =	por p3, p3  }
0x400: {  	p5 =	por @!p1 p4, p4;
	p4 =	por $0x0, $0x0  }
0x401: {  	p6 =	por @!p2 $0x1, $0x1;
	p4 =	por @!p2 p5, p5  }
0x402: {  	p0 =	por $0x1, $0x1;
	p3 =	por @!p1 p6, p6;
	s20 =	simm.s32 @!p4 $0x0  }
0x403: {  	p0 =	por @!p2 p3, p3;
	s20 =	simm.s32 @p4 $0x1  }
0x404: {  	p1 =	por $0x1, $0x1;
	[smem:$0x7F5] =	sst s20;
	s20 =	simm.s32 @!p0 $0x0  }
0x405: {  	p1 =	por @!p2 p3, p3;
	s20 =	simm.s32 @p0 $0x1  }
0x406: {  	p0 =	por $0x1, $0x1;
	[smem:$0x7F1] =	sst s20;
	s20 =	simm.s32 @!p1 $0x0  }
0x407: {  	p0 =	por @!p2 p3, p3;
	s20 =	simm.s32 @p1 $0x1  }
0x408: {  	[smem:$0x7F2] =	sst s20;
	s20 =	simm.s32 @!p0 $0x0  }
0x409: {  	s20 =	simm.s32 @p0 $0x1;
	p0 =	por $0x1, $0x1  }
0x40a: {  	p0 =	por @!p2 p3, p3  }
0x40b: {  	[smem:$0x7F3] =	sst s20;
	s20 =	simm.s32 @!p0 $0x0  }
0x40c: {  	p6 =	por $0x1, $0x1;
	p1 =	por $0x0, $0x0;
	s20 =	simm.s32 @p0 $0x1  }
0x40d: {  	p6 =	por @!p2 p3, p3;
	p1 =	por @!p2 p3, p3;
	[smem:$0x7F4] =	sst s20  }
.LBB2_21:
0x40e: {  	s20 =	sadd.s32 $0x9, s19  }
0x40f: {  	s21 =	smulhi.u32 $0x66666667, s20;
	s20 =	sshra.s32 s20, $0x1F  }
0x410: {  	s20 =	smul.u32 $0x66666667, s20;
	_ =	sdelay $0x1  }
0x411: {  	s20 =	sadd.s32 s20, s21  }
0x412: {  	s21 =	sshrl.u32 s20, $0x1F;
	s20 =	sshra.s32 s20, $0x2  }
0x413: {  	s20 =	sadd.s32 s21, s20  }
0x414: {  	s21 =	smul.u32 $0xFFFFFFF6, s20  }
0x415: {  	s22 =	ssub.s32 $0xFFFFFFF7, s19  }
0x416: {  	p2 =	slt.s32 s19, $0xFFFFFFF8;
	p3 =	sne.s32 s21, s22  }
0x417: {  	p2 =	por !p2, !p3  }
0x418: {  	s21 =	simm.s32 $0x1;
	p2 =	por !p2, !p2  }
0x419: {  	s21 =	simm.s32 @!p2 $0x0  }
0x41a: {  	s20 =	ssub.s32 s20, s21  }
0x41b: {  	p2 =	slt.s32 s20, $0x1  }
.Ltmp15:
0x41c: {  	_ = 	snop;
	(pc) =	sbr.rel @p2 .LBB2_24-.Ltmp15, $1  }
0x41d: {  	_ =	sdelay $0x3  }
0x41e: {  	s21 =	sadd.s32 $0xFFFFFFFF, s19  }
0x41f: {  	s28 =	sadd.s32 $0xFFFFFFFE, s19;
	[dreg:$0x6] =	wrdreg s21  }
0x420: {  	s29 =	sadd.s32 $0xFFFFFFF6, s19;
	[dreg:$0x7] =	wrdreg s28  }
0x421: {  	s30 =	sadd.s32 $0xFFFFFFFD, s19;
	[dreg:$0x8] =	wrdreg s29  }
0x422: {  	s31 =	sadd.s32 $0xFFFFFFF5, s19;
	[dreg:$0x9] =	wrdreg s30  }
0x423: {  	s22 =	sadd.s32 $0xFFFFFFFC, s19;
	[dreg:$0xa] =	wrdreg s31  }
0x424: {  	s23 =	sadd.s32 $0xFFFFFFF4, s19;
	[dreg:$0xb] =	wrdreg s22  }
0x425: {  	s24 =	sadd.s32 $0xFFFFFFFB, s19;
	[dreg:$0xc] =	wrdreg s23  }
0x426: {  	s25 =	sadd.s32 $0xFFFFFFF3, s19;
	[dreg:$0xd] =	wrdreg s24  }
0x427: {  	s26 =	sadd.s32 $0xFFFFFFFA, s19;
	[dreg:$0xe] =	wrdreg s25  }
0x428: {  	[dreg:$0xf] =	wrdreg s26;
	s28 =	sadd.s32 $0xFFFFFFF2, s19  }
0x429: {  	s29 =	sadd.s32 $0xFFFFFFF9, s19;
	[dreg:$0x10] =	wrdreg s28  }
0x42a: {  	s30 =	sadd.s32 $0xFFFFFFF1, s19;
	s31 =	sadd.s32 $0xFFFFFFF0, s19;
	[dreg:$0x11] =	wrdreg s29  }
0x42b: {  	s23 =	sadd.s32 $0xFFFFFFEF, s19;
	s21 =	sadd.s32 $0xFFFFFFF8, s19;
	[dreg:$0x12] =	wrdreg s30  }
0x42c: {  	s22 =	sadd.s32 $0xFFFFFFF7, s19;
	s24 =	simm.s32 $0x10890;
	[dreg:$0x13] =	wrdreg s31  }
0x42d: {  	s25 =	simm.s32 $0x14890;
	[dreg:$0x14] =	wrdreg s23;
	s23 =	simm.s32 $0x0  }
.LBB2_23:
0x42e: {  	p2 =	sge.s32 s23, s19  }
0x42f: {  	s26 =	simm.s32 @!p2 $0x1  }
0x430: {  	_ =	swait.ge @!p2 [sflag:s26], $0x1000  }
0x431: {  	[sflag:s26] =	ssyncset.done @!p2 $0x0  }
0x432: {  	[sflag:s26] =	ssyncadd.s32 @!p2 $0xFFFFF000  }
0x433: {  	v7 =	vld @!p2 [tilespmem:s24+$0x0];
	_ =	sdelay $0x4  }
0x434: {  	v8 =	vshll.u32 @!p2 v7, $0x1  }
0x435: {  	v9 =	vlaneseq.u32 @!p2;
	v7 =	vand.u32 @!p2 $0x7, v7;
	v8 =	vand.u32 @!p2 $0xFFFFFFF0, v8  }
0x436: {  	v10 =	vshrl.u32 @!p2 v9, $0x3;
	v7 =	vor.u32 @!p2 v7, v8;
	v8 =	vand.u32 @!p2 $0x7, v9  }
0x437: {  	v10 =	vmul.u32 @!p2 $0x8, v10;
	v8 =	vperm.xlane @!p2 v7, v8  }
0x438: {  	v9 =	vor.u32 @!p2 $0x8, v9  }
0x439: {  	v7 =	vperm.xlane @!p2 v7, v9;
	v8 =	vadd.s32 @!p2 v10, v8;
	_ =	sdelay $0x1  }
0x43a: {  	p4 =	sge.s32 @!p2 s23, s21;
	v7 =	vadd.s32 @!p2 v10, v7  }
0x43b: {  	p3 =	por p4, p2  }
0x43c: {  	vm1 =	vmmov @!p2 $0xffff;
	s28 =	simm.s32 @!p2 $0x14980;
	p5 =	seq.s32 @!p3 s23, $0x0;
	s26 =	simm.s32 @!p2 $0x0  }
0x43d: {  	[hbm4b:s6+s26] =	stream.indirect_vreg.scatter @!p2 [tilespmem:s28], [sflag:$0xB], $0x80, v8, vm1, $0xb8;
	[tilespmem:$0x1E980] =	vst v63  }
0x43e: {  	p4 =	por @!p2 p5, p4;
	s28 =	simm.s32 @!p2 $0x15180  }
0x43f: {  	[hbm4b:s6+s26] =	stream.indirect_vreg.scatter @!p2 [tilespmem:s28], [sflag:$0xB], $0x80, v7, vm1, $0xb8;
	[tilespmem:$0x1E980] =	vst v63  }
0x440: {  	p2 =	por p4, p2  }
0x441: {  	s26 =	simm.s32 @!p2 $0x13  }
0x442: {  	_ =	swait.ge @!p2 [sflag:s26], $0x1000  }
0x443: {  	[sflag:s26] =	ssyncset.done @!p2 $0x0  }
0x444: {  	[sflag:s26] =	ssyncadd.s32 @!p2 $0xFFFFF000  }
0x445: {  	v7 =	vld @!p3 [tilespmem:s25+$0x0];
	_ =	sdelay $0x4  }
0x446: {  	v8 =	vshll.u32 @!p3 v7, $0x1  }
0x447: {  	v9 =	vlaneseq.u32 @!p3;
	v7 =	vand.u32 @!p3 $0x7, v7;
	v8 =	vand.u32 @!p3 $0xFFFFFFF0, v8  }
0x448: {  	v10 =	vshrl.u32 @!p3 v9, $0x3;
	v7 =	vor.u32 @!p3 v7, v8;
	v8 =	vand.u32 @!p3 $0x7, v9  }
0x449: {  	v10 =	vmul.u32 @!p3 $0x8, v10;
	v8 =	vperm.xlane @!p3 v7, v8  }
0x44a: {  	v9 =	vor.u32 @!p3 $0x8, v9  }
0x44b: {  	v7 =	vperm.xlane @!p3 v7, v9;
	v8 =	vadd.s32 @!p3 v10, v8;
	_ =	sdelay $0x1  }
0x44c: {  	v7 =	vadd.s32 @!p3 v10, v7;
	_ =	sdelay $0x1  }
0x44d: {  	vm1 =	vmmov @!p3 $0xffff;
	s28 =	simm.s32 @!p3 $0x1C980;
	s31 =	rddreg [dreg:$0x6];
	s26 =	simm.s32 @!p3 $0x0  }
0x44e: {  	[tilespmem:s28], [sflag:$0x9] =	stream.indirect_vreg.gather @!p3 [hbm4b:s0+s26], $0x80, v8, vm1, $0xb8;
	[tilespmem:$0x1E980] =	vst v63  }
0x44f: {  	s29 =	simm.s32 @!p3 $0x1D180;
	p2 =	sge.s32 s23, s31  }
0x450: {  	[tilespmem:s29], [sflag:$0x9] =	stream.indirect_vreg.gather @!p3 [hbm4b:s0+s26], $0x80, v7, vm1, $0xb8;
	[tilespmem:$0x1E980] =	vst v63  }
0x451: {  	s26 =	simm.s32 @!p2 $0x2  }
0x452: {  	_ =	swait.ge @!p2 [sflag:s26], $0x1000  }
0x453: {  	[sflag:s26] =	ssyncset.done @!p2 $0x0  }
0x454: {  	[sflag:s26] =	ssyncadd.s32 @!p2 $0xFFFFF000  }
0x455: {  	v7 =	vld @!p2 [tilespmem:s24+$0xFFFFFFF0];
	_ =	sdelay $0x4  }
0x456: {  	v8 =	vshll.u32 @!p2 v7, $0x1  }
0x457: {  	v9 =	vlaneseq.u32 @!p2;
	v7 =	vand.u32 @!p2 $0x7, v7;
	v8 =	vand.u32 @!p2 $0xFFFFFFF0, v8  }
0x458: {  	v10 =	vshrl.u32 @!p2 v9, $0x3;
	v7 =	vor.u32 @!p2 v7, v8;
	v8 =	vand.u32 @!p2 $0x7, v9  }
0x459: {  	v10 =	vmul.u32 @!p2 $0x8, v10;
	v8 =	vperm.xlane @!p2 v7, v8  }
0x45a: {  	v9 =	vor.u32 @!p2 $0x8, v9  }
0x45b: {  	v7 =	vperm.xlane @!p2 v7, v9;
	v8 =	vadd.s32 @!p2 v10, v8;
	_ =	sdelay $0x1  }
0x45c: {  	p4 =	sge.s32 @!p2 s23, s22;
	v7 =	vadd.s32 @!p2 v10, v7  }
0x45d: {  	p3 =	por p4, p2  }
0x45e: {  	s28 =	simm.s32 @!p2 $0x15980;
	vm1 =	vmmov @!p2 $0xffff;
	p5 =	seq.s32 @!p3 s23, $0x0;
	s26 =	simm.s32 @!p2 $0x0  }
0x45f: {  	[hbm4b:s6+s26] =	stream.indirect_vreg.scatter @!p2 [tilespmem:s28], [sflag:$0xC], $0x80, v8, vm1, $0xb8;
	[tilespmem:$0x1E980] =	vst v63  }
0x460: {  	p4 =	por @!p2 p5, p4;
	s28 =	simm.s32 @!p2 $0x16180  }
0x461: {  	[hbm4b:s6+s26] =	stream.indirect_vreg.scatter @!p2 [tilespmem:s28], [sflag:$0xC], $0x80, v7, vm1, $0xb8;
	[tilespmem:$0x1E980] =	vst v63  }
0x462: {  	p2 =	por p4, p2  }
0x463: {  	s26 =	simm.s32 @!p2 $0x14  }
0x464: {  	_ =	swait.ge @!p2 [sflag:s26], $0x1000  }
0x465: {  	[sflag:s26] =	ssyncset.done @!p2 $0x0  }
0x466: {  	[sflag:s26] =	ssyncadd.s32 @!p2 $0xFFFFF000  }
0x467: {  	v7 =	vld @!p3 [tilespmem:s25+$0xFFFFFFF0];
	_ =	sdelay $0x4  }
0x468: {  	v8 =	vshll.u32 @!p3 v7, $0x1  }
0x469: {  	v9 =	vlaneseq.u32 @!p3;
	v7 =	vand.u32 @!p3 $0x7, v7;
	v8 =	vand.u32 @!p3 $0xFFFFFFF0, v8  }
0x46a: {  	v10 =	vshrl.u32 @!p3 v9, $0x3;
	v7 =	vor.u32 @!p3 v7, v8;
	v8 =	vand.u32 @!p3 $0x7, v9  }
0x46b: {  	v10 =	vmul.u32 @!p3 $0x8, v10;
	v8 =	vperm.xlane @!p3 v7, v8  }
0x46c: {  	v9 =	vor.u32 @!p3 $0x8, v9  }
0x46d: {  	v7 =	vperm.xlane @!p3 v7, v9;
	v8 =	vadd.s32 @!p3 v10, v8;
	_ =	sdelay $0x1  }
0x46e: {  	v7 =	vadd.s32 @!p3 v10, v7;
	_ =	sdelay $0x1  }
0x46f: {  	vm1 =	vmmov @!p3 $0xffff;
	s28 =	simm.s32 @!p3 $0x1D980;
	s30 =	rddreg [dreg:$0x7];
	s26 =	simm.s32 @!p3 $0x0  }
0x470: {  	[tilespmem:s28], [sflag:$0xA] =	stream.indirect_vreg.gather @!p3 [hbm4b:s0+s26], $0x80, v8, vm1, $0xb8;
	[tilespmem:$0x1E980] =	vst v63  }
0x471: {  	s29 =	simm.s32 @!p3 $0x1E180;
	p2 =	sge.s32 s23, s30  }
0x472: {  	[tilespmem:s29], [sflag:$0xA] =	stream.indirect_vreg.gather @!p3 [hbm4b:s0+s26], $0x80, v7, vm1, $0xb8;
	[tilespmem:$0x1E980] =	vst v63  }
0x473: {  	s26 =	simm.s32 @!p2 $0x3  }
0x474: {  	_ =	swait.ge @!p2 [sflag:s26], $0x1000  }
0x475: {  	[sflag:s26] =	ssyncset.done @!p2 $0x0  }
0x476: {  	[sflag:s26] =	ssyncadd.s32 @!p2 $0xFFFFF000  }
0x477: {  	v7 =	vld @!p2 [tilespmem:s24+$0xFFFFFFE0];
	_ =	sdelay $0x4  }
0x478: {  	v8 =	vshll.u32 @!p2 v7, $0x1  }
0x479: {  	v9 =	vlaneseq.u32 @!p2;
	v7 =	vand.u32 @!p2 $0x7, v7;
	v8 =	vand.u32 @!p2 $0xFFFFFFF0, v8  }
0x47a: {  	v10 =	vshrl.u32 @!p2 v9, $0x3;
	v7 =	vor.u32 @!p2 v7, v8;
	v8 =	vand.u32 @!p2 $0x7, v9  }
0x47b: {  	v10 =	vmul.u32 @!p2 $0x8, v10;
	v8 =	vperm.xlane @!p2 v7, v8;
	_ =	sdelay $0x1  }
0x47c: {  	v9 =	vor.u32 @!p2 $0x8, v9;
	v8 =	vadd.s32 @!p2 v10, v8  }
0x47d: {  	v7 =	vperm.xlane @!p2 v7, v9;
	_ =	sdelay $0x1  }
0x47e: {  	v7 =	vadd.s32 @!p2 v10, v7  }
0x47f: {  	s28 =	simm.s32 @!p2 $0x16980;
	vm1 =	vmmov @!p2 $0xffff;
	s26 =	simm.s32 @!p2 $0x0  }
0x480: {  	[hbm4b:s6+s26] =	stream.indirect_vreg.scatter @!p2 [tilespmem:s28], [sflag:$0xD], $0x80, v8, vm1, $0xb8;
	[tilespmem:$0x1E980] =	vst v63  }
0x481: {  	s28 =	rddreg [dreg:$0x8]  }
0x482: {  	s29 =	simm.s32 @!p2 $0x17180;
	p3 =	sge.s32 @!p2 s23, s28  }
0x483: {  	[hbm4b:s6+s26] =	stream.indirect_vreg.scatter @!p2 [tilespmem:s29], [sflag:$0xD], $0x80, v7, vm1, $0xb8;
	[tilespmem:$0x1E980] =	vst v63  }
0x484: {  	p2 =	por p3, p2  }
0x485: {  	s26 =	simm.s32 @!p2 $0xB  }
0x486: {  	_ =	swait.ge @!p2 [sflag:s26], $0x1000  }
0x487: {  	[sflag:s26] =	ssyncset.done @!p2 $0x0  }
0x488: {  	[sflag:s26] =	ssyncadd.s32 @!p2 $0xFFFFF000  }
0x489: {  	v7 =	vld @!p2 [tilespmem:s25+$0xFFFFFFE0];
	_ =	sdelay $0x4  }
0x48a: {  	v8 =	vshll.u32 @!p2 v7, $0x1  }
0x48b: {  	v9 =	vlaneseq.u32 @!p2;
	v7 =	vand.u32 @!p2 $0x7, v7;
	v8 =	vand.u32 @!p2 $0xFFFFFFF0, v8  }
0x48c: {  	v10 =	vshrl.u32 @!p2 v9, $0x3;
	v7 =	vor.u32 @!p2 v7, v8;
	v8 =	vand.u32 @!p2 $0x7, v9  }
0x48d: {  	v10 =	vmul.u32 @!p2 $0x8, v10;
	v8 =	vperm.xlane @!p2 v7, v8  }
0x48e: {  	v9 =	vor.u32 @!p2 $0x8, v9  }
0x48f: {  	v7 =	vperm.xlane @!p2 v7, v9;
	v8 =	vadd.s32 @!p2 v10, v8;
	_ =	sdelay $0x1  }
0x490: {  	v7 =	vadd.s32 @!p2 v10, v7;
	_ =	sdelay $0x1  }
0x491: {  	vm1 =	vmmov @!p2 $0xffff;
	s28 =	simm.s32 @!p2 $0x14980;
	s26 =	simm.s32 @!p2 $0x0  }
0x492: {  	[tilespmem:s28], [sflag:$0x1] =	stream.indirect_vreg.gather @!p2 [hbm4b:s0+s26], $0x80, v8, vm1, $0xb8;
	[tilespmem:$0x1E980] =	vst v63  }
0x493: {  	s29 =	simm.s32 @!p2 $0x15180;
	s31 =	rddreg [dreg:$0x9]  }
0x494: {  	[tilespmem:s29], [sflag:$0x1] =	stream.indirect_vreg.gather @!p2 [hbm4b:s0+s26], $0x80, v7, vm1, $0xb8;
	[tilespmem:$0x1E980] =	vst v63  }
0x495: {  	p2 =	sge.s32 s23, s31  }
0x496: {  	s26 =	simm.s32 @!p2 $0x4  }
0x497: {  	_ =	swait.ge @!p2 [sflag:s26], $0x1000  }
0x498: {  	[sflag:s26] =	ssyncset.done @!p2 $0x0  }
0x499: {  	[sflag:s26] =	ssyncadd.s32 @!p2 $0xFFFFF000  }
0x49a: {  	v7 =	vld @!p2 [tilespmem:s24+$0xFFFFFFD0];
	_ =	sdelay $0x4  }
0x49b: {  	v8 =	vshll.u32 @!p2 v7, $0x1  }
0x49c: {  	v9 =	vlaneseq.u32 @!p2;
	v7 =	vand.u32 @!p2 $0x7, v7;
	v8 =	vand.u32 @!p2 $0xFFFFFFF0, v8  }
0x49d: {  	v10 =	vshrl.u32 @!p2 v9, $0x3;
	v7 =	vor.u32 @!p2 v7, v8;
	v8 =	vand.u32 @!p2 $0x7, v9  }
0x49e: {  	v10 =	vmul.u32 @!p2 $0x8, v10;
	v8 =	vperm.xlane @!p2 v7, v8;
	_ =	sdelay $0x1  }
0x49f: {  	v9 =	vor.u32 @!p2 $0x8, v9;
	v8 =	vadd.s32 @!p2 v10, v8  }
0x4a0: {  	v7 =	vperm.xlane @!p2 v7, v9;
	_ =	sdelay $0x1  }
0x4a1: {  	v7 =	vadd.s32 @!p2 v10, v7  }
0x4a2: {  	vm1 =	vmmov @!p2 $0xffff;
	s28 =	simm.s32 @!p2 $0x17980;
	s26 =	simm.s32 @!p2 $0x0  }
0x4a3: {  	[hbm4b:s6+s26] =	stream.indirect_vreg.scatter @!p2 [tilespmem:s28], [sflag:$0xE], $0x80, v8, vm1, $0xb8;
	[tilespmem:$0x1E980] =	vst v63  }
0x4a4: {  	s28 =	rddreg [dreg:$0xa]  }
0x4a5: {  	s29 =	simm.s32 @!p2 $0x18180;
	p3 =	sge.s32 @!p2 s23, s28  }
0x4a6: {  	[hbm4b:s6+s26] =	stream.indirect_vreg.scatter @!p2 [tilespmem:s29], [sflag:$0xE], $0x80, v7, vm1, $0xb8;
	[tilespmem:$0x1E980] =	vst v63  }
0x4a7: {  	p2 =	por p3, p2  }
0x4a8: {  	s26 =	simm.s32 @!p2 $0xC  }
0x4a9: {  	_ =	swait.ge @!p2 [sflag:s26], $0x1000  }
0x4aa: {  	[sflag:s26] =	ssyncset.done @!p2 $0x0  }
0x4ab: {  	[sflag:s26] =	ssyncadd.s32 @!p2 $0xFFFFF000  }
0x4ac: {  	v7 =	vld @!p2 [tilespmem:s25+$0xFFFFFFD0];
	_ =	sdelay $0x4  }
0x4ad: {  	v8 =	vshll.u32 @!p2 v7, $0x1  }
0x4ae: {  	v9 =	vlaneseq.u32 @!p2;
	v7 =	vand.u32 @!p2 $0x7, v7;
	v8 =	vand.u32 @!p2 $0xFFFFFFF0, v8  }
0x4af: {  	v10 =	vshrl.u32 @!p2 v9, $0x3;
	v7 =	vor.u32 @!p2 v7, v8;
	v8 =	vand.u32 @!p2 $0x7, v9  }
0x4b0: {  	v10 =	vmul.u32 @!p2 $0x8, v10;
	v8 =	vperm.xlane @!p2 v7, v8  }
0x4b1: {  	v9 =	vor.u32 @!p2 $0x8, v9  }
0x4b2: {  	v7 =	vperm.xlane @!p2 v7, v9;
	v8 =	vadd.s32 @!p2 v10, v8;
	_ =	sdelay $0x1  }
0x4b3: {  	v7 =	vadd.s32 @!p2 v10, v7;
	_ =	sdelay $0x1  }
0x4b4: {  	vm1 =	vmmov @!p2 $0xffff;
	s28 =	simm.s32 @!p2 $0x15980;
	s26 =	simm.s32 @!p2 $0x0  }
0x4b5: {  	[tilespmem:s28], [sflag:$0x2] =	stream.indirect_vreg.gather @!p2 [hbm4b:s0+s26], $0x80, v8, vm1, $0xb8;
	[tilespmem:$0x1E980] =	vst v63  }
0x4b6: {  	s29 =	simm.s32 @!p2 $0x16180;
	s30 =	rddreg [dreg:$0xb]  }
0x4b7: {  	[tilespmem:s29], [sflag:$0x2] =	stream.indirect_vreg.gather @!p2 [hbm4b:s0+s26], $0x80, v7, vm1, $0xb8;
	[tilespmem:$0x1E980] =	vst v63  }
0x4b8: {  	p2 =	sge.s32 s23, s30  }
0x4b9: {  	s26 =	simm.s32 @!p2 $0x5  }
0x4ba: {  	_ =	swait.ge @!p2 [sflag:s26], $0x1000  }
0x4bb: {  	[sflag:s26] =	ssyncset.done @!p2 $0x0  }
0x4bc: {  	[sflag:s26] =	ssyncadd.s32 @!p2 $0xFFFFF000  }
0x4bd: {  	v7 =	vld @!p2 [tilespmem:s24+$0xFFFFFFC0];
	_ =	sdelay $0x4  }
0x4be: {  	v8 =	vshll.u32 @!p2 v7, $0x1  }
0x4bf: {  	v9 =	vlaneseq.u32 @!p2;
	v7 =	vand.u32 @!p2 $0x7, v7;
	v8 =	vand.u32 @!p2 $0xFFFFFFF0, v8  }
0x4c0: {  	v10 =	vshrl.u32 @!p2 v9, $0x3;
	v7 =	vor.u32 @!p2 v7, v8;
	v8 =	vand.u32 @!p2 $0x7, v9  }
0x4c1: {  	v10 =	vmul.u32 @!p2 $0x8, v10;
	v8 =	vperm.xlane @!p2 v7, v8;
	_ =	sdelay $0x1  }
0x4c2: {  	v9 =	vor.u32 @!p2 $0x8, v9;
	v8 =	vadd.s32 @!p2 v10, v8  }
0x4c3: {  	v7 =	vperm.xlane @!p2 v7, v9;
	_ =	sdelay $0x1  }
0x4c4: {  	v7 =	vadd.s32 @!p2 v10, v7  }
0x4c5: {  	vm1 =	vmmov @!p2 $0xffff;
	s28 =	simm.s32 @!p2 $0x18980;
	s26 =	simm.s32 @!p2 $0x0  }
0x4c6: {  	[hbm4b:s6+s26] =	stream.indirect_vreg.scatter @!p2 [tilespmem:s28], [sflag:$0xF], $0x80, v8, vm1, $0xb8;
	[tilespmem:$0x1E980] =	vst v63  }
0x4c7: {  	s28 =	rddreg [dreg:$0xc]  }
0x4c8: {  	s29 =	simm.s32 @!p2 $0x19180;
	p3 =	sge.s32 @!p2 s23, s28  }
0x4c9: {  	[hbm4b:s6+s26] =	stream.indirect_vreg.scatter @!p2 [tilespmem:s29], [sflag:$0xF], $0x80, v7, vm1, $0xb8;
	[tilespmem:$0x1E980] =	vst v63  }
0x4ca: {  	p2 =	por p3, p2  }
0x4cb: {  	s26 =	simm.s32 @!p2 $0xD  }
0x4cc: {  	_ =	swait.ge @!p2 [sflag:s26], $0x1000  }
0x4cd: {  	[sflag:s26] =	ssyncset.done @!p2 $0x0  }
0x4ce: {  	[sflag:s26] =	ssyncadd.s32 @!p2 $0xFFFFF000  }
0x4cf: {  	v7 =	vld @!p2 [tilespmem:s25+$0xFFFFFFC0];
	_ =	sdelay $0x4  }
0x4d0: {  	v8 =	vshll.u32 @!p2 v7, $0x1  }
0x4d1: {  	v9 =	vlaneseq.u32 @!p2;
	v7 =	vand.u32 @!p2 $0x7, v7;
	v8 =	vand.u32 @!p2 $0xFFFFFFF0, v8  }
0x4d2: {  	v10 =	vshrl.u32 @!p2 v9, $0x3;
	v7 =	vor.u32 @!p2 v7, v8;
	v8 =	vand.u32 @!p2 $0x7, v9  }
0x4d3: {  	v10 =	vmul.u32 @!p2 $0x8, v10;
	v8 =	vperm.xlane @!p2 v7, v8  }
0x4d4: {  	v9 =	vor.u32 @!p2 $0x8, v9  }
0x4d5: {  	v7 =	vperm.xlane @!p2 v7, v9;
	v8 =	vadd.s32 @!p2 v10, v8;
	_ =	sdelay $0x1  }
0x4d6: {  	v7 =	vadd.s32 @!p2 v10, v7;
	_ =	sdelay $0x1  }
0x4d7: {  	vm1 =	vmmov @!p2 $0xffff;
	s28 =	simm.s32 @!p2 $0x16980;
	s26 =	simm.s32 @!p2 $0x0  }
0x4d8: {  	[tilespmem:s28], [sflag:$0x3] =	stream.indirect_vreg.gather @!p2 [hbm4b:s0+s26], $0x80, v8, vm1, $0xb8;
	[tilespmem:$0x1E980] =	vst v63  }
0x4d9: {  	s29 =	simm.s32 @!p2 $0x17180;
	s31 =	rddreg [dreg:$0xd]  }
0x4da: {  	[tilespmem:s29], [sflag:$0x3] =	stream.indirect_vreg.gather @!p2 [hbm4b:s0+s26], $0x80, v7, vm1, $0xb8;
	[tilespmem:$0x1E980] =	vst v63  }
0x4db: {  	p2 =	sge.s32 s23, s31  }
0x4dc: {  	s26 =	simm.s32 @!p2 $0x6  }
0x4dd: {  	_ =	swait.ge @!p2 [sflag:s26], $0x1000  }
0x4de: {  	[sflag:s26] =	ssyncset.done @!p2 $0x0  }
0x4df: {  	[sflag:s26] =	ssyncadd.s32 @!p2 $0xFFFFF000  }
0x4e0: {  	v7 =	vld @!p2 [tilespmem:s24+$0xFFFFFFB0];
	_ =	sdelay $0x4  }
0x4e1: {  	v8 =	vshll.u32 @!p2 v7, $0x1  }
0x4e2: {  	v9 =	vlaneseq.u32 @!p2;
	v7 =	vand.u32 @!p2 $0x7, v7;
	v8 =	vand.u32 @!p2 $0xFFFFFFF0, v8  }
0x4e3: {  	v10 =	vshrl.u32 @!p2 v9, $0x3;
	v7 =	vor.u32 @!p2 v7, v8;
	v8 =	vand.u32 @!p2 $0x7, v9  }
0x4e4: {  	v10 =	vmul.u32 @!p2 $0x8, v10;
	v8 =	vperm.xlane @!p2 v7, v8;
	_ =	sdelay $0x1  }
0x4e5: {  	v9 =	vor.u32 @!p2 $0x8, v9;
	v8 =	vadd.s32 @!p2 v10, v8  }
0x4e6: {  	v7 =	vperm.xlane @!p2 v7, v9;
	_ =	sdelay $0x1  }
0x4e7: {  	v7 =	vadd.s32 @!p2 v10, v7  }
0x4e8: {  	vm1 =	vmmov @!p2 $0xffff;
	s28 =	simm.s32 @!p2 $0x19980;
	s26 =	simm.s32 @!p2 $0x0  }
0x4e9: {  	[hbm4b:s6+s26] =	stream.indirect_vreg.scatter @!p2 [tilespmem:s28], [sflag:$0x10], $0x80, v8, vm1, $0xb8;
	[tilespmem:$0x1E980] =	vst v63  }
0x4ea: {  	s28 =	rddreg [dreg:$0xe]  }
0x4eb: {  	s29 =	simm.s32 @!p2 $0x1A180;
	p3 =	sge.s32 @!p2 s23, s28  }
0x4ec: {  	[hbm4b:s6+s26] =	stream.indirect_vreg.scatter @!p2 [tilespmem:s29], [sflag:$0x10], $0x80, v7, vm1, $0xb8;
	[tilespmem:$0x1E980] =	vst v63  }
0x4ed: {  	p2 =	por p3, p2  }
0x4ee: {  	s26 =	simm.s32 @!p2 $0xE  }
0x4ef: {  	_ =	swait.ge @!p2 [sflag:s26], $0x1000  }
0x4f0: {  	[sflag:s26] =	ssyncset.done @!p2 $0x0  }
0x4f1: {  	[sflag:s26] =	ssyncadd.s32 @!p2 $0xFFFFF000  }
0x4f2: {  	v7 =	vld @!p2 [tilespmem:s25+$0xFFFFFFB0];
	_ =	sdelay $0x4  }
0x4f3: {  	v8 =	vshll.u32 @!p2 v7, $0x1  }
0x4f4: {  	v9 =	vlaneseq.u32 @!p2;
	v7 =	vand.u32 @!p2 $0x7, v7;
	v8 =	vand.u32 @!p2 $0xFFFFFFF0, v8  }
0x4f5: {  	v10 =	vshrl.u32 @!p2 v9, $0x3;
	v7 =	vor.u32 @!p2 v7, v8;
	v8 =	vand.u32 @!p2 $0x7, v9  }
0x4f6: {  	v10 =	vmul.u32 @!p2 $0x8, v10;
	v8 =	vperm.xlane @!p2 v7, v8  }
0x4f7: {  	v9 =	vor.u32 @!p2 $0x8, v9  }
0x4f8: {  	v7 =	vperm.xlane @!p2 v7, v9;
	v8 =	vadd.s32 @!p2 v10, v8;
	_ =	sdelay $0x1  }
0x4f9: {  	v7 =	vadd.s32 @!p2 v10, v7;
	_ =	sdelay $0x1  }
0x4fa: {  	vm1 =	vmmov @!p2 $0xffff;
	s28 =	simm.s32 @!p2 $0x17980;
	s26 =	simm.s32 @!p2 $0x0  }
0x4fb: {  	[tilespmem:s28], [sflag:$0x4] =	stream.indirect_vreg.gather @!p2 [hbm4b:s0+s26], $0x80, v8, vm1, $0xb8;
	[tilespmem:$0x1E980] =	vst v63  }
0x4fc: {  	s29 =	simm.s32 @!p2 $0x18180;
	s30 =	rddreg [dreg:$0xf]  }
0x4fd: {  	[tilespmem:s29], [sflag:$0x4] =	stream.indirect_vreg.gather @!p2 [hbm4b:s0+s26], $0x80, v7, vm1, $0xb8;
	[tilespmem:$0x1E980] =	vst v63  }
0x4fe: {  	p2 =	sge.s32 s23, s30  }
0x4ff: {  	s26 =	simm.s32 @!p2 $0x7  }
0x500: {  	_ =	swait.ge @!p2 [sflag:s26], $0x1000  }
0x501: {  	[sflag:s26] =	ssyncset.done @!p2 $0x0  }
0x502: {  	[sflag:s26] =	ssyncadd.s32 @!p2 $0xFFFFF000  }
0x503: {  	v7 =	vld @!p2 [tilespmem:s24+$0xFFFFFFA0];
	_ =	sdelay $0x4  }
0x504: {  	v8 =	vshll.u32 @!p2 v7, $0x1  }
0x505: {  	v9 =	vlaneseq.u32 @!p2;
	v7 =	vand.u32 @!p2 $0x7, v7;
	v8 =	vand.u32 @!p2 $0xFFFFFFF0, v8  }
0x506: {  	v10 =	vshrl.u32 @!p2 v9, $0x3;
	v7 =	vor.u32 @!p2 v7, v8;
	v8 =	vand.u32 @!p2 $0x7, v9  }
0x507: {  	v10 =	vmul.u32 @!p2 $0x8, v10;
	v8 =	vperm.xlane @!p2 v7, v8;
	_ =	sdelay $0x1  }
0x508: {  	v9 =	vor.u32 @!p2 $0x8, v9;
	v8 =	vadd.s32 @!p2 v10, v8  }
0x509: {  	v7 =	vperm.xlane @!p2 v7, v9;
	_ =	sdelay $0x1  }
0x50a: {  	v7 =	vadd.s32 @!p2 v10, v7  }
0x50b: {  	vm1 =	vmmov @!p2 $0xffff;
	s28 =	simm.s32 @!p2 $0x1A980;
	s26 =	simm.s32 @!p2 $0x0  }
0x50c: {  	[hbm4b:s6+s26] =	stream.indirect_vreg.scatter @!p2 [tilespmem:s28], [sflag:$0x11], $0x80, v8, vm1, $0xb8;
	[tilespmem:$0x1E980] =	vst v63  }
0x50d: {  	s28 =	rddreg [dreg:$0x10]  }
0x50e: {  	s29 =	simm.s32 @!p2 $0x1B180;
	p3 =	sge.s32 @!p2 s23, s28  }
0x50f: {  	[hbm4b:s6+s26] =	stream.indirect_vreg.scatter @!p2 [tilespmem:s29], [sflag:$0x11], $0x80, v7, vm1, $0xb8;
	[tilespmem:$0x1E980] =	vst v63  }
0x510: {  	p2 =	por p3, p2  }
0x511: {  	s26 =	simm.s32 @!p2 $0xF  }
0x512: {  	_ =	swait.ge @!p2 [sflag:s26], $0x1000  }
0x513: {  	[sflag:s26] =	ssyncset.done @!p2 $0x0  }
0x514: {  	[sflag:s26] =	ssyncadd.s32 @!p2 $0xFFFFF000  }
0x515: {  	v7 =	vld @!p2 [tilespmem:s25+$0xFFFFFFA0];
	_ =	sdelay $0x4  }
0x516: {  	v8 =	vshll.u32 @!p2 v7, $0x1  }
0x517: {  	v9 =	vlaneseq.u32 @!p2;
	v7 =	vand.u32 @!p2 $0x7, v7;
	v8 =	vand.u32 @!p2 $0xFFFFFFF0, v8  }
0x518: {  	v10 =	vshrl.u32 @!p2 v9, $0x3;
	v7 =	vor.u32 @!p2 v7, v8;
	v8 =	vand.u32 @!p2 $0x7, v9  }
0x519: {  	v10 =	vmul.u32 @!p2 $0x8, v10;
	v8 =	vperm.xlane @!p2 v7, v8  }
0x51a: {  	v9 =	vor.u32 @!p2 $0x8, v9  }
0x51b: {  	v7 =	vperm.xlane @!p2 v7, v9;
	v8 =	vadd.s32 @!p2 v10, v8;
	_ =	sdelay $0x1  }
0x51c: {  	v7 =	vadd.s32 @!p2 v10, v7;
	_ =	sdelay $0x1  }
0x51d: {  	vm1 =	vmmov @!p2 $0xffff;
	s28 =	simm.s32 @!p2 $0x18980;
	s26 =	simm.s32 @!p2 $0x0  }
0x51e: {  	[tilespmem:s28], [sflag:$0x5] =	stream.indirect_vreg.gather @!p2 [hbm4b:s0+s26], $0x80, v8, vm1, $0xb8;
	[tilespmem:$0x1E980] =	vst v63  }
0x51f: {  	s29 =	simm.s32 @!p2 $0x19180;
	s31 =	rddreg [dreg:$0x11]  }
0x520: {  	[tilespmem:s29], [sflag:$0x5] =	stream.indirect_vreg.gather @!p2 [hbm4b:s0+s26], $0x80, v7, vm1, $0xb8;
	[tilespmem:$0x1E980] =	vst v63  }
0x521: {  	p2 =	sge.s32 s23, s31  }
0x522: {  	s26 =	simm.s32 @!p2 $0x8  }
0x523: {  	_ =	swait.ge @!p2 [sflag:s26], $0x1000  }
0x524: {  	[sflag:s26] =	ssyncset.done @!p2 $0x0  }
0x525: {  	[sflag:s26] =	ssyncadd.s32 @!p2 $0xFFFFF000  }
0x526: {  	v7 =	vld @!p2 [tilespmem:s24+$0xFFFFFF90];
	_ =	sdelay $0x4  }
0x527: {  	v8 =	vshll.u32 @!p2 v7, $0x1  }
0x528: {  	v9 =	vlaneseq.u32 @!p2;
	v7 =	vand.u32 @!p2 $0x7, v7;
	v8 =	vand.u32 @!p2 $0xFFFFFFF0, v8  }
0x529: {  	v10 =	vshrl.u32 @!p2 v9, $0x3;
	v7 =	vor.u32 @!p2 v7, v8;
	v8 =	vand.u32 @!p2 $0x7, v9  }
0x52a: {  	v10 =	vmul.u32 @!p2 $0x8, v10;
	v8 =	vperm.xlane @!p2 v7, v8;
	_ =	sdelay $0x1  }
0x52b: {  	v9 =	vor.u32 @!p2 $0x8, v9;
	v8 =	vadd.s32 @!p2 v10, v8  }
0x52c: {  	v7 =	vperm.xlane @!p2 v7, v9;
	_ =	sdelay $0x1  }
0x52d: {  	v7 =	vadd.s32 @!p2 v10, v7  }
0x52e: {  	vm1 =	vmmov @!p2 $0xffff;
	s28 =	simm.s32 @!p2 $0x1B980;
	s26 =	simm.s32 @!p2 $0x0  }
0x52f: {  	[hbm4b:s6+s26] =	stream.indirect_vreg.scatter @!p2 [tilespmem:s28], [sflag:$0x12], $0x80, v8, vm1, $0xb8;
	[tilespmem:$0x1E980] =	vst v63  }
0x530: {  	s28 =	rddreg [dreg:$0x12]  }
0x531: {  	s29 =	simm.s32 @!p2 $0x1C180;
	p3 =	sge.s32 @!p2 s23, s28  }
0x532: {  	[hbm4b:s6+s26] =	stream.indirect_vreg.scatter @!p2 [tilespmem:s29], [sflag:$0x12], $0x80, v7, vm1, $0xb8;
	[tilespmem:$0x1E980] =	vst v63  }
0x533: {  	p2 =	por p3, p2  }
0x534: {  	s26 =	simm.s32 @!p2 $0x10  }
0x535: {  	_ =	swait.ge @!p2 [sflag:s26], $0x1000  }
0x536: {  	[sflag:s26] =	ssyncset.done @!p2 $0x0  }
0x537: {  	[sflag:s26] =	ssyncadd.s32 @!p2 $0xFFFFF000  }
0x538: {  	v7 =	vld @!p2 [tilespmem:s25+$0xFFFFFF90];
	_ =	sdelay $0x4  }
0x539: {  	v8 =	vshll.u32 @!p2 v7, $0x1  }
0x53a: {  	v9 =	vlaneseq.u32 @!p2;
	v7 =	vand.u32 @!p2 $0x7, v7;
	v8 =	vand.u32 @!p2 $0xFFFFFFF0, v8  }
0x53b: {  	v10 =	vshrl.u32 @!p2 v9, $0x3;
	v7 =	vor.u32 @!p2 v7, v8;
	v8 =	vand.u32 @!p2 $0x7, v9  }
0x53c: {  	v10 =	vmul.u32 @!p2 $0x8, v10;
	v8 =	vperm.xlane @!p2 v7, v8  }
0x53d: {  	v9 =	vor.u32 @!p2 $0x8, v9  }
0x53e: {  	v7 =	vperm.xlane @!p2 v7, v9;
	v8 =	vadd.s32 @!p2 v10, v8;
	_ =	sdelay $0x1  }
0x53f: {  	v7 =	vadd.s32 @!p2 v10, v7;
	_ =	sdelay $0x1  }
0x540: {  	vm1 =	vmmov @!p2 $0xffff;
	s28 =	simm.s32 @!p2 $0x19980;
	s26 =	simm.s32 @!p2 $0x0  }
0x541: {  	[tilespmem:s28], [sflag:$0x6] =	stream.indirect_vreg.gather @!p2 [hbm4b:s0+s26], $0x80, v8, vm1, $0xb8;
	[tilespmem:$0x1E980] =	vst v63  }
0x542: {  	s28 =	simm.s32 @!p2 $0x1A180  }
0x543: {  	[tilespmem:s28], [sflag:$0x6] =	stream.indirect_vreg.gather @!p2 [hbm4b:s0+s26], $0x80, v7, vm1, $0xb8;
	[tilespmem:$0x1E980] =	vst v63  }
0x544: {  	p2 =	sge.s32 s23, s21  }
0x545: {  	s26 =	simm.s32 @!p2 $0x9  }
0x546: {  	_ =	swait.ge @!p2 [sflag:s26], $0x1000  }
0x547: {  	[sflag:s26] =	ssyncset.done @!p2 $0x0  }
0x548: {  	[sflag:s26] =	ssyncadd.s32 @!p2 $0xFFFFF000  }
0x549: {  	v7 =	vld @!p2 [tilespmem:s24+$0xFFFFFF80];
	_ =	sdelay $0x4  }
0x54a: {  	v8 =	vshll.u32 @!p2 v7, $0x1  }
0x54b: {  	v9 =	vlaneseq.u32 @!p2;
	v7 =	vand.u32 @!p2 $0x7, v7;
	v8 =	vand.u32 @!p2 $0xFFFFFFF0, v8  }
0x54c: {  	v10 =	vshrl.u32 @!p2 v9, $0x3;
	v7 =	vor.u32 @!p2 v7, v8;
	v8 =	vand.u32 @!p2 $0x7, v9  }
0x54d: {  	v10 =	vmul.u32 @!p2 $0x8, v10;
	v8 =	vperm.xlane @!p2 v7, v8;
	_ =	sdelay $0x1  }
0x54e: {  	v9 =	vor.u32 @!p2 $0x8, v9;
	v8 =	vadd.s32 @!p2 v10, v8  }
0x54f: {  	v7 =	vperm.xlane @!p2 v7, v9;
	_ =	sdelay $0x1  }
0x550: {  	v7 =	vadd.s32 @!p2 v10, v7  }
0x551: {  	vm1 =	vmmov @!p2 $0xffff;
	s28 =	simm.s32 @!p2 $0x1C980;
	s26 =	simm.s32 @!p2 $0x0  }
0x552: {  	[hbm4b:s6+s26] =	stream.indirect_vreg.scatter @!p2 [tilespmem:s28], [sflag:$0x13], $0x80, v8, vm1, $0xb8;
	[tilespmem:$0x1E980] =	vst v63  }
0x553: {  	s28 =	rddreg [dreg:$0x13]  }
0x554: {  	s29 =	simm.s32 @!p2 $0x1D180;
	p3 =	sge.s32 @!p2 s23, s28  }
0x555: {  	[hbm4b:s6+s26] =	stream.indirect_vreg.scatter @!p2 [tilespmem:s29], [sflag:$0x13], $0x80, v7, vm1, $0xb8;
	[tilespmem:$0x1E980] =	vst v63  }
0x556: {  	p2 =	por p3, p2  }
0x557: {  	s26 =	simm.s32 @!p2 $0x11  }
0x558: {  	_ =	swait.ge @!p2 [sflag:s26], $0x1000  }
0x559: {  	[sflag:s26] =	ssyncset.done @!p2 $0x0  }
0x55a: {  	[sflag:s26] =	ssyncadd.s32 @!p2 $0xFFFFF000  }
0x55b: {  	v7 =	vld @!p2 [tilespmem:s25+$0xFFFFFF80];
	_ =	sdelay $0x4  }
0x55c: {  	v8 =	vshll.u32 @!p2 v7, $0x1  }
0x55d: {  	v9 =	vlaneseq.u32 @!p2;
	v7 =	vand.u32 @!p2 $0x7, v7;
	v8 =	vand.u32 @!p2 $0xFFFFFFF0, v8  }
0x55e: {  	v10 =	vshrl.u32 @!p2 v9, $0x3;
	v7 =	vor.u32 @!p2 v7, v8;
	v8 =	vand.u32 @!p2 $0x7, v9  }
0x55f: {  	v10 =	vmul.u32 @!p2 $0x8, v10;
	v8 =	vperm.xlane @!p2 v7, v8  }
0x560: {  	v9 =	vor.u32 @!p2 $0x8, v9  }
0x561: {  	v7 =	vperm.xlane @!p2 v7, v9;
	v8 =	vadd.s32 @!p2 v10, v8;
	_ =	sdelay $0x1  }
0x562: {  	v7 =	vadd.s32 @!p2 v10, v7;
	_ =	sdelay $0x1  }
0x563: {  	vm1 =	vmmov @!p2 $0xffff;
	s28 =	simm.s32 @!p2 $0x1A980;
	s26 =	simm.s32 @!p2 $0x0  }
0x564: {  	[tilespmem:s28], [sflag:$0x7] =	stream.indirect_vreg.gather @!p2 [hbm4b:s0+s26], $0x80, v8, vm1, $0xb8;
	[tilespmem:$0x1E980] =	vst v63  }
0x565: {  	s28 =	simm.s32 @!p2 $0x1B180  }
0x566: {  	[tilespmem:s28], [sflag:$0x7] =	stream.indirect_vreg.gather @!p2 [hbm4b:s0+s26], $0x80, v7, vm1, $0xb8;
	[tilespmem:$0x1E980] =	vst v63  }
0x567: {  	p2 =	sge.s32 s23, s22  }
0x568: {  	s26 =	simm.s32 @!p2 $0xA  }
0x569: {  	_ =	swait.ge @!p2 [sflag:s26], $0x1000  }
0x56a: {  	[sflag:s26] =	ssyncset.done @!p2 $0x0  }
0x56b: {  	[sflag:s26] =	ssyncadd.s32 @!p2 $0xFFFFF000  }
0x56c: {  	v7 =	vld @!p2 [tilespmem:s24+$0xFFFFFF70];
	_ =	sdelay $0x4  }
0x56d: {  	v8 =	vshll.u32 @!p2 v7, $0x1  }
0x56e: {  	v9 =	vlaneseq.u32 @!p2;
	v7 =	vand.u32 @!p2 $0x7, v7;
	v8 =	vand.u32 @!p2 $0xFFFFFFF0, v8  }
0x56f: {  	v10 =	vshrl.u32 @!p2 v9, $0x3;
	v7 =	vor.u32 @!p2 v7, v8;
	v8 =	vand.u32 @!p2 $0x7, v9  }
0x570: {  	v10 =	vmul.u32 @!p2 $0x8, v10;
	v8 =	vperm.xlane @!p2 v7, v8;
	_ =	sdelay $0x1  }
0x571: {  	v9 =	vor.u32 @!p2 $0x8, v9;
	v8 =	vadd.s32 @!p2 v10, v8  }
0x572: {  	v7 =	vperm.xlane @!p2 v7, v9;
	_ =	sdelay $0x1  }
0x573: {  	v7 =	vadd.s32 @!p2 v10, v7  }
0x574: {  	vm1 =	vmmov @!p2 $0xffff;
	s28 =	simm.s32 @!p2 $0x1D980;
	s26 =	simm.s32 @!p2 $0x0  }
0x575: {  	[hbm4b:s6+s26] =	stream.indirect_vreg.scatter @!p2 [tilespmem:s28], [sflag:$0x14], $0x80, v8, vm1, $0xb8;
	[tilespmem:$0x1E980] =	vst v63  }
0x576: {  	s28 =	rddreg [dreg:$0x14]  }
0x577: {  	s29 =	simm.s32 @!p2 $0x1E180;
	p3 =	sge.s32 @!p2 s23, s28  }
0x578: {  	[hbm4b:s6+s26] =	stream.indirect_vreg.scatter @!p2 [tilespmem:s29], [sflag:$0x14], $0x80, v7, vm1, $0xb8;
	[tilespmem:$0x1E980] =	vst v63  }
0x579: {  	p2 =	por p3, p2  }
0x57a: {  	s26 =	simm.s32 @!p2 $0x12  }
0x57b: {  	_ =	swait.ge @!p2 [sflag:s26], $0x1000  }
0x57c: {  	[sflag:s26] =	ssyncset.done @!p2 $0x0  }
0x57d: {  	[sflag:s26] =	ssyncadd.s32 @!p2 $0xFFFFF000  }
0x57e: {  	v7 =	vld @!p2 [tilespmem:s25+$0xFFFFFF70];
	_ =	sdelay $0x4  }
0x57f: {  	v8 =	vshll.u32 @!p2 v7, $0x1  }
0x580: {  	v9 =	vlaneseq.u32 @!p2;
	v7 =	vand.u32 @!p2 $0x7, v7;
	v8 =	vand.u32 @!p2 $0xFFFFFFF0, v8  }
0x581: {  	v10 =	vshrl.u32 @!p2 v9, $0x3;
	v7 =	vor.u32 @!p2 v7, v8;
	v8 =	vand.u32 @!p2 $0x7, v9  }
0x582: {  	v10 =	vmul.u32 @!p2 $0x8, v10;
	v8 =	vperm.xlane @!p2 v7, v8  }
0x583: {  	v9 =	vor.u32 @!p2 $0x8, v9  }
0x584: {  	v7 =	vperm.xlane @!p2 v7, v9;
	v8 =	vadd.s32 @!p2 v10, v8;
	_ =	sdelay $0x1  }
0x585: {  	v7 =	vadd.s32 @!p2 v10, v7;
	_ =	sdelay $0x1  }
0x586: {  	vm1 =	vmmov @!p2 $0xffff;
	s28 =	simm.s32 @!p2 $0x1B980;
	s26 =	simm.s32 @!p2 $0x0  }
0x587: {  	[tilespmem:s28], [sflag:$0x8] =	stream.indirect_vreg.gather @!p2 [hbm4b:s0+s26], $0x80, v8, vm1, $0xb8;
	[tilespmem:$0x1E980] =	vst v63  }
0x588: {  	s20 =	sadd.s32 $0xFFFFFFFF, s20;
	s28 =	simm.s32 @!p2 $0x1C180  }
0x589: {  	[tilespmem:s28], [sflag:$0x8] =	stream.indirect_vreg.gather @!p2 [hbm4b:s0+s26], $0x80, v7, vm1, $0xb8;
	[tilespmem:$0x1E980] =	vst v63  }
0x58a: {  	p2 =	sne.s32 s20, $0x0  }
.Ltmp16:
0x58b: {  	_ = 	snop;
	(pc) =	sbr.rel @p2 .LBB2_23-.Ltmp16, $2  }
0x58c: {  	_ =	sdelay $0x2  }
0x58d: {  	s24 =	sadd.s32 $0xFFFFFF60, s24;
	s23 =	sadd.s32 $0xA, s23;
	s25 =	sadd.s32 $0xFFFFFF60, s25  }
.Ltmp17:
0x58e: {  	_ = 	snop;
	(pc) =	sbr.rel .LBB2_24-.Ltmp17, $1  }
0x58f: {  	_ =	sdelay $0x3  }
.LBB2_25:
0x590: {  	_ =	sfence.sel $0x180000  }
0x591: {  	[bflag:$0x0] =	sbarrier.arrive $0xFFFF  }
0x592: {  	p0 =	sne.s32 s2, $0x0;
	_ =	strace $0x90000047  }
0x593: {  	s0 =	sadd.s32 @!p0 $0x100000, s5;
	[bflag:$0x2] =	sbarrier.arrive $0xFFFF  }
0x594: {  	[sflag:s0] =	ssyncadd.tile.s32 @!p0 $0x1;
	_ =	shalt  }
.Lfunc_end2:
_tile_overlayer_lowered:
.L_overlay_start_2:
0x595: {  	(tag) =	ssettag $0x2  }
0x596: {  	s0 =	rddreg [dreg:$0x0];
	s2 =	stileid.u32  }
0x597: {  	s1 =	rddreg [dreg:$0x1];
	p0 =	sne.s32 s2, $0x0  }
0x598: {  	s3 =	rddreg [dreg:$0x2];
	[bflag:$0x3] =	sbarrier.arrive $0xFFFF;
	s2 =	simm.s32 @!p0 $0x1C17  }
0x599: {  	[timem:s3], [sflag:s2] =	dma.local @!p0 [hbm:s0], s1  }
0x59a: {  	s0 =	simm.s32 @!p0 $0x17  }
0x59b: {  	_ =	swait.ge @!p0 [sflag:s0], s1  }
0x59c: {  	s1 =	ssub.s32 @!p0 $0x0, s1;
	[sflag:s0] =	ssyncset.done @!p0 $0x0  }
0x59d: {  	[sflag:s0] =	ssyncadd.s32 @!p0 s1  }
0x59e: {  	[bflag:$0x3] =	sbarrier.arrive $0xFFFF  }
0x59f: {  	_ =	shalt  }

</sc_bundles>
